<compile_context>
chip_gen: v7x
topology: tpu7x:2x2x1
jax: 0.10.2.dev20260603
libtpu: 0.0.44.dev20260713+nightly
codegen_flags: <defaults>
</compile_context>

<pallas_src>
import functools

import jax
import jax.numpy as jnp
from jax import lax
from jax.experimental import pallas as pl
from jax.experimental.pallas import tpu as pltpu
from jax.experimental.pallas import tpu_sc as plsc

_G = 10
_NG0 = 1000
_D = 128
_EPG = 32000
_CPAD = 1024


_EPT = _EPG // 16
_SPG = _CPAD * _CPAD
_WPT = _SPG // 16
_ECH = 8000
_NCH = _EPG // _ECH


def _sc_counts_body(src_hbm, dst_hbm, out_hbm, src_v0, src_v1, dst_v0,
                    dst_v1, stripe_v, sem):
    srcb = (src_v0, src_v1)
    dstb = (dst_v0, dst_v1)
    cid = lax.axis_index("c")
    sid = lax.axis_index("s")
    ones = jnp.ones((16,), jnp.float32)
    rowbase = sid * 64

    for gi in range(_G // 2):
        g = gi * 2 + cid

        def zfill(i, _):
            for u in range(8):
                stripe_v[pl.ds(i * 128 + u * 16, 16)] = jnp.zeros(
                    (16,), jnp.float32)
            return 0
        lax.fori_loop(0, _WPT // 128, zfill, 0)

        def fire(ch, buf):
            ebase = g * _EPG + ch * _ECH
            return (pltpu.make_async_copy(src_hbm.at[pl.ds(ebase, _ECH)],
                                          srcb[buf], sem),
                    pltpu.make_async_copy(dst_hbm.at[pl.ds(ebase, _ECH)],
                                          dstb[buf], sem))

        def start(c):
            for d in fire(*c):
                d.start()

        def drain(c):
            for d in fire(*c):
                d.wait()

        start((0, 0))
        koff = g * (_NG0 * _CPAD + _NG0) + rowbase * _CPAD

        for ch in range(_NCH):
            drain((ch, ch % 2))
            if ch + 1 < _NCH:
                start((ch + 1, (ch + 1) % 2))

            def ebody(i, _):
                for u in range(4):
                    o = i * 64 + u * 16
                    s16 = srcb[ch % 2][pl.ds(o, 16)]
                    d16 = dstb[ch % 2][pl.ds(o, 16)]
                    rel = d16 * _CPAD + s16 - koff
                    msk = (rel >= 0) & (rel < _WPT)
                    relc = jnp.where(msk, rel, 0)
                    plsc.addupdate_scatter(stripe_v, [relc], ones, mask=msk)
                return 0
            lax.fori_loop(0, _ECH // 64, ebody, 0)

        for cc in range(4):
            dloc = rowbase + cc * 16 + lax.iota(jnp.int32, 16)
            dmsk = dloc < _NG0
            drel = jnp.where(dmsk, (dloc - rowbase) * _CPAD + dloc,
                             jnp.zeros((16,), jnp.int32))
            plsc.addupdate_scatter(stripe_v, [drel], ones, mask=dmsk)

        gbase = g * (_NG0 * _CPAD)

        @pl.when(sid < 15)
        def _():
            pltpu.sync_copy(stripe_v,
                            out_hbm.at[pl.ds(gbase + sid * _WPT, _WPT)])

        @pl.when(sid == 15)
        def _():
            nlast = (_NG0 - 15 * 64) * _CPAD
            pltpu.sync_copy(stripe_v.at[pl.ds(0, nlast)],
                            out_hbm.at[pl.ds(gbase + 15 * _WPT, nlast)])


def _build_counts(edge_index):
    sc_counts = functools.partial(
        pl.kernel,
        out_type=jax.ShapeDtypeStruct((_G * _NG0 * _CPAD,), jnp.float32),
        mesh=plsc.VectorSubcoreMesh(core_axis_name="c", subcore_axis_name="s"),
        compiler_params=pltpu.CompilerParams(needs_layout_passes=False),
        scratch_types=[
            pltpu.VMEM((_ECH,), jnp.int32),
            pltpu.VMEM((_ECH,), jnp.int32),
            pltpu.VMEM((_ECH,), jnp.int32),
            pltpu.VMEM((_ECH,), jnp.int32),
            pltpu.VMEM((_WPT,), jnp.float32),
            pltpu.SemaphoreType.DMA,
        ],
    )(_sc_counts_body)
    return sc_counts(edge_index[0],
                     edge_index[1]).reshape(_G, _NG0, _CPAD)



def _dot3(a, b, dims):
    ahi = a.astype(jnp.bfloat16)
    alo = (a - ahi.astype(jnp.float32)).astype(jnp.bfloat16)
    bhi = b.astype(jnp.bfloat16)
    blo = (b - bhi.astype(jnp.float32)).astype(jnp.bfloat16)
    dg = functools.partial(lax.dot_general, dimension_numbers=dims,
                          preferred_element_type=jnp.float32)
    return dg(ahi, bhi) + (dg(ahi, blo) + dg(alo, bhi))


_MM = (((1,), (0,)), ((), ()))
_MMT = (((1,), (1,)), ((), ()))


def _make_layer(n_g, first, last):
    n_half = n_g // 2
    n_total = n_g * _G

    def body(*refs):
        if first:
            (hin_ref, c_ref, w_ref, as_ref, ad_ref, b_ref,
             hout_ref, cout_ref, sum_ref, sq_ref) = refs
        elif last:
            (hin_ref, c_ref, w_ref, as_ref, ad_ref, b_ref, bnsum_ref,
             bnsq_ref, hout_ref, sum_ref, sq_ref) = refs
        else:
            (hin_ref, c_ref, w_ref, as_ref, ad_ref, b_ref, bnsum_ref,
             bnsq_ref, hout_ref, cout_ref, sum_ref, sq_ref) = refs

        hin = hin_ref[0]
        if not first:
            tot = jnp.sum(bnsum_ref[...], axis=0)
            totsq = jnp.sum(bnsq_ref[...], axis=0)
            mu = tot / n_total
            var = totsq / n_total - mu * mu
            hin = (hin - mu) * lax.rsqrt(var + 1e-5)

        hin_bf = hin.astype(jnp.bfloat16)
        h = lax.dot_general(hin_bf, w_ref[...].astype(jnp.bfloat16), _MM,
                            preferred_element_type=jnp.float32)
        h_bf = h.astype(jnp.bfloat16)
        avd = lax.dot_general(h_bf, ad_ref[...].astype(jnp.bfloat16), _MM,
                              preferred_element_type=jnp.float32)
        avs_row = lax.dot_general(as_ref[...].astype(jnp.bfloat16), h_bf,
                                  _MMT, preferred_element_type=jnp.float32)
        e = avd + avs_row
        e = jnp.where(e >= 0, e, 0.2 * e)

        c = c_ref[0]
        if first:
            c = c[:, :n_g]
        m = jnp.max(e, axis=1, keepdims=True)
        wt = c * jnp.exp(e - m)
        denom = jnp.sum(wt, axis=1, keepdims=True) + 1e-16
        out = _dot3(wt, h, _MM) / denom
        hrelu = jnp.maximum(out + b_ref[...], 0.0)
        hp = jnp.max(hrelu.reshape(n_half, 2, _D), axis=1)
        hout_ref[0] = hp
        sum_ref[0] = jnp.sum(hp, axis=0, keepdims=True)
        sq_ref[0] = jnp.sum(hp * hp, axis=0, keepdims=True)

        if not last:
            rb = jnp.max(c.reshape(n_half, 2, n_g), axis=1)
            i3 = lax.broadcasted_iota(jnp.int32, (n_g, n_half), 0)
            j3 = lax.broadcasted_iota(jnp.int32, (n_g, n_half), 1)
            p = jnp.where(i3 // 2 == j3, 1.0, 0.0).astype(jnp.bfloat16)
            s2 = jnp.dot(rb.astype(jnp.bfloat16), p,
                         preferred_element_type=jnp.float32)
            ih = lax.broadcasted_iota(jnp.int32, (n_half, n_half), 0)
            jh = lax.broadcasted_iota(jnp.int32, (n_half, n_half), 1)
            cout_ref[0] = jnp.where((s2 > 0.5) | (ih == jh), 1.0, 0.0)

    c_minor = _CPAD if first else n_g
    in_specs = [
        pl.BlockSpec((1, n_g, _D), lambda g: (g, 0, 0)),
        pl.BlockSpec((1, n_g, c_minor), lambda g: (g, 0, 0)),
        pl.BlockSpec((_D, _D), lambda g: (0, 0)),
        pl.BlockSpec((1, _D), lambda g: (0, 0)),
        pl.BlockSpec((_D, 1), lambda g: (0, 0)),
        pl.BlockSpec((1, _D), lambda g: (0, 0)),
    ]
    if not first:
        in_specs += [
            pl.BlockSpec((_G, 1, _D), lambda g: (0, 0, 0)),
            pl.BlockSpec((_G, 1, _D), lambda g: (0, 0, 0)),
        ]
    out_shapes = [jax.ShapeDtypeStruct((_G, n_half, _D), jnp.float32)]
    out_specs = [pl.BlockSpec((1, n_half, _D), lambda g: (g, 0, 0))]
    if not last:
        out_shapes.append(jax.ShapeDtypeStruct((_G, n_half, n_half),
                                               jnp.float32))
        out_specs.append(pl.BlockSpec((1, n_half, n_half),
                                      lambda g: (g, 0, 0)))
    out_shapes += [jax.ShapeDtypeStruct((_G, 1, _D), jnp.float32),
                   jax.ShapeDtypeStruct((_G, 1, _D), jnp.float32)]
    out_specs += [pl.BlockSpec((1, 1, _D), lambda g: (g, 0, 0)),
                  pl.BlockSpec((1, 1, _D), lambda g: (g, 0, 0))]

    return pl.pallas_call(
        body,
        grid=(_G,),
        in_specs=in_specs,
        out_specs=out_specs,
        out_shape=out_shapes,
    )


def _bn_final_body(hin_ref, bnsum_ref, bnsq_ref, out_ref):
    n_total = 125 * _G
    tot = jnp.sum(bnsum_ref[...], axis=0)
    totsq = jnp.sum(bnsq_ref[...], axis=0)
    mu = tot / n_total
    var = totsq / n_total - mu * mu
    out_ref[0] = (hin_ref[0] - mu) * lax.rsqrt(var + 1e-5)


def kernel(x, edge_index, W0, as0, ad0, b0, W1, as1, ad1, b1,
           W2, as2, ad2, b2):
    counts = _build_counts(edge_index)

    h = x.reshape(_G, _NG0, _D)
    params = [(W0, as0, ad0, b0), (W1, as1, ad1, b1), (W2, as2, ad2, b2)]
    bnsum = bnsq = None
    n_g = _NG0
    c = counts
    for i in range(3):
        first = i == 0
        last = i == 2
        W, a_s, a_d, b = params[i]
        args = [h, c, W, a_s.reshape(1, _D), a_d.reshape(_D, 1),
                b.reshape(1, _D)]
        if not first:
            args += [bnsum, bnsq]
        outs = _make_layer(n_g, first, last)(*args)
        if last:
            h, bnsum, bnsq = outs
        else:
            h, c, bnsum, bnsq = outs
        n_g //= 2

    out = pl.pallas_call(
        _bn_final_body,
        grid=(_G,),
        in_specs=[
            pl.BlockSpec((1, 125, _D), lambda g: (g, 0, 0)),
            pl.BlockSpec((_G, 1, _D), lambda g: (0, 0, 0)),
            pl.BlockSpec((_G, 1, _D), lambda g: (0, 0, 0)),
        ],
        out_specs=pl.BlockSpec((1, 125, _D), lambda g: (g, 0, 0)),
        out_shape=jax.ShapeDtypeStruct((_G, 125, _D), jnp.float32),
    )(h, bnsum, bnsq)
    return out.reshape(_G, 125 * _D)

# --- scband reference (transcript-rebuilt; emitter-appended) ---
"""Pipeline reference for scband-gnn-cell-18133351924122 (READ-ONLY COPY).

The authoritative reference and input builder live on the scoring server;
editing this copy changes nothing except your own understanding.
"""

import jax, jax.numpy as jnp
import numpy as np

NUM_GRAPHS = 10
NODES_PER_GRAPH = 1000
N0 = NUM_GRAPHS * NODES_PER_GRAPH
DEG = 32
E = N0 * DEG
NUM_FEATURE = 128
DIM = 128
LAYERS = 3
SIZES = [10000, 5000, 2500, 1250]


def setup_inputs(seed: int = 0) -> dict:
    key = jax.random.key(seed)
    ks = jax.random.split(key, 16)
    x = jax.random.normal(ks[0], (N0, NUM_FEATURE), dtype=jnp.float32)
    # edges are constructed within each graph then offset, matching Batch.from_data_list
    src = jax.random.randint(ks[1], (NUM_GRAPHS, NODES_PER_GRAPH * DEG), 0, NODES_PER_GRAPH)
    dst = jax.random.randint(ks[2], (NUM_GRAPHS, NODES_PER_GRAPH * DEG), 0, NODES_PER_GRAPH)
    off = (jnp.arange(NUM_GRAPHS) * NODES_PER_GRAPH)[:, None]
    edge_index = jnp.stack([(src + off).reshape(-1), (dst + off).reshape(-1)]).astype(jnp.int32)
    inp = {"x": x, "edge_index": edge_index}
    in_dims = [NUM_FEATURE, DIM, DIM]
    k = 3
    for i in range(LAYERS):
        scale = float(np.sqrt(2.0 / (in_dims[i] + DIM)))
        inp[f"W{i}"] = jax.random.normal(ks[k], (in_dims[i], DIM), dtype=jnp.float32) * scale
        inp[f"as{i}"] = jax.random.normal(ks[k + 1], (DIM,), dtype=jnp.float32) * scale
        inp[f"ad{i}"] = jax.random.normal(ks[k + 2], (DIM,), dtype=jnp.float32) * scale
        inp[f"b{i}"] = jnp.zeros((DIM,), dtype=jnp.float32)
        k += 3
    return inp


def _gat(x, src, dst, valid, W, a_s, a_d, b, n):
    # PyG GATConv, heads=1, with self-loops added
    loop = jnp.arange(n)
    s = jnp.concatenate([src, loop])
    d = jnp.concatenate([dst, loop])
    v = jnp.concatenate([valid, jnp.ones((n,), dtype=bool)])
    h = x @ W
    e = jax.nn.leaky_relu((h @ a_s)[s] + (h @ a_d)[d], 0.2)
    e = jnp.where(v, e, -1e9)
    m = jax.ops.segment_max(e, d, num_segments=n)
    p = jnp.exp(e - m[d])
    p = jnp.where(v, p, 0.0)
    denom = jax.ops.segment_sum(p, d, num_segments=n)
    alpha = p / (denom[d] + 1e-16)
    out = jax.ops.segment_sum(alpha[:, None] * h[s], d, num_segments=n)
    return out + b


def _pool_edges(src, dst, cluster, n_pool):
    # PyG max_pool edge coalesce: remap, drop self-loops, dedupe (fixed-size via unique+mask)
    s = cluster[src]
    d = cluster[dst]
    ids = s * n_pool + d
    ids = jnp.where(s == d, -1, ids)
    uid = jnp.unique(ids, size=ids.shape[0], fill_value=-1)
    valid = uid >= 0
    uidc = jnp.where(valid, uid, 0)
    return uidc // n_pool, uidc % n_pool, valid


def _bn(x):
    # BatchNorm1d(affine=False), training-mode batch statistics
    mu = x.mean(axis=0)
    var = ((x - mu) ** 2).mean(axis=0)
    return (x - mu) / jnp.sqrt(var + 1e-5)


def reference(x, edge_index, W0, as0, ad0, b0, W1, as1, ad1, b1, W2, as2, ad2, b2):
    params = [(W0, as0, ad0, b0), (W1, as1, ad1, b1), (W2, as2, ad2, b2)]
    src = edge_index[0]
    dst = edge_index[1]
    valid = jnp.ones((src.shape[0],), dtype=bool)
    h = x
    for i in range(LAYERS):
        n = SIZES[i]
        n_next = SIZES[i + 1]
        W, a_s, a_d, b = params[i]
        h = jax.nn.relu(_gat(h, src, dst, valid, W, a_s, a_d, b, n))
        cluster = jnp.arange(n) // 2  # cluster_predefine[i] batched across graphs
        h = jax.ops.segment_max(h, cluster, num_segments=n_next)
        src, dst, valid = _pool_edges(src, dst, cluster, n_next)
        h = _bn(h)
    return h.reshape(NUM_GRAPHS, -1)

if __name__ == "__main__":
    import jax
    _d = setup_inputs()
    print(jax.jit(kernel)(*tuple(_d.values())))

</pallas_src>

<mosaic_0001>
#map = affine_map<(d0, d1) -> (0)>
module attributes {stable_mosaic.version = 14 : i64} {
  func.func @_sc_counts_body(%arg0: i32, %arg1: i32, %arg2: memref<320000xi32, #tpu.memory_space<hbm>>, %arg3: memref<320000xi32, #tpu.memory_space<hbm>>, %arg4: memref<10240000xf32, #tpu.memory_space<hbm>>, %arg5: memref<8000xi32, #tpu.memory_space<vmem>>, %arg6: memref<8000xi32, #tpu.memory_space<vmem>>, %arg7: memref<8000xi32, #tpu.memory_space<vmem>>, %arg8: memref<8000xi32, #tpu.memory_space<vmem>>, %arg9: memref<65536xf32, #tpu.memory_space<vmem>>, %arg10: memref<!tpu.dma_semaphore, #tpu.memory_space<semaphore_mem>>) attributes {dimension_semantics = [#tpu.dimension_semantics<core_parallel>, #tpu.dimension_semantics<subcore_parallel>], iteration_bounds = array<i64: 2, 16>, scalar_prefetch = 0 : i64, scratch_operands = 6 : i64, tpu.core_type = #tpu.core_type<sc_vector_subcore>, window_params = [{transform_indices = #map}, {transform_indices = #map}, {transform_indices = #map}]} {
    %broadcast_in_dim3A = arith.constant 1.000000e+00 : f32
    %broadcast_in_dim3A_0 = vector.broadcast %broadcast_in_dim3A : f32 to vector<16xf32>
    %mul3A = arith.constant 64 : i32
    %mul3A_1 = arith.muli %arg1, %mul3A : i32
    %add3A = arith.constant 0 : i32
    %add3A_2 = arith.addi %add3A, %arg0 : i32
    %scan3A = arith.constant 0 : i32
    %scan3A_3 = arith.constant 0 : i32
    %scan3A_4 = arith.constant 512 : i32
    %scan3A_5 = arith.addi %scan3A_3, %scan3A_4 : i32
    %scan3A_6 = arith.constant 1 : i32
    %scan3A_7 = scf.for %scan3A_921 = %scan3A_3 to %scan3A_5 step %scan3A_6 iter_args(%scan3A_922 = %scan3A) -> (i32)  : i32 {
      %broadcast_in_dim3A_923 = arith.constant 0.000000e+00 : f32
      %broadcast_in_dim3A_924 = vector.broadcast %broadcast_in_dim3A_923 : f32 to vector<16xf32>
      %mul3A_925 = arith.constant 128 : i32
      %mul3A_926 = arith.muli %scan3A_921, %mul3A_925 : i32
      %add3A_927 = arith.constant 0 : i32
      %add3A_928 = arith.addi %mul3A_926, %add3A_927 : i32
      %swap3A = arith.index_cast %add3A_928 : i32 to index
      %swap3A_929 = tpu.vector_load %arg9[%swap3A] {strides = array<i32>} : memref<65536xf32, #tpu.memory_space<vmem>>, vector<16xf32>,
      tpu.vector_store %arg9[%swap3A], %broadcast_in_dim3A_924 {strides = array<i32>} : memref<65536xf32, #tpu.memory_space<vmem>>, vector<16xf32>,
      %broadcast_in_dim3A_930 = arith.constant 0.000000e+00 : f32
      %broadcast_in_dim3A_931 = vector.broadcast %broadcast_in_dim3A_930 : f32 to vector<16xf32>
      %mul3A_932 = arith.constant 128 : i32
      %mul3A_933 = arith.muli %scan3A_921, %mul3A_932 : i32
      %add3A_934 = arith.constant 16 : i32
      %add3A_935 = arith.addi %mul3A_933, %add3A_934 : i32
      %swap3A_936 = arith.index_cast %add3A_935 : i32 to index
      %swap3A_937 = tpu.vector_load %arg9[%swap3A_936] {strides = array<i32>} : memref<65536xf32, #tpu.memory_space<vmem>>, vector<16xf32>,
      tpu.vector_store %arg9[%swap3A_936], %broadcast_in_dim3A_931 {strides = array<i32>} : memref<65536xf32, #tpu.memory_space<vmem>>, vector<16xf32>,
      %broadcast_in_dim3A_938 = arith.constant 0.000000e+00 : f32
      %broadcast_in_dim3A_939 = vector.broadcast %broadcast_in_dim3A_938 : f32 to vector<16xf32>
      %mul3A_940 = arith.constant 128 : i32
      %mul3A_941 = arith.muli %scan3A_921, %mul3A_940 : i32
      %add3A_942 = arith.constant 32 : i32
      %add3A_943 = arith.addi %mul3A_941, %add3A_942 : i32
      %swap3A_944 = arith.index_cast %add3A_943 : i32 to index
      %swap3A_945 = tpu.vector_load %arg9[%swap3A_944] {strides = array<i32>} : memref<65536xf32, #tpu.memory_space<vmem>>, vector<16xf32>,
      tpu.vector_store %arg9[%swap3A_944], %broadcast_in_dim3A_939 {strides = array<i32>} : memref<65536xf32, #tpu.memory_space<vmem>>, vector<16xf32>,
      %broadcast_in_dim3A_946 = arith.constant 0.000000e+00 : f32
      %broadcast_in_dim3A_947 = vector.broadcast %broadcast_in_dim3A_946 : f32 to vector<16xf32>
      %mul3A_948 = arith.constant 128 : i32
      %mul3A_949 = arith.muli %scan3A_921, %mul3A_948 : i32
      %add3A_950 = arith.constant 48 : i32
      %add3A_951 = arith.addi %mul3A_949, %add3A_950 : i32
      %swap3A_952 = arith.index_cast %add3A_951 : i32 to index
      %swap3A_953 = tpu.vector_load %arg9[%swap3A_952] {strides = array<i32>} : memref<65536xf32, #tpu.memory_space<vmem>>, vector<16xf32>,
      tpu.vector_store %arg9[%swap3A_952], %broadcast_in_dim3A_947 {strides = array<i32>} : memref<65536xf32, #tpu.memory_space<vmem>>, vector<16xf32>,
      %broadcast_in_dim3A_954 = arith.constant 0.000000e+00 : f32
      %broadcast_in_dim3A_955 = vector.broadcast %broadcast_in_dim3A_954 : f32 to vector<16xf32>
      %mul3A_956 = arith.constant 128 : i32
      %mul3A_957 = arith.muli %scan3A_921, %mul3A_956 : i32
      %add3A_958 = arith.constant 64 : i32
      %add3A_959 = arith.addi %mul3A_957, %add3A_958 : i32
      %swap3A_960 = arith.index_cast %add3A_959 : i32 to index
      %swap3A_961 = tpu.vector_load %arg9[%swap3A_960] {strides = array<i32>} : memref<65536xf32, #tpu.memory_space<vmem>>, vector<16xf32>,
      tpu.vector_store %arg9[%swap3A_960], %broadcast_in_dim3A_955 {strides = array<i32>} : memref<65536xf32, #tpu.memory_space<vmem>>, vector<16xf32>,
      %broadcast_in_dim3A_962 = arith.constant 0.000000e+00 : f32
      %broadcast_in_dim3A_963 = vector.broadcast %broadcast_in_dim3A_962 : f32 to vector<16xf32>
      %mul3A_964 = arith.constant 128 : i32
      %mul3A_965 = arith.muli %scan3A_921, %mul3A_964 : i32
      %add3A_966 = arith.constant 80 : i32
      %add3A_967 = arith.addi %mul3A_965, %add3A_966 : i32
      %swap3A_968 = arith.index_cast %add3A_967 : i32 to index
      %swap3A_969 = tpu.vector_load %arg9[%swap3A_968] {strides = array<i32>} : memref<65536xf32, #tpu.memory_space<vmem>>, vector<16xf32>,
      tpu.vector_store %arg9[%swap3A_968], %broadcast_in_dim3A_963 {strides = array<i32>} : memref<65536xf32, #tpu.memory_space<vmem>>, vector<16xf32>,
      %broadcast_in_dim3A_970 = arith.constant 0.000000e+00 : f32
      %broadcast_in_dim3A_971 = vector.broadcast %broadcast_in_dim3A_970 : f32 to vector<16xf32>
      %mul3A_972 = arith.constant 128 : i32
      %mul3A_973 = arith.muli %scan3A_921, %mul3A_972 : i32
      %add3A_974 = arith.constant 96 : i32
      %add3A_975 = arith.addi %mul3A_973, %add3A_974 : i32
      %swap3A_976 = arith.index_cast %add3A_975 : i32 to index
      %swap3A_977 = tpu.vector_load %arg9[%swap3A_976] {strides = array<i32>} : memref<65536xf32, #tpu.memory_space<vmem>>, vector<16xf32>,
      tpu.vector_store %arg9[%swap3A_976], %broadcast_in_dim3A_971 {strides = array<i32>} : memref<65536xf32, #tpu.memory_space<vmem>>, vector<16xf32>,
      %broadcast_in_dim3A_978 = arith.constant 0.000000e+00 : f32
      %broadcast_in_dim3A_979 = vector.broadcast %broadcast_in_dim3A_978 : f32 to vector<16xf32>
      %mul3A_980 = arith.constant 128 : i32
      %mul3A_981 = arith.muli %scan3A_921, %mul3A_980 : i32
      %add3A_982 = arith.constant 112 : i32
      %add3A_983 = arith.addi %mul3A_981, %add3A_982 : i32
      %swap3A_984 = arith.index_cast %add3A_983 : i32 to index
      %swap3A_985 = tpu.vector_load %arg9[%swap3A_984] {strides = array<i32>} : memref<65536xf32, #tpu.memory_space<vmem>>, vector<16xf32>,
      tpu.vector_store %arg9[%swap3A_984], %broadcast_in_dim3A_979 {strides = array<i32>} : memref<65536xf32, #tpu.memory_space<vmem>>, vector<16xf32>,
      %scan3A_986 = arith.constant 0 : i32
      scf.yield %scan3A_986 : i32
    }
    %scan3A_8 = arith.constant 512 : i32
    %mul3A_9 = arith.constant 32000 : i32
    %mul3A_10 = arith.muli %add3A_2, %mul3A_9 : i32
    %add3A_11 = arith.constant 0 : i32
    %add3A_12 = arith.addi %mul3A_10, %add3A_11 : i32
    %dma_start3A = tpu.memref_slice %arg2[%add3A_12] : memref<320000xi32, #tpu.memory_space<hbm>> -> memref<8000xi32, #tpu.memory_space<hbm>>
    %dma_start3A_13 = tpu.memref_slice %arg2[%add3A_12] : memref<320000xi32, #tpu.memory_space<hbm>> -> memref<8000xi32, #tpu.memory_space<hbm>>
    tpu.enqueue_dma source(%dma_start3A_13 : memref<8000xi32, #tpu.memory_space<hbm>>) target(%arg5 : memref<8000xi32, #tpu.memory_space<vmem>>) target_semaphore(%arg10 : memref<!tpu.dma_semaphore, #tpu.memory_space<semaphore_mem>>)
    %dma_start3A_14 = tpu.memref_slice %arg3[%add3A_12] : memref<320000xi32, #tpu.memory_space<hbm>> -> memref<8000xi32, #tpu.memory_space<hbm>>
    %dma_start3A_15 = tpu.memref_slice %arg3[%add3A_12] : memref<320000xi32, #tpu.memory_space<hbm>> -> memref<8000xi32, #tpu.memory_space<hbm>>
    tpu.enqueue_dma source(%dma_start3A_15 : memref<8000xi32, #tpu.memory_space<hbm>>) target(%arg7 : memref<8000xi32, #tpu.memory_space<vmem>>) target_semaphore(%arg10 : memref<!tpu.dma_semaphore, #tpu.memory_space<semaphore_mem>>)
    %mul3A_16 = arith.constant 1025000 : i32
    %mul3A_17 = arith.muli %add3A_2, %mul3A_16 : i32
    %mul3A_18 = arith.constant 1024 : i32
    %mul3A_19 = arith.muli %mul3A_1, %mul3A_18 : i32
    %add3A_20 = arith.addi %mul3A_17, %mul3A_19 : i32
    %mul3A_21 = arith.constant 32000 : i32
    %mul3A_22 = arith.muli %add3A_2, %mul3A_21 : i32
    %add3A_23 = arith.constant 0 : i32
    %add3A_24 = arith.addi %mul3A_22, %add3A_23 : i32
    %dma_wait3A = tpu.memref_slice %arg2[%add3A_24] : memref<320000xi32, #tpu.memory_space<hbm>> -> memref<8000xi32, #tpu.memory_space<hbm>>
    %dma_wait3A_25 = tpu.memref_slice %arg2[%add3A_24] : memref<320000xi32, #tpu.memory_space<hbm>> -> memref<8000xi32, #tpu.memory_space<hbm>>
    tpu.wait_dma2 semaphore(%arg10 : memref<!tpu.dma_semaphore, #tpu.memory_space<semaphore_mem>>) src(%dma_wait3A_25 : memref<8000xi32, #tpu.memory_space<hbm>>) dst(%arg5 : memref<8000xi32, #tpu.memory_space<vmem>>)
    %dma_wait3A_26 = tpu.memref_slice %arg3[%add3A_24] : memref<320000xi32, #tpu.memory_space<hbm>> -> memref<8000xi32, #tpu.memory_space<hbm>>
    %dma_wait3A_27 = tpu.memref_slice %arg3[%add3A_24] : memref<320000xi32, #tpu.memory_space<hbm>> -> memref<8000xi32, #tpu.memory_space<hbm>>
    tpu.wait_dma2 semaphore(%arg10 : memref<!tpu.dma_semaphore, #tpu.memory_space<semaphore_mem>>) src(%dma_wait3A_27 : memref<8000xi32, #tpu.memory_space<hbm>>) dst(%arg7 : memref<8000xi32, #tpu.memory_space<vmem>>)
    %mul3A_28 = arith.constant 32000 : i32
    %mul3A_29 = arith.muli %add3A_2, %mul3A_28 : i32
    %add3A_30 = arith.constant 8000 : i32
    %add3A_31 = arith.addi %mul3A_29, %add3A_30 : i32
    %dma_start3A_32 = tpu.memref_slice %arg2[%add3A_31] : memref<320000xi32, #tpu.memory_space<hbm>> -> memref<8000xi32, #tpu.memory_space<hbm>>
    %dma_start3A_33 = tpu.memref_slice %arg2[%add3A_31] : memref<320000xi32, #tpu.memory_space<hbm>> -> memref<8000xi32, #tpu.memory_space<hbm>>
    tpu.enqueue_dma source(%dma_start3A_33 : memref<8000xi32, #tpu.memory_space<hbm>>) target(%arg6 : memref<8000xi32, #tpu.memory_space<vmem>>) target_semaphore(%arg10 : memref<!tpu.dma_semaphore, #tpu.memory_space<semaphore_mem>>)
    %dma_start3A_34 = tpu.memref_slice %arg3[%add3A_31] : memref<320000xi32, #tpu.memory_space<hbm>> -> memref<8000xi32, #tpu.memory_space<hbm>>
    %dma_start3A_35 = tpu.memref_slice %arg3[%add3A_31] : memref<320000xi32, #tpu.memory_space<hbm>> -> memref<8000xi32, #tpu.memory_space<hbm>>
    tpu.enqueue_dma source(%dma_start3A_35 : memref<8000xi32, #tpu.memory_space<hbm>>) target(%arg8 : memref<8000xi32, #tpu.memory_space<vmem>>) target_semaphore(%arg10 : memref<!tpu.dma_semaphore, #tpu.memory_space<semaphore_mem>>)
    %scan3A_36 = arith.constant 0 : i32
    %scan3A_37 = arith.constant 0 : i32
    %scan3A_38 = arith.constant 125 : i32
    %scan3A_39 = arith.addi %scan3A_37, %scan3A_38 : i32
    %scan3A_40 = arith.constant 1 : i32
    %scan3A_41 = scf.for %scan3A_921 = %scan3A_37 to %scan3A_39 step %scan3A_40 iter_args(%scan3A_922 = %scan3A_36) -> (i32)  : i32 {
      %mul3A_923 = arith.constant 64 : i32
      %mul3A_924 = arith.muli %scan3A_921, %mul3A_923 : i32
      %add3A_925 = arith.constant 0 : i32
      %add3A_926 = arith.addi %mul3A_924, %add3A_925 : i32
      %get3A = arith.index_cast %add3A_926 : i32 to index
      %get3A_927 = tpu.vector_load %arg5[%get3A] {strides = array<i32>} : memref<8000xi32, #tpu.memory_space<vmem>>, vector<16xi32>,
      %get3A_928 = arith.index_cast %add3A_926 : i32 to index
      %get3A_929 = tpu.vector_load %arg7[%get3A_928] {strides = array<i32>} : memref<8000xi32, #tpu.memory_space<vmem>>, vector<16xi32>,
      %mul3A_930 = arith.constant 1024 : i32
      %mul3A_931 = vector.broadcast %mul3A_930 : i32 to vector<16xi32>
      %mul3A_932 = arith.muli %get3A_929, %mul3A_931 : vector<16xi32>
      %add3A_933 = arith.addi %mul3A_932, %get3A_927 : vector<16xi32>
      %sub3A_934 = vector.broadcast %add3A_20 : i32 to vector<16xi32>
      %sub3A_935 = arith.subi %add3A_933, %sub3A_934 : vector<16xi32>
      %ge3A = arith.constant 0 : i32
      %ge3A_936 = vector.broadcast %ge3A : i32 to vector<16xi32>
      %ge3A_937 = arith.cmpi sge, %sub3A_935, %ge3A_936 : vector<16xi32>
      %lt3A_938 = arith.constant 65536 : i32
      %lt3A_939 = vector.broadcast %lt3A_938 : i32 to vector<16xi32>
      %lt3A_940 = arith.cmpi slt, %sub3A_935, %lt3A_939 : vector<16xi32>
      %and3A = arith.andi %ge3A_937, %lt3A_940 : vector<16xi1>
      %jit3A = arith.constant 0 : i32
      %broadcast_in_dim3A_941 = vector.broadcast %jit3A : i32 to vector<16xi32>
      %select_n3A_942 = arith.select %and3A, %sub3A_935, %broadcast_in_dim3A_941 : vector<16xi1>, vector<16xi32>
      tpu.vector_store_idx %arg9[%select_n3A_942], %broadcast_in_dim3A_0 masked %and3A {add = true} : memref<65536xf32, #tpu.memory_space<vmem>>[vector<16xi32>], vector<16xf32>, vector<16xi1>
      %mul3A_943 = arith.constant 64 : i32
      %mul3A_944 = arith.muli %scan3A_921, %mul3A_943 : i32
      %add3A_945 = arith.constant 16 : i32
      %add3A_946 = arith.addi %mul3A_944, %add3A_945 : i32
      %get3A_947 = arith.index_cast %add3A_946 : i32 to index
      %get3A_948 = tpu.vector_load %arg5[%get3A_947] {strides = array<i32>} : memref<8000xi32, #tpu.memory_space<vmem>>, vector<16xi32>,
      %get3A_949 = arith.index_cast %add3A_946 : i32 to index
      %get3A_950 = tpu.vector_load %arg7[%get3A_949] {strides = array<i32>} : memref<8000xi32, #tpu.memory_space<vmem>>, vector<16xi32>,
      %mul3A_951 = arith.constant 1024 : i32
      %mul3A_952 = vector.broadcast %mul3A_951 : i32 to vector<16xi32>
      %mul3A_953 = arith.muli %get3A_950, %mul3A_952 : vector<16xi32>
      %add3A_954 = arith.addi %mul3A_953, %get3A_948 : vector<16xi32>
      %sub3A_955 = vector.broadcast %add3A_20 : i32 to vector<16xi32>
      %sub3A_956 = arith.subi %add3A_954, %sub3A_955 : vector<16xi32>
      %ge3A_957 = arith.constant 0 : i32
      %ge3A_958 = vector.broadcast %ge3A_957 : i32 to vector<16xi32>
      %ge3A_959 = arith.cmpi sge, %sub3A_956, %ge3A_958 : vector<16xi32>
      %lt3A_960 = arith.constant 65536 : i32
      %lt3A_961 = vector.broadcast %lt3A_960 : i32 to vector<16xi32>
      %lt3A_962 = arith.cmpi slt, %sub3A_956, %lt3A_961 : vector<16xi32>
      %and3A_963 = arith.andi %ge3A_959, %lt3A_962 : vector<16xi1>
      %jit3A_964 = arith.constant 0 : i32
      %broadcast_in_dim3A_965 = vector.broadcast %jit3A_964 : i32 to vector<16xi32>
      %select_n3A_966 = arith.select %and3A_963, %sub3A_956, %broadcast_in_dim3A_965 : vector<16xi1>, vector<16xi32>
      tpu.vector_store_idx %arg9[%select_n3A_966], %broadcast_in_dim3A_0 masked %and3A_963 {add = true} : memref<65536xf32, #tpu.memory_space<vmem>>[vector<16xi32>], vector<16xf32>, vector<16xi1>
      %mul3A_967 = arith.constant 64 : i32
      %mul3A_968 = arith.muli %scan3A_921, %mul3A_967 : i32
      %add3A_969 = arith.constant 32 : i32
      %add3A_970 = arith.addi %mul3A_968, %add3A_969 : i32
      %get3A_971 = arith.index_cast %add3A_970 : i32 to index
      %get3A_972 = tpu.vector_load %arg5[%get3A_971] {strides = array<i32>} : memref<8000xi32, #tpu.memory_space<vmem>>, vector<16xi32>,
      %get3A_973 = arith.index_cast %add3A_970 : i32 to index
      %get3A_974 = tpu.vector_load %arg7[%get3A_973] {strides = array<i32>} : memref<8000xi32, #tpu.memory_space<vmem>>, vector<16xi32>,
      %mul3A_975 = arith.constant 1024 : i32
      %mul3A_976 = vector.broadcast %mul3A_975 : i32 to vector<16xi32>
      %mul3A_977 = arith.muli %get3A_974, %mul3A_976 : vector<16xi32>
      %add3A_978 = arith.addi %mul3A_977, %get3A_972 : vector<16xi32>
      %sub3A_979 = vector.broadcast %add3A_20 : i32 to vector<16xi32>
      %sub3A_980 = arith.subi %add3A_978, %sub3A_979 : vector<16xi32>
      %ge3A_981 = arith.constant 0 : i32
      %ge3A_982 = vector.broadcast %ge3A_981 : i32 to vector<16xi32>
      %ge3A_983 = arith.cmpi sge, %sub3A_980, %ge3A_982 : vector<16xi32>
      %lt3A_984 = arith.constant 65536 : i32
      %lt3A_985 = vector.broadcast %lt3A_984 : i32 to vector<16xi32>
      %lt3A_986 = arith.cmpi slt, %sub3A_980, %lt3A_985 : vector<16xi32>
      %and3A_987 = arith.andi %ge3A_983, %lt3A_986 : vector<16xi1>
      %jit3A_988 = arith.constant 0 : i32
      %broadcast_in_dim3A_989 = vector.broadcast %jit3A_988 : i32 to vector<16xi32>
      %select_n3A_990 = arith.select %and3A_987, %sub3A_980, %broadcast_in_dim3A_989 : vector<16xi1>, vector<16xi32>
      tpu.vector_store_idx %arg9[%select_n3A_990], %broadcast_in_dim3A_0 masked %and3A_987 {add = true} : memref<65536xf32, #tpu.memory_space<vmem>>[vector<16xi32>], vector<16xf32>, vector<16xi1>
      %mul3A_991 = arith.constant 64 : i32
      %mul3A_992 = arith.muli %scan3A_921, %mul3A_991 : i32
      %add3A_993 = arith.constant 48 : i32
      %add3A_994 = arith.addi %mul3A_992, %add3A_993 : i32
      %get3A_995 = arith.index_cast %add3A_994 : i32 to index
      %get3A_996 = tpu.vector_load %arg5[%get3A_995] {strides = array<i32>} : memref<8000xi32, #tpu.memory_space<vmem>>, vector<16xi32>,
      %get3A_997 = arith.index_cast %add3A_994 : i32 to index
      %get3A_998 = tpu.vector_load %arg7[%get3A_997] {strides = array<i32>} : memref<8000xi32, #tpu.memory_space<vmem>>, vector<16xi32>,
      %mul3A_999 = arith.constant 1024 : i32
      %mul3A_1000 = vector.broadcast %mul3A_999 : i32 to vector<16xi32>
      %mul3A_1001 = arith.muli %get3A_998, %mul3A_1000 : vector<16xi32>
      %add3A_1002 = arith.addi %mul3A_1001, %get3A_996 : vector<16xi32>
      %sub3A_1003 = vector.broadcast %add3A_20 : i32 to vector<16xi32>
      %sub3A_1004 = arith.subi %add3A_1002, %sub3A_1003 : vector<16xi32>
      %ge3A_1005 = arith.constant 0 : i32
      %ge3A_1006 = vector.broadcast %ge3A_1005 : i32 to vector<16xi32>
      %ge3A_1007 = arith.cmpi sge, %sub3A_1004, %ge3A_1006 : vector<16xi32>
      %lt3A_1008 = arith.constant 65536 : i32
      %lt3A_1009 = vector.broadcast %lt3A_1008 : i32 to vector<16xi32>
      %lt3A_1010 = arith.cmpi slt, %sub3A_1004, %lt3A_1009 : vector<16xi32>
      %and3A_1011 = arith.andi %ge3A_1007, %lt3A_1010 : vector<16xi1>
      %jit3A_1012 = arith.constant 0 : i32
      %broadcast_in_dim3A_1013 = vector.broadcast %jit3A_1012 : i32 to vector<16xi32>
      %select_n3A_1014 = arith.select %and3A_1011, %sub3A_1004, %broadcast_in_dim3A_1013 : vector<16xi1>, vector<16xi32>
      tpu.vector_store_idx %arg9[%select_n3A_1014], %broadcast_in_dim3A_0 masked %and3A_1011 {add = true} : memref<65536xf32, #tpu.memory_space<vmem>>[vector<16xi32>], vector<16xf32>, vector<16xi1>
      %scan3A_1015 = arith.constant 0 : i32
      scf.yield %scan3A_1015 : i32
    }
    %scan3A_42 = arith.constant 125 : i32
    %mul3A_43 = arith.constant 32000 : i32
    %mul3A_44 = arith.muli %add3A_2, %mul3A_43 : i32
    %add3A_45 = arith.constant 8000 : i32
    %add3A_46 = arith.addi %mul3A_44, %add3A_45 : i32
    %dma_wait3A_47 = tpu.memref_slice %arg2[%add3A_46] : memref<320000xi32, #tpu.memory_space<hbm>> -> memref<8000xi32, #tpu.memory_space<hbm>>
    %dma_wait3A_48 = tpu.memref_slice %arg2[%add3A_46] : memref<320000xi32, #tpu.memory_space<hbm>> -> memref<8000xi32, #tpu.memory_space<hbm>>
    tpu.wait_dma2 semaphore(%arg10 : memref<!tpu.dma_semaphore, #tpu.memory_space<semaphore_mem>>) src(%dma_wait3A_48 : memref<8000xi32, #tpu.memory_space<hbm>>) dst(%arg6 : memref<8000xi32, #tpu.memory_space<vmem>>)
    %dma_wait3A_49 = tpu.memref_slice %arg3[%add3A_46] : memref<320000xi32, #tpu.memory_space<hbm>> -> memref<8000xi32, #tpu.memory_space<hbm>>
    %dma_wait3A_50 = tpu.memref_slice %arg3[%add3A_46] : memref<320000xi32, #tpu.memory_space<hbm>> -> memref<8000xi32, #tpu.memory_space<hbm>>
    tpu.wait_dma2 semaphore(%arg10 : memref<!tpu.dma_semaphore, #tpu.memory_space<semaphore_mem>>) src(%dma_wait3A_50 : memref<8000xi32, #tpu.memory_space<hbm>>) dst(%arg8 : memref<8000xi32, #tpu.memory_space<vmem>>)
    %mul3A_51 = arith.constant 32000 : i32
    %mul3A_52 = arith.muli %add3A_2, %mul3A_51 : i32
    %add3A_53 = arith.constant 16000 : i32
    %add3A_54 = arith.addi %mul3A_52, %add3A_53 : i32
    %dma_start3A_55 = tpu.memref_slice %arg2[%add3A_54] : memref<320000xi32, #tpu.memory_space<hbm>> -> memref<8000xi32, #tpu.memory_space<hbm>>
    %dma_start3A_56 = tpu.memref_slice %arg2[%add3A_54] : memref<320000xi32, #tpu.memory_space<hbm>> -> memref<8000xi32, #tpu.memory_space<hbm>>
    tpu.enqueue_dma source(%dma_start3A_56 : memref<8000xi32, #tpu.memory_space<hbm>>) target(%arg5 : memref<8000xi32, #tpu.memory_space<vmem>>) target_semaphore(%arg10 : memref<!tpu.dma_semaphore, #tpu.memory_space<semaphore_mem>>)
    %dma_start3A_57 = tpu.memref_slice %arg3[%add3A_54] : memref<320000xi32, #tpu.memory_space<hbm>> -> memref<8000xi32, #tpu.memory_space<hbm>>
    %dma_start3A_58 = tpu.memref_slice %arg3[%add3A_54] : memref<320000xi32, #tpu.memory_space<hbm>> -> memref<8000xi32, #tpu.memory_space<hbm>>
    tpu.enqueue_dma source(%dma_start3A_58 : memref<8000xi32, #tpu.memory_space<hbm>>) target(%arg7 : memref<8000xi32, #tpu.memory_space<vmem>>) target_semaphore(%arg10 : memref<!tpu.dma_semaphore, #tpu.memory_space<semaphore_mem>>)
    %scan3A_59 = arith.constant 0 : i32
    %scan3A_60 = arith.constant 0 : i32
    %scan3A_61 = arith.constant 125 : i32
    %scan3A_62 = arith.addi %scan3A_60, %scan3A_61 : i32
    %scan3A_63 = arith.constant 1 : i32
    %scan3A_64 = scf.for %scan3A_921 = %scan3A_60 to %scan3A_62 step %scan3A_63 iter_args(%scan3A_922 = %scan3A_59) -> (i32)  : i32 {
      %mul3A_923 = arith.constant 64 : i32
      %mul3A_924 = arith.muli %scan3A_921, %mul3A_923 : i32
      %add3A_925 = arith.constant 0 : i32
      %add3A_926 = arith.addi %mul3A_924, %add3A_925 : i32
      %get3A = arith.index_cast %add3A_926 : i32 to index
      %get3A_927 = tpu.vector_load %arg6[%get3A] {strides = array<i32>} : memref<8000xi32, #tpu.memory_space<vmem>>, vector<16xi32>,
      %get3A_928 = arith.index_cast %add3A_926 : i32 to index
      %get3A_929 = tpu.vector_load %arg8[%get3A_928] {strides = array<i32>} : memref<8000xi32, #tpu.memory_space<vmem>>, vector<16xi32>,
      %mul3A_930 = arith.constant 1024 : i32
      %mul3A_931 = vector.broadcast %mul3A_930 : i32 to vector<16xi32>
      %mul3A_932 = arith.muli %get3A_929, %mul3A_931 : vector<16xi32>
      %add3A_933 = arith.addi %mul3A_932, %get3A_927 : vector<16xi32>
      %sub3A_934 = vector.broadcast %add3A_20 : i32 to vector<16xi32>
      %sub3A_935 = arith.subi %add3A_933, %sub3A_934 : vector<16xi32>
      %ge3A = arith.constant 0 : i32
      %ge3A_936 = vector.broadcast %ge3A : i32 to vector<16xi32>
      %ge3A_937 = arith.cmpi sge, %sub3A_935, %ge3A_936 : vector<16xi32>
      %lt3A_938 = arith.constant 65536 : i32
      %lt3A_939 = vector.broadcast %lt3A_938 : i32 to vector<16xi32>
      %lt3A_940 = arith.cmpi slt, %sub3A_935, %lt3A_939 : vector<16xi32>
      %and3A = arith.andi %ge3A_937, %lt3A_940 : vector<16xi1>
      %jit3A = arith.constant 0 : i32
      %broadcast_in_dim3A_941 = vector.broadcast %jit3A : i32 to vector<16xi32>
      %select_n3A_942 = arith.select %and3A, %sub3A_935, %broadcast_in_dim3A_941 : vector<16xi1>, vector<16xi32>
      tpu.vector_store_idx %arg9[%select_n3A_942], %broadcast_in_dim3A_0 masked %and3A {add = true} : memref<65536xf32, #tpu.memory_space<vmem>>[vector<16xi32>], vector<16xf32>, vector<16xi1>
      %mul3A_943 = arith.constant 64 : i32
      %mul3A_944 = arith.muli %scan3A_921, %mul3A_943 : i32
      %add3A_945 = arith.constant 16 : i32
      %add3A_946 = arith.addi %mul3A_944, %add3A_945 : i32
      %get3A_947 = arith.index_cast %add3A_946 : i32 to index
      %get3A_948 = tpu.vector_load %arg6[%get3A_947] {strides = array<i32>} : memref<8000xi32, #tpu.memory_space<vmem>>, vector<16xi32>,
      %get3A_949 = arith.index_cast %add3A_946 : i32 to index
      %get3A_950 = tpu.vector_load %arg8[%get3A_949] {strides = array<i32>} : memref<8000xi32, #tpu.memory_space<vmem>>, vector<16xi32>,
      %mul3A_951 = arith.constant 1024 : i32
      %mul3A_952 = vector.broadcast %mul3A_951 : i32 to vector<16xi32>
      %mul3A_953 = arith.muli %get3A_950, %mul3A_952 : vector<16xi32>
      %add3A_954 = arith.addi %mul3A_953, %get3A_948 : vector<16xi32>
      %sub3A_955 = vector.broadcast %add3A_20 : i32 to vector<16xi32>
      %sub3A_956 = arith.subi %add3A_954, %sub3A_955 : vector<16xi32>
      %ge3A_957 = arith.constant 0 : i32
      %ge3A_958 = vector.broadcast %ge3A_957 : i32 to vector<16xi32>
      %ge3A_959 = arith.cmpi sge, %sub3A_956, %ge3A_958 : vector<16xi32>
      %lt3A_960 = arith.constant 65536 : i32
      %lt3A_961 = vector.broadcast %lt3A_960 : i32 to vector<16xi32>
      %lt3A_962 = arith.cmpi slt, %sub3A_956, %lt3A_961 : vector<16xi32>
      %and3A_963 = arith.andi %ge3A_959, %lt3A_962 : vector<16xi1>
      %jit3A_964 = arith.constant 0 : i32
      %broadcast_in_dim3A_965 = vector.broadcast %jit3A_964 : i32 to vector<16xi32>
      %select_n3A_966 = arith.select %and3A_963, %sub3A_956, %broadcast_in_dim3A_965 : vector<16xi1>, vector<16xi32>
      tpu.vector_store_idx %arg9[%select_n3A_966], %broadcast_in_dim3A_0 masked %and3A_963 {add = true} : memref<65536xf32, #tpu.memory_space<vmem>>[vector<16xi32>], vector<16xf32>, vector<16xi1>
      %mul3A_967 = arith.constant 64 : i32
      %mul3A_968 = arith.muli %scan3A_921, %mul3A_967 : i32
      %add3A_969 = arith.constant 32 : i32
      %add3A_970 = arith.addi %mul3A_968, %add3A_969 : i32
      %get3A_971 = arith.index_cast %add3A_970 : i32 to index
      %get3A_972 = tpu.vector_load %arg6[%get3A_971] {strides = array<i32>} : memref<8000xi32, #tpu.memory_space<vmem>>, vector<16xi32>,
      %get3A_973 = arith.index_cast %add3A_970 : i32 to index
      %get3A_974 = tpu.vector_load %arg8[%get3A_973] {strides = array<i32>} : memref<8000xi32, #tpu.memory_space<vmem>>, vector<16xi32>,
      %mul3A_975 = arith.constant 1024 : i32
      %mul3A_976 = vector.broadcast %mul3A_975 : i32 to vector<16xi32>
      %mul3A_977 = arith.muli %get3A_974, %mul3A_976 : vector<16xi32>
      %add3A_978 = arith.addi %mul3A_977, %get3A_972 : vector<16xi32>
      %sub3A_979 = vector.broadcast %add3A_20 : i32 to vector<16xi32>
      %sub3A_980 = arith.subi %add3A_978, %sub3A_979 : vector<16xi32>
      %ge3A_981 = arith.constant 0 : i32
      %ge3A_982 = vector.broadcast %ge3A_981 : i32 to vector<16xi32>
      %ge3A_983 = arith.cmpi sge, %sub3A_980, %ge3A_982 : vector<16xi32>
      %lt3A_984 = arith.constant 65536 : i32
      %lt3A_985 = vector.broadcast %lt3A_984 : i32 to vector<16xi32>
      %lt3A_986 = arith.cmpi slt, %sub3A_980, %lt3A_985 : vector<16xi32>
      %and3A_987 = arith.andi %ge3A_983, %lt3A_986 : vector<16xi1>
      %jit3A_988 = arith.constant 0 : i32
      %broadcast_in_dim3A_989 = vector.broadcast %jit3A_988 : i32 to vector<16xi32>
      %select_n3A_990 = arith.select %and3A_987, %sub3A_980, %broadcast_in_dim3A_989 : vector<16xi1>, vector<16xi32>
      tpu.vector_store_idx %arg9[%select_n3A_990], %broadcast_in_dim3A_0 masked %and3A_987 {add = true} : memref<65536xf32, #tpu.memory_space<vmem>>[vector<16xi32>], vector<16xf32>, vector<16xi1>
      %mul3A_991 = arith.constant 64 : i32
      %mul3A_992 = arith.muli %scan3A_921, %mul3A_991 : i32
      %add3A_993 = arith.constant 48 : i32
      %add3A_994 = arith.addi %mul3A_992, %add3A_993 : i32
      %get3A_995 = arith.index_cast %add3A_994 : i32 to index
      %get3A_996 = tpu.vector_load %arg6[%get3A_995] {strides = array<i32>} : memref<8000xi32, #tpu.memory_space<vmem>>, vector<16xi32>,
      %get3A_997 = arith.index_cast %add3A_994 : i32 to index
      %get3A_998 = tpu.vector_load %arg8[%get3A_997] {strides = array<i32>} : memref<8000xi32, #tpu.memory_space<vmem>>, vector<16xi32>,
      %mul3A_999 = arith.constant 1024 : i32
      %mul3A_1000 = vector.broadcast %mul3A_999 : i32 to vector<16xi32>
      %mul3A_1001 = arith.muli %get3A_998, %mul3A_1000 : vector<16xi32>
      %add3A_1002 = arith.addi %mul3A_1001, %get3A_996 : vector<16xi32>
      %sub3A_1003 = vector.broadcast %add3A_20 : i32 to vector<16xi32>
      %sub3A_1004 = arith.subi %add3A_1002, %sub3A_1003 : vector<16xi32>
      %ge3A_1005 = arith.constant 0 : i32
      %ge3A_1006 = vector.broadcast %ge3A_1005 : i32 to vector<16xi32>
      %ge3A_1007 = arith.cmpi sge, %sub3A_1004, %ge3A_1006 : vector<16xi32>
      %lt3A_1008 = arith.constant 65536 : i32
      %lt3A_1009 = vector.broadcast %lt3A_1008 : i32 to vector<16xi32>
      %lt3A_1010 = arith.cmpi slt, %sub3A_1004, %lt3A_1009 : vector<16xi32>
      %and3A_1011 = arith.andi %ge3A_1007, %lt3A_1010 : vector<16xi1>
      %jit3A_1012 = arith.constant 0 : i32
      %broadcast_in_dim3A_1013 = vector.broadcast %jit3A_1012 : i32 to vector<16xi32>
      %select_n3A_1014 = arith.select %and3A_1011, %sub3A_1004, %broadcast_in_dim3A_1013 : vector<16xi1>, vector<16xi32>
      tpu.vector_store_idx %arg9[%select_n3A_1014], %broadcast_in_dim3A_0 masked %and3A_1011 {add = true} : memref<65536xf32, #tpu.memory_space<vmem>>[vector<16xi32>], vector<16xf32>, vector<16xi1>
      %scan3A_1015 = arith.constant 0 : i32
      scf.yield %scan3A_1015 : i32
    }
    %scan3A_65 = arith.constant 125 : i32
    %mul3A_66 = arith.constant 32000 : i32
    %mul3A_67 = arith.muli %add3A_2, %mul3A_66 : i32
    %add3A_68 = arith.constant 16000 : i32
    %add3A_69 = arith.addi %mul3A_67, %add3A_68 : i32
    %dma_wait3A_70 = tpu.memref_slice %arg2[%add3A_69] : memref<320000xi32, #tpu.memory_space<hbm>> -> memref<8000xi32, #tpu.memory_space<hbm>>
    %dma_wait3A_71 = tpu.memref_slice %arg2[%add3A_69] : memref<320000xi32, #tpu.memory_space<hbm>> -> memref<8000xi32, #tpu.memory_space<hbm>>
    tpu.wait_dma2 semaphore(%arg10 : memref<!tpu.dma_semaphore, #tpu.memory_space<semaphore_mem>>) src(%dma_wait3A_71 : memref<8000xi32, #tpu.memory_space<hbm>>) dst(%arg5 : memref<8000xi32, #tpu.memory_space<vmem>>)
    %dma_wait3A_72 = tpu.memref_slice %arg3[%add3A_69] : memref<320000xi32, #tpu.memory_space<hbm>> -> memref<8000xi32, #tpu.memory_space<hbm>>
    %dma_wait3A_73 = tpu.memref_slice %arg3[%add3A_69] : memref<320000xi32, #tpu.memory_space<hbm>> -> memref<8000xi32, #tpu.memory_space<hbm>>
    tpu.wait_dma2 semaphore(%arg10 : memref<!tpu.dma_semaphore, #tpu.memory_space<semaphore_mem>>) src(%dma_wait3A_73 : memref<8000xi32, #tpu.memory_space<hbm>>) dst(%arg7 : memref<8000xi32, #tpu.memory_space<vmem>>)
    %mul3A_74 = arith.constant 32000 : i32
    %mul3A_75 = arith.muli %add3A_2, %mul3A_74 : i32
    %add3A_76 = arith.constant 24000 : i32
    %add3A_77 = arith.addi %mul3A_75, %add3A_76 : i32
    %dma_start3A_78 = tpu.memref_slice %arg2[%add3A_77] : memref<320000xi32, #tpu.memory_space<hbm>> -> memref<8000xi32, #tpu.memory_space<hbm>>
    %dma_start3A_79 = tpu.memref_slice %arg2[%add3A_77] : memref<320000xi32, #tpu.memory_space<hbm>> -> memref<8000xi32, #tpu.memory_space<hbm>>
    tpu.enqueue_dma source(%dma_start3A_79 : memref<8000xi32, #tpu.memory_space<hbm>>) target(%arg6 : memref<8000xi32, #tpu.memory_space<vmem>>) target_semaphore(%arg10 : memref<!tpu.dma_semaphore, #tpu.memory_space<semaphore_mem>>)
    %dma_start3A_80 = tpu.memref_slice %arg3[%add3A_77] : memref<320000xi32, #tpu.memory_space<hbm>> -> memref<8000xi32, #tpu.memory_space<hbm>>
    %dma_start3A_81 = tpu.memref_slice %arg3[%add3A_77] : memref<320000xi32, #tpu.memory_space<hbm>> -> memref<8000xi32, #tpu.memory_space<hbm>>
    tpu.enqueue_dma source(%dma_start3A_81 : memref<8000xi32, #tpu.memory_space<hbm>>) target(%arg8 : memref<8000xi32, #tpu.memory_space<vmem>>) target_semaphore(%arg10 : memref<!tpu.dma_semaphore, #tpu.memory_space<semaphore_mem>>)
    %scan3A_82 = arith.constant 0 : i32
    %scan3A_83 = arith.constant 0 : i32
    %scan3A_84 = arith.constant 125 : i32
    %scan3A_85 = arith.addi %scan3A_83, %scan3A_84 : i32
    %scan3A_86 = arith.constant 1 : i32
    %scan3A_87 = scf.for %scan3A_921 = %scan3A_83 to %scan3A_85 step %scan3A_86 iter_args(%scan3A_922 = %scan3A_82) -> (i32)  : i32 {
      %mul3A_923 = arith.constant 64 : i32
      %mul3A_924 = arith.muli %scan3A_921, %mul3A_923 : i32
      %add3A_925 = arith.constant 0 : i32
      %add3A_926 = arith.addi %mul3A_924, %add3A_925 : i32
      %get3A = arith.index_cast %add3A_926 : i32 to index
      %get3A_927 = tpu.vector_load %arg5[%get3A] {strides = array<i32>} : memref<8000xi32, #tpu.memory_space<vmem>>, vector<16xi32>,
      %get3A_928 = arith.index_cast %add3A_926 : i32 to index
      %get3A_929 = tpu.vector_load %arg7[%get3A_928] {strides = array<i32>} : memref<8000xi32, #tpu.memory_space<vmem>>, vector<16xi32>,
      %mul3A_930 = arith.constant 1024 : i32
      %mul3A_931 = vector.broadcast %mul3A_930 : i32 to vector<16xi32>
      %mul3A_932 = arith.muli %get3A_929, %mul3A_931 : vector<16xi32>
      %add3A_933 = arith.addi %mul3A_932, %get3A_927 : vector<16xi32>
      %sub3A_934 = vector.broadcast %add3A_20 : i32 to vector<16xi32>
      %sub3A_935 = arith.subi %add3A_933, %sub3A_934 : vector<16xi32>
      %ge3A = arith.constant 0 : i32
      %ge3A_936 = vector.broadcast %ge3A : i32 to vector<16xi32>
      %ge3A_937 = arith.cmpi sge, %sub3A_935, %ge3A_936 : vector<16xi32>
      %lt3A_938 = arith.constant 65536 : i32
      %lt3A_939 = vector.broadcast %lt3A_938 : i32 to vector<16xi32>
      %lt3A_940 = arith.cmpi slt, %sub3A_935, %lt3A_939 : vector<16xi32>
      %and3A = arith.andi %ge3A_937, %lt3A_940 : vector<16xi1>
      %jit3A = arith.constant 0 : i32
      %broadcast_in_dim3A_941 = vector.broadcast %jit3A : i32 to vector<16xi32>
      %select_n3A_942 = arith.select %and3A, %sub3A_935, %broadcast_in_dim3A_941 : vector<16xi1>, vector<16xi32>
      tpu.vector_store_idx %arg9[%select_n3A_942], %broadcast_in_dim3A_0 masked %and3A {add = true} : memref<65536xf32, #tpu.memory_space<vmem>>[vector<16xi32>], vector<16xf32>, vector<16xi1>
      %mul3A_943 = arith.constant 64 : i32
      %mul3A_944 = arith.muli %scan3A_921, %mul3A_943 : i32
      %add3A_945 = arith.constant 16 : i32
      %add3A_946 = arith.addi %mul3A_944, %add3A_945 : i32
      %get3A_947 = arith.index_cast %add3A_946 : i32 to index
      %get3A_948 = tpu.vector_load %arg5[%get3A_947] {strides = array<i32>} : memref<8000xi32, #tpu.memory_space<vmem>>, vector<16xi32>,
      %get3A_949 = arith.index_cast %add3A_946 : i32 to index
      %get3A_950 = tpu.vector_load %arg7[%get3A_949] {strides = array<i32>} : memref<8000xi32, #tpu.memory_space<vmem>>, vector<16xi32>,
      %mul3A_951 = arith.constant 1024 : i32
      %mul3A_952 = vector.broadcast %mul3A_951 : i32 to vector<16xi32>
      %mul3A_953 = arith.muli %get3A_950, %mul3A_952 : vector<16xi32>
      %add3A_954 = arith.addi %mul3A_953, %get3A_948 : vector<16xi32>
      %sub3A_955 = vector.broadcast %add3A_20 : i32 to vector<16xi32>
      %sub3A_956 = arith.subi %add3A_954, %sub3A_955 : vector<16xi32>
      %ge3A_957 = arith.constant 0 : i32
      %ge3A_958 = vector.broadcast %ge3A_957 : i32 to vector<16xi32>
      %ge3A_959 = arith.cmpi sge, %sub3A_956, %ge3A_958 : vector<16xi32>
      %lt3A_960 = arith.constant 65536 : i32
      %lt3A_961 = vector.broadcast %lt3A_960 : i32 to vector<16xi32>
      %lt3A_962 = arith.cmpi slt, %sub3A_956, %lt3A_961 : vector<16xi32>
      %and3A_963 = arith.andi %ge3A_959, %lt3A_962 : vector<16xi1>
      %jit3A_964 = arith.constant 0 : i32
      %broadcast_in_dim3A_965 = vector.broadcast %jit3A_964 : i32 to vector<16xi32>
      %select_n3A_966 = arith.select %and3A_963, %sub3A_956, %broadcast_in_dim3A_965 : vector<16xi1>, vector<16xi32>
      tpu.vector_store_idx %arg9[%select_n3A_966], %broadcast_in_dim3A_0 masked %and3A_963 {add = true} : memref<65536xf32, #tpu.memory_space<vmem>>[vector<16xi32>], vector<16xf32>, vector<16xi1>
      %mul3A_967 = arith.constant 64 : i32
      %mul3A_968 = arith.muli %scan3A_921, %mul3A_967 : i32
      %add3A_969 = arith.constant 32 : i32
      %add3A_970 = arith.addi %mul3A_968, %add3A_969 : i32
      %get3A_971 = arith.index_cast %add3A_970 : i32 to index
      %get3A_972 = tpu.vector_load %arg5[%get3A_971] {strides = array<i32>} : memref<8000xi32, #tpu.memory_space<vmem>>, vector<16xi32>,
      %get3A_973 = arith.index_cast %add3A_970 : i32 to index
      %get3A_974 = tpu.vector_load %arg7[%get3A_973] {strides = array<i32>} : memref<8000xi32, #tpu.memory_space<vmem>>, vector<16xi32>,
      %mul3A_975 = arith.constant 1024 : i32
      %mul3A_976 = vector.broadcast %mul3A_975 : i32 to vector<16xi32>
      %mul3A_977 = arith.muli %get3A_974, %mul3A_976 : vector<16xi32>
      %add3A_978 = arith.addi %mul3A_977, %get3A_972 : vector<16xi32>
      %sub3A_979 = vector.broadcast %add3A_20 : i32 to vector<16xi32>
      %sub3A_980 = arith.subi %add3A_978, %sub3A_979 : vector<16xi32>
      %ge3A_981 = arith.constant 0 : i32
      %ge3A_982 = vector.broadcast %ge3A_981 : i32 to vector<16xi32>
      %ge3A_983 = arith.cmpi sge, %sub3A_980, %ge3A_982 : vector<16xi32>
      %lt3A_984 = arith.constant 65536 : i32
      %lt3A_985 = vector.broadcast %lt3A_984 : i32 to vector<16xi32>
      %lt3A_986 = arith.cmpi slt, %sub3A_980, %lt3A_985 : vector<16xi32>
      %and3A_987 = arith.andi %ge3A_983, %lt3A_986 : vector<16xi1>
      %jit3A_988 = arith.constant 0 : i32
      %broadcast_in_dim3A_989 = vector.broadcast %jit3A_988 : i32 to vector<16xi32>
      %select_n3A_990 = arith.select %and3A_987, %sub3A_980, %broadcast_in_dim3A_989 : vector<16xi1>, vector<16xi32>
      tpu.vector_store_idx %arg9[%select_n3A_990], %broadcast_in_dim3A_0 masked %and3A_987 {add = true} : memref<65536xf32, #tpu.memory_space<vmem>>[vector<16xi32>], vector<16xf32>, vector<16xi1>
      %mul3A_991 = arith.constant 64 : i32
      %mul3A_992 = arith.muli %scan3A_921, %mul3A_991 : i32
      %add3A_993 = arith.constant 48 : i32
      %add3A_994 = arith.addi %mul3A_992, %add3A_993 : i32
      %get3A_995 = arith.index_cast %add3A_994 : i32 to index
      %get3A_996 = tpu.vector_load %arg5[%get3A_995] {strides = array<i32>} : memref<8000xi32, #tpu.memory_space<vmem>>, vector<16xi32>,
      %get3A_997 = arith.index_cast %add3A_994 : i32 to index
      %get3A_998 = tpu.vector_load %arg7[%get3A_997] {strides = array<i32>} : memref<8000xi32, #tpu.memory_space<vmem>>, vector<16xi32>,
      %mul3A_999 = arith.constant 1024 : i32
      %mul3A_1000 = vector.broadcast %mul3A_999 : i32 to vector<16xi32>
      %mul3A_1001 = arith.muli %get3A_998, %mul3A_1000 : vector<16xi32>
      %add3A_1002 = arith.addi %mul3A_1001, %get3A_996 : vector<16xi32>
      %sub3A_1003 = vector.broadcast %add3A_20 : i32 to vector<16xi32>
      %sub3A_1004 = arith.subi %add3A_1002, %sub3A_1003 : vector<16xi32>
      %ge3A_1005 = arith.constant 0 : i32
      %ge3A_1006 = vector.broadcast %ge3A_1005 : i32 to vector<16xi32>
      %ge3A_1007 = arith.cmpi sge, %sub3A_1004, %ge3A_1006 : vector<16xi32>
      %lt3A_1008 = arith.constant 65536 : i32
      %lt3A_1009 = vector.broadcast %lt3A_1008 : i32 to vector<16xi32>
      %lt3A_1010 = arith.cmpi slt, %sub3A_1004, %lt3A_1009 : vector<16xi32>
      %and3A_1011 = arith.andi %ge3A_1007, %lt3A_1010 : vector<16xi1>
      %jit3A_1012 = arith.constant 0 : i32
      %broadcast_in_dim3A_1013 = vector.broadcast %jit3A_1012 : i32 to vector<16xi32>
      %select_n3A_1014 = arith.select %and3A_1011, %sub3A_1004, %broadcast_in_dim3A_1013 : vector<16xi1>, vector<16xi32>
      tpu.vector_store_idx %arg9[%select_n3A_1014], %broadcast_in_dim3A_0 masked %and3A_1011 {add = true} : memref<65536xf32, #tpu.memory_space<vmem>>[vector<16xi32>], vector<16xf32>, vector<16xi1>
      %scan3A_1015 = arith.constant 0 : i32
      scf.yield %scan3A_1015 : i32
    }
    %scan3A_88 = arith.constant 125 : i32
    %mul3A_89 = arith.constant 32000 : i32
    %mul3A_90 = arith.muli %add3A_2, %mul3A_89 : i32
    %add3A_91 = arith.constant 24000 : i32
    %add3A_92 = arith.addi %mul3A_90, %add3A_91 : i32
    %dma_wait3A_93 = tpu.memref_slice %arg2[%add3A_92] : memref<320000xi32, #tpu.memory_space<hbm>> -> memref<8000xi32, #tpu.memory_space<hbm>>
    %dma_wait3A_94 = tpu.memref_slice %arg2[%add3A_92] : memref<320000xi32, #tpu.memory_space<hbm>> -> memref<8000xi32, #tpu.memory_space<hbm>>
    tpu.wait_dma2 semaphore(%arg10 : memref<!tpu.dma_semaphore, #tpu.memory_space<semaphore_mem>>) src(%dma_wait3A_94 : memref<8000xi32, #tpu.memory_space<hbm>>) dst(%arg6 : memref<8000xi32, #tpu.memory_space<vmem>>)
    %dma_wait3A_95 = tpu.memref_slice %arg3[%add3A_92] : memref<320000xi32, #tpu.memory_space<hbm>> -> memref<8000xi32, #tpu.memory_space<hbm>>
    %dma_wait3A_96 = tpu.memref_slice %arg3[%add3A_92] : memref<320000xi32, #tpu.memory_space<hbm>> -> memref<8000xi32, #tpu.memory_space<hbm>>
    tpu.wait_dma2 semaphore(%arg10 : memref<!tpu.dma_semaphore, #tpu.memory_space<semaphore_mem>>) src(%dma_wait3A_96 : memref<8000xi32, #tpu.memory_space<hbm>>) dst(%arg8 : memref<8000xi32, #tpu.memory_space<vmem>>)
    %scan3A_97 = arith.constant 0 : i32
    %scan3A_98 = arith.constant 0 : i32
    %scan3A_99 = arith.constant 125 : i32
    %scan3A_100 = arith.addi %scan3A_98, %scan3A_99 : i32
    %scan3A_101 = arith.constant 1 : i32
    %scan3A_102 = scf.for %scan3A_921 = %scan3A_98 to %scan3A_100 step %scan3A_101 iter_args(%scan3A_922 = %scan3A_97) -> (i32)  : i32 {
      %mul3A_923 = arith.constant 64 : i32
      %mul3A_924 = arith.muli %scan3A_921, %mul3A_923 : i32
      %add3A_925 = arith.constant 0 : i32
      %add3A_926 = arith.addi %mul3A_924, %add3A_925 : i32
      %get3A = arith.index_cast %add3A_926 : i32 to index
      %get3A_927 = tpu.vector_load %arg6[%get3A] {strides = array<i32>} : memref<8000xi32, #tpu.memory_space<vmem>>, vector<16xi32>,
      %get3A_928 = arith.index_cast %add3A_926 : i32 to index
      %get3A_929 = tpu.vector_load %arg8[%get3A_928] {strides = array<i32>} : memref<8000xi32, #tpu.memory_space<vmem>>, vector<16xi32>,
      %mul3A_930 = arith.constant 1024 : i32
      %mul3A_931 = vector.broadcast %mul3A_930 : i32 to vector<16xi32>
      %mul3A_932 = arith.muli %get3A_929, %mul3A_931 : vector<16xi32>
      %add3A_933 = arith.addi %mul3A_932, %get3A_927 : vector<16xi32>
      %sub3A_934 = vector.broadcast %add3A_20 : i32 to vector<16xi32>
      %sub3A_935 = arith.subi %add3A_933, %sub3A_934 : vector<16xi32>
      %ge3A = arith.constant 0 : i32
      %ge3A_936 = vector.broadcast %ge3A : i32 to vector<16xi32>
      %ge3A_937 = arith.cmpi sge, %sub3A_935, %ge3A_936 : vector<16xi32>
      %lt3A_938 = arith.constant 65536 : i32
      %lt3A_939 = vector.broadcast %lt3A_938 : i32 to vector<16xi32>
      %lt3A_940 = arith.cmpi slt, %sub3A_935, %lt3A_939 : vector<16xi32>
      %and3A = arith.andi %ge3A_937, %lt3A_940 : vector<16xi1>
      %jit3A = arith.constant 0 : i32
      %broadcast_in_dim3A_941 = vector.broadcast %jit3A : i32 to vector<16xi32>
      %select_n3A_942 = arith.select %and3A, %sub3A_935, %broadcast_in_dim3A_941 : vector<16xi1>, vector<16xi32>
      tpu.vector_store_idx %arg9[%select_n3A_942], %broadcast_in_dim3A_0 masked %and3A {add = true} : memref<65536xf32, #tpu.memory_space<vmem>>[vector<16xi32>], vector<16xf32>, vector<16xi1>
      %mul3A_943 = arith.constant 64 : i32
      %mul3A_944 = arith.muli %scan3A_921, %mul3A_943 : i32
      %add3A_945 = arith.constant 16 : i32
      %add3A_946 = arith.addi %mul3A_944, %add3A_945 : i32
      %get3A_947 = arith.index_cast %add3A_946 : i32 to index
      %get3A_948 = tpu.vector_load %arg6[%get3A_947] {strides = array<i32>} : memref<8000xi32, #tpu.memory_space<vmem>>, vector<16xi32>,
      %get3A_949 = arith.index_cast %add3A_946 : i32 to index
      %get3A_950 = tpu.vector_load %arg8[%get3A_949] {strides = array<i32>} : memref<8000xi32, #tpu.memory_space<vmem>>, vector<16xi32>,
      %mul3A_951 = arith.constant 1024 : i32
      %mul3A_952 = vector.broadcast %mul3A_951 : i32 to vector<16xi32>
      %mul3A_953 = arith.muli %get3A_950, %mul3A_952 : vector<16xi32>
      %add3A_954 = arith.addi %mul3A_953, %get3A_948 : vector<16xi32>
      %sub3A_955 = vector.broadcast %add3A_20 : i32 to vector<16xi32>
      %sub3A_956 = arith.subi %add3A_954, %sub3A_955 : vector<16xi32>
      %ge3A_957 = arith.constant 0 : i32
      %ge3A_958 = vector.broadcast %ge3A_957 : i32 to vector<16xi32>
      %ge3A_959 = arith.cmpi sge, %sub3A_956, %ge3A_958 : vector<16xi32>
      %lt3A_960 = arith.constant 65536 : i32
      %lt3A_961 = vector.broadcast %lt3A_960 : i32 to vector<16xi32>
      %lt3A_962 = arith.cmpi slt, %sub3A_956, %lt3A_961 : vector<16xi32>
      %and3A_963 = arith.andi %ge3A_959, %lt3A_962 : vector<16xi1>
      %jit3A_964 = arith.constant 0 : i32
      %broadcast_in_dim3A_965 = vector.broadcast %jit3A_964 : i32 to vector<16xi32>
      %select_n3A_966 = arith.select %and3A_963, %sub3A_956, %broadcast_in_dim3A_965 : vector<16xi1>, vector<16xi32>
      tpu.vector_store_idx %arg9[%select_n3A_966], %broadcast_in_dim3A_0 masked %and3A_963 {add = true} : memref<65536xf32, #tpu.memory_space<vmem>>[vector<16xi32>], vector<16xf32>, vector<16xi1>
      %mul3A_967 = arith.constant 64 : i32
      %mul3A_968 = arith.muli %scan3A_921, %mul3A_967 : i32
      %add3A_969 = arith.constant 32 : i32
      %add3A_970 = arith.addi %mul3A_968, %add3A_969 : i32
      %get3A_971 = arith.index_cast %add3A_970 : i32 to index
      %get3A_972 = tpu.vector_load %arg6[%get3A_971] {strides = array<i32>} : memref<8000xi32, #tpu.memory_space<vmem>>, vector<16xi32>,
      %get3A_973 = arith.index_cast %add3A_970 : i32 to index
      %get3A_974 = tpu.vector_load %arg8[%get3A_973] {strides = array<i32>} : memref<8000xi32, #tpu.memory_space<vmem>>, vector<16xi32>,
      %mul3A_975 = arith.constant 1024 : i32
      %mul3A_976 = vector.broadcast %mul3A_975 : i32 to vector<16xi32>
      %mul3A_977 = arith.muli %get3A_974, %mul3A_976 : vector<16xi32>
      %add3A_978 = arith.addi %mul3A_977, %get3A_972 : vector<16xi32>
      %sub3A_979 = vector.broadcast %add3A_20 : i32 to vector<16xi32>
      %sub3A_980 = arith.subi %add3A_978, %sub3A_979 : vector<16xi32>
      %ge3A_981 = arith.constant 0 : i32
      %ge3A_982 = vector.broadcast %ge3A_981 : i32 to vector<16xi32>
      %ge3A_983 = arith.cmpi sge, %sub3A_980, %ge3A_982 : vector<16xi32>
      %lt3A_984 = arith.constant 65536 : i32
      %lt3A_985 = vector.broadcast %lt3A_984 : i32 to vector<16xi32>
      %lt3A_986 = arith.cmpi slt, %sub3A_980, %lt3A_985 : vector<16xi32>
      %and3A_987 = arith.andi %ge3A_983, %lt3A_986 : vector<16xi1>
      %jit3A_988 = arith.constant 0 : i32
      %broadcast_in_dim3A_989 = vector.broadcast %jit3A_988 : i32 to vector<16xi32>
      %select_n3A_990 = arith.select %and3A_987, %sub3A_980, %broadcast_in_dim3A_989 : vector<16xi1>, vector<16xi32>
      tpu.vector_store_idx %arg9[%select_n3A_990], %broadcast_in_dim3A_0 masked %and3A_987 {add = true} : memref<65536xf32, #tpu.memory_space<vmem>>[vector<16xi32>], vector<16xf32>, vector<16xi1>
      %mul3A_991 = arith.constant 64 : i32
      %mul3A_992 = arith.muli %scan3A_921, %mul3A_991 : i32
      %add3A_993 = arith.constant 48 : i32
      %add3A_994 = arith.addi %mul3A_992, %add3A_993 : i32
      %get3A_995 = arith.index_cast %add3A_994 : i32 to index
      %get3A_996 = tpu.vector_load %arg6[%get3A_995] {strides = array<i32>} : memref<8000xi32, #tpu.memory_space<vmem>>, vector<16xi32>,
      %get3A_997 = arith.index_cast %add3A_994 : i32 to index
      %get3A_998 = tpu.vector_load %arg8[%get3A_997] {strides = array<i32>} : memref<8000xi32, #tpu.memory_space<vmem>>, vector<16xi32>,
      %mul3A_999 = arith.constant 1024 : i32
      %mul3A_1000 = vector.broadcast %mul3A_999 : i32 to vector<16xi32>
      %mul3A_1001 = arith.muli %get3A_998, %mul3A_1000 : vector<16xi32>
      %add3A_1002 = arith.addi %mul3A_1001, %get3A_996 : vector<16xi32>
      %sub3A_1003 = vector.broadcast %add3A_20 : i32 to vector<16xi32>
      %sub3A_1004 = arith.subi %add3A_1002, %sub3A_1003 : vector<16xi32>
      %ge3A_1005 = arith.constant 0 : i32
      %ge3A_1006 = vector.broadcast %ge3A_1005 : i32 to vector<16xi32>
      %ge3A_1007 = arith.cmpi sge, %sub3A_1004, %ge3A_1006 : vector<16xi32>
      %lt3A_1008 = arith.constant 65536 : i32
      %lt3A_1009 = vector.broadcast %lt3A_1008 : i32 to vector<16xi32>
      %lt3A_1010 = arith.cmpi slt, %sub3A_1004, %lt3A_1009 : vector<16xi32>
      %and3A_1011 = arith.andi %ge3A_1007, %lt3A_1010 : vector<16xi1>
      %jit3A_1012 = arith.constant 0 : i32
      %broadcast_in_dim3A_1013 = vector.broadcast %jit3A_1012 : i32 to vector<16xi32>
      %select_n3A_1014 = arith.select %and3A_1011, %sub3A_1004, %broadcast_in_dim3A_1013 : vector<16xi1>, vector<16xi32>
      tpu.vector_store_idx %arg9[%select_n3A_1014], %broadcast_in_dim3A_0 masked %and3A_1011 {add = true} : memref<65536xf32, #tpu.memory_space<vmem>>[vector<16xi32>], vector<16xf32>, vector<16xi1>
      %scan3A_1015 = arith.constant 0 : i32
      scf.yield %scan3A_1015 : i32
    }
    %scan3A_103 = arith.constant 125 : i32
    %add3A_104 = arith.constant 0 : i32
    %add3A_105 = arith.addi %mul3A_1, %add3A_104 : i32
    %iota3A = tpu.iota {dimensions = array<i32: 0>} : vector<16xi32>
    %add3A_106 = vector.broadcast %add3A_105 : i32 to vector<16xi32>
    %add3A_107 = arith.addi %add3A_106, %iota3A : vector<16xi32>
    %lt3A = arith.constant 1000 : i32
    %lt3A_108 = vector.broadcast %lt3A : i32 to vector<16xi32>
    %lt3A_109 = arith.cmpi slt, %add3A_107, %lt3A_108 : vector<16xi32>
    %sub3A = vector.broadcast %mul3A_1 : i32 to vector<16xi32>
    %sub3A_110 = arith.subi %add3A_107, %sub3A : vector<16xi32>
    %mul3A_111 = arith.constant 1024 : i32
    %mul3A_112 = vector.broadcast %mul3A_111 : i32 to vector<16xi32>
    %mul3A_113 = arith.muli %sub3A_110, %mul3A_112 : vector<16xi32>
    %add3A_114 = arith.addi %mul3A_113, %add3A_107 : vector<16xi32>
    %broadcast_in_dim3A_115 = arith.constant 0 : i32
    %broadcast_in_dim3A_116 = vector.broadcast %broadcast_in_dim3A_115 : i32 to vector<16xi32>
    %select_n3A = arith.select %lt3A_109, %add3A_114, %broadcast_in_dim3A_116 : vector<16xi1>, vector<16xi32>
    tpu.vector_store_idx %arg9[%select_n3A], %broadcast_in_dim3A_0 masked %lt3A_109 {add = true} : memref<65536xf32, #tpu.memory_space<vmem>>[vector<16xi32>], vector<16xf32>, vector<16xi1>
    %add3A_117 = arith.constant 16 : i32
    %add3A_118 = arith.addi %mul3A_1, %add3A_117 : i32
    %iota3A_119 = tpu.iota {dimensions = array<i32: 0>} : vector<16xi32>
    %add3A_120 = vector.broadcast %add3A_118 : i32 to vector<16xi32>
    %add3A_121 = arith.addi %add3A_120, %iota3A_119 : vector<16xi32>
    %lt3A_122 = arith.constant 1000 : i32
    %lt3A_123 = vector.broadcast %lt3A_122 : i32 to vector<16xi32>
    %lt3A_124 = arith.cmpi slt, %add3A_121, %lt3A_123 : vector<16xi32>
    %sub3A_125 = vector.broadcast %mul3A_1 : i32 to vector<16xi32>
    %sub3A_126 = arith.subi %add3A_121, %sub3A_125 : vector<16xi32>
    %mul3A_127 = arith.constant 1024 : i32
    %mul3A_128 = vector.broadcast %mul3A_127 : i32 to vector<16xi32>
    %mul3A_129 = arith.muli %sub3A_126, %mul3A_128 : vector<16xi32>
    %add3A_130 = arith.addi %mul3A_129, %add3A_121 : vector<16xi32>
    %broadcast_in_dim3A_131 = arith.constant 0 : i32
    %broadcast_in_dim3A_132 = vector.broadcast %broadcast_in_dim3A_131 : i32 to vector<16xi32>
    %select_n3A_133 = arith.select %lt3A_124, %add3A_130, %broadcast_in_dim3A_132 : vector<16xi1>, vector<16xi32>
    tpu.vector_store_idx %arg9[%select_n3A_133], %broadcast_in_dim3A_0 masked %lt3A_124 {add = true} : memref<65536xf32, #tpu.memory_space<vmem>>[vector<16xi32>], vector<16xf32>, vector<16xi1>
    %add3A_134 = arith.constant 32 : i32
    %add3A_135 = arith.addi %mul3A_1, %add3A_134 : i32
    %iota3A_136 = tpu.iota {dimensions = array<i32: 0>} : vector<16xi32>
    %add3A_137 = vector.broadcast %add3A_135 : i32 to vector<16xi32>
    %add3A_138 = arith.addi %add3A_137, %iota3A_136 : vector<16xi32>
    %lt3A_139 = arith.constant 1000 : i32
    %lt3A_140 = vector.broadcast %lt3A_139 : i32 to vector<16xi32>
    %lt3A_141 = arith.cmpi slt, %add3A_138, %lt3A_140 : vector<16xi32>
    %sub3A_142 = vector.broadcast %mul3A_1 : i32 to vector<16xi32>
    %sub3A_143 = arith.subi %add3A_138, %sub3A_142 : vector<16xi32>
    %mul3A_144 = arith.constant 1024 : i32
    %mul3A_145 = vector.broadcast %mul3A_144 : i32 to vector<16xi32>
    %mul3A_146 = arith.muli %sub3A_143, %mul3A_145 : vector<16xi32>
    %add3A_147 = arith.addi %mul3A_146, %add3A_138 : vector<16xi32>
    %broadcast_in_dim3A_148 = arith.constant 0 : i32
    %broadcast_in_dim3A_149 = vector.broadcast %broadcast_in_dim3A_148 : i32 to vector<16xi32>
    %select_n3A_150 = arith.select %lt3A_141, %add3A_147, %broadcast_in_dim3A_149 : vector<16xi1>, vector<16xi32>
    tpu.vector_store_idx %arg9[%select_n3A_150], %broadcast_in_dim3A_0 masked %lt3A_141 {add = true} : memref<65536xf32, #tpu.memory_space<vmem>>[vector<16xi32>], vector<16xf32>, vector<16xi1>
    %add3A_151 = arith.constant 48 : i32
    %add3A_152 = arith.addi %mul3A_1, %add3A_151 : i32
    %iota3A_153 = tpu.iota {dimensions = array<i32: 0>} : vector<16xi32>
    %add3A_154 = vector.broadcast %add3A_152 : i32 to vector<16xi32>
    %add3A_155 = arith.addi %add3A_154, %iota3A_153 : vector<16xi32>
    %lt3A_156 = arith.constant 1000 : i32
    %lt3A_157 = vector.broadcast %lt3A_156 : i32 to vector<16xi32>
    %lt3A_158 = arith.cmpi slt, %add3A_155, %lt3A_157 : vector<16xi32>
    %sub3A_159 = vector.broadcast %mul3A_1 : i32 to vector<16xi32>
    %sub3A_160 = arith.subi %add3A_155, %sub3A_159 : vector<16xi32>
    %mul3A_161 = arith.constant 1024 : i32
    %mul3A_162 = vector.broadcast %mul3A_161 : i32 to vector<16xi32>
    %mul3A_163 = arith.muli %sub3A_160, %mul3A_162 : vector<16xi32>
    %add3A_164 = arith.addi %mul3A_163, %add3A_155 : vector<16xi32>
    %broadcast_in_dim3A_165 = arith.constant 0 : i32
    %broadcast_in_dim3A_166 = vector.broadcast %broadcast_in_dim3A_165 : i32 to vector<16xi32>
    %select_n3A_167 = arith.select %lt3A_158, %add3A_164, %broadcast_in_dim3A_166 : vector<16xi1>, vector<16xi32>
    tpu.vector_store_idx %arg9[%select_n3A_167], %broadcast_in_dim3A_0 masked %lt3A_158 {add = true} : memref<65536xf32, #tpu.memory_space<vmem>>[vector<16xi32>], vector<16xf32>, vector<16xi1>
    %mul3A_168 = arith.constant 1024000 : i32
    %mul3A_169 = arith.muli %add3A_2, %mul3A_168 : i32
    %lt3A_170 = arith.constant 15 : i32
    %lt3A_171 = arith.cmpi slt, %arg1, %lt3A_170 : i32
    %convert_element_type3A = arith.extui %lt3A_171 : i1 to i32
    %cond3A = arith.constant 0 : i32
    %cond3A_172 = arith.cmpi ne, %convert_element_type3A, %cond3A : i32
    scf.if %cond3A_172 {
      %mul3A_921 = arith.constant 65536 : i32
      %mul3A_922 = arith.muli %arg1, %mul3A_921 : i32
      %add3A_923 = arith.addi %mul3A_169, %mul3A_922 : i32
      "tpu.region"() ({
        %run_scoped3A = tpu.sem_alloc : memref<!tpu.dma_semaphore, #tpu.memory_space<semaphore_mem>>
        %dma_start3A_924 = tpu.memref_slice %arg4[%add3A_923] : memref<10240000xf32, #tpu.memory_space<hbm>> -> memref<65536xf32, #tpu.memory_space<hbm>>
        %dma_start3A_925 = tpu.memref_slice %arg4[%add3A_923] : memref<10240000xf32, #tpu.memory_space<hbm>> -> memref<65536xf32, #tpu.memory_space<hbm>>
        tpu.enqueue_dma source(%arg9 : memref<65536xf32, #tpu.memory_space<vmem>>) target(%dma_start3A_925 : memref<65536xf32, #tpu.memory_space<hbm>>) target_semaphore(%run_scoped3A : memref<!tpu.dma_semaphore, #tpu.memory_space<semaphore_mem>>)
        %dma_wait3A_926 = tpu.memref_slice %arg4[%add3A_923] : memref<10240000xf32, #tpu.memory_space<hbm>> -> memref<65536xf32, #tpu.memory_space<hbm>>
        %dma_wait3A_927 = tpu.memref_slice %arg4[%add3A_923] : memref<10240000xf32, #tpu.memory_space<hbm>> -> memref<65536xf32, #tpu.memory_space<hbm>>
        tpu.wait_dma2 semaphore(%run_scoped3A : memref<!tpu.dma_semaphore, #tpu.memory_space<semaphore_mem>>) src(%arg9 : memref<65536xf32, #tpu.memory_space<vmem>>) dst(%dma_wait3A_927 : memref<65536xf32, #tpu.memory_space<hbm>>)
        tpu.yield
      }) : () -> ()
    } else {
    }
    %eq3A = arith.constant 15 : i32
    %eq3A_173 = arith.cmpi eq, %arg1, %eq3A : i32
    %convert_element_type3A_174 = arith.extui %eq3A_173 : i1 to i32
    %cond3A_175 = arith.constant 0 : i32
    %cond3A_176 = arith.cmpi ne, %convert_element_type3A_174, %cond3A_175 : i32
    scf.if %cond3A_176 {
      %add3A_921 = arith.constant 983040 : i32
      %add3A_922 = arith.addi %mul3A_169, %add3A_921 : i32
      "tpu.region"() ({
        %run_scoped3A = tpu.sem_alloc : memref<!tpu.dma_semaphore, #tpu.memory_space<semaphore_mem>>
        %dma_start3A_923 = arith.constant 0 : i32
        %dma_start3A_924 = tpu.memref_slice %arg9[%dma_start3A_923] : memref<65536xf32, #tpu.memory_space<vmem>> -> memref<40960xf32, #tpu.memory_space<vmem>>
        %dma_start3A_925 = tpu.memref_slice %arg4[%add3A_922] : memref<10240000xf32, #tpu.memory_space<hbm>> -> memref<40960xf32, #tpu.memory_space<hbm>>
        %dma_start3A_926 = tpu.memref_slice %arg4[%add3A_922] : memref<10240000xf32, #tpu.memory_space<hbm>> -> memref<40960xf32, #tpu.memory_space<hbm>>
        %dma_start3A_927 = arith.constant 0 : i32
        %dma_start3A_928 = tpu.memref_slice %arg9[%dma_start3A_927] : memref<65536xf32, #tpu.memory_space<vmem>> -> memref<40960xf32, #tpu.memory_space<vmem>>
        tpu.enqueue_dma source(%dma_start3A_928 : memref<40960xf32, #tpu.memory_space<vmem>>) target(%dma_start3A_926 : memref<40960xf32, #tpu.memory_space<hbm>>) target_semaphore(%run_scoped3A : memref<!tpu.dma_semaphore, #tpu.memory_space<semaphore_mem>>)
        %dma_wait3A_929 = arith.constant 0 : i32
        %dma_wait3A_930 = tpu.memref_slice %arg9[%dma_wait3A_929] : memref<65536xf32, #tpu.memory_space<vmem>> -> memref<40960xf32, #tpu.memory_space<vmem>>
        %dma_wait3A_931 = tpu.memref_slice %arg4[%add3A_922] : memref<10240000xf32, #tpu.memory_space<hbm>> -> memref<40960xf32, #tpu.memory_space<hbm>>
        %dma_wait3A_932 = tpu.memref_slice %arg4[%add3A_922] : memref<10240000xf32, #tpu.memory_space<hbm>> -> memref<40960xf32, #tpu.memory_space<hbm>>
        %dma_wait3A_933 = arith.constant 0 : i32
        %dma_wait3A_934 = tpu.memref_slice %arg9[%dma_wait3A_933] : memref<65536xf32, #tpu.memory_space<vmem>> -> memref<40960xf32, #tpu.memory_space<vmem>>
        tpu.wait_dma2 semaphore(%run_scoped3A : memref<!tpu.dma_semaphore, #tpu.memory_space<semaphore_mem>>) src(%dma_wait3A_934 : memref<40960xf32, #tpu.memory_space<vmem>>) dst(%dma_wait3A_932 : memref<40960xf32, #tpu.memory_space<hbm>>)
        tpu.yield
      }) : () -> ()
    } else {
    }
    %add3A_177 = arith.constant 2 : i32
    %add3A_178 = arith.addi %add3A_177, %arg0 : i32
    %scan3A_179 = arith.constant 0 : i32
    %scan3A_180 = arith.constant 0 : i32
    %scan3A_181 = arith.constant 512 : i32
    %scan3A_182 = arith.addi %scan3A_180, %scan3A_181 : i32
    %scan3A_183 = arith.constant 1 : i32
    %scan3A_184 = scf.for %scan3A_921 = %scan3A_180 to %scan3A_182 step %scan3A_183 iter_args(%scan3A_922 = %scan3A_179) -> (i32)  : i32 {
      %broadcast_in_dim3A_923 = arith.constant 0.000000e+00 : f32
      %broadcast_in_dim3A_924 = vector.broadcast %broadcast_in_dim3A_923 : f32 to vector<16xf32>
      %mul3A_925 = arith.constant 128 : i32
      %mul3A_926 = arith.muli %scan3A_921, %mul3A_925 : i32
      %add3A_927 = arith.constant 0 : i32
      %add3A_928 = arith.addi %mul3A_926, %add3A_927 : i32
      %swap3A = arith.index_cast %add3A_928 : i32 to index
      %swap3A_929 = tpu.vector_load %arg9[%swap3A] {strides = array<i32>} : memref<65536xf32, #tpu.memory_space<vmem>>, vector<16xf32>,
      tpu.vector_store %arg9[%swap3A], %broadcast_in_dim3A_924 {strides = array<i32>} : memref<65536xf32, #tpu.memory_space<vmem>>, vector<16xf32>,
      %broadcast_in_dim3A_930 = arith.constant 0.000000e+00 : f32
      %broadcast_in_dim3A_931 = vector.broadcast %broadcast_in_dim3A_930 : f32 to vector<16xf32>
      %mul3A_932 = arith.constant 128 : i32
      %mul3A_933 = arith.muli %scan3A_921, %mul3A_932 : i32
      %add3A_934 = arith.constant 16 : i32
      %add3A_935 = arith.addi %mul3A_933, %add3A_934 : i32
      %swap3A_936 = arith.index_cast %add3A_935 : i32 to index
      %swap3A_937 = tpu.vector_load %arg9[%swap3A_936] {strides = array<i32>} : memref<65536xf32, #tpu.memory_space<vmem>>, vector<16xf32>,
      tpu.vector_store %arg9[%swap3A_936], %broadcast_in_dim3A_931 {strides = array<i32>} : memref<65536xf32, #tpu.memory_space<vmem>>, vector<16xf32>,
      %broadcast_in_dim3A_938 = arith.constant 0.000000e+00 : f32
      %broadcast_in_dim3A_939 = vector.broadcast %broadcast_in_dim3A_938 : f32 to vector<16xf32>
      %mul3A_940 = arith.constant 128 : i32
      %mul3A_941 = arith.muli %scan3A_921, %mul3A_940 : i32
      %add3A_942 = arith.constant 32 : i32
      %add3A_943 = arith.addi %mul3A_941, %add3A_942 : i32
      %swap3A_944 = arith.index_cast %add3A_943 : i32 to index
      %swap3A_945 = tpu.vector_load %arg9[%swap3A_944] {strides = array<i32>} : memref<65536xf32, #tpu.memory_space<vmem>>, vector<16xf32>,
      tpu.vector_store %arg9[%swap3A_944], %broadcast_in_dim3A_939 {strides = array<i32>} : memref<65536xf32, #tpu.memory_space<vmem>>, vector<16xf32>,
      %broadcast_in_dim3A_946 = arith.constant 0.000000e+00 : f32
      %broadcast_in_dim3A_947 = vector.broadcast %broadcast_in_dim3A_946 : f32 to vector<16xf32>
      %mul3A_948 = arith.constant 128 : i32
      %mul3A_949 = arith.muli %scan3A_921, %mul3A_948 : i32
      %add3A_950 = arith.constant 48 : i32
      %add3A_951 = arith.addi %mul3A_949, %add3A_950 : i32
      %swap3A_952 = arith.index_cast %add3A_951 : i32 to index
      %swap3A_953 = tpu.vector_load %arg9[%swap3A_952] {strides = array<i32>} : memref<65536xf32, #tpu.memory_space<vmem>>, vector<16xf32>,
      tpu.vector_store %arg9[%swap3A_952], %broadcast_in_dim3A_947 {strides = array<i32>} : memref<65536xf32, #tpu.memory_space<vmem>>, vector<16xf32>,
      %broadcast_in_dim3A_954 = arith.constant 0.000000e+00 : f32
      %broadcast_in_dim3A_955 = vector.broadcast %broadcast_in_dim3A_954 : f32 to vector<16xf32>
      %mul3A_956 = arith.constant 128 : i32
      %mul3A_957 = arith.muli %scan3A_921, %mul3A_956 : i32
      %add3A_958 = arith.constant 64 : i32
      %add3A_959 = arith.addi %mul3A_957, %add3A_958 : i32
      %swap3A_960 = arith.index_cast %add3A_959 : i32 to index
      %swap3A_961 = tpu.vector_load %arg9[%swap3A_960] {strides = array<i32>} : memref<65536xf32, #tpu.memory_space<vmem>>, vector<16xf32>,
      tpu.vector_store %arg9[%swap3A_960], %broadcast_in_dim3A_955 {strides = array<i32>} : memref<65536xf32, #tpu.memory_space<vmem>>, vector<16xf32>,
      %broadcast_in_dim3A_962 = arith.constant 0.000000e+00 : f32
      %broadcast_in_dim3A_963 = vector.broadcast %broadcast_in_dim3A_962 : f32 to vector<16xf32>
      %mul3A_964 = arith.constant 128 : i32
      %mul3A_965 = arith.muli %scan3A_921, %mul3A_964 : i32
      %add3A_966 = arith.constant 80 : i32
      %add3A_967 = arith.addi %mul3A_965, %add3A_966 : i32
      %swap3A_968 = arith.index_cast %add3A_967 : i32 to index
      %swap3A_969 = tpu.vector_load %arg9[%swap3A_968] {strides = array<i32>} : memref<65536xf32, #tpu.memory_space<vmem>>, vector<16xf32>,
      tpu.vector_store %arg9[%swap3A_968], %broadcast_in_dim3A_963 {strides = array<i32>} : memref<65536xf32, #tpu.memory_space<vmem>>, vector<16xf32>,
      %broadcast_in_dim3A_970 = arith.constant 0.000000e+00 : f32
      %broadcast_in_dim3A_971 = vector.broadcast %broadcast_in_dim3A_970 : f32 to vector<16xf32>
      %mul3A_972 = arith.constant 128 : i32
      %mul3A_973 = arith.muli %scan3A_921, %mul3A_972 : i32
      %add3A_974 = arith.constant 96 : i32
      %add3A_975 = arith.addi %mul3A_973, %add3A_974 : i32
      %swap3A_976 = arith.index_cast %add3A_975 : i32 to index
      %swap3A_977 = tpu.vector_load %arg9[%swap3A_976] {strides = array<i32>} : memref<65536xf32, #tpu.memory_space<vmem>>, vector<16xf32>,
      tpu.vector_store %arg9[%swap3A_976], %broadcast_in_dim3A_971 {strides = array<i32>} : memref<65536xf32, #tpu.memory_space<vmem>>, vector<16xf32>,
      %broadcast_in_dim3A_978 = arith.constant 0.000000e+00 : f32
      %broadcast_in_dim3A_979 = vector.broadcast %broadcast_in_dim3A_978 : f32 to vector<16xf32>
      %mul3A_980 = arith.constant 128 : i32
      %mul3A_981 = arith.muli %scan3A_921, %mul3A_980 : i32
      %add3A_982 = arith.constant 112 : i32
      %add3A_983 = arith.addi %mul3A_981, %add3A_982 : i32
      %swap3A_984 = arith.index_cast %add3A_983 : i32 to index
      %swap3A_985 = tpu.vector_load %arg9[%swap3A_984] {strides = array<i32>} : memref<65536xf32, #tpu.memory_space<vmem>>, vector<16xf32>,
      tpu.vector_store %arg9[%swap3A_984], %broadcast_in_dim3A_979 {strides = array<i32>} : memref<65536xf32, #tpu.memory_space<vmem>>, vector<16xf32>,
      %scan3A_986 = arith.constant 0 : i32
      scf.yield %scan3A_986 : i32
    }
    %scan3A_185 = arith.constant 512 : i32
    %mul3A_186 = arith.constant 32000 : i32
    %mul3A_187 = arith.muli %add3A_178, %mul3A_186 : i32
    %add3A_188 = arith.constant 0 : i32
    %add3A_189 = arith.addi %mul3A_187, %add3A_188 : i32
    %dma_start3A_190 = tpu.memref_slice %arg2[%add3A_189] : memref<320000xi32, #tpu.memory_space<hbm>> -> memref<8000xi32, #tpu.memory_space<hbm>>
    %dma_start3A_191 = tpu.memref_slice %arg2[%add3A_189] : memref<320000xi32, #tpu.memory_space<hbm>> -> memref<8000xi32, #tpu.memory_space<hbm>>
    tpu.enqueue_dma source(%dma_start3A_191 : memref<8000xi32, #tpu.memory_space<hbm>>) target(%arg5 : memref<8000xi32, #tpu.memory_space<vmem>>) target_semaphore(%arg10 : memref<!tpu.dma_semaphore, #tpu.memory_space<semaphore_mem>>)
    %dma_start3A_192 = tpu.memref_slice %arg3[%add3A_189] : memref<320000xi32, #tpu.memory_space<hbm>> -> memref<8000xi32, #tpu.memory_space<hbm>>
    %dma_start3A_193 = tpu.memref_slice %arg3[%add3A_189] : memref<320000xi32, #tpu.memory_space<hbm>> -> memref<8000xi32, #tpu.memory_space<hbm>>
    tpu.enqueue_dma source(%dma_start3A_193 : memref<8000xi32, #tpu.memory_space<hbm>>) target(%arg7 : memref<8000xi32, #tpu.memory_space<vmem>>) target_semaphore(%arg10 : memref<!tpu.dma_semaphore, #tpu.memory_space<semaphore_mem>>)
    %mul3A_194 = arith.constant 1025000 : i32
    %mul3A_195 = arith.muli %add3A_178, %mul3A_194 : i32
    %mul3A_196 = arith.constant 1024 : i32
    %mul3A_197 = arith.muli %mul3A_1, %mul3A_196 : i32
    %add3A_198 = arith.addi %mul3A_195, %mul3A_197 : i32
    %mul3A_199 = arith.constant 32000 : i32
    %mul3A_200 = arith.muli %add3A_178, %mul3A_199 : i32
    %add3A_201 = arith.constant 0 : i32
    %add3A_202 = arith.addi %mul3A_200, %add3A_201 : i32
    %dma_wait3A_203 = tpu.memref_slice %arg2[%add3A_202] : memref<320000xi32, #tpu.memory_space<hbm>> -> memref<8000xi32, #tpu.memory_space<hbm>>
    %dma_wait3A_204 = tpu.memref_slice %arg2[%add3A_202] : memref<320000xi32, #tpu.memory_space<hbm>> -> memref<8000xi32, #tpu.memory_space<hbm>>
    tpu.wait_dma2 semaphore(%arg10 : memref<!tpu.dma_semaphore, #tpu.memory_space<semaphore_mem>>) src(%dma_wait3A_204 : memref<8000xi32, #tpu.memory_space<hbm>>) dst(%arg5 : memref<8000xi32, #tpu.memory_space<vmem>>)
    %dma_wait3A_205 = tpu.memref_slice %arg3[%add3A_202] : memref<320000xi32, #tpu.memory_space<hbm>> -> memref<8000xi32, #tpu.memory_space<hbm>>
    %dma_wait3A_206 = tpu.memref_slice %arg3[%add3A_202] : memref<320000xi32, #tpu.memory_space<hbm>> -> memref<8000xi32, #tpu.memory_space<hbm>>
    tpu.wait_dma2 semaphore(%arg10 : memref<!tpu.dma_semaphore, #tpu.memory_space<semaphore_mem>>) src(%dma_wait3A_206 : memref<8000xi32, #tpu.memory_space<hbm>>) dst(%arg7 : memref<8000xi32, #tpu.memory_space<vmem>>)
    %mul3A_207 = arith.constant 32000 : i32
    %mul3A_208 = arith.muli %add3A_178, %mul3A_207 : i32
    %add3A_209 = arith.constant 8000 : i32
    %add3A_210 = arith.addi %mul3A_208, %add3A_209 : i32
    %dma_start3A_211 = tpu.memref_slice %arg2[%add3A_210] : memref<320000xi32, #tpu.memory_space<hbm>> -> memref<8000xi32, #tpu.memory_space<hbm>>
    %dma_start3A_212 = tpu.memref_slice %arg2[%add3A_210] : memref<320000xi32, #tpu.memory_space<hbm>> -> memref<8000xi32, #tpu.memory_space<hbm>>
    tpu.enqueue_dma source(%dma_start3A_212 : memref<8000xi32, #tpu.memory_space<hbm>>) target(%arg6 : memref<8000xi32, #tpu.memory_space<vmem>>) target_semaphore(%arg10 : memref<!tpu.dma_semaphore, #tpu.memory_space<semaphore_mem>>)
    %dma_start3A_213 = tpu.memref_slice %arg3[%add3A_210] : memref<320000xi32, #tpu.memory_space<hbm>> -> memref<8000xi32, #tpu.memory_space<hbm>>
    %dma_start3A_214 = tpu.memref_slice %arg3[%add3A_210] : memref<320000xi32, #tpu.memory_space<hbm>> -> memref<8000xi32, #tpu.memory_space<hbm>>
    tpu.enqueue_dma source(%dma_start3A_214 : memref<8000xi32, #tpu.memory_space<hbm>>) target(%arg8 : memref<8000xi32, #tpu.memory_space<vmem>>) target_semaphore(%arg10 : memref<!tpu.dma_semaphore, #tpu.memory_space<semaphore_mem>>)
    %scan3A_215 = arith.constant 0 : i32
    %scan3A_216 = arith.constant 0 : i32
    %scan3A_217 = arith.constant 125 : i32
    %scan3A_218 = arith.addi %scan3A_216, %scan3A_217 : i32
    %scan3A_219 = arith.constant 1 : i32
    %scan3A_220 = scf.for %scan3A_921 = %scan3A_216 to %scan3A_218 step %scan3A_219 iter_args(%scan3A_922 = %scan3A_215) -> (i32)  : i32 {
      %mul3A_923 = arith.constant 64 : i32
      %mul3A_924 = arith.muli %scan3A_921, %mul3A_923 : i32
      %add3A_925 = arith.constant 0 : i32
      %add3A_926 = arith.addi %mul3A_924, %add3A_925 : i32
      %get3A = arith.index_cast %add3A_926 : i32 to index
      %get3A_927 = tpu.vector_load %arg5[%get3A] {strides = array<i32>} : memref<8000xi32, #tpu.memory_space<vmem>>, vector<16xi32>,
      %get3A_928 = arith.index_cast %add3A_926 : i32 to index
      %get3A_929 = tpu.vector_load %arg7[%get3A_928] {strides = array<i32>} : memref<8000xi32, #tpu.memory_space<vmem>>, vector<16xi32>,
      %mul3A_930 = arith.constant 1024 : i32
      %mul3A_931 = vector.broadcast %mul3A_930 : i32 to vector<16xi32>
      %mul3A_932 = arith.muli %get3A_929, %mul3A_931 : vector<16xi32>
      %add3A_933 = arith.addi %mul3A_932, %get3A_927 : vector<16xi32>
      %sub3A_934 = vector.broadcast %add3A_198 : i32 to vector<16xi32>
      %sub3A_935 = arith.subi %add3A_933, %sub3A_934 : vector<16xi32>
      %ge3A = arith.constant 0 : i32
      %ge3A_936 = vector.broadcast %ge3A : i32 to vector<16xi32>
      %ge3A_937 = arith.cmpi sge, %sub3A_935, %ge3A_936 : vector<16xi32>
      %lt3A_938 = arith.constant 65536 : i32
      %lt3A_939 = vector.broadcast %lt3A_938 : i32 to vector<16xi32>
      %lt3A_940 = arith.cmpi slt, %sub3A_935, %lt3A_939 : vector<16xi32>
      %and3A = arith.andi %ge3A_937, %lt3A_940 : vector<16xi1>
      %jit3A = arith.constant 0 : i32
      %broadcast_in_dim3A_941 = vector.broadcast %jit3A : i32 to vector<16xi32>
      %select_n3A_942 = arith.select %and3A, %sub3A_935, %broadcast_in_dim3A_941 : vector<16xi1>, vector<16xi32>
      tpu.vector_store_idx %arg9[%select_n3A_942], %broadcast_in_dim3A_0 masked %and3A {add = true} : memref<65536xf32, #tpu.memory_space<vmem>>[vector<16xi32>], vector<16xf32>, vector<16xi1>
      %mul3A_943 = arith.constant 64 : i32
      %mul3A_944 = arith.muli %scan3A_921, %mul3A_943 : i32
      %add3A_945 = arith.constant 16 : i32
      %add3A_946 = arith.addi %mul3A_944, %add3A_945 : i32
      %get3A_947 = arith.index_cast %add3A_946 : i32 to index
      %get3A_948 = tpu.vector_load %arg5[%get3A_947] {strides = array<i32>} : memref<8000xi32, #tpu.memory_space<vmem>>, vector<16xi32>,
      %get3A_949 = arith.index_cast %add3A_946 : i32 to index
      %get3A_950 = tpu.vector_load %arg7[%get3A_949] {strides = array<i32>} : memref<8000xi32, #tpu.memory_space<vmem>>, vector<16xi32>,
      %mul3A_951 = arith.constant 1024 : i32
      %mul3A_952 = vector.broadcast %mul3A_951 : i32 to vector<16xi32>
      %mul3A_953 = arith.muli %get3A_950, %mul3A_952 : vector<16xi32>
      %add3A_954 = arith.addi %mul3A_953, %get3A_948 : vector<16xi32>
      %sub3A_955 = vector.broadcast %add3A_198 : i32 to vector<16xi32>
      %sub3A_956 = arith.subi %add3A_954, %sub3A_955 : vector<16xi32>
      %ge3A_957 = arith.constant 0 : i32
      %ge3A_958 = vector.broadcast %ge3A_957 : i32 to vector<16xi32>
      %ge3A_959 = arith.cmpi sge, %sub3A_956, %ge3A_958 : vector<16xi32>
      %lt3A_960 = arith.constant 65536 : i32
      %lt3A_961 = vector.broadcast %lt3A_960 : i32 to vector<16xi32>
      %lt3A_962 = arith.cmpi slt, %sub3A_956, %lt3A_961 : vector<16xi32>
      %and3A_963 = arith.andi %ge3A_959, %lt3A_962 : vector<16xi1>
      %jit3A_964 = arith.constant 0 : i32
      %broadcast_in_dim3A_965 = vector.broadcast %jit3A_964 : i32 to vector<16xi32>
      %select_n3A_966 = arith.select %and3A_963, %sub3A_956, %broadcast_in_dim3A_965 : vector<16xi1>, vector<16xi32>
      tpu.vector_store_idx %arg9[%select_n3A_966], %broadcast_in_dim3A_0 masked %and3A_963 {add = true} : memref<65536xf32, #tpu.memory_space<vmem>>[vector<16xi32>], vector<16xf32>, vector<16xi1>
      %mul3A_967 = arith.constant 64 : i32
      %mul3A_968 = arith.muli %scan3A_921, %mul3A_967 : i32
      %add3A_969 = arith.constant 32 : i32
      %add3A_970 = arith.addi %mul3A_968, %add3A_969 : i32
      %get3A_971 = arith.index_cast %add3A_970 : i32 to index
      %get3A_972 = tpu.vector_load %arg5[%get3A_971] {strides = array<i32>} : memref<8000xi32, #tpu.memory_space<vmem>>, vector<16xi32>,
      %get3A_973 = arith.index_cast %add3A_970 : i32 to index
      %get3A_974 = tpu.vector_load %arg7[%get3A_973] {strides = array<i32>} : memref<8000xi32, #tpu.memory_space<vmem>>, vector<16xi32>,
      %mul3A_975 = arith.constant 1024 : i32
      %mul3A_976 = vector.broadcast %mul3A_975 : i32 to vector<16xi32>
      %mul3A_977 = arith.muli %get3A_974, %mul3A_976 : vector<16xi32>
      %add3A_978 = arith.addi %mul3A_977, %get3A_972 : vector<16xi32>
      %sub3A_979 = vector.broadcast %add3A_198 : i32 to vector<16xi32>
      %sub3A_980 = arith.subi %add3A_978, %sub3A_979 : vector<16xi32>
      %ge3A_981 = arith.constant 0 : i32
      %ge3A_982 = vector.broadcast %ge3A_981 : i32 to vector<16xi32>
      %ge3A_983 = arith.cmpi sge, %sub3A_980, %ge3A_982 : vector<16xi32>
      %lt3A_984 = arith.constant 65536 : i32
      %lt3A_985 = vector.broadcast %lt3A_984 : i32 to vector<16xi32>
      %lt3A_986 = arith.cmpi slt, %sub3A_980, %lt3A_985 : vector<16xi32>
      %and3A_987 = arith.andi %ge3A_983, %lt3A_986 : vector<16xi1>
      %jit3A_988 = arith.constant 0 : i32
      %broadcast_in_dim3A_989 = vector.broadcast %jit3A_988 : i32 to vector<16xi32>
      %select_n3A_990 = arith.select %and3A_987, %sub3A_980, %broadcast_in_dim3A_989 : vector<16xi1>, vector<16xi32>
      tpu.vector_store_idx %arg9[%select_n3A_990], %broadcast_in_dim3A_0 masked %and3A_987 {add = true} : memref<65536xf32, #tpu.memory_space<vmem>>[vector<16xi32>], vector<16xf32>, vector<16xi1>
      %mul3A_991 = arith.constant 64 : i32
      %mul3A_992 = arith.muli %scan3A_921, %mul3A_991 : i32
      %add3A_993 = arith.constant 48 : i32
      %add3A_994 = arith.addi %mul3A_992, %add3A_993 : i32
      %get3A_995 = arith.index_cast %add3A_994 : i32 to index
      %get3A_996 = tpu.vector_load %arg5[%get3A_995] {strides = array<i32>} : memref<8000xi32, #tpu.memory_space<vmem>>, vector<16xi32>,
      %get3A_997 = arith.index_cast %add3A_994 : i32 to index
      %get3A_998 = tpu.vector_load %arg7[%get3A_997] {strides = array<i32>} : memref<8000xi32, #tpu.memory_space<vmem>>, vector<16xi32>,
      %mul3A_999 = arith.constant 1024 : i32
      %mul3A_1000 = vector.broadcast %mul3A_999 : i32 to vector<16xi32>
      %mul3A_1001 = arith.muli %get3A_998, %mul3A_1000 : vector<16xi32>
      %add3A_1002 = arith.addi %mul3A_1001, %get3A_996 : vector<16xi32>
      %sub3A_1003 = vector.broadcast %add3A_198 : i32 to vector<16xi32>
      %sub3A_1004 = arith.subi %add3A_1002, %sub3A_1003 : vector<16xi32>
      %ge3A_1005 = arith.constant 0 : i32
      %ge3A_1006 = vector.broadcast %ge3A_1005 : i32 to vector<16xi32>
      %ge3A_1007 = arith.cmpi sge, %sub3A_1004, %ge3A_1006 : vector<16xi32>
      %lt3A_1008 = arith.constant 65536 : i32
      %lt3A_1009 = vector.broadcast %lt3A_1008 : i32 to vector<16xi32>
      %lt3A_1010 = arith.cmpi slt, %sub3A_1004, %lt3A_1009 : vector<16xi32>
      %and3A_1011 = arith.andi %ge3A_1007, %lt3A_1010 : vector<16xi1>
      %jit3A_1012 = arith.constant 0 : i32
      %broadcast_in_dim3A_1013 = vector.broadcast %jit3A_1012 : i32 to vector<16xi32>
      %select_n3A_1014 = arith.select %and3A_1011, %sub3A_1004, %broadcast_in_dim3A_1013 : vector<16xi1>, vector<16xi32>
      tpu.vector_store_idx %arg9[%select_n3A_1014], %broadcast_in_dim3A_0 masked %and3A_1011 {add = true} : memref<65536xf32, #tpu.memory_space<vmem>>[vector<16xi32>], vector<16xf32>, vector<16xi1>
      %scan3A_1015 = arith.constant 0 : i32
      scf.yield %scan3A_1015 : i32
    }
    %scan3A_221 = arith.constant 125 : i32
    %mul3A_222 = arith.constant 32000 : i32
    %mul3A_223 = arith.muli %add3A_178, %mul3A_222 : i32
    %add3A_224 = arith.constant 8000 : i32
    %add3A_225 = arith.addi %mul3A_223, %add3A_224 : i32
    %dma_wait3A_226 = tpu.memref_slice %arg2[%add3A_225] : memref<320000xi32, #tpu.memory_space<hbm>> -> memref<8000xi32, #tpu.memory_space<hbm>>
    %dma_wait3A_227 = tpu.memref_slice %arg2[%add3A_225] : memref<320000xi32, #tpu.memory_space<hbm>> -> memref<8000xi32, #tpu.memory_space<hbm>>
    tpu.wait_dma2 semaphore(%arg10 : memref<!tpu.dma_semaphore, #tpu.memory_space<semaphore_mem>>) src(%dma_wait3A_227 : memref<8000xi32, #tpu.memory_space<hbm>>) dst(%arg6 : memref<8000xi32, #tpu.memory_space<vmem>>)
    %dma_wait3A_228 = tpu.memref_slice %arg3[%add3A_225] : memref<320000xi32, #tpu.memory_space<hbm>> -> memref<8000xi32, #tpu.memory_space<hbm>>
    %dma_wait3A_229 = tpu.memref_slice %arg3[%add3A_225] : memref<320000xi32, #tpu.memory_space<hbm>> -> memref<8000xi32, #tpu.memory_space<hbm>>
    tpu.wait_dma2 semaphore(%arg10 : memref<!tpu.dma_semaphore, #tpu.memory_space<semaphore_mem>>) src(%dma_wait3A_229 : memref<8000xi32, #tpu.memory_space<hbm>>) dst(%arg8 : memref<8000xi32, #tpu.memory_space<vmem>>)
    %mul3A_230 = arith.constant 32000 : i32
    %mul3A_231 = arith.muli %add3A_178, %mul3A_230 : i32
    %add3A_232 = arith.constant 16000 : i32
    %add3A_233 = arith.addi %mul3A_231, %add3A_232 : i32
    %dma_start3A_234 = tpu.memref_slice %arg2[%add3A_233] : memref<320000xi32, #tpu.memory_space<hbm>> -> memref<8000xi32, #tpu.memory_space<hbm>>
    %dma_start3A_235 = tpu.memref_slice %arg2[%add3A_233] : memref<320000xi32, #tpu.memory_space<hbm>> -> memref<8000xi32, #tpu.memory_space<hbm>>
    tpu.enqueue_dma source(%dma_start3A_235 : memref<8000xi32, #tpu.memory_space<hbm>>) target(%arg5 : memref<8000xi32, #tpu.memory_space<vmem>>) target_semaphore(%arg10 : memref<!tpu.dma_semaphore, #tpu.memory_space<semaphore_mem>>)
    %dma_start3A_236 = tpu.memref_slice %arg3[%add3A_233] : memref<320000xi32, #tpu.memory_space<hbm>> -> memref<8000xi32, #tpu.memory_space<hbm>>
    %dma_start3A_237 = tpu.memref_slice %arg3[%add3A_233] : memref<320000xi32, #tpu.memory_space<hbm>> -> memref<8000xi32, #tpu.memory_space<hbm>>
    tpu.enqueue_dma source(%dma_start3A_237 : memref<8000xi32, #tpu.memory_space<hbm>>) target(%arg7 : memref<8000xi32, #tpu.memory_space<vmem>>) target_semaphore(%arg10 : memref<!tpu.dma_semaphore, #tpu.memory_space<semaphore_mem>>)
    %scan3A_238 = arith.constant 0 : i32
    %scan3A_239 = arith.constant 0 : i32
    %scan3A_240 = arith.constant 125 : i32
    %scan3A_241 = arith.addi %scan3A_239, %scan3A_240 : i32
    %scan3A_242 = arith.constant 1 : i32
    %scan3A_243 = scf.for %scan3A_921 = %scan3A_239 to %scan3A_241 step %scan3A_242 iter_args(%scan3A_922 = %scan3A_238) -> (i32)  : i32 {
      %mul3A_923 = arith.constant 64 : i32
      %mul3A_924 = arith.muli %scan3A_921, %mul3A_923 : i32
      %add3A_925 = arith.constant 0 : i32
      %add3A_926 = arith.addi %mul3A_924, %add3A_925 : i32
      %get3A = arith.index_cast %add3A_926 : i32 to index
      %get3A_927 = tpu.vector_load %arg6[%get3A] {strides = array<i32>} : memref<8000xi32, #tpu.memory_space<vmem>>, vector<16xi32>,
      %get3A_928 = arith.index_cast %add3A_926 : i32 to index
      %get3A_929 = tpu.vector_load %arg8[%get3A_928] {strides = array<i32>} : memref<8000xi32, #tpu.memory_space<vmem>>, vector<16xi32>,
      %mul3A_930 = arith.constant 1024 : i32
      %mul3A_931 = vector.broadcast %mul3A_930 : i32 to vector<16xi32>
      %mul3A_932 = arith.muli %get3A_929, %mul3A_931 : vector<16xi32>
      %add3A_933 = arith.addi %mul3A_932, %get3A_927 : vector<16xi32>
      %sub3A_934 = vector.broadcast %add3A_198 : i32 to vector<16xi32>
      %sub3A_935 = arith.subi %add3A_933, %sub3A_934 : vector<16xi32>
      %ge3A = arith.constant 0 : i32
      %ge3A_936 = vector.broadcast %ge3A : i32 to vector<16xi32>
      %ge3A_937 = arith.cmpi sge, %sub3A_935, %ge3A_936 : vector<16xi32>
      %lt3A_938 = arith.constant 65536 : i32
      %lt3A_939 = vector.broadcast %lt3A_938 : i32 to vector<16xi32>
      %lt3A_940 = arith.cmpi slt, %sub3A_935, %lt3A_939 : vector<16xi32>
      %and3A = arith.andi %ge3A_937, %lt3A_940 : vector<16xi1>
      %jit3A = arith.constant 0 : i32
      %broadcast_in_dim3A_941 = vector.broadcast %jit3A : i32 to vector<16xi32>
      %select_n3A_942 = arith.select %and3A, %sub3A_935, %broadcast_in_dim3A_941 : vector<16xi1>, vector<16xi32>
      tpu.vector_store_idx %arg9[%select_n3A_942], %broadcast_in_dim3A_0 masked %and3A {add = true} : memref<65536xf32, #tpu.memory_space<vmem>>[vector<16xi32>], vector<16xf32>, vector<16xi1>
      %mul3A_943 = arith.constant 64 : i32
      %mul3A_944 = arith.muli %scan3A_921, %mul3A_943 : i32
      %add3A_945 = arith.constant 16 : i32
      %add3A_946 = arith.addi %mul3A_944, %add3A_945 : i32
      %get3A_947 = arith.index_cast %add3A_946 : i32 to index
      %get3A_948 = tpu.vector_load %arg6[%get3A_947] {strides = array<i32>} : memref<8000xi32, #tpu.memory_space<vmem>>, vector<16xi32>,
      %get3A_949 = arith.index_cast %add3A_946 : i32 to index
      %get3A_950 = tpu.vector_load %arg8[%get3A_949] {strides = array<i32>} : memref<8000xi32, #tpu.memory_space<vmem>>, vector<16xi32>,
      %mul3A_951 = arith.constant 1024 : i32
      %mul3A_952 = vector.broadcast %mul3A_951 : i32 to vector<16xi32>
      %mul3A_953 = arith.muli %get3A_950, %mul3A_952 : vector<16xi32>
      %add3A_954 = arith.addi %mul3A_953, %get3A_948 : vector<16xi32>
      %sub3A_955 = vector.broadcast %add3A_198 : i32 to vector<16xi32>
      %sub3A_956 = arith.subi %add3A_954, %sub3A_955 : vector<16xi32>
      %ge3A_957 = arith.constant 0 : i32
      %ge3A_958 = vector.broadcast %ge3A_957 : i32 to vector<16xi32>
      %ge3A_959 = arith.cmpi sge, %sub3A_956, %ge3A_958 : vector<16xi32>
      %lt3A_960 = arith.constant 65536 : i32
      %lt3A_961 = vector.broadcast %lt3A_960 : i32 to vector<16xi32>
      %lt3A_962 = arith.cmpi slt, %sub3A_956, %lt3A_961 : vector<16xi32>
      %and3A_963 = arith.andi %ge3A_959, %lt3A_962 : vector<16xi1>
      %jit3A_964 = arith.constant 0 : i32
      %broadcast_in_dim3A_965 = vector.broadcast %jit3A_964 : i32 to vector<16xi32>
      %select_n3A_966 = arith.select %and3A_963, %sub3A_956, %broadcast_in_dim3A_965 : vector<16xi1>, vector<16xi32>
      tpu.vector_store_idx %arg9[%select_n3A_966], %broadcast_in_dim3A_0 masked %and3A_963 {add = true} : memref<65536xf32, #tpu.memory_space<vmem>>[vector<16xi32>], vector<16xf32>, vector<16xi1>
      %mul3A_967 = arith.constant 64 : i32
      %mul3A_968 = arith.muli %scan3A_921, %mul3A_967 : i32
      %add3A_969 = arith.constant 32 : i32
      %add3A_970 = arith.addi %mul3A_968, %add3A_969 : i32
      %get3A_971 = arith.index_cast %add3A_970 : i32 to index
      %get3A_972 = tpu.vector_load %arg6[%get3A_971] {strides = array<i32>} : memref<8000xi32, #tpu.memory_space<vmem>>, vector<16xi32>,
      %get3A_973 = arith.index_cast %add3A_970 : i32 to index
      %get3A_974 = tpu.vector_load %arg8[%get3A_973] {strides = array<i32>} : memref<8000xi32, #tpu.memory_space<vmem>>, vector<16xi32>,
      %mul3A_975 = arith.constant 1024 : i32
      %mul3A_976 = vector.broadcast %mul3A_975 : i32 to vector<16xi32>
      %mul3A_977 = arith.muli %get3A_974, %mul3A_976 : vector<16xi32>
      %add3A_978 = arith.addi %mul3A_977, %get3A_972 : vector<16xi32>
      %sub3A_979 = vector.broadcast %add3A_198 : i32 to vector<16xi32>
      %sub3A_980 = arith.subi %add3A_978, %sub3A_979 : vector<16xi32>
      %ge3A_981 = arith.constant 0 : i32
      %ge3A_982 = vector.broadcast %ge3A_981 : i32 to vector<16xi32>
      %ge3A_983 = arith.cmpi sge, %sub3A_980, %ge3A_982 : vector<16xi32>
      %lt3A_984 = arith.constant 65536 : i32
      %lt3A_985 = vector.broadcast %lt3A_984 : i32 to vector<16xi32>
      %lt3A_986 = arith.cmpi slt, %sub3A_980, %lt3A_985 : vector<16xi32>
      %and3A_987 = arith.andi %ge3A_983, %lt3A_986 : vector<16xi1>
      %jit3A_988 = arith.constant 0 : i32
      %broadcast_in_dim3A_989 = vector.broadcast %jit3A_988 : i32 to vector<16xi32>
      %select_n3A_990 = arith.select %and3A_987, %sub3A_980, %broadcast_in_dim3A_989 : vector<16xi1>, vector<16xi32>
      tpu.vector_store_idx %arg9[%select_n3A_990], %broadcast_in_dim3A_0 masked %and3A_987 {add = true} : memref<65536xf32, #tpu.memory_space<vmem>>[vector<16xi32>], vector<16xf32>, vector<16xi1>
      %mul3A_991 = arith.constant 64 : i32
      %mul3A_992 = arith.muli %scan3A_921, %mul3A_991 : i32
      %add3A_993 = arith.constant 48 : i32
      %add3A_994 = arith.addi %mul3A_992, %add3A_993 : i32
      %get3A_995 = arith.index_cast %add3A_994 : i32 to index
      %get3A_996 = tpu.vector_load %arg6[%get3A_995] {strides = array<i32>} : memref<8000xi32, #tpu.memory_space<vmem>>, vector<16xi32>,
      %get3A_997 = arith.index_cast %add3A_994 : i32 to index
      %get3A_998 = tpu.vector_load %arg8[%get3A_997] {strides = array<i32>} : memref<8000xi32, #tpu.memory_space<vmem>>, vector<16xi32>,
      %mul3A_999 = arith.constant 1024 : i32
      %mul3A_1000 = vector.broadcast %mul3A_999 : i32 to vector<16xi32>
      %mul3A_1001 = arith.muli %get3A_998, %mul3A_1000 : vector<16xi32>
      %add3A_1002 = arith.addi %mul3A_1001, %get3A_996 : vector<16xi32>
      %sub3A_1003 = vector.broadcast %add3A_198 : i32 to vector<16xi32>
      %sub3A_1004 = arith.subi %add3A_1002, %sub3A_1003 : vector<16xi32>
      %ge3A_1005 = arith.constant 0 : i32
      %ge3A_1006 = vector.broadcast %ge3A_1005 : i32 to vector<16xi32>
      %ge3A_1007 = arith.cmpi sge, %sub3A_1004, %ge3A_1006 : vector<16xi32>
      %lt3A_1008 = arith.constant 65536 : i32
      %lt3A_1009 = vector.broadcast %lt3A_1008 : i32 to vector<16xi32>
      %lt3A_1010 = arith.cmpi slt, %sub3A_1004, %lt3A_1009 : vector<16xi32>
      %and3A_1011 = arith.andi %ge3A_1007, %lt3A_1010 : vector<16xi1>
      %jit3A_1012 = arith.constant 0 : i32
      %broadcast_in_dim3A_1013 = vector.broadcast %jit3A_1012 : i32 to vector<16xi32>
      %select_n3A_1014 = arith.select %and3A_1011, %sub3A_1004, %broadcast_in_dim3A_1013 : vector<16xi1>, vector<16xi32>
      tpu.vector_store_idx %arg9[%select_n3A_1014], %broadcast_in_dim3A_0 masked %and3A_1011 {add = true} : memref<65536xf32, #tpu.memory_space<vmem>>[vector<16xi32>], vector<16xf32>, vector<16xi1>
      %scan3A_1015 = arith.constant 0 : i32
      scf.yield %scan3A_1015 : i32
    }
    %scan3A_244 = arith.constant 125 : i32
    %mul3A_245 = arith.constant 32000 : i32
    %mul3A_246 = arith.muli %add3A_178, %mul3A_245 : i32
    %add3A_247 = arith.constant 16000 : i32
    %add3A_248 = arith.addi %mul3A_246, %add3A_247 : i32
    %dma_wait3A_249 = tpu.memref_slice %arg2[%add3A_248] : memref<320000xi32, #tpu.memory_space<hbm>> -> memref<8000xi32, #tpu.memory_space<hbm>>
    %dma_wait3A_250 = tpu.memref_slice %arg2[%add3A_248] : memref<320000xi32, #tpu.memory_space<hbm>> -> memref<8000xi32, #tpu.memory_space<hbm>>
    tpu.wait_dma2 semaphore(%arg10 : memref<!tpu.dma_semaphore, #tpu.memory_space<semaphore_mem>>) src(%dma_wait3A_250 : memref<8000xi32, #tpu.memory_space<hbm>>) dst(%arg5 : memref<8000xi32, #tpu.memory_space<vmem>>)
    %dma_wait3A_251 = tpu.memref_slice %arg3[%add3A_248] : memref<320000xi32, #tpu.memory_space<hbm>> -> memref<8000xi32, #tpu.memory_space<hbm>>
    %dma_wait3A_252 = tpu.memref_slice %arg3[%add3A_248] : memref<320000xi32, #tpu.memory_space<hbm>> -> memref<8000xi32, #tpu.memory_space<hbm>>
    tpu.wait_dma2 semaphore(%arg10 : memref<!tpu.dma_semaphore, #tpu.memory_space<semaphore_mem>>) src(%dma_wait3A_252 : memref<8000xi32, #tpu.memory_space<hbm>>) dst(%arg7 : memref<8000xi32, #tpu.memory_space<vmem>>)
    %mul3A_253 = arith.constant 32000 : i32
    %mul3A_254 = arith.muli %add3A_178, %mul3A_253 : i32
    %add3A_255 = arith.constant 24000 : i32
    %add3A_256 = arith.addi %mul3A_254, %add3A_255 : i32
    %dma_start3A_257 = tpu.memref_slice %arg2[%add3A_256] : memref<320000xi32, #tpu.memory_space<hbm>> -> memref<8000xi32, #tpu.memory_space<hbm>>
    %dma_start3A_258 = tpu.memref_slice %arg2[%add3A_256] : memref<320000xi32, #tpu.memory_space<hbm>> -> memref<8000xi32, #tpu.memory_space<hbm>>
    tpu.enqueue_dma source(%dma_start3A_258 : memref<8000xi32, #tpu.memory_space<hbm>>) target(%arg6 : memref<8000xi32, #tpu.memory_space<vmem>>) target_semaphore(%arg10 : memref<!tpu.dma_semaphore, #tpu.memory_space<semaphore_mem>>)
    %dma_start3A_259 = tpu.memref_slice %arg3[%add3A_256] : memref<320000xi32, #tpu.memory_space<hbm>> -> memref<8000xi32, #tpu.memory_space<hbm>>
    %dma_start3A_260 = tpu.memref_slice %arg3[%add3A_256] : memref<320000xi32, #tpu.memory_space<hbm>> -> memref<8000xi32, #tpu.memory_space<hbm>>
    tpu.enqueue_dma source(%dma_start3A_260 : memref<8000xi32, #tpu.memory_space<hbm>>) target(%arg8 : memref<8000xi32, #tpu.memory_space<vmem>>) target_semaphore(%arg10 : memref<!tpu.dma_semaphore, #tpu.memory_space<semaphore_mem>>)
    %scan3A_261 = arith.constant 0 : i32
    %scan3A_262 = arith.constant 0 : i32
    %scan3A_263 = arith.constant 125 : i32
    %scan3A_264 = arith.addi %scan3A_262, %scan3A_263 : i32
    %scan3A_265 = arith.constant 1 : i32
    %scan3A_266 = scf.for %scan3A_921 = %scan3A_262 to %scan3A_264 step %scan3A_265 iter_args(%scan3A_922 = %scan3A_261) -> (i32)  : i32 {
      %mul3A_923 = arith.constant 64 : i32
      %mul3A_924 = arith.muli %scan3A_921, %mul3A_923 : i32
      %add3A_925 = arith.constant 0 : i32
      %add3A_926 = arith.addi %mul3A_924, %add3A_925 : i32
      %get3A = arith.index_cast %add3A_926 : i32 to index
      %get3A_927 = tpu.vector_load %arg5[%get3A] {strides = array<i32>} : memref<8000xi32, #tpu.memory_space<vmem>>, vector<16xi32>,
      %get3A_928 = arith.index_cast %add3A_926 : i32 to index
      %get3A_929 = tpu.vector_load %arg7[%get3A_928] {strides = array<i32>} : memref<8000xi32, #tpu.memory_space<vmem>>, vector<16xi32>,
      %mul3A_930 = arith.constant 1024 : i32
      %mul3A_931 = vector.broadcast %mul3A_930 : i32 to vector<16xi32>
      %mul3A_932 = arith.muli %get3A_929, %mul3A_931 : vector<16xi32>
      %add3A_933 = arith.addi %mul3A_932, %get3A_927 : vector<16xi32>
      %sub3A_934 = vector.broadcast %add3A_198 : i32 to vector<16xi32>
      %sub3A_935 = arith.subi %add3A_933, %sub3A_934 : vector<16xi32>
      %ge3A = arith.constant 0 : i32
      %ge3A_936 = vector.broadcast %ge3A : i32 to vector<16xi32>
      %ge3A_937 = arith.cmpi sge, %sub3A_935, %ge3A_936 : vector<16xi32>
      %lt3A_938 = arith.constant 65536 : i32
      %lt3A_939 = vector.broadcast %lt3A_938 : i32 to vector<16xi32>
      %lt3A_940 = arith.cmpi slt, %sub3A_935, %lt3A_939 : vector<16xi32>
      %and3A = arith.andi %ge3A_937, %lt3A_940 : vector<16xi1>
      %jit3A = arith.constant 0 : i32
      %broadcast_in_dim3A_941 = vector.broadcast %jit3A : i32 to vector<16xi32>
      %select_n3A_942 = arith.select %and3A, %sub3A_935, %broadcast_in_dim3A_941 : vector<16xi1>, vector<16xi32>
      tpu.vector_store_idx %arg9[%select_n3A_942], %broadcast_in_dim3A_0 masked %and3A {add = true} : memref<65536xf32, #tpu.memory_space<vmem>>[vector<16xi32>], vector<16xf32>, vector<16xi1>
      %mul3A_943 = arith.constant 64 : i32
      %mul3A_944 = arith.muli %scan3A_921, %mul3A_943 : i32
      %add3A_945 = arith.constant 16 : i32
      %add3A_946 = arith.addi %mul3A_944, %add3A_945 : i32
      %get3A_947 = arith.index_cast %add3A_946 : i32 to index
      %get3A_948 = tpu.vector_load %arg5[%get3A_947] {strides = array<i32>} : memref<8000xi32, #tpu.memory_space<vmem>>, vector<16xi32>,
      %get3A_949 = arith.index_cast %add3A_946 : i32 to index
      %get3A_950 = tpu.vector_load %arg7[%get3A_949] {strides = array<i32>} : memref<8000xi32, #tpu.memory_space<vmem>>, vector<16xi32>,
      %mul3A_951 = arith.constant 1024 : i32
      %mul3A_952 = vector.broadcast %mul3A_951 : i32 to vector<16xi32>
      %mul3A_953 = arith.muli %get3A_950, %mul3A_952 : vector<16xi32>
      %add3A_954 = arith.addi %mul3A_953, %get3A_948 : vector<16xi32>
      %sub3A_955 = vector.broadcast %add3A_198 : i32 to vector<16xi32>
      %sub3A_956 = arith.subi %add3A_954, %sub3A_955 : vector<16xi32>
      %ge3A_957 = arith.constant 0 : i32
      %ge3A_958 = vector.broadcast %ge3A_957 : i32 to vector<16xi32>
      %ge3A_959 = arith.cmpi sge, %sub3A_956, %ge3A_958 : vector<16xi32>
      %lt3A_960 = arith.constant 65536 : i32
      %lt3A_961 = vector.broadcast %lt3A_960 : i32 to vector<16xi32>
      %lt3A_962 = arith.cmpi slt, %sub3A_956, %lt3A_961 : vector<16xi32>
      %and3A_963 = arith.andi %ge3A_959, %lt3A_962 : vector<16xi1>
      %jit3A_964 = arith.constant 0 : i32
      %broadcast_in_dim3A_965 = vector.broadcast %jit3A_964 : i32 to vector<16xi32>
      %select_n3A_966 = arith.select %and3A_963, %sub3A_956, %broadcast_in_dim3A_965 : vector<16xi1>, vector<16xi32>
      tpu.vector_store_idx %arg9[%select_n3A_966], %broadcast_in_dim3A_0 masked %and3A_963 {add = true} : memref<65536xf32, #tpu.memory_space<vmem>>[vector<16xi32>], vector<16xf32>, vector<16xi1>
      %mul3A_967 = arith.constant 64 : i32
      %mul3A_968 = arith.muli %scan3A_921, %mul3A_967 : i32
      %add3A_969 = arith.constant 32 : i32
      %add3A_970 = arith.addi %mul3A_968, %add3A_969 : i32
      %get3A_971 = arith.index_cast %add3A_970 : i32 to index
      %get3A_972 = tpu.vector_load %arg5[%get3A_971] {strides = array<i32>} : memref<8000xi32, #tpu.memory_space<vmem>>, vector<16xi32>,
      %get3A_973 = arith.index_cast %add3A_970 : i32 to index
      %get3A_974 = tpu.vector_load %arg7[%get3A_973] {strides = array<i32>} : memref<8000xi32, #tpu.memory_space<vmem>>, vector<16xi32>,
      %mul3A_975 = arith.constant 1024 : i32
      %mul3A_976 = vector.broadcast %mul3A_975 : i32 to vector<16xi32>
      %mul3A_977 = arith.muli %get3A_974, %mul3A_976 : vector<16xi32>
      %add3A_978 = arith.addi %mul3A_977, %get3A_972 : vector<16xi32>
      %sub3A_979 = vector.broadcast %add3A_198 : i32 to vector<16xi32>
      %sub3A_980 = arith.subi %add3A_978, %sub3A_979 : vector<16xi32>
      %ge3A_981 = arith.constant 0 : i32
      %ge3A_982 = vector.broadcast %ge3A_981 : i32 to vector<16xi32>
      %ge3A_983 = arith.cmpi sge, %sub3A_980, %ge3A_982 : vector<16xi32>
      %lt3A_984 = arith.constant 65536 : i32
      %lt3A_985 = vector.broadcast %lt3A_984 : i32 to vector<16xi32>
      %lt3A_986 = arith.cmpi slt, %sub3A_980, %lt3A_985 : vector<16xi32>
      %and3A_987 = arith.andi %ge3A_983, %lt3A_986 : vector<16xi1>
      %jit3A_988 = arith.constant 0 : i32
      %broadcast_in_dim3A_989 = vector.broadcast %jit3A_988 : i32 to vector<16xi32>
      %select_n3A_990 = arith.select %and3A_987, %sub3A_980, %broadcast_in_dim3A_989 : vector<16xi1>, vector<16xi32>
      tpu.vector_store_idx %arg9[%select_n3A_990], %broadcast_in_dim3A_0 masked %and3A_987 {add = true} : memref<65536xf32, #tpu.memory_space<vmem>>[vector<16xi32>], vector<16xf32>, vector<16xi1>
      %mul3A_991 = arith.constant 64 : i32
      %mul3A_992 = arith.muli %scan3A_921, %mul3A_991 : i32
      %add3A_993 = arith.constant 48 : i32
      %add3A_994 = arith.addi %mul3A_992, %add3A_993 : i32
      %get3A_995 = arith.index_cast %add3A_994 : i32 to index
      %get3A_996 = tpu.vector_load %arg5[%get3A_995] {strides = array<i32>} : memref<8000xi32, #tpu.memory_space<vmem>>, vector<16xi32>,
      %get3A_997 = arith.index_cast %add3A_994 : i32 to index
      %get3A_998 = tpu.vector_load %arg7[%get3A_997] {strides = array<i32>} : memref<8000xi32, #tpu.memory_space<vmem>>, vector<16xi32>,
      %mul3A_999 = arith.constant 1024 : i32
      %mul3A_1000 = vector.broadcast %mul3A_999 : i32 to vector<16xi32>
      %mul3A_1001 = arith.muli %get3A_998, %mul3A_1000 : vector<16xi32>
      %add3A_1002 = arith.addi %mul3A_1001, %get3A_996 : vector<16xi32>
      %sub3A_1003 = vector.broadcast %add3A_198 : i32 to vector<16xi32>
      %sub3A_1004 = arith.subi %add3A_1002, %sub3A_1003 : vector<16xi32>
      %ge3A_1005 = arith.constant 0 : i32
      %ge3A_1006 = vector.broadcast %ge3A_1005 : i32 to vector<16xi32>
      %ge3A_1007 = arith.cmpi sge, %sub3A_1004, %ge3A_1006 : vector<16xi32>
      %lt3A_1008 = arith.constant 65536 : i32
      %lt3A_1009 = vector.broadcast %lt3A_1008 : i32 to vector<16xi32>
      %lt3A_1010 = arith.cmpi slt, %sub3A_1004, %lt3A_1009 : vector<16xi32>
      %and3A_1011 = arith.andi %ge3A_1007, %lt3A_1010 : vector<16xi1>
      %jit3A_1012 = arith.constant 0 : i32
      %broadcast_in_dim3A_1013 = vector.broadcast %jit3A_1012 : i32 to vector<16xi32>
      %select_n3A_1014 = arith.select %and3A_1011, %sub3A_1004, %broadcast_in_dim3A_1013 : vector<16xi1>, vector<16xi32>
      tpu.vector_store_idx %arg9[%select_n3A_1014], %broadcast_in_dim3A_0 masked %and3A_1011 {add = true} : memref<65536xf32, #tpu.memory_space<vmem>>[vector<16xi32>], vector<16xf32>, vector<16xi1>
      %scan3A_1015 = arith.constant 0 : i32
      scf.yield %scan3A_1015 : i32
    }
    %scan3A_267 = arith.constant 125 : i32
    %mul3A_268 = arith.constant 32000 : i32
    %mul3A_269 = arith.muli %add3A_178, %mul3A_268 : i32
    %add3A_270 = arith.constant 24000 : i32
    %add3A_271 = arith.addi %mul3A_269, %add3A_270 : i32
    %dma_wait3A_272 = tpu.memref_slice %arg2[%add3A_271] : memref<320000xi32, #tpu.memory_space<hbm>> -> memref<8000xi32, #tpu.memory_space<hbm>>
    %dma_wait3A_273 = tpu.memref_slice %arg2[%add3A_271] : memref<320000xi32, #tpu.memory_space<hbm>> -> memref<8000xi32, #tpu.memory_space<hbm>>
    tpu.wait_dma2 semaphore(%arg10 : memref<!tpu.dma_semaphore, #tpu.memory_space<semaphore_mem>>) src(%dma_wait3A_273 : memref<8000xi32, #tpu.memory_space<hbm>>) dst(%arg6 : memref<8000xi32, #tpu.memory_space<vmem>>)
    %dma_wait3A_274 = tpu.memref_slice %arg3[%add3A_271] : memref<320000xi32, #tpu.memory_space<hbm>> -> memref<8000xi32, #tpu.memory_space<hbm>>
    %dma_wait3A_275 = tpu.memref_slice %arg3[%add3A_271] : memref<320000xi32, #tpu.memory_space<hbm>> -> memref<8000xi32, #tpu.memory_space<hbm>>
    tpu.wait_dma2 semaphore(%arg10 : memref<!tpu.dma_semaphore, #tpu.memory_space<semaphore_mem>>) src(%dma_wait3A_275 : memref<8000xi32, #tpu.memory_space<hbm>>) dst(%arg8 : memref<8000xi32, #tpu.memory_space<vmem>>)
    %scan3A_276 = arith.constant 0 : i32
    %scan3A_277 = arith.constant 0 : i32
    %scan3A_278 = arith.constant 125 : i32
    %scan3A_279 = arith.addi %scan3A_277, %scan3A_278 : i32
    %scan3A_280 = arith.constant 1 : i32
    %scan3A_281 = scf.for %scan3A_921 = %scan3A_277 to %scan3A_279 step %scan3A_280 iter_args(%scan3A_922 = %scan3A_276) -> (i32)  : i32 {
      %mul3A_923 = arith.constant 64 : i32
      %mul3A_924 = arith.muli %scan3A_921, %mul3A_923 : i32
      %add3A_925 = arith.constant 0 : i32
      %add3A_926 = arith.addi %mul3A_924, %add3A_925 : i32
      %get3A = arith.index_cast %add3A_926 : i32 to index
      %get3A_927 = tpu.vector_load %arg6[%get3A] {strides = array<i32>} : memref<8000xi32, #tpu.memory_space<vmem>>, vector<16xi32>,
      %get3A_928 = arith.index_cast %add3A_926 : i32 to index
      %get3A_929 = tpu.vector_load %arg8[%get3A_928] {strides = array<i32>} : memref<8000xi32, #tpu.memory_space<vmem>>, vector<16xi32>,
      %mul3A_930 = arith.constant 1024 : i32
      %mul3A_931 = vector.broadcast %mul3A_930 : i32 to vector<16xi32>
      %mul3A_932 = arith.muli %get3A_929, %mul3A_931 : vector<16xi32>
      %add3A_933 = arith.addi %mul3A_932, %get3A_927 : vector<16xi32>
      %sub3A_934 = vector.broadcast %add3A_198 : i32 to vector<16xi32>
      %sub3A_935 = arith.subi %add3A_933, %sub3A_934 : vector<16xi32>
      %ge3A = arith.constant 0 : i32
      %ge3A_936 = vector.broadcast %ge3A : i32 to vector<16xi32>
      %ge3A_937 = arith.cmpi sge, %sub3A_935, %ge3A_936 : vector<16xi32>
      %lt3A_938 = arith.constant 65536 : i32
      %lt3A_939 = vector.broadcast %lt3A_938 : i32 to vector<16xi32>
      %lt3A_940 = arith.cmpi slt, %sub3A_935, %lt3A_939 : vector<16xi32>
      %and3A = arith.andi %ge3A_937, %lt3A_940 : vector<16xi1>
      %jit3A = arith.constant 0 : i32
      %broadcast_in_dim3A_941 = vector.broadcast %jit3A : i32 to vector<16xi32>
      %select_n3A_942 = arith.select %and3A, %sub3A_935, %broadcast_in_dim3A_941 : vector<16xi1>, vector<16xi32>
      tpu.vector_store_idx %arg9[%select_n3A_942], %broadcast_in_dim3A_0 masked %and3A {add = true} : memref<65536xf32, #tpu.memory_space<vmem>>[vector<16xi32>], vector<16xf32>, vector<16xi1>
      %mul3A_943 = arith.constant 64 : i32
      %mul3A_944 = arith.muli %scan3A_921, %mul3A_943 : i32
      %add3A_945 = arith.constant 16 : i32
      %add3A_946 = arith.addi %mul3A_944, %add3A_945 : i32
      %get3A_947 = arith.index_cast %add3A_946 : i32 to index
      %get3A_948 = tpu.vector_load %arg6[%get3A_947] {strides = array<i32>} : memref<8000xi32, #tpu.memory_space<vmem>>, vector<16xi32>,
      %get3A_949 = arith.index_cast %add3A_946 : i32 to index
      %get3A_950 = tpu.vector_load %arg8[%get3A_949] {strides = array<i32>} : memref<8000xi32, #tpu.memory_space<vmem>>, vector<16xi32>,
      %mul3A_951 = arith.constant 1024 : i32
      %mul3A_952 = vector.broadcast %mul3A_951 : i32 to vector<16xi32>
      %mul3A_953 = arith.muli %get3A_950, %mul3A_952 : vector<16xi32>
      %add3A_954 = arith.addi %mul3A_953, %get3A_948 : vector<16xi32>
      %sub3A_955 = vector.broadcast %add3A_198 : i32 to vector<16xi32>
      %sub3A_956 = arith.subi %add3A_954, %sub3A_955 : vector<16xi32>
      %ge3A_957 = arith.constant 0 : i32
      %ge3A_958 = vector.broadcast %ge3A_957 : i32 to vector<16xi32>
      %ge3A_959 = arith.cmpi sge, %sub3A_956, %ge3A_958 : vector<16xi32>
      %lt3A_960 = arith.constant 65536 : i32
      %lt3A_961 = vector.broadcast %lt3A_960 : i32 to vector<16xi32>
      %lt3A_962 = arith.cmpi slt, %sub3A_956, %lt3A_961 : vector<16xi32>
      %and3A_963 = arith.andi %ge3A_959, %lt3A_962 : vector<16xi1>
      %jit3A_964 = arith.constant 0 : i32
      %broadcast_in_dim3A_965 = vector.broadcast %jit3A_964 : i32 to vector<16xi32>
      %select_n3A_966 = arith.select %and3A_963, %sub3A_956, %broadcast_in_dim3A_965 : vector<16xi1>, vector<16xi32>
      tpu.vector_store_idx %arg9[%select_n3A_966], %broadcast_in_dim3A_0 masked %and3A_963 {add = true} : memref<65536xf32, #tpu.memory_space<vmem>>[vector<16xi32>], vector<16xf32>, vector<16xi1>
      %mul3A_967 = arith.constant 64 : i32
      %mul3A_968 = arith.muli %scan3A_921, %mul3A_967 : i32
      %add3A_969 = arith.constant 32 : i32
      %add3A_970 = arith.addi %mul3A_968, %add3A_969 : i32
      %get3A_971 = arith.index_cast %add3A_970 : i32 to index
      %get3A_972 = tpu.vector_load %arg6[%get3A_971] {strides = array<i32>} : memref<8000xi32, #tpu.memory_space<vmem>>, vector<16xi32>,
      %get3A_973 = arith.index_cast %add3A_970 : i32 to index
      %get3A_974 = tpu.vector_load %arg8[%get3A_973] {strides = array<i32>} : memref<8000xi32, #tpu.memory_space<vmem>>, vector<16xi32>,
      %mul3A_975 = arith.constant 1024 : i32
      %mul3A_976 = vector.broadcast %mul3A_975 : i32 to vector<16xi32>
      %mul3A_977 = arith.muli %get3A_974, %mul3A_976 : vector<16xi32>
      %add3A_978 = arith.addi %mul3A_977, %get3A_972 : vector<16xi32>
      %sub3A_979 = vector.broadcast %add3A_198 : i32 to vector<16xi32>
      %sub3A_980 = arith.subi %add3A_978, %sub3A_979 : vector<16xi32>
      %ge3A_981 = arith.constant 0 : i32
      %ge3A_982 = vector.broadcast %ge3A_981 : i32 to vector<16xi32>
      %ge3A_983 = arith.cmpi sge, %sub3A_980, %ge3A_982 : vector<16xi32>
      %lt3A_984 = arith.constant 65536 : i32
      %lt3A_985 = vector.broadcast %lt3A_984 : i32 to vector<16xi32>
      %lt3A_986 = arith.cmpi slt, %sub3A_980, %lt3A_985 : vector<16xi32>
      %and3A_987 = arith.andi %ge3A_983, %lt3A_986 : vector<16xi1>
      %jit3A_988 = arith.constant 0 : i32
      %broadcast_in_dim3A_989 = vector.broadcast %jit3A_988 : i32 to vector<16xi32>
      %select_n3A_990 = arith.select %and3A_987, %sub3A_980, %broadcast_in_dim3A_989 : vector<16xi1>, vector<16xi32>
      tpu.vector_store_idx %arg9[%select_n3A_990], %broadcast_in_dim3A_0 masked %and3A_987 {add = true} : memref<65536xf32, #tpu.memory_space<vmem>>[vector<16xi32>], vector<16xf32>, vector<16xi1>
      %mul3A_991 = arith.constant 64 : i32
      %mul3A_992 = arith.muli %scan3A_921, %mul3A_991 : i32
      %add3A_993 = arith.constant 48 : i32
      %add3A_994 = arith.addi %mul3A_992, %add3A_993 : i32
      %get3A_995 = arith.index_cast %add3A_994 : i32 to index
      %get3A_996 = tpu.vector_load %arg6[%get3A_995] {strides = array<i32>} : memref<8000xi32, #tpu.memory_space<vmem>>, vector<16xi32>,
      %get3A_997 = arith.index_cast %add3A_994 : i32 to index
      %get3A_998 = tpu.vector_load %arg8[%get3A_997] {strides = array<i32>} : memref<8000xi32, #tpu.memory_space<vmem>>, vector<16xi32>,
      %mul3A_999 = arith.constant 1024 : i32
      %mul3A_1000 = vector.broadcast %mul3A_999 : i32 to vector<16xi32>
      %mul3A_1001 = arith.muli %get3A_998, %mul3A_1000 : vector<16xi32>
      %add3A_1002 = arith.addi %mul3A_1001, %get3A_996 : vector<16xi32>
      %sub3A_1003 = vector.broadcast %add3A_198 : i32 to vector<16xi32>
      %sub3A_1004 = arith.subi %add3A_1002, %sub3A_1003 : vector<16xi32>
      %ge3A_1005 = arith.constant 0 : i32
      %ge3A_1006 = vector.broadcast %ge3A_1005 : i32 to vector<16xi32>
      %ge3A_1007 = arith.cmpi sge, %sub3A_1004, %ge3A_1006 : vector<16xi32>
      %lt3A_1008 = arith.constant 65536 : i32
      %lt3A_1009 = vector.broadcast %lt3A_1008 : i32 to vector<16xi32>
      %lt3A_1010 = arith.cmpi slt, %sub3A_1004, %lt3A_1009 : vector<16xi32>
      %and3A_1011 = arith.andi %ge3A_1007, %lt3A_1010 : vector<16xi1>
      %jit3A_1012 = arith.constant 0 : i32
      %broadcast_in_dim3A_1013 = vector.broadcast %jit3A_1012 : i32 to vector<16xi32>
      %select_n3A_1014 = arith.select %and3A_1011, %sub3A_1004, %broadcast_in_dim3A_1013 : vector<16xi1>, vector<16xi32>
      tpu.vector_store_idx %arg9[%select_n3A_1014], %broadcast_in_dim3A_0 masked %and3A_1011 {add = true} : memref<65536xf32, #tpu.memory_space<vmem>>[vector<16xi32>], vector<16xf32>, vector<16xi1>
      %scan3A_1015 = arith.constant 0 : i32
      scf.yield %scan3A_1015 : i32
    }
    %scan3A_282 = arith.constant 125 : i32
    %add3A_283 = arith.constant 0 : i32
    %add3A_284 = arith.addi %mul3A_1, %add3A_283 : i32
    %iota3A_285 = tpu.iota {dimensions = array<i32: 0>} : vector<16xi32>
    %add3A_286 = vector.broadcast %add3A_284 : i32 to vector<16xi32>
    %add3A_287 = arith.addi %add3A_286, %iota3A_285 : vector<16xi32>
    %lt3A_288 = arith.constant 1000 : i32
    %lt3A_289 = vector.broadcast %lt3A_288 : i32 to vector<16xi32>
    %lt3A_290 = arith.cmpi slt, %add3A_287, %lt3A_289 : vector<16xi32>
    %sub3A_291 = vector.broadcast %mul3A_1 : i32 to vector<16xi32>
    %sub3A_292 = arith.subi %add3A_287, %sub3A_291 : vector<16xi32>
    %mul3A_293 = arith.constant 1024 : i32
    %mul3A_294 = vector.broadcast %mul3A_293 : i32 to vector<16xi32>
    %mul3A_295 = arith.muli %sub3A_292, %mul3A_294 : vector<16xi32>
    %add3A_296 = arith.addi %mul3A_295, %add3A_287 : vector<16xi32>
    %broadcast_in_dim3A_297 = arith.constant 0 : i32
    %broadcast_in_dim3A_298 = vector.broadcast %broadcast_in_dim3A_297 : i32 to vector<16xi32>
    %select_n3A_299 = arith.select %lt3A_290, %add3A_296, %broadcast_in_dim3A_298 : vector<16xi1>, vector<16xi32>
    tpu.vector_store_idx %arg9[%select_n3A_299], %broadcast_in_dim3A_0 masked %lt3A_290 {add = true} : memref<65536xf32, #tpu.memory_space<vmem>>[vector<16xi32>], vector<16xf32>, vector<16xi1>
    %add3A_300 = arith.constant 16 : i32
    %add3A_301 = arith.addi %mul3A_1, %add3A_300 : i32
    %iota3A_302 = tpu.iota {dimensions = array<i32: 0>} : vector<16xi32>
    %add3A_303 = vector.broadcast %add3A_301 : i32 to vector<16xi32>
    %add3A_304 = arith.addi %add3A_303, %iota3A_302 : vector<16xi32>
    %lt3A_305 = arith.constant 1000 : i32
    %lt3A_306 = vector.broadcast %lt3A_305 : i32 to vector<16xi32>
    %lt3A_307 = arith.cmpi slt, %add3A_304, %lt3A_306 : vector<16xi32>
    %sub3A_308 = vector.broadcast %mul3A_1 : i32 to vector<16xi32>
    %sub3A_309 = arith.subi %add3A_304, %sub3A_308 : vector<16xi32>
    %mul3A_310 = arith.constant 1024 : i32
    %mul3A_311 = vector.broadcast %mul3A_310 : i32 to vector<16xi32>
    %mul3A_312 = arith.muli %sub3A_309, %mul3A_311 : vector<16xi32>
    %add3A_313 = arith.addi %mul3A_312, %add3A_304 : vector<16xi32>
    %broadcast_in_dim3A_314 = arith.constant 0 : i32
    %broadcast_in_dim3A_315 = vector.broadcast %broadcast_in_dim3A_314 : i32 to vector<16xi32>
    %select_n3A_316 = arith.select %lt3A_307, %add3A_313, %broadcast_in_dim3A_315 : vector<16xi1>, vector<16xi32>
    tpu.vector_store_idx %arg9[%select_n3A_316], %broadcast_in_dim3A_0 masked %lt3A_307 {add = true} : memref<65536xf32, #tpu.memory_space<vmem>>[vector<16xi32>], vector<16xf32>, vector<16xi1>
    %add3A_317 = arith.constant 32 : i32
    %add3A_318 = arith.addi %mul3A_1, %add3A_317 : i32
    %iota3A_319 = tpu.iota {dimensions = array<i32: 0>} : vector<16xi32>
    %add3A_320 = vector.broadcast %add3A_318 : i32 to vector<16xi32>
    %add3A_321 = arith.addi %add3A_320, %iota3A_319 : vector<16xi32>
    %lt3A_322 = arith.constant 1000 : i32
    %lt3A_323 = vector.broadcast %lt3A_322 : i32 to vector<16xi32>
    %lt3A_324 = arith.cmpi slt, %add3A_321, %lt3A_323 : vector<16xi32>
    %sub3A_325 = vector.broadcast %mul3A_1 : i32 to vector<16xi32>
    %sub3A_326 = arith.subi %add3A_321, %sub3A_325 : vector<16xi32>
    %mul3A_327 = arith.constant 1024 : i32
    %mul3A_328 = vector.broadcast %mul3A_327 : i32 to vector<16xi32>
    %mul3A_329 = arith.muli %sub3A_326, %mul3A_328 : vector<16xi32>
    %add3A_330 = arith.addi %mul3A_329, %add3A_321 : vector<16xi32>
    %broadcast_in_dim3A_331 = arith.constant 0 : i32
    %broadcast_in_dim3A_332 = vector.broadcast %broadcast_in_dim3A_331 : i32 to vector<16xi32>
    %select_n3A_333 = arith.select %lt3A_324, %add3A_330, %broadcast_in_dim3A_332 : vector<16xi1>, vector<16xi32>
    tpu.vector_store_idx %arg9[%select_n3A_333], %broadcast_in_dim3A_0 masked %lt3A_324 {add = true} : memref<65536xf32, #tpu.memory_space<vmem>>[vector<16xi32>], vector<16xf32>, vector<16xi1>
    %add3A_334 = arith.constant 48 : i32
    %add3A_335 = arith.addi %mul3A_1, %add3A_334 : i32
    %iota3A_336 = tpu.iota {dimensions = array<i32: 0>} : vector<16xi32>
    %add3A_337 = vector.broadcast %add3A_335 : i32 to vector<16xi32>
    %add3A_338 = arith.addi %add3A_337, %iota3A_336 : vector<16xi32>
    %lt3A_339 = arith.constant 1000 : i32
    %lt3A_340 = vector.broadcast %lt3A_339 : i32 to vector<16xi32>
    %lt3A_341 = arith.cmpi slt, %add3A_338, %lt3A_340 : vector<16xi32>
    %sub3A_342 = vector.broadcast %mul3A_1 : i32 to vector<16xi32>
    %sub3A_343 = arith.subi %add3A_338, %sub3A_342 : vector<16xi32>
    %mul3A_344 = arith.constant 1024 : i32
    %mul3A_345 = vector.broadcast %mul3A_344 : i32 to vector<16xi32>
    %mul3A_346 = arith.muli %sub3A_343, %mul3A_345 : vector<16xi32>
    %add3A_347 = arith.addi %mul3A_346, %add3A_338 : vector<16xi32>
    %broadcast_in_dim3A_348 = arith.constant 0 : i32
    %broadcast_in_dim3A_349 = vector.broadcast %broadcast_in_dim3A_348 : i32 to vector<16xi32>
    %select_n3A_350 = arith.select %lt3A_341, %add3A_347, %broadcast_in_dim3A_349 : vector<16xi1>, vector<16xi32>
    tpu.vector_store_idx %arg9[%select_n3A_350], %broadcast_in_dim3A_0 masked %lt3A_341 {add = true} : memref<65536xf32, #tpu.memory_space<vmem>>[vector<16xi32>], vector<16xf32>, vector<16xi1>
    %mul3A_351 = arith.constant 1024000 : i32
    %mul3A_352 = arith.muli %add3A_178, %mul3A_351 : i32
    %lt3A_353 = arith.constant 15 : i32
    %lt3A_354 = arith.cmpi slt, %arg1, %lt3A_353 : i32
    %convert_element_type3A_355 = arith.extui %lt3A_354 : i1 to i32
    %cond3A_356 = arith.constant 0 : i32
    %cond3A_357 = arith.cmpi ne, %convert_element_type3A_355, %cond3A_356 : i32
    scf.if %cond3A_357 {
      %mul3A_921 = arith.constant 65536 : i32
      %mul3A_922 = arith.muli %arg1, %mul3A_921 : i32
      %add3A_923 = arith.addi %mul3A_352, %mul3A_922 : i32
      "tpu.region"() ({
        %run_scoped3A = tpu.sem_alloc : memref<!tpu.dma_semaphore, #tpu.memory_space<semaphore_mem>>
        %dma_start3A_924 = tpu.memref_slice %arg4[%add3A_923] : memref<10240000xf32, #tpu.memory_space<hbm>> -> memref<65536xf32, #tpu.memory_space<hbm>>
        %dma_start3A_925 = tpu.memref_slice %arg4[%add3A_923] : memref<10240000xf32, #tpu.memory_space<hbm>> -> memref<65536xf32, #tpu.memory_space<hbm>>
        tpu.enqueue_dma source(%arg9 : memref<65536xf32, #tpu.memory_space<vmem>>) target(%dma_start3A_925 : memref<65536xf32, #tpu.memory_space<hbm>>) target_semaphore(%run_scoped3A : memref<!tpu.dma_semaphore, #tpu.memory_space<semaphore_mem>>)
        %dma_wait3A_926 = tpu.memref_slice %arg4[%add3A_923] : memref<10240000xf32, #tpu.memory_space<hbm>> -> memref<65536xf32, #tpu.memory_space<hbm>>
        %dma_wait3A_927 = tpu.memref_slice %arg4[%add3A_923] : memref<10240000xf32, #tpu.memory_space<hbm>> -> memref<65536xf32, #tpu.memory_space<hbm>>
        tpu.wait_dma2 semaphore(%run_scoped3A : memref<!tpu.dma_semaphore, #tpu.memory_space<semaphore_mem>>) src(%arg9 : memref<65536xf32, #tpu.memory_space<vmem>>) dst(%dma_wait3A_927 : memref<65536xf32, #tpu.memory_space<hbm>>)
        tpu.yield
      }) : () -> ()
    } else {
    }
    %eq3A_358 = arith.constant 15 : i32
    %eq3A_359 = arith.cmpi eq, %arg1, %eq3A_358 : i32
    %convert_element_type3A_360 = arith.extui %eq3A_359 : i1 to i32
    %cond3A_361 = arith.constant 0 : i32
    %cond3A_362 = arith.cmpi ne, %convert_element_type3A_360, %cond3A_361 : i32
    scf.if %cond3A_362 {
      %add3A_921 = arith.constant 983040 : i32
      %add3A_922 = arith.addi %mul3A_352, %add3A_921 : i32
      "tpu.region"() ({
        %run_scoped3A = tpu.sem_alloc : memref<!tpu.dma_semaphore, #tpu.memory_space<semaphore_mem>>
        %dma_start3A_923 = arith.constant 0 : i32
        %dma_start3A_924 = tpu.memref_slice %arg9[%dma_start3A_923] : memref<65536xf32, #tpu.memory_space<vmem>> -> memref<40960xf32, #tpu.memory_space<vmem>>
        %dma_start3A_925 = tpu.memref_slice %arg4[%add3A_922] : memref<10240000xf32, #tpu.memory_space<hbm>> -> memref<40960xf32, #tpu.memory_space<hbm>>
        %dma_start3A_926 = tpu.memref_slice %arg4[%add3A_922] : memref<10240000xf32, #tpu.memory_space<hbm>> -> memref<40960xf32, #tpu.memory_space<hbm>>
        %dma_start3A_927 = arith.constant 0 : i32
        %dma_start3A_928 = tpu.memref_slice %arg9[%dma_start3A_927] : memref<65536xf32, #tpu.memory_space<vmem>> -> memref<40960xf32, #tpu.memory_space<vmem>>
        tpu.enqueue_dma source(%dma_start3A_928 : memref<40960xf32, #tpu.memory_space<vmem>>) target(%dma_start3A_926 : memref<40960xf32, #tpu.memory_space<hbm>>) target_semaphore(%run_scoped3A : memref<!tpu.dma_semaphore, #tpu.memory_space<semaphore_mem>>)
        %dma_wait3A_929 = arith.constant 0 : i32
        %dma_wait3A_930 = tpu.memref_slice %arg9[%dma_wait3A_929] : memref<65536xf32, #tpu.memory_space<vmem>> -> memref<40960xf32, #tpu.memory_space<vmem>>
        %dma_wait3A_931 = tpu.memref_slice %arg4[%add3A_922] : memref<10240000xf32, #tpu.memory_space<hbm>> -> memref<40960xf32, #tpu.memory_space<hbm>>
        %dma_wait3A_932 = tpu.memref_slice %arg4[%add3A_922] : memref<10240000xf32, #tpu.memory_space<hbm>> -> memref<40960xf32, #tpu.memory_space<hbm>>
        %dma_wait3A_933 = arith.constant 0 : i32
        %dma_wait3A_934 = tpu.memref_slice %arg9[%dma_wait3A_933] : memref<65536xf32, #tpu.memory_space<vmem>> -> memref<40960xf32, #tpu.memory_space<vmem>>
        tpu.wait_dma2 semaphore(%run_scoped3A : memref<!tpu.dma_semaphore, #tpu.memory_space<semaphore_mem>>) src(%dma_wait3A_934 : memref<40960xf32, #tpu.memory_space<vmem>>) dst(%dma_wait3A_932 : memref<40960xf32, #tpu.memory_space<hbm>>)
        tpu.yield
      }) : () -> ()
    } else {
    }
    %add3A_363 = arith.constant 4 : i32
    %add3A_364 = arith.addi %add3A_363, %arg0 : i32
    %scan3A_365 = arith.constant 0 : i32
    %scan3A_366 = arith.constant 0 : i32
    %scan3A_367 = arith.constant 512 : i32
    %scan3A_368 = arith.addi %scan3A_366, %scan3A_367 : i32
    %scan3A_369 = arith.constant 1 : i32
    %scan3A_370 = scf.for %scan3A_921 = %scan3A_366 to %scan3A_368 step %scan3A_369 iter_args(%scan3A_922 = %scan3A_365) -> (i32)  : i32 {
      %broadcast_in_dim3A_923 = arith.constant 0.000000e+00 : f32
      %broadcast_in_dim3A_924 = vector.broadcast %broadcast_in_dim3A_923 : f32 to vector<16xf32>
      %mul3A_925 = arith.constant 128 : i32
      %mul3A_926 = arith.muli %scan3A_921, %mul3A_925 : i32
      %add3A_927 = arith.constant 0 : i32
      %add3A_928 = arith.addi %mul3A_926, %add3A_927 : i32
      %swap3A = arith.index_cast %add3A_928 : i32 to index
      %swap3A_929 = tpu.vector_load %arg9[%swap3A] {strides = array<i32>} : memref<65536xf32, #tpu.memory_space<vmem>>, vector<16xf32>,
      tpu.vector_store %arg9[%swap3A], %broadcast_in_dim3A_924 {strides = array<i32>} : memref<65536xf32, #tpu.memory_space<vmem>>, vector<16xf32>,
      %broadcast_in_dim3A_930 = arith.constant 0.000000e+00 : f32
      %broadcast_in_dim3A_931 = vector.broadcast %broadcast_in_dim3A_930 : f32 to vector<16xf32>
      %mul3A_932 = arith.constant 128 : i32
      %mul3A_933 = arith.muli %scan3A_921, %mul3A_932 : i32
      %add3A_934 = arith.constant 16 : i32
      %add3A_935 = arith.addi %mul3A_933, %add3A_934 : i32
      %swap3A_936 = arith.index_cast %add3A_935 : i32 to index
      %swap3A_937 = tpu.vector_load %arg9[%swap3A_936] {strides = array<i32>} : memref<65536xf32, #tpu.memory_space<vmem>>, vector<16xf32>,
      tpu.vector_store %arg9[%swap3A_936], %broadcast_in_dim3A_931 {strides = array<i32>} : memref<65536xf32, #tpu.memory_space<vmem>>, vector<16xf32>,
      %broadcast_in_dim3A_938 = arith.constant 0.000000e+00 : f32
      %broadcast_in_dim3A_939 = vector.broadcast %broadcast_in_dim3A_938 : f32 to vector<16xf32>
      %mul3A_940 = arith.constant 128 : i32
      %mul3A_941 = arith.muli %scan3A_921, %mul3A_940 : i32
      %add3A_942 = arith.constant 32 : i32
      %add3A_943 = arith.addi %mul3A_941, %add3A_942 : i32
      %swap3A_944 = arith.index_cast %add3A_943 : i32 to index
      %swap3A_945 = tpu.vector_load %arg9[%swap3A_944] {strides = array<i32>} : memref<65536xf32, #tpu.memory_space<vmem>>, vector<16xf32>,
      tpu.vector_store %arg9[%swap3A_944], %broadcast_in_dim3A_939 {strides = array<i32>} : memref<65536xf32, #tpu.memory_space<vmem>>, vector<16xf32>,
      %broadcast_in_dim3A_946 = arith.constant 0.000000e+00 : f32
      %broadcast_in_dim3A_947 = vector.broadcast %broadcast_in_dim3A_946 : f32 to vector<16xf32>
      %mul3A_948 = arith.constant 128 : i32
      %mul3A_949 = arith.muli %scan3A_921, %mul3A_948 : i32
      %add3A_950 = arith.constant 48 : i32
      %add3A_951 = arith.addi %mul3A_949, %add3A_950 : i32
      %swap3A_952 = arith.index_cast %add3A_951 : i32 to index
      %swap3A_953 = tpu.vector_load %arg9[%swap3A_952] {strides = array<i32>} : memref<65536xf32, #tpu.memory_space<vmem>>, vector<16xf32>,
      tpu.vector_store %arg9[%swap3A_952], %broadcast_in_dim3A_947 {strides = array<i32>} : memref<65536xf32, #tpu.memory_space<vmem>>, vector<16xf32>,
      %broadcast_in_dim3A_954 = arith.constant 0.000000e+00 : f32
      %broadcast_in_dim3A_955 = vector.broadcast %broadcast_in_dim3A_954 : f32 to vector<16xf32>
      %mul3A_956 = arith.constant 128 : i32
      %mul3A_957 = arith.muli %scan3A_921, %mul3A_956 : i32
      %add3A_958 = arith.constant 64 : i32
      %add3A_959 = arith.addi %mul3A_957, %add3A_958 : i32
      %swap3A_960 = arith.index_cast %add3A_959 : i32 to index
      %swap3A_961 = tpu.vector_load %arg9[%swap3A_960] {strides = array<i32>} : memref<65536xf32, #tpu.memory_space<vmem>>, vector<16xf32>,
      tpu.vector_store %arg9[%swap3A_960], %broadcast_in_dim3A_955 {strides = array<i32>} : memref<65536xf32, #tpu.memory_space<vmem>>, vector<16xf32>,
      %broadcast_in_dim3A_962 = arith.constant 0.000000e+00 : f32
      %broadcast_in_dim3A_963 = vector.broadcast %broadcast_in_dim3A_962 : f32 to vector<16xf32>
      %mul3A_964 = arith.constant 128 : i32
      %mul3A_965 = arith.muli %scan3A_921, %mul3A_964 : i32
      %add3A_966 = arith.constant 80 : i32
      %add3A_967 = arith.addi %mul3A_965, %add3A_966 : i32
      %swap3A_968 = arith.index_cast %add3A_967 : i32 to index
      %swap3A_969 = tpu.vector_load %arg9[%swap3A_968] {strides = array<i32>} : memref<65536xf32, #tpu.memory_space<vmem>>, vector<16xf32>,
      tpu.vector_store %arg9[%swap3A_968], %broadcast_in_dim3A_963 {strides = array<i32>} : memref<65536xf32, #tpu.memory_space<vmem>>, vector<16xf32>,
      %broadcast_in_dim3A_970 = arith.constant 0.000000e+00 : f32
      %broadcast_in_dim3A_971 = vector.broadcast %broadcast_in_dim3A_970 : f32 to vector<16xf32>
      %mul3A_972 = arith.constant 128 : i32
      %mul3A_973 = arith.muli %scan3A_921, %mul3A_972 : i32
      %add3A_974 = arith.constant 96 : i32
      %add3A_975 = arith.addi %mul3A_973, %add3A_974 : i32
      %swap3A_976 = arith.index_cast %add3A_975 : i32 to index
      %swap3A_977 = tpu.vector_load %arg9[%swap3A_976] {strides = array<i32>} : memref<65536xf32, #tpu.memory_space<vmem>>, vector<16xf32>,
      tpu.vector_store %arg9[%swap3A_976], %broadcast_in_dim3A_971 {strides = array<i32>} : memref<65536xf32, #tpu.memory_space<vmem>>, vector<16xf32>,
      %broadcast_in_dim3A_978 = arith.constant 0.000000e+00 : f32
      %broadcast_in_dim3A_979 = vector.broadcast %broadcast_in_dim3A_978 : f32 to vector<16xf32>
      %mul3A_980 = arith.constant 128 : i32
      %mul3A_981 = arith.muli %scan3A_921, %mul3A_980 : i32
      %add3A_982 = arith.constant 112 : i32
      %add3A_983 = arith.addi %mul3A_981, %add3A_982 : i32
      %swap3A_984 = arith.index_cast %add3A_983 : i32 to index
      %swap3A_985 = tpu.vector_load %arg9[%swap3A_984] {strides = array<i32>} : memref<65536xf32, #tpu.memory_space<vmem>>, vector<16xf32>,
      tpu.vector_store %arg9[%swap3A_984], %broadcast_in_dim3A_979 {strides = array<i32>} : memref<65536xf32, #tpu.memory_space<vmem>>, vector<16xf32>,
      %scan3A_986 = arith.constant 0 : i32
      scf.yield %scan3A_986 : i32
    }
    %scan3A_371 = arith.constant 512 : i32
    %mul3A_372 = arith.constant 32000 : i32
    %mul3A_373 = arith.muli %add3A_364, %mul3A_372 : i32
    %add3A_374 = arith.constant 0 : i32
    %add3A_375 = arith.addi %mul3A_373, %add3A_374 : i32
    %dma_start3A_376 = tpu.memref_slice %arg2[%add3A_375] : memref<320000xi32, #tpu.memory_space<hbm>> -> memref<8000xi32, #tpu.memory_space<hbm>>
    %dma_start3A_377 = tpu.memref_slice %arg2[%add3A_375] : memref<320000xi32, #tpu.memory_space<hbm>> -> memref<8000xi32, #tpu.memory_space<hbm>>
    tpu.enqueue_dma source(%dma_start3A_377 : memref<8000xi32, #tpu.memory_space<hbm>>) target(%arg5 : memref<8000xi32, #tpu.memory_space<vmem>>) target_semaphore(%arg10 : memref<!tpu.dma_semaphore, #tpu.memory_space<semaphore_mem>>)
    %dma_start3A_378 = tpu.memref_slice %arg3[%add3A_375] : memref<320000xi32, #tpu.memory_space<hbm>> -> memref<8000xi32, #tpu.memory_space<hbm>>
    %dma_start3A_379 = tpu.memref_slice %arg3[%add3A_375] : memref<320000xi32, #tpu.memory_space<hbm>> -> memref<8000xi32, #tpu.memory_space<hbm>>
    tpu.enqueue_dma source(%dma_start3A_379 : memref<8000xi32, #tpu.memory_space<hbm>>) target(%arg7 : memref<8000xi32, #tpu.memory_space<vmem>>) target_semaphore(%arg10 : memref<!tpu.dma_semaphore, #tpu.memory_space<semaphore_mem>>)
    %mul3A_380 = arith.constant 1025000 : i32
    %mul3A_381 = arith.muli %add3A_364, %mul3A_380 : i32
    %mul3A_382 = arith.constant 1024 : i32
    %mul3A_383 = arith.muli %mul3A_1, %mul3A_382 : i32
    %add3A_384 = arith.addi %mul3A_381, %mul3A_383 : i32
    %mul3A_385 = arith.constant 32000 : i32
    %mul3A_386 = arith.muli %add3A_364, %mul3A_385 : i32
    %add3A_387 = arith.constant 0 : i32
    %add3A_388 = arith.addi %mul3A_386, %add3A_387 : i32
    %dma_wait3A_389 = tpu.memref_slice %arg2[%add3A_388] : memref<320000xi32, #tpu.memory_space<hbm>> -> memref<8000xi32, #tpu.memory_space<hbm>>
    %dma_wait3A_390 = tpu.memref_slice %arg2[%add3A_388] : memref<320000xi32, #tpu.memory_space<hbm>> -> memref<8000xi32, #tpu.memory_space<hbm>>
    tpu.wait_dma2 semaphore(%arg10 : memref<!tpu.dma_semaphore, #tpu.memory_space<semaphore_mem>>) src(%dma_wait3A_390 : memref<8000xi32, #tpu.memory_space<hbm>>) dst(%arg5 : memref<8000xi32, #tpu.memory_space<vmem>>)
    %dma_wait3A_391 = tpu.memref_slice %arg3[%add3A_388] : memref<320000xi32, #tpu.memory_space<hbm>> -> memref<8000xi32, #tpu.memory_space<hbm>>
    %dma_wait3A_392 = tpu.memref_slice %arg3[%add3A_388] : memref<320000xi32, #tpu.memory_space<hbm>> -> memref<8000xi32, #tpu.memory_space<hbm>>
    tpu.wait_dma2 semaphore(%arg10 : memref<!tpu.dma_semaphore, #tpu.memory_space<semaphore_mem>>) src(%dma_wait3A_392 : memref<8000xi32, #tpu.memory_space<hbm>>) dst(%arg7 : memref<8000xi32, #tpu.memory_space<vmem>>)
    %mul3A_393 = arith.constant 32000 : i32
    %mul3A_394 = arith.muli %add3A_364, %mul3A_393 : i32
    %add3A_395 = arith.constant 8000 : i32
    %add3A_396 = arith.addi %mul3A_394, %add3A_395 : i32
    %dma_start3A_397 = tpu.memref_slice %arg2[%add3A_396] : memref<320000xi32, #tpu.memory_space<hbm>> -> memref<8000xi32, #tpu.memory_space<hbm>>
    %dma_start3A_398 = tpu.memref_slice %arg2[%add3A_396] : memref<320000xi32, #tpu.memory_space<hbm>> -> memref<8000xi32, #tpu.memory_space<hbm>>
    tpu.enqueue_dma source(%dma_start3A_398 : memref<8000xi32, #tpu.memory_space<hbm>>) target(%arg6 : memref<8000xi32, #tpu.memory_space<vmem>>) target_semaphore(%arg10 : memref<!tpu.dma_semaphore, #tpu.memory_space<semaphore_mem>>)
    %dma_start3A_399 = tpu.memref_slice %arg3[%add3A_396] : memref<320000xi32, #tpu.memory_space<hbm>> -> memref<8000xi32, #tpu.memory_space<hbm>>
    %dma_start3A_400 = tpu.memref_slice %arg3[%add3A_396] : memref<320000xi32, #tpu.memory_space<hbm>> -> memref<8000xi32, #tpu.memory_space<hbm>>
    tpu.enqueue_dma source(%dma_start3A_400 : memref<8000xi32, #tpu.memory_space<hbm>>) target(%arg8 : memref<8000xi32, #tpu.memory_space<vmem>>) target_semaphore(%arg10 : memref<!tpu.dma_semaphore, #tpu.memory_space<semaphore_mem>>)
    %scan3A_401 = arith.constant 0 : i32
    %scan3A_402 = arith.constant 0 : i32
    %scan3A_403 = arith.constant 125 : i32
    %scan3A_404 = arith.addi %scan3A_402, %scan3A_403 : i32
    %scan3A_405 = arith.constant 1 : i32
    %scan3A_406 = scf.for %scan3A_921 = %scan3A_402 to %scan3A_404 step %scan3A_405 iter_args(%scan3A_922 = %scan3A_401) -> (i32)  : i32 {
      %mul3A_923 = arith.constant 64 : i32
      %mul3A_924 = arith.muli %scan3A_921, %mul3A_923 : i32
      %add3A_925 = arith.constant 0 : i32
      %add3A_926 = arith.addi %mul3A_924, %add3A_925 : i32
      %get3A = arith.index_cast %add3A_926 : i32 to index
      %get3A_927 = tpu.vector_load %arg5[%get3A] {strides = array<i32>} : memref<8000xi32, #tpu.memory_space<vmem>>, vector<16xi32>,
      %get3A_928 = arith.index_cast %add3A_926 : i32 to index
      %get3A_929 = tpu.vector_load %arg7[%get3A_928] {strides = array<i32>} : memref<8000xi32, #tpu.memory_space<vmem>>, vector<16xi32>,
      %mul3A_930 = arith.constant 1024 : i32
      %mul3A_931 = vector.broadcast %mul3A_930 : i32 to vector<16xi32>
      %mul3A_932 = arith.muli %get3A_929, %mul3A_931 : vector<16xi32>
      %add3A_933 = arith.addi %mul3A_932, %get3A_927 : vector<16xi32>
      %sub3A_934 = vector.broadcast %add3A_384 : i32 to vector<16xi32>
      %sub3A_935 = arith.subi %add3A_933, %sub3A_934 : vector<16xi32>
      %ge3A = arith.constant 0 : i32
      %ge3A_936 = vector.broadcast %ge3A : i32 to vector<16xi32>
      %ge3A_937 = arith.cmpi sge, %sub3A_935, %ge3A_936 : vector<16xi32>
      %lt3A_938 = arith.constant 65536 : i32
      %lt3A_939 = vector.broadcast %lt3A_938 : i32 to vector<16xi32>
      %lt3A_940 = arith.cmpi slt, %sub3A_935, %lt3A_939 : vector<16xi32>
      %and3A = arith.andi %ge3A_937, %lt3A_940 : vector<16xi1>
      %jit3A = arith.constant 0 : i32
      %broadcast_in_dim3A_941 = vector.broadcast %jit3A : i32 to vector<16xi32>
      %select_n3A_942 = arith.select %and3A, %sub3A_935, %broadcast_in_dim3A_941 : vector<16xi1>, vector<16xi32>
      tpu.vector_store_idx %arg9[%select_n3A_942], %broadcast_in_dim3A_0 masked %and3A {add = true} : memref<65536xf32, #tpu.memory_space<vmem>>[vector<16xi32>], vector<16xf32>, vector<16xi1>
      %mul3A_943 = arith.constant 64 : i32
      %mul3A_944 = arith.muli %scan3A_921, %mul3A_943 : i32
      %add3A_945 = arith.constant 16 : i32
      %add3A_946 = arith.addi %mul3A_944, %add3A_945 : i32
      %get3A_947 = arith.index_cast %add3A_946 : i32 to index
      %get3A_948 = tpu.vector_load %arg5[%get3A_947] {strides = array<i32>} : memref<8000xi32, #tpu.memory_space<vmem>>, vector<16xi32>,
      %get3A_949 = arith.index_cast %add3A_946 : i32 to index
      %get3A_950 = tpu.vector_load %arg7[%get3A_949] {strides = array<i32>} : memref<8000xi32, #tpu.memory_space<vmem>>, vector<16xi32>,
      %mul3A_951 = arith.constant 1024 : i32
      %mul3A_952 = vector.broadcast %mul3A_951 : i32 to vector<16xi32>
      %mul3A_953 = arith.muli %get3A_950, %mul3A_952 : vector<16xi32>
      %add3A_954 = arith.addi %mul3A_953, %get3A_948 : vector<16xi32>
      %sub3A_955 = vector.broadcast %add3A_384 : i32 to vector<16xi32>
      %sub3A_956 = arith.subi %add3A_954, %sub3A_955 : vector<16xi32>
      %ge3A_957 = arith.constant 0 : i32
      %ge3A_958 = vector.broadcast %ge3A_957 : i32 to vector<16xi32>
      %ge3A_959 = arith.cmpi sge, %sub3A_956, %ge3A_958 : vector<16xi32>
      %lt3A_960 = arith.constant 65536 : i32
      %lt3A_961 = vector.broadcast %lt3A_960 : i32 to vector<16xi32>
      %lt3A_962 = arith.cmpi slt, %sub3A_956, %lt3A_961 : vector<16xi32>
      %and3A_963 = arith.andi %ge3A_959, %lt3A_962 : vector<16xi1>
      %jit3A_964 = arith.constant 0 : i32
      %broadcast_in_dim3A_965 = vector.broadcast %jit3A_964 : i32 to vector<16xi32>
      %select_n3A_966 = arith.select %and3A_963, %sub3A_956, %broadcast_in_dim3A_965 : vector<16xi1>, vector<16xi32>
      tpu.vector_store_idx %arg9[%select_n3A_966], %broadcast_in_dim3A_0 masked %and3A_963 {add = true} : memref<65536xf32, #tpu.memory_space<vmem>>[vector<16xi32>], vector<16xf32>, vector<16xi1>
      %mul3A_967 = arith.constant 64 : i32
      %mul3A_968 = arith.muli %scan3A_921, %mul3A_967 : i32
      %add3A_969 = arith.constant 32 : i32
      %add3A_970 = arith.addi %mul3A_968, %add3A_969 : i32
      %get3A_971 = arith.index_cast %add3A_970 : i32 to index
      %get3A_972 = tpu.vector_load %arg5[%get3A_971] {strides = array<i32>} : memref<8000xi32, #tpu.memory_space<vmem>>, vector<16xi32>,
      %get3A_973 = arith.index_cast %add3A_970 : i32 to index
      %get3A_974 = tpu.vector_load %arg7[%get3A_973] {strides = array<i32>} : memref<8000xi32, #tpu.memory_space<vmem>>, vector<16xi32>,
      %mul3A_975 = arith.constant 1024 : i32
      %mul3A_976 = vector.broadcast %mul3A_975 : i32 to vector<16xi32>
      %mul3A_977 = arith.muli %get3A_974, %mul3A_976 : vector<16xi32>
      %add3A_978 = arith.addi %mul3A_977, %get3A_972 : vector<16xi32>
      %sub3A_979 = vector.broadcast %add3A_384 : i32 to vector<16xi32>
      %sub3A_980 = arith.subi %add3A_978, %sub3A_979 : vector<16xi32>
      %ge3A_981 = arith.constant 0 : i32
      %ge3A_982 = vector.broadcast %ge3A_981 : i32 to vector<16xi32>
      %ge3A_983 = arith.cmpi sge, %sub3A_980, %ge3A_982 : vector<16xi32>
      %lt3A_984 = arith.constant 65536 : i32
      %lt3A_985 = vector.broadcast %lt3A_984 : i32 to vector<16xi32>
      %lt3A_986 = arith.cmpi slt, %sub3A_980, %lt3A_985 : vector<16xi32>
      %and3A_987 = arith.andi %ge3A_983, %lt3A_986 : vector<16xi1>
      %jit3A_988 = arith.constant 0 : i32
      %broadcast_in_dim3A_989 = vector.broadcast %jit3A_988 : i32 to vector<16xi32>
      %select_n3A_990 = arith.select %and3A_987, %sub3A_980, %broadcast_in_dim3A_989 : vector<16xi1>, vector<16xi32>
      tpu.vector_store_idx %arg9[%select_n3A_990], %broadcast_in_dim3A_0 masked %and3A_987 {add = true} : memref<65536xf32, #tpu.memory_space<vmem>>[vector<16xi32>], vector<16xf32>, vector<16xi1>
      %mul3A_991 = arith.constant 64 : i32
      %mul3A_992 = arith.muli %scan3A_921, %mul3A_991 : i32
      %add3A_993 = arith.constant 48 : i32
      %add3A_994 = arith.addi %mul3A_992, %add3A_993 : i32
      %get3A_995 = arith.index_cast %add3A_994 : i32 to index
      %get3A_996 = tpu.vector_load %arg5[%get3A_995] {strides = array<i32>} : memref<8000xi32, #tpu.memory_space<vmem>>, vector<16xi32>,
      %get3A_997 = arith.index_cast %add3A_994 : i32 to index
      %get3A_998 = tpu.vector_load %arg7[%get3A_997] {strides = array<i32>} : memref<8000xi32, #tpu.memory_space<vmem>>, vector<16xi32>,
      %mul3A_999 = arith.constant 1024 : i32
      %mul3A_1000 = vector.broadcast %mul3A_999 : i32 to vector<16xi32>
      %mul3A_1001 = arith.muli %get3A_998, %mul3A_1000 : vector<16xi32>
      %add3A_1002 = arith.addi %mul3A_1001, %get3A_996 : vector<16xi32>
      %sub3A_1003 = vector.broadcast %add3A_384 : i32 to vector<16xi32>
      %sub3A_1004 = arith.subi %add3A_1002, %sub3A_1003 : vector<16xi32>
      %ge3A_1005 = arith.constant 0 : i32
      %ge3A_1006 = vector.broadcast %ge3A_1005 : i32 to vector<16xi32>
      %ge3A_1007 = arith.cmpi sge, %sub3A_1004, %ge3A_1006 : vector<16xi32>
      %lt3A_1008 = arith.constant 65536 : i32
      %lt3A_1009 = vector.broadcast %lt3A_1008 : i32 to vector<16xi32>
      %lt3A_1010 = arith.cmpi slt, %sub3A_1004, %lt3A_1009 : vector<16xi32>
      %and3A_1011 = arith.andi %ge3A_1007, %lt3A_1010 : vector<16xi1>
      %jit3A_1012 = arith.constant 0 : i32
      %broadcast_in_dim3A_1013 = vector.broadcast %jit3A_1012 : i32 to vector<16xi32>
      %select_n3A_1014 = arith.select %and3A_1011, %sub3A_1004, %broadcast_in_dim3A_1013 : vector<16xi1>, vector<16xi32>
      tpu.vector_store_idx %arg9[%select_n3A_1014], %broadcast_in_dim3A_0 masked %and3A_1011 {add = true} : memref<65536xf32, #tpu.memory_space<vmem>>[vector<16xi32>], vector<16xf32>, vector<16xi1>
      %scan3A_1015 = arith.constant 0 : i32
      scf.yield %scan3A_1015 : i32
    }
    %scan3A_407 = arith.constant 125 : i32
    %mul3A_408 = arith.constant 32000 : i32
    %mul3A_409 = arith.muli %add3A_364, %mul3A_408 : i32
    %add3A_410 = arith.constant 8000 : i32
    %add3A_411 = arith.addi %mul3A_409, %add3A_410 : i32
    %dma_wait3A_412 = tpu.memref_slice %arg2[%add3A_411] : memref<320000xi32, #tpu.memory_space<hbm>> -> memref<8000xi32, #tpu.memory_space<hbm>>
    %dma_wait3A_413 = tpu.memref_slice %arg2[%add3A_411] : memref<320000xi32, #tpu.memory_space<hbm>> -> memref<8000xi32, #tpu.memory_space<hbm>>
    tpu.wait_dma2 semaphore(%arg10 : memref<!tpu.dma_semaphore, #tpu.memory_space<semaphore_mem>>) src(%dma_wait3A_413 : memref<8000xi32, #tpu.memory_space<hbm>>) dst(%arg6 : memref<8000xi32, #tpu.memory_space<vmem>>)
    %dma_wait3A_414 = tpu.memref_slice %arg3[%add3A_411] : memref<320000xi32, #tpu.memory_space<hbm>> -> memref<8000xi32, #tpu.memory_space<hbm>>
    %dma_wait3A_415 = tpu.memref_slice %arg3[%add3A_411] : memref<320000xi32, #tpu.memory_space<hbm>> -> memref<8000xi32, #tpu.memory_space<hbm>>
    tpu.wait_dma2 semaphore(%arg10 : memref<!tpu.dma_semaphore, #tpu.memory_space<semaphore_mem>>) src(%dma_wait3A_415 : memref<8000xi32, #tpu.memory_space<hbm>>) dst(%arg8 : memref<8000xi32, #tpu.memory_space<vmem>>)
    %mul3A_416 = arith.constant 32000 : i32
    %mul3A_417 = arith.muli %add3A_364, %mul3A_416 : i32
    %add3A_418 = arith.constant 16000 : i32
    %add3A_419 = arith.addi %mul3A_417, %add3A_418 : i32
    %dma_start3A_420 = tpu.memref_slice %arg2[%add3A_419] : memref<320000xi32, #tpu.memory_space<hbm>> -> memref<8000xi32, #tpu.memory_space<hbm>>
    %dma_start3A_421 = tpu.memref_slice %arg2[%add3A_419] : memref<320000xi32, #tpu.memory_space<hbm>> -> memref<8000xi32, #tpu.memory_space<hbm>>
    tpu.enqueue_dma source(%dma_start3A_421 : memref<8000xi32, #tpu.memory_space<hbm>>) target(%arg5 : memref<8000xi32, #tpu.memory_space<vmem>>) target_semaphore(%arg10 : memref<!tpu.dma_semaphore, #tpu.memory_space<semaphore_mem>>)
    %dma_start3A_422 = tpu.memref_slice %arg3[%add3A_419] : memref<320000xi32, #tpu.memory_space<hbm>> -> memref<8000xi32, #tpu.memory_space<hbm>>
    %dma_start3A_423 = tpu.memref_slice %arg3[%add3A_419] : memref<320000xi32, #tpu.memory_space<hbm>> -> memref<8000xi32, #tpu.memory_space<hbm>>
    tpu.enqueue_dma source(%dma_start3A_423 : memref<8000xi32, #tpu.memory_space<hbm>>) target(%arg7 : memref<8000xi32, #tpu.memory_space<vmem>>) target_semaphore(%arg10 : memref<!tpu.dma_semaphore, #tpu.memory_space<semaphore_mem>>)
    %scan3A_424 = arith.constant 0 : i32
    %scan3A_425 = arith.constant 0 : i32
    %scan3A_426 = arith.constant 125 : i32
    %scan3A_427 = arith.addi %scan3A_425, %scan3A_426 : i32
    %scan3A_428 = arith.constant 1 : i32
    %scan3A_429 = scf.for %scan3A_921 = %scan3A_425 to %scan3A_427 step %scan3A_428 iter_args(%scan3A_922 = %scan3A_424) -> (i32)  : i32 {
      %mul3A_923 = arith.constant 64 : i32
      %mul3A_924 = arith.muli %scan3A_921, %mul3A_923 : i32
      %add3A_925 = arith.constant 0 : i32
      %add3A_926 = arith.addi %mul3A_924, %add3A_925 : i32
      %get3A = arith.index_cast %add3A_926 : i32 to index
      %get3A_927 = tpu.vector_load %arg6[%get3A] {strides = array<i32>} : memref<8000xi32, #tpu.memory_space<vmem>>, vector<16xi32>,
      %get3A_928 = arith.index_cast %add3A_926 : i32 to index
      %get3A_929 = tpu.vector_load %arg8[%get3A_928] {strides = array<i32>} : memref<8000xi32, #tpu.memory_space<vmem>>, vector<16xi32>,
      %mul3A_930 = arith.constant 1024 : i32
      %mul3A_931 = vector.broadcast %mul3A_930 : i32 to vector<16xi32>
      %mul3A_932 = arith.muli %get3A_929, %mul3A_931 : vector<16xi32>
      %add3A_933 = arith.addi %mul3A_932, %get3A_927 : vector<16xi32>
      %sub3A_934 = vector.broadcast %add3A_384 : i32 to vector<16xi32>
      %sub3A_935 = arith.subi %add3A_933, %sub3A_934 : vector<16xi32>
      %ge3A = arith.constant 0 : i32
      %ge3A_936 = vector.broadcast %ge3A : i32 to vector<16xi32>
      %ge3A_937 = arith.cmpi sge, %sub3A_935, %ge3A_936 : vector<16xi32>
      %lt3A_938 = arith.constant 65536 : i32
      %lt3A_939 = vector.broadcast %lt3A_938 : i32 to vector<16xi32>
      %lt3A_940 = arith.cmpi slt, %sub3A_935, %lt3A_939 : vector<16xi32>
      %and3A = arith.andi %ge3A_937, %lt3A_940 : vector<16xi1>
      %jit3A = arith.constant 0 : i32
      %broadcast_in_dim3A_941 = vector.broadcast %jit3A : i32 to vector<16xi32>
      %select_n3A_942 = arith.select %and3A, %sub3A_935, %broadcast_in_dim3A_941 : vector<16xi1>, vector<16xi32>
      tpu.vector_store_idx %arg9[%select_n3A_942], %broadcast_in_dim3A_0 masked %and3A {add = true} : memref<65536xf32, #tpu.memory_space<vmem>>[vector<16xi32>], vector<16xf32>, vector<16xi1>
      %mul3A_943 = arith.constant 64 : i32
      %mul3A_944 = arith.muli %scan3A_921, %mul3A_943 : i32
      %add3A_945 = arith.constant 16 : i32
      %add3A_946 = arith.addi %mul3A_944, %add3A_945 : i32
      %get3A_947 = arith.index_cast %add3A_946 : i32 to index
      %get3A_948 = tpu.vector_load %arg6[%get3A_947] {strides = array<i32>} : memref<8000xi32, #tpu.memory_space<vmem>>, vector<16xi32>,
      %get3A_949 = arith.index_cast %add3A_946 : i32 to index
      %get3A_950 = tpu.vector_load %arg8[%get3A_949] {strides = array<i32>} : memref<8000xi32, #tpu.memory_space<vmem>>, vector<16xi32>,
      %mul3A_951 = arith.constant 1024 : i32
      %mul3A_952 = vector.broadcast %mul3A_951 : i32 to vector<16xi32>
      %mul3A_953 = arith.muli %get3A_950, %mul3A_952 : vector<16xi32>
      %add3A_954 = arith.addi %mul3A_953, %get3A_948 : vector<16xi32>
      %sub3A_955 = vector.broadcast %add3A_384 : i32 to vector<16xi32>
      %sub3A_956 = arith.subi %add3A_954, %sub3A_955 : vector<16xi32>
      %ge3A_957 = arith.constant 0 : i32
      %ge3A_958 = vector.broadcast %ge3A_957 : i32 to vector<16xi32>
      %ge3A_959 = arith.cmpi sge, %sub3A_956, %ge3A_958 : vector<16xi32>
      %lt3A_960 = arith.constant 65536 : i32
      %lt3A_961 = vector.broadcast %lt3A_960 : i32 to vector<16xi32>
      %lt3A_962 = arith.cmpi slt, %sub3A_956, %lt3A_961 : vector<16xi32>
      %and3A_963 = arith.andi %ge3A_959, %lt3A_962 : vector<16xi1>
      %jit3A_964 = arith.constant 0 : i32
      %broadcast_in_dim3A_965 = vector.broadcast %jit3A_964 : i32 to vector<16xi32>
      %select_n3A_966 = arith.select %and3A_963, %sub3A_956, %broadcast_in_dim3A_965 : vector<16xi1>, vector<16xi32>
      tpu.vector_store_idx %arg9[%select_n3A_966], %broadcast_in_dim3A_0 masked %and3A_963 {add = true} : memref<65536xf32, #tpu.memory_space<vmem>>[vector<16xi32>], vector<16xf32>, vector<16xi1>
      %mul3A_967 = arith.constant 64 : i32
      %mul3A_968 = arith.muli %scan3A_921, %mul3A_967 : i32
      %add3A_969 = arith.constant 32 : i32
      %add3A_970 = arith.addi %mul3A_968, %add3A_969 : i32
      %get3A_971 = arith.index_cast %add3A_970 : i32 to index
      %get3A_972 = tpu.vector_load %arg6[%get3A_971] {strides = array<i32>} : memref<8000xi32, #tpu.memory_space<vmem>>, vector<16xi32>,
      %get3A_973 = arith.index_cast %add3A_970 : i32 to index
      %get3A_974 = tpu.vector_load %arg8[%get3A_973] {strides = array<i32>} : memref<8000xi32, #tpu.memory_space<vmem>>, vector<16xi32>,
      %mul3A_975 = arith.constant 1024 : i32
      %mul3A_976 = vector.broadcast %mul3A_975 : i32 to vector<16xi32>
      %mul3A_977 = arith.muli %get3A_974, %mul3A_976 : vector<16xi32>
      %add3A_978 = arith.addi %mul3A_977, %get3A_972 : vector<16xi32>
      %sub3A_979 = vector.broadcast %add3A_384 : i32 to vector<16xi32>
      %sub3A_980 = arith.subi %add3A_978, %sub3A_979 : vector<16xi32>
      %ge3A_981 = arith.constant 0 : i32
      %ge3A_982 = vector.broadcast %ge3A_981 : i32 to vector<16xi32>
      %ge3A_983 = arith.cmpi sge, %sub3A_980, %ge3A_982 : vector<16xi32>
      %lt3A_984 = arith.constant 65536 : i32
      %lt3A_985 = vector.broadcast %lt3A_984 : i32 to vector<16xi32>
      %lt3A_986 = arith.cmpi slt, %sub3A_980, %lt3A_985 : vector<16xi32>
      %and3A_987 = arith.andi %ge3A_983, %lt3A_986 : vector<16xi1>
      %jit3A_988 = arith.constant 0 : i32
      %broadcast_in_dim3A_989 = vector.broadcast %jit3A_988 : i32 to vector<16xi32>
      %select_n3A_990 = arith.select %and3A_987, %sub3A_980, %broadcast_in_dim3A_989 : vector<16xi1>, vector<16xi32>
      tpu.vector_store_idx %arg9[%select_n3A_990], %broadcast_in_dim3A_0 masked %and3A_987 {add = true} : memref<65536xf32, #tpu.memory_space<vmem>>[vector<16xi32>], vector<16xf32>, vector<16xi1>
      %mul3A_991 = arith.constant 64 : i32
      %mul3A_992 = arith.muli %scan3A_921, %mul3A_991 : i32
      %add3A_993 = arith.constant 48 : i32
      %add3A_994 = arith.addi %mul3A_992, %add3A_993 : i32
      %get3A_995 = arith.index_cast %add3A_994 : i32 to index
      %get3A_996 = tpu.vector_load %arg6[%get3A_995] {strides = array<i32>} : memref<8000xi32, #tpu.memory_space<vmem>>, vector<16xi32>,
      %get3A_997 = arith.index_cast %add3A_994 : i32 to index
      %get3A_998 = tpu.vector_load %arg8[%get3A_997] {strides = array<i32>} : memref<8000xi32, #tpu.memory_space<vmem>>, vector<16xi32>,
      %mul3A_999 = arith.constant 1024 : i32
      %mul3A_1000 = vector.broadcast %mul3A_999 : i32 to vector<16xi32>
      %mul3A_1001 = arith.muli %get3A_998, %mul3A_1000 : vector<16xi32>
      %add3A_1002 = arith.addi %mul3A_1001, %get3A_996 : vector<16xi32>
      %sub3A_1003 = vector.broadcast %add3A_384 : i32 to vector<16xi32>
      %sub3A_1004 = arith.subi %add3A_1002, %sub3A_1003 : vector<16xi32>
      %ge3A_1005 = arith.constant 0 : i32
      %ge3A_1006 = vector.broadcast %ge3A_1005 : i32 to vector<16xi32>
      %ge3A_1007 = arith.cmpi sge, %sub3A_1004, %ge3A_1006 : vector<16xi32>
      %lt3A_1008 = arith.constant 65536 : i32
      %lt3A_1009 = vector.broadcast %lt3A_1008 : i32 to vector<16xi32>
      %lt3A_1010 = arith.cmpi slt, %sub3A_1004, %lt3A_1009 : vector<16xi32>
      %and3A_1011 = arith.andi %ge3A_1007, %lt3A_1010 : vector<16xi1>
      %jit3A_1012 = arith.constant 0 : i32
      %broadcast_in_dim3A_1013 = vector.broadcast %jit3A_1012 : i32 to vector<16xi32>
      %select_n3A_1014 = arith.select %and3A_1011, %sub3A_1004, %broadcast_in_dim3A_1013 : vector<16xi1>, vector<16xi32>
      tpu.vector_store_idx %arg9[%select_n3A_1014], %broadcast_in_dim3A_0 masked %and3A_1011 {add = true} : memref<65536xf32, #tpu.memory_space<vmem>>[vector<16xi32>], vector<16xf32>, vector<16xi1>
      %scan3A_1015 = arith.constant 0 : i32
      scf.yield %scan3A_1015 : i32
    }
    %scan3A_430 = arith.constant 125 : i32
    %mul3A_431 = arith.constant 32000 : i32
    %mul3A_432 = arith.muli %add3A_364, %mul3A_431 : i32
    %add3A_433 = arith.constant 16000 : i32
    %add3A_434 = arith.addi %mul3A_432, %add3A_433 : i32
    %dma_wait3A_435 = tpu.memref_slice %arg2[%add3A_434] : memref<320000xi32, #tpu.memory_space<hbm>> -> memref<8000xi32, #tpu.memory_space<hbm>>
    %dma_wait3A_436 = tpu.memref_slice %arg2[%add3A_434] : memref<320000xi32, #tpu.memory_space<hbm>> -> memref<8000xi32, #tpu.memory_space<hbm>>
    tpu.wait_dma2 semaphore(%arg10 : memref<!tpu.dma_semaphore, #tpu.memory_space<semaphore_mem>>) src(%dma_wait3A_436 : memref<8000xi32, #tpu.memory_space<hbm>>) dst(%arg5 : memref<8000xi32, #tpu.memory_space<vmem>>)
    %dma_wait3A_437 = tpu.memref_slice %arg3[%add3A_434] : memref<320000xi32, #tpu.memory_space<hbm>> -> memref<8000xi32, #tpu.memory_space<hbm>>
    %dma_wait3A_438 = tpu.memref_slice %arg3[%add3A_434] : memref<320000xi32, #tpu.memory_space<hbm>> -> memref<8000xi32, #tpu.memory_space<hbm>>
    tpu.wait_dma2 semaphore(%arg10 : memref<!tpu.dma_semaphore, #tpu.memory_space<semaphore_mem>>) src(%dma_wait3A_438 : memref<8000xi32, #tpu.memory_space<hbm>>) dst(%arg7 : memref<8000xi32, #tpu.memory_space<vmem>>)
    %mul3A_439 = arith.constant 32000 : i32
    %mul3A_440 = arith.muli %add3A_364, %mul3A_439 : i32
    %add3A_441 = arith.constant 24000 : i32
    %add3A_442 = arith.addi %mul3A_440, %add3A_441 : i32
    %dma_start3A_443 = tpu.memref_slice %arg2[%add3A_442] : memref<320000xi32, #tpu.memory_space<hbm>> -> memref<8000xi32, #tpu.memory_space<hbm>>
    %dma_start3A_444 = tpu.memref_slice %arg2[%add3A_442] : memref<320000xi32, #tpu.memory_space<hbm>> -> memref<8000xi32, #tpu.memory_space<hbm>>
    tpu.enqueue_dma source(%dma_start3A_444 : memref<8000xi32, #tpu.memory_space<hbm>>) target(%arg6 : memref<8000xi32, #tpu.memory_space<vmem>>) target_semaphore(%arg10 : memref<!tpu.dma_semaphore, #tpu.memory_space<semaphore_mem>>)
    %dma_start3A_445 = tpu.memref_slice %arg3[%add3A_442] : memref<320000xi32, #tpu.memory_space<hbm>> -> memref<8000xi32, #tpu.memory_space<hbm>>
    %dma_start3A_446 = tpu.memref_slice %arg3[%add3A_442] : memref<320000xi32, #tpu.memory_space<hbm>> -> memref<8000xi32, #tpu.memory_space<hbm>>
    tpu.enqueue_dma source(%dma_start3A_446 : memref<8000xi32, #tpu.memory_space<hbm>>) target(%arg8 : memref<8000xi32, #tpu.memory_space<vmem>>) target_semaphore(%arg10 : memref<!tpu.dma_semaphore, #tpu.memory_space<semaphore_mem>>)
    %scan3A_447 = arith.constant 0 : i32
    %scan3A_448 = arith.constant 0 : i32
    %scan3A_449 = arith.constant 125 : i32
    %scan3A_450 = arith.addi %scan3A_448, %scan3A_449 : i32
    %scan3A_451 = arith.constant 1 : i32
    %scan3A_452 = scf.for %scan3A_921 = %scan3A_448 to %scan3A_450 step %scan3A_451 iter_args(%scan3A_922 = %scan3A_447) -> (i32)  : i32 {
      %mul3A_923 = arith.constant 64 : i32
      %mul3A_924 = arith.muli %scan3A_921, %mul3A_923 : i32
      %add3A_925 = arith.constant 0 : i32
      %add3A_926 = arith.addi %mul3A_924, %add3A_925 : i32
      %get3A = arith.index_cast %add3A_926 : i32 to index
      %get3A_927 = tpu.vector_load %arg5[%get3A] {strides = array<i32>} : memref<8000xi32, #tpu.memory_space<vmem>>, vector<16xi32>,
      %get3A_928 = arith.index_cast %add3A_926 : i32 to index
      %get3A_929 = tpu.vector_load %arg7[%get3A_928] {strides = array<i32>} : memref<8000xi32, #tpu.memory_space<vmem>>, vector<16xi32>,
      %mul3A_930 = arith.constant 1024 : i32
      %mul3A_931 = vector.broadcast %mul3A_930 : i32 to vector<16xi32>
      %mul3A_932 = arith.muli %get3A_929, %mul3A_931 : vector<16xi32>
      %add3A_933 = arith.addi %mul3A_932, %get3A_927 : vector<16xi32>
      %sub3A_934 = vector.broadcast %add3A_384 : i32 to vector<16xi32>
      %sub3A_935 = arith.subi %add3A_933, %sub3A_934 : vector<16xi32>
      %ge3A = arith.constant 0 : i32
      %ge3A_936 = vector.broadcast %ge3A : i32 to vector<16xi32>
      %ge3A_937 = arith.cmpi sge, %sub3A_935, %ge3A_936 : vector<16xi32>
      %lt3A_938 = arith.constant 65536 : i32
      %lt3A_939 = vector.broadcast %lt3A_938 : i32 to vector<16xi32>
      %lt3A_940 = arith.cmpi slt, %sub3A_935, %lt3A_939 : vector<16xi32>
      %and3A = arith.andi %ge3A_937, %lt3A_940 : vector<16xi1>
      %jit3A = arith.constant 0 : i32
      %broadcast_in_dim3A_941 = vector.broadcast %jit3A : i32 to vector<16xi32>
      %select_n3A_942 = arith.select %and3A, %sub3A_935, %broadcast_in_dim3A_941 : vector<16xi1>, vector<16xi32>
      tpu.vector_store_idx %arg9[%select_n3A_942], %broadcast_in_dim3A_0 masked %and3A {add = true} : memref<65536xf32, #tpu.memory_space<vmem>>[vector<16xi32>], vector<16xf32>, vector<16xi1>
      %mul3A_943 = arith.constant 64 : i32
      %mul3A_944 = arith.muli %scan3A_921, %mul3A_943 : i32
      %add3A_945 = arith.constant 16 : i32
      %add3A_946 = arith.addi %mul3A_944, %add3A_945 : i32
      %get3A_947 = arith.index_cast %add3A_946 : i32 to index
      %get3A_948 = tpu.vector_load %arg5[%get3A_947] {strides = array<i32>} : memref<8000xi32, #tpu.memory_space<vmem>>, vector<16xi32>,
      %get3A_949 = arith.index_cast %add3A_946 : i32 to index
      %get3A_950 = tpu.vector_load %arg7[%get3A_949] {strides = array<i32>} : memref<8000xi32, #tpu.memory_space<vmem>>, vector<16xi32>,
      %mul3A_951 = arith.constant 1024 : i32
      %mul3A_952 = vector.broadcast %mul3A_951 : i32 to vector<16xi32>
      %mul3A_953 = arith.muli %get3A_950, %mul3A_952 : vector<16xi32>
      %add3A_954 = arith.addi %mul3A_953, %get3A_948 : vector<16xi32>
      %sub3A_955 = vector.broadcast %add3A_384 : i32 to vector<16xi32>
      %sub3A_956 = arith.subi %add3A_954, %sub3A_955 : vector<16xi32>
      %ge3A_957 = arith.constant 0 : i32
      %ge3A_958 = vector.broadcast %ge3A_957 : i32 to vector<16xi32>
      %ge3A_959 = arith.cmpi sge, %sub3A_956, %ge3A_958 : vector<16xi32>
      %lt3A_960 = arith.constant 65536 : i32
      %lt3A_961 = vector.broadcast %lt3A_960 : i32 to vector<16xi32>
      %lt3A_962 = arith.cmpi slt, %sub3A_956, %lt3A_961 : vector<16xi32>
      %and3A_963 = arith.andi %ge3A_959, %lt3A_962 : vector<16xi1>
      %jit3A_964 = arith.constant 0 : i32
      %broadcast_in_dim3A_965 = vector.broadcast %jit3A_964 : i32 to vector<16xi32>
      %select_n3A_966 = arith.select %and3A_963, %sub3A_956, %broadcast_in_dim3A_965 : vector<16xi1>, vector<16xi32>
      tpu.vector_store_idx %arg9[%select_n3A_966], %broadcast_in_dim3A_0 masked %and3A_963 {add = true} : memref<65536xf32, #tpu.memory_space<vmem>>[vector<16xi32>], vector<16xf32>, vector<16xi1>
      %mul3A_967 = arith.constant 64 : i32
      %mul3A_968 = arith.muli %scan3A_921, %mul3A_967 : i32
      %add3A_969 = arith.constant 32 : i32
      %add3A_970 = arith.addi %mul3A_968, %add3A_969 : i32
      %get3A_971 = arith.index_cast %add3A_970 : i32 to index
      %get3A_972 = tpu.vector_load %arg5[%get3A_971] {strides = array<i32>} : memref<8000xi32, #tpu.memory_space<vmem>>, vector<16xi32>,
      %get3A_973 = arith.index_cast %add3A_970 : i32 to index
      %get3A_974 = tpu.vector_load %arg7[%get3A_973] {strides = array<i32>} : memref<8000xi32, #tpu.memory_space<vmem>>, vector<16xi32>,
      %mul3A_975 = arith.constant 1024 : i32
      %mul3A_976 = vector.broadcast %mul3A_975 : i32 to vector<16xi32>
      %mul3A_977 = arith.muli %get3A_974, %mul3A_976 : vector<16xi32>
      %add3A_978 = arith.addi %mul3A_977, %get3A_972 : vector<16xi32>
      %sub3A_979 = vector.broadcast %add3A_384 : i32 to vector<16xi32>
      %sub3A_980 = arith.subi %add3A_978, %sub3A_979 : vector<16xi32>
      %ge3A_981 = arith.constant 0 : i32
      %ge3A_982 = vector.broadcast %ge3A_981 : i32 to vector<16xi32>
      %ge3A_983 = arith.cmpi sge, %sub3A_980, %ge3A_982 : vector<16xi32>
      %lt3A_984 = arith.constant 65536 : i32
      %lt3A_985 = vector.broadcast %lt3A_984 : i32 to vector<16xi32>
      %lt3A_986 = arith.cmpi slt, %sub3A_980, %lt3A_985 : vector<16xi32>
      %and3A_987 = arith.andi %ge3A_983, %lt3A_986 : vector<16xi1>
      %jit3A_988 = arith.constant 0 : i32
      %broadcast_in_dim3A_989 = vector.broadcast %jit3A_988 : i32 to vector<16xi32>
      %select_n3A_990 = arith.select %and3A_987, %sub3A_980, %broadcast_in_dim3A_989 : vector<16xi1>, vector<16xi32>
      tpu.vector_store_idx %arg9[%select_n3A_990], %broadcast_in_dim3A_0 masked %and3A_987 {add = true} : memref<65536xf32, #tpu.memory_space<vmem>>[vector<16xi32>], vector<16xf32>, vector<16xi1>
      %mul3A_991 = arith.constant 64 : i32
      %mul3A_992 = arith.muli %scan3A_921, %mul3A_991 : i32
      %add3A_993 = arith.constant 48 : i32
      %add3A_994 = arith.addi %mul3A_992, %add3A_993 : i32
      %get3A_995 = arith.index_cast %add3A_994 : i32 to index
      %get3A_996 = tpu.vector_load %arg5[%get3A_995] {strides = array<i32>} : memref<8000xi32, #tpu.memory_space<vmem>>, vector<16xi32>,
      %get3A_997 = arith.index_cast %add3A_994 : i32 to index
      %get3A_998 = tpu.vector_load %arg7[%get3A_997] {strides = array<i32>} : memref<8000xi32, #tpu.memory_space<vmem>>, vector<16xi32>,
      %mul3A_999 = arith.constant 1024 : i32
      %mul3A_1000 = vector.broadcast %mul3A_999 : i32 to vector<16xi32>
      %mul3A_1001 = arith.muli %get3A_998, %mul3A_1000 : vector<16xi32>
      %add3A_1002 = arith.addi %mul3A_1001, %get3A_996 : vector<16xi32>
      %sub3A_1003 = vector.broadcast %add3A_384 : i32 to vector<16xi32>
      %sub3A_1004 = arith.subi %add3A_1002, %sub3A_1003 : vector<16xi32>
      %ge3A_1005 = arith.constant 0 : i32
      %ge3A_1006 = vector.broadcast %ge3A_1005 : i32 to vector<16xi32>
      %ge3A_1007 = arith.cmpi sge, %sub3A_1004, %ge3A_1006 : vector<16xi32>
      %lt3A_1008 = arith.constant 65536 : i32
      %lt3A_1009 = vector.broadcast %lt3A_1008 : i32 to vector<16xi32>
      %lt3A_1010 = arith.cmpi slt, %sub3A_1004, %lt3A_1009 : vector<16xi32>
      %and3A_1011 = arith.andi %ge3A_1007, %lt3A_1010 : vector<16xi1>
      %jit3A_1012 = arith.constant 0 : i32
      %broadcast_in_dim3A_1013 = vector.broadcast %jit3A_1012 : i32 to vector<16xi32>
      %select_n3A_1014 = arith.select %and3A_1011, %sub3A_1004, %broadcast_in_dim3A_1013 : vector<16xi1>, vector<16xi32>
      tpu.vector_store_idx %arg9[%select_n3A_1014], %broadcast_in_dim3A_0 masked %and3A_1011 {add = true} : memref<65536xf32, #tpu.memory_space<vmem>>[vector<16xi32>], vector<16xf32>, vector<16xi1>
      %scan3A_1015 = arith.constant 0 : i32
      scf.yield %scan3A_1015 : i32
    }
    %scan3A_453 = arith.constant 125 : i32
    %mul3A_454 = arith.constant 32000 : i32
    %mul3A_455 = arith.muli %add3A_364, %mul3A_454 : i32
    %add3A_456 = arith.constant 24000 : i32
    %add3A_457 = arith.addi %mul3A_455, %add3A_456 : i32
    %dma_wait3A_458 = tpu.memref_slice %arg2[%add3A_457] : memref<320000xi32, #tpu.memory_space<hbm>> -> memref<8000xi32, #tpu.memory_space<hbm>>
    %dma_wait3A_459 = tpu.memref_slice %arg2[%add3A_457] : memref<320000xi32, #tpu.memory_space<hbm>> -> memref<8000xi32, #tpu.memory_space<hbm>>
    tpu.wait_dma2 semaphore(%arg10 : memref<!tpu.dma_semaphore, #tpu.memory_space<semaphore_mem>>) src(%dma_wait3A_459 : memref<8000xi32, #tpu.memory_space<hbm>>) dst(%arg6 : memref<8000xi32, #tpu.memory_space<vmem>>)
    %dma_wait3A_460 = tpu.memref_slice %arg3[%add3A_457] : memref<320000xi32, #tpu.memory_space<hbm>> -> memref<8000xi32, #tpu.memory_space<hbm>>
    %dma_wait3A_461 = tpu.memref_slice %arg3[%add3A_457] : memref<320000xi32, #tpu.memory_space<hbm>> -> memref<8000xi32, #tpu.memory_space<hbm>>
    tpu.wait_dma2 semaphore(%arg10 : memref<!tpu.dma_semaphore, #tpu.memory_space<semaphore_mem>>) src(%dma_wait3A_461 : memref<8000xi32, #tpu.memory_space<hbm>>) dst(%arg8 : memref<8000xi32, #tpu.memory_space<vmem>>)
    %scan3A_462 = arith.constant 0 : i32
    %scan3A_463 = arith.constant 0 : i32
    %scan3A_464 = arith.constant 125 : i32
    %scan3A_465 = arith.addi %scan3A_463, %scan3A_464 : i32
    %scan3A_466 = arith.constant 1 : i32
    %scan3A_467 = scf.for %scan3A_921 = %scan3A_463 to %scan3A_465 step %scan3A_466 iter_args(%scan3A_922 = %scan3A_462) -> (i32)  : i32 {
      %mul3A_923 = arith.constant 64 : i32
      %mul3A_924 = arith.muli %scan3A_921, %mul3A_923 : i32
      %add3A_925 = arith.constant 0 : i32
      %add3A_926 = arith.addi %mul3A_924, %add3A_925 : i32
      %get3A = arith.index_cast %add3A_926 : i32 to index
      %get3A_927 = tpu.vector_load %arg6[%get3A] {strides = array<i32>} : memref<8000xi32, #tpu.memory_space<vmem>>, vector<16xi32>,
      %get3A_928 = arith.index_cast %add3A_926 : i32 to index
      %get3A_929 = tpu.vector_load %arg8[%get3A_928] {strides = array<i32>} : memref<8000xi32, #tpu.memory_space<vmem>>, vector<16xi32>,
      %mul3A_930 = arith.constant 1024 : i32
      %mul3A_931 = vector.broadcast %mul3A_930 : i32 to vector<16xi32>
      %mul3A_932 = arith.muli %get3A_929, %mul3A_931 : vector<16xi32>
      %add3A_933 = arith.addi %mul3A_932, %get3A_927 : vector<16xi32>
      %sub3A_934 = vector.broadcast %add3A_384 : i32 to vector<16xi32>
      %sub3A_935 = arith.subi %add3A_933, %sub3A_934 : vector<16xi32>
      %ge3A = arith.constant 0 : i32
      %ge3A_936 = vector.broadcast %ge3A : i32 to vector<16xi32>
      %ge3A_937 = arith.cmpi sge, %sub3A_935, %ge3A_936 : vector<16xi32>
      %lt3A_938 = arith.constant 65536 : i32
      %lt3A_939 = vector.broadcast %lt3A_938 : i32 to vector<16xi32>
      %lt3A_940 = arith.cmpi slt, %sub3A_935, %lt3A_939 : vector<16xi32>
      %and3A = arith.andi %ge3A_937, %lt3A_940 : vector<16xi1>
      %jit3A = arith.constant 0 : i32
      %broadcast_in_dim3A_941 = vector.broadcast %jit3A : i32 to vector<16xi32>
      %select_n3A_942 = arith.select %and3A, %sub3A_935, %broadcast_in_dim3A_941 : vector<16xi1>, vector<16xi32>
      tpu.vector_store_idx %arg9[%select_n3A_942], %broadcast_in_dim3A_0 masked %and3A {add = true} : memref<65536xf32, #tpu.memory_space<vmem>>[vector<16xi32>], vector<16xf32>, vector<16xi1>
      %mul3A_943 = arith.constant 64 : i32
      %mul3A_944 = arith.muli %scan3A_921, %mul3A_943 : i32
      %add3A_945 = arith.constant 16 : i32
      %add3A_946 = arith.addi %mul3A_944, %add3A_945 : i32
      %get3A_947 = arith.index_cast %add3A_946 : i32 to index
      %get3A_948 = tpu.vector_load %arg6[%get3A_947] {strides = array<i32>} : memref<8000xi32, #tpu.memory_space<vmem>>, vector<16xi32>,
      %get3A_949 = arith.index_cast %add3A_946 : i32 to index
      %get3A_950 = tpu.vector_load %arg8[%get3A_949] {strides = array<i32>} : memref<8000xi32, #tpu.memory_space<vmem>>, vector<16xi32>,
      %mul3A_951 = arith.constant 1024 : i32
      %mul3A_952 = vector.broadcast %mul3A_951 : i32 to vector<16xi32>
      %mul3A_953 = arith.muli %get3A_950, %mul3A_952 : vector<16xi32>
      %add3A_954 = arith.addi %mul3A_953, %get3A_948 : vector<16xi32>
      %sub3A_955 = vector.broadcast %add3A_384 : i32 to vector<16xi32>
      %sub3A_956 = arith.subi %add3A_954, %sub3A_955 : vector<16xi32>
      %ge3A_957 = arith.constant 0 : i32
      %ge3A_958 = vector.broadcast %ge3A_957 : i32 to vector<16xi32>
      %ge3A_959 = arith.cmpi sge, %sub3A_956, %ge3A_958 : vector<16xi32>
      %lt3A_960 = arith.constant 65536 : i32
      %lt3A_961 = vector.broadcast %lt3A_960 : i32 to vector<16xi32>
      %lt3A_962 = arith.cmpi slt, %sub3A_956, %lt3A_961 : vector<16xi32>
      %and3A_963 = arith.andi %ge3A_959, %lt3A_962 : vector<16xi1>
      %jit3A_964 = arith.constant 0 : i32
      %broadcast_in_dim3A_965 = vector.broadcast %jit3A_964 : i32 to vector<16xi32>
      %select_n3A_966 = arith.select %and3A_963, %sub3A_956, %broadcast_in_dim3A_965 : vector<16xi1>, vector<16xi32>
      tpu.vector_store_idx %arg9[%select_n3A_966], %broadcast_in_dim3A_0 masked %and3A_963 {add = true} : memref<65536xf32, #tpu.memory_space<vmem>>[vector<16xi32>], vector<16xf32>, vector<16xi1>
      %mul3A_967 = arith.constant 64 : i32
      %mul3A_968 = arith.muli %scan3A_921, %mul3A_967 : i32
      %add3A_969 = arith.constant 32 : i32
      %add3A_970 = arith.addi %mul3A_968, %add3A_969 : i32
      %get3A_971 = arith.index_cast %add3A_970 : i32 to index
      %get3A_972 = tpu.vector_load %arg6[%get3A_971] {strides = array<i32>} : memref<8000xi32, #tpu.memory_space<vmem>>, vector<16xi32>,
      %get3A_973 = arith.index_cast %add3A_970 : i32 to index
      %get3A_974 = tpu.vector_load %arg8[%get3A_973] {strides = array<i32>} : memref<8000xi32, #tpu.memory_space<vmem>>, vector<16xi32>,
      %mul3A_975 = arith.constant 1024 : i32
      %mul3A_976 = vector.broadcast %mul3A_975 : i32 to vector<16xi32>
      %mul3A_977 = arith.muli %get3A_974, %mul3A_976 : vector<16xi32>
      %add3A_978 = arith.addi %mul3A_977, %get3A_972 : vector<16xi32>
      %sub3A_979 = vector.broadcast %add3A_384 : i32 to vector<16xi32>
      %sub3A_980 = arith.subi %add3A_978, %sub3A_979 : vector<16xi32>
      %ge3A_981 = arith.constant 0 : i32
      %ge3A_982 = vector.broadcast %ge3A_981 : i32 to vector<16xi32>
      %ge3A_983 = arith.cmpi sge, %sub3A_980, %ge3A_982 : vector<16xi32>
      %lt3A_984 = arith.constant 65536 : i32
      %lt3A_985 = vector.broadcast %lt3A_984 : i32 to vector<16xi32>
      %lt3A_986 = arith.cmpi slt, %sub3A_980, %lt3A_985 : vector<16xi32>
      %and3A_987 = arith.andi %ge3A_983, %lt3A_986 : vector<16xi1>
      %jit3A_988 = arith.constant 0 : i32
      %broadcast_in_dim3A_989 = vector.broadcast %jit3A_988 : i32 to vector<16xi32>
      %select_n3A_990 = arith.select %and3A_987, %sub3A_980, %broadcast_in_dim3A_989 : vector<16xi1>, vector<16xi32>
      tpu.vector_store_idx %arg9[%select_n3A_990], %broadcast_in_dim3A_0 masked %and3A_987 {add = true} : memref<65536xf32, #tpu.memory_space<vmem>>[vector<16xi32>], vector<16xf32>, vector<16xi1>
      %mul3A_991 = arith.constant 64 : i32
      %mul3A_992 = arith.muli %scan3A_921, %mul3A_991 : i32
      %add3A_993 = arith.constant 48 : i32
      %add3A_994 = arith.addi %mul3A_992, %add3A_993 : i32
      %get3A_995 = arith.index_cast %add3A_994 : i32 to index
      %get3A_996 = tpu.vector_load %arg6[%get3A_995] {strides = array<i32>} : memref<8000xi32, #tpu.memory_space<vmem>>, vector<16xi32>,
      %get3A_997 = arith.index_cast %add3A_994 : i32 to index
      %get3A_998 = tpu.vector_load %arg8[%get3A_997] {strides = array<i32>} : memref<8000xi32, #tpu.memory_space<vmem>>, vector<16xi32>,
      %mul3A_999 = arith.constant 1024 : i32
      %mul3A_1000 = vector.broadcast %mul3A_999 : i32 to vector<16xi32>
      %mul3A_1001 = arith.muli %get3A_998, %mul3A_1000 : vector<16xi32>
      %add3A_1002 = arith.addi %mul3A_1001, %get3A_996 : vector<16xi32>
      %sub3A_1003 = vector.broadcast %add3A_384 : i32 to vector<16xi32>
      %sub3A_1004 = arith.subi %add3A_1002, %sub3A_1003 : vector<16xi32>
      %ge3A_1005 = arith.constant 0 : i32
      %ge3A_1006 = vector.broadcast %ge3A_1005 : i32 to vector<16xi32>
      %ge3A_1007 = arith.cmpi sge, %sub3A_1004, %ge3A_1006 : vector<16xi32>
      %lt3A_1008 = arith.constant 65536 : i32
      %lt3A_1009 = vector.broadcast %lt3A_1008 : i32 to vector<16xi32>
      %lt3A_1010 = arith.cmpi slt, %sub3A_1004, %lt3A_1009 : vector<16xi32>
      %and3A_1011 = arith.andi %ge3A_1007, %lt3A_1010 : vector<16xi1>
      %jit3A_1012 = arith.constant 0 : i32
      %broadcast_in_dim3A_1013 = vector.broadcast %jit3A_1012 : i32 to vector<16xi32>
      %select_n3A_1014 = arith.select %and3A_1011, %sub3A_1004, %broadcast_in_dim3A_1013 : vector<16xi1>, vector<16xi32>
      tpu.vector_store_idx %arg9[%select_n3A_1014], %broadcast_in_dim3A_0 masked %and3A_1011 {add = true} : memref<65536xf32, #tpu.memory_space<vmem>>[vector<16xi32>], vector<16xf32>, vector<16xi1>
      %scan3A_1015 = arith.constant 0 : i32
      scf.yield %scan3A_1015 : i32
    }
    %scan3A_468 = arith.constant 125 : i32
    %add3A_469 = arith.constant 0 : i32
    %add3A_470 = arith.addi %mul3A_1, %add3A_469 : i32
    %iota3A_471 = tpu.iota {dimensions = array<i32: 0>} : vector<16xi32>
    %add3A_472 = vector.broadcast %add3A_470 : i32 to vector<16xi32>
    %add3A_473 = arith.addi %add3A_472, %iota3A_471 : vector<16xi32>
    %lt3A_474 = arith.constant 1000 : i32
    %lt3A_475 = vector.broadcast %lt3A_474 : i32 to vector<16xi32>
    %lt3A_476 = arith.cmpi slt, %add3A_473, %lt3A_475 : vector<16xi32>
    %sub3A_477 = vector.broadcast %mul3A_1 : i32 to vector<16xi32>
    %sub3A_478 = arith.subi %add3A_473, %sub3A_477 : vector<16xi32>
    %mul3A_479 = arith.constant 1024 : i32
    %mul3A_480 = vector.broadcast %mul3A_479 : i32 to vector<16xi32>
    %mul3A_481 = arith.muli %sub3A_478, %mul3A_480 : vector<16xi32>
    %add3A_482 = arith.addi %mul3A_481, %add3A_473 : vector<16xi32>
    %broadcast_in_dim3A_483 = arith.constant 0 : i32
    %broadcast_in_dim3A_484 = vector.broadcast %broadcast_in_dim3A_483 : i32 to vector<16xi32>
    %select_n3A_485 = arith.select %lt3A_476, %add3A_482, %broadcast_in_dim3A_484 : vector<16xi1>, vector<16xi32>
    tpu.vector_store_idx %arg9[%select_n3A_485], %broadcast_in_dim3A_0 masked %lt3A_476 {add = true} : memref<65536xf32, #tpu.memory_space<vmem>>[vector<16xi32>], vector<16xf32>, vector<16xi1>
    %add3A_486 = arith.constant 16 : i32
    %add3A_487 = arith.addi %mul3A_1, %add3A_486 : i32
    %iota3A_488 = tpu.iota {dimensions = array<i32: 0>} : vector<16xi32>
    %add3A_489 = vector.broadcast %add3A_487 : i32 to vector<16xi32>
    %add3A_490 = arith.addi %add3A_489, %iota3A_488 : vector<16xi32>
    %lt3A_491 = arith.constant 1000 : i32
    %lt3A_492 = vector.broadcast %lt3A_491 : i32 to vector<16xi32>
    %lt3A_493 = arith.cmpi slt, %add3A_490, %lt3A_492 : vector<16xi32>
    %sub3A_494 = vector.broadcast %mul3A_1 : i32 to vector<16xi32>
    %sub3A_495 = arith.subi %add3A_490, %sub3A_494 : vector<16xi32>
    %mul3A_496 = arith.constant 1024 : i32
    %mul3A_497 = vector.broadcast %mul3A_496 : i32 to vector<16xi32>
    %mul3A_498 = arith.muli %sub3A_495, %mul3A_497 : vector<16xi32>
    %add3A_499 = arith.addi %mul3A_498, %add3A_490 : vector<16xi32>
    %broadcast_in_dim3A_500 = arith.constant 0 : i32
    %broadcast_in_dim3A_501 = vector.broadcast %broadcast_in_dim3A_500 : i32 to vector<16xi32>
    %select_n3A_502 = arith.select %lt3A_493, %add3A_499, %broadcast_in_dim3A_501 : vector<16xi1>, vector<16xi32>
    tpu.vector_store_idx %arg9[%select_n3A_502], %broadcast_in_dim3A_0 masked %lt3A_493 {add = true} : memref<65536xf32, #tpu.memory_space<vmem>>[vector<16xi32>], vector<16xf32>, vector<16xi1>
    %add3A_503 = arith.constant 32 : i32
    %add3A_504 = arith.addi %mul3A_1, %add3A_503 : i32
    %iota3A_505 = tpu.iota {dimensions = array<i32: 0>} : vector<16xi32>
    %add3A_506 = vector.broadcast %add3A_504 : i32 to vector<16xi32>
    %add3A_507 = arith.addi %add3A_506, %iota3A_505 : vector<16xi32>
    %lt3A_508 = arith.constant 1000 : i32
    %lt3A_509 = vector.broadcast %lt3A_508 : i32 to vector<16xi32>
    %lt3A_510 = arith.cmpi slt, %add3A_507, %lt3A_509 : vector<16xi32>
    %sub3A_511 = vector.broadcast %mul3A_1 : i32 to vector<16xi32>
    %sub3A_512 = arith.subi %add3A_507, %sub3A_511 : vector<16xi32>
    %mul3A_513 = arith.constant 1024 : i32
    %mul3A_514 = vector.broadcast %mul3A_513 : i32 to vector<16xi32>
    %mul3A_515 = arith.muli %sub3A_512, %mul3A_514 : vector<16xi32>
    %add3A_516 = arith.addi %mul3A_515, %add3A_507 : vector<16xi32>
    %broadcast_in_dim3A_517 = arith.constant 0 : i32
    %broadcast_in_dim3A_518 = vector.broadcast %broadcast_in_dim3A_517 : i32 to vector<16xi32>
    %select_n3A_519 = arith.select %lt3A_510, %add3A_516, %broadcast_in_dim3A_518 : vector<16xi1>, vector<16xi32>
    tpu.vector_store_idx %arg9[%select_n3A_519], %broadcast_in_dim3A_0 masked %lt3A_510 {add = true} : memref<65536xf32, #tpu.memory_space<vmem>>[vector<16xi32>], vector<16xf32>, vector<16xi1>
    %add3A_520 = arith.constant 48 : i32
    %add3A_521 = arith.addi %mul3A_1, %add3A_520 : i32
    %iota3A_522 = tpu.iota {dimensions = array<i32: 0>} : vector<16xi32>
    %add3A_523 = vector.broadcast %add3A_521 : i32 to vector<16xi32>
    %add3A_524 = arith.addi %add3A_523, %iota3A_522 : vector<16xi32>
    %lt3A_525 = arith.constant 1000 : i32
    %lt3A_526 = vector.broadcast %lt3A_525 : i32 to vector<16xi32>
    %lt3A_527 = arith.cmpi slt, %add3A_524, %lt3A_526 : vector<16xi32>
    %sub3A_528 = vector.broadcast %mul3A_1 : i32 to vector<16xi32>
    %sub3A_529 = arith.subi %add3A_524, %sub3A_528 : vector<16xi32>
    %mul3A_530 = arith.constant 1024 : i32
    %mul3A_531 = vector.broadcast %mul3A_530 : i32 to vector<16xi32>
    %mul3A_532 = arith.muli %sub3A_529, %mul3A_531 : vector<16xi32>
    %add3A_533 = arith.addi %mul3A_532, %add3A_524 : vector<16xi32>
    %broadcast_in_dim3A_534 = arith.constant 0 : i32
    %broadcast_in_dim3A_535 = vector.broadcast %broadcast_in_dim3A_534 : i32 to vector<16xi32>
    %select_n3A_536 = arith.select %lt3A_527, %add3A_533, %broadcast_in_dim3A_535 : vector<16xi1>, vector<16xi32>
    tpu.vector_store_idx %arg9[%select_n3A_536], %broadcast_in_dim3A_0 masked %lt3A_527 {add = true} : memref<65536xf32, #tpu.memory_space<vmem>>[vector<16xi32>], vector<16xf32>, vector<16xi1>
    %mul3A_537 = arith.constant 1024000 : i32
    %mul3A_538 = arith.muli %add3A_364, %mul3A_537 : i32
    %lt3A_539 = arith.constant 15 : i32
    %lt3A_540 = arith.cmpi slt, %arg1, %lt3A_539 : i32
    %convert_element_type3A_541 = arith.extui %lt3A_540 : i1 to i32
    %cond3A_542 = arith.constant 0 : i32
    %cond3A_543 = arith.cmpi ne, %convert_element_type3A_541, %cond3A_542 : i32
    scf.if %cond3A_543 {
      %mul3A_921 = arith.constant 65536 : i32
      %mul3A_922 = arith.muli %arg1, %mul3A_921 : i32
      %add3A_923 = arith.addi %mul3A_538, %mul3A_922 : i32
      "tpu.region"() ({
        %run_scoped3A = tpu.sem_alloc : memref<!tpu.dma_semaphore, #tpu.memory_space<semaphore_mem>>
        %dma_start3A_924 = tpu.memref_slice %arg4[%add3A_923] : memref<10240000xf32, #tpu.memory_space<hbm>> -> memref<65536xf32, #tpu.memory_space<hbm>>
        %dma_start3A_925 = tpu.memref_slice %arg4[%add3A_923] : memref<10240000xf32, #tpu.memory_space<hbm>> -> memref<65536xf32, #tpu.memory_space<hbm>>
        tpu.enqueue_dma source(%arg9 : memref<65536xf32, #tpu.memory_space<vmem>>) target(%dma_start3A_925 : memref<65536xf32, #tpu.memory_space<hbm>>) target_semaphore(%run_scoped3A : memref<!tpu.dma_semaphore, #tpu.memory_space<semaphore_mem>>)
        %dma_wait3A_926 = tpu.memref_slice %arg4[%add3A_923] : memref<10240000xf32, #tpu.memory_space<hbm>> -> memref<65536xf32, #tpu.memory_space<hbm>>
        %dma_wait3A_927 = tpu.memref_slice %arg4[%add3A_923] : memref<10240000xf32, #tpu.memory_space<hbm>> -> memref<65536xf32, #tpu.memory_space<hbm>>
        tpu.wait_dma2 semaphore(%run_scoped3A : memref<!tpu.dma_semaphore, #tpu.memory_space<semaphore_mem>>) src(%arg9 : memref<65536xf32, #tpu.memory_space<vmem>>) dst(%dma_wait3A_927 : memref<65536xf32, #tpu.memory_space<hbm>>)
        tpu.yield
      }) : () -> ()
    } else {
    }
    %eq3A_544 = arith.constant 15 : i32
    %eq3A_545 = arith.cmpi eq, %arg1, %eq3A_544 : i32
    %convert_element_type3A_546 = arith.extui %eq3A_545 : i1 to i32
    %cond3A_547 = arith.constant 0 : i32
    %cond3A_548 = arith.cmpi ne, %convert_element_type3A_546, %cond3A_547 : i32
    scf.if %cond3A_548 {
      %add3A_921 = arith.constant 983040 : i32
      %add3A_922 = arith.addi %mul3A_538, %add3A_921 : i32
      "tpu.region"() ({
        %run_scoped3A = tpu.sem_alloc : memref<!tpu.dma_semaphore, #tpu.memory_space<semaphore_mem>>
        %dma_start3A_923 = arith.constant 0 : i32
        %dma_start3A_924 = tpu.memref_slice %arg9[%dma_start3A_923] : memref<65536xf32, #tpu.memory_space<vmem>> -> memref<40960xf32, #tpu.memory_space<vmem>>
        %dma_start3A_925 = tpu.memref_slice %arg4[%add3A_922] : memref<10240000xf32, #tpu.memory_space<hbm>> -> memref<40960xf32, #tpu.memory_space<hbm>>
        %dma_start3A_926 = tpu.memref_slice %arg4[%add3A_922] : memref<10240000xf32, #tpu.memory_space<hbm>> -> memref<40960xf32, #tpu.memory_space<hbm>>
        %dma_start3A_927 = arith.constant 0 : i32
        %dma_start3A_928 = tpu.memref_slice %arg9[%dma_start3A_927] : memref<65536xf32, #tpu.memory_space<vmem>> -> memref<40960xf32, #tpu.memory_space<vmem>>
        tpu.enqueue_dma source(%dma_start3A_928 : memref<40960xf32, #tpu.memory_space<vmem>>) target(%dma_start3A_926 : memref<40960xf32, #tpu.memory_space<hbm>>) target_semaphore(%run_scoped3A : memref<!tpu.dma_semaphore, #tpu.memory_space<semaphore_mem>>)
        %dma_wait3A_929 = arith.constant 0 : i32
        %dma_wait3A_930 = tpu.memref_slice %arg9[%dma_wait3A_929] : memref<65536xf32, #tpu.memory_space<vmem>> -> memref<40960xf32, #tpu.memory_space<vmem>>
        %dma_wait3A_931 = tpu.memref_slice %arg4[%add3A_922] : memref<10240000xf32, #tpu.memory_space<hbm>> -> memref<40960xf32, #tpu.memory_space<hbm>>
        %dma_wait3A_932 = tpu.memref_slice %arg4[%add3A_922] : memref<10240000xf32, #tpu.memory_space<hbm>> -> memref<40960xf32, #tpu.memory_space<hbm>>
        %dma_wait3A_933 = arith.constant 0 : i32
        %dma_wait3A_934 = tpu.memref_slice %arg9[%dma_wait3A_933] : memref<65536xf32, #tpu.memory_space<vmem>> -> memref<40960xf32, #tpu.memory_space<vmem>>
        tpu.wait_dma2 semaphore(%run_scoped3A : memref<!tpu.dma_semaphore, #tpu.memory_space<semaphore_mem>>) src(%dma_wait3A_934 : memref<40960xf32, #tpu.memory_space<vmem>>) dst(%dma_wait3A_932 : memref<40960xf32, #tpu.memory_space<hbm>>)
        tpu.yield
      }) : () -> ()
    } else {
    }
    %add3A_549 = arith.constant 6 : i32
    %add3A_550 = arith.addi %add3A_549, %arg0 : i32
    %scan3A_551 = arith.constant 0 : i32
    %scan3A_552 = arith.constant 0 : i32
    %scan3A_553 = arith.constant 512 : i32
    %scan3A_554 = arith.addi %scan3A_552, %scan3A_553 : i32
    %scan3A_555 = arith.constant 1 : i32
    %scan3A_556 = scf.for %scan3A_921 = %scan3A_552 to %scan3A_554 step %scan3A_555 iter_args(%scan3A_922 = %scan3A_551) -> (i32)  : i32 {
      %broadcast_in_dim3A_923 = arith.constant 0.000000e+00 : f32
      %broadcast_in_dim3A_924 = vector.broadcast %broadcast_in_dim3A_923 : f32 to vector<16xf32>
      %mul3A_925 = arith.constant 128 : i32
      %mul3A_926 = arith.muli %scan3A_921, %mul3A_925 : i32
      %add3A_927 = arith.constant 0 : i32
      %add3A_928 = arith.addi %mul3A_926, %add3A_927 : i32
      %swap3A = arith.index_cast %add3A_928 : i32 to index
      %swap3A_929 = tpu.vector_load %arg9[%swap3A] {strides = array<i32>} : memref<65536xf32, #tpu.memory_space<vmem>>, vector<16xf32>,
      tpu.vector_store %arg9[%swap3A], %broadcast_in_dim3A_924 {strides = array<i32>} : memref<65536xf32, #tpu.memory_space<vmem>>, vector<16xf32>,
      %broadcast_in_dim3A_930 = arith.constant 0.000000e+00 : f32
      %broadcast_in_dim3A_931 = vector.broadcast %broadcast_in_dim3A_930 : f32 to vector<16xf32>
      %mul3A_932 = arith.constant 128 : i32
      %mul3A_933 = arith.muli %scan3A_921, %mul3A_932 : i32
      %add3A_934 = arith.constant 16 : i32
      %add3A_935 = arith.addi %mul3A_933, %add3A_934 : i32
      %swap3A_936 = arith.index_cast %add3A_935 : i32 to index
      %swap3A_937 = tpu.vector_load %arg9[%swap3A_936] {strides = array<i32>} : memref<65536xf32, #tpu.memory_space<vmem>>, vector<16xf32>,
      tpu.vector_store %arg9[%swap3A_936], %broadcast_in_dim3A_931 {strides = array<i32>} : memref<65536xf32, #tpu.memory_space<vmem>>, vector<16xf32>,
      %broadcast_in_dim3A_938 = arith.constant 0.000000e+00 : f32
      %broadcast_in_dim3A_939 = vector.broadcast %broadcast_in_dim3A_938 : f32 to vector<16xf32>
      %mul3A_940 = arith.constant 128 : i32
      %mul3A_941 = arith.muli %scan3A_921, %mul3A_940 : i32
      %add3A_942 = arith.constant 32 : i32
      %add3A_943 = arith.addi %mul3A_941, %add3A_942 : i32
      %swap3A_944 = arith.index_cast %add3A_943 : i32 to index
      %swap3A_945 = tpu.vector_load %arg9[%swap3A_944] {strides = array<i32>} : memref<65536xf32, #tpu.memory_space<vmem>>, vector<16xf32>,
      tpu.vector_store %arg9[%swap3A_944], %broadcast_in_dim3A_939 {strides = array<i32>} : memref<65536xf32, #tpu.memory_space<vmem>>, vector<16xf32>,
      %broadcast_in_dim3A_946 = arith.constant 0.000000e+00 : f32
      %broadcast_in_dim3A_947 = vector.broadcast %broadcast_in_dim3A_946 : f32 to vector<16xf32>
      %mul3A_948 = arith.constant 128 : i32
      %mul3A_949 = arith.muli %scan3A_921, %mul3A_948 : i32
      %add3A_950 = arith.constant 48 : i32
      %add3A_951 = arith.addi %mul3A_949, %add3A_950 : i32
      %swap3A_952 = arith.index_cast %add3A_951 : i32 to index
      %swap3A_953 = tpu.vector_load %arg9[%swap3A_952] {strides = array<i32>} : memref<65536xf32, #tpu.memory_space<vmem>>, vector<16xf32>,
      tpu.vector_store %arg9[%swap3A_952], %broadcast_in_dim3A_947 {strides = array<i32>} : memref<65536xf32, #tpu.memory_space<vmem>>, vector<16xf32>,
      %broadcast_in_dim3A_954 = arith.constant 0.000000e+00 : f32
      %broadcast_in_dim3A_955 = vector.broadcast %broadcast_in_dim3A_954 : f32 to vector<16xf32>
      %mul3A_956 = arith.constant 128 : i32
      %mul3A_957 = arith.muli %scan3A_921, %mul3A_956 : i32
      %add3A_958 = arith.constant 64 : i32
      %add3A_959 = arith.addi %mul3A_957, %add3A_958 : i32
      %swap3A_960 = arith.index_cast %add3A_959 : i32 to index
      %swap3A_961 = tpu.vector_load %arg9[%swap3A_960] {strides = array<i32>} : memref<65536xf32, #tpu.memory_space<vmem>>, vector<16xf32>,
      tpu.vector_store %arg9[%swap3A_960], %broadcast_in_dim3A_955 {strides = array<i32>} : memref<65536xf32, #tpu.memory_space<vmem>>, vector<16xf32>,
      %broadcast_in_dim3A_962 = arith.constant 0.000000e+00 : f32
      %broadcast_in_dim3A_963 = vector.broadcast %broadcast_in_dim3A_962 : f32 to vector<16xf32>
      %mul3A_964 = arith.constant 128 : i32
      %mul3A_965 = arith.muli %scan3A_921, %mul3A_964 : i32
      %add3A_966 = arith.constant 80 : i32
      %add3A_967 = arith.addi %mul3A_965, %add3A_966 : i32
      %swap3A_968 = arith.index_cast %add3A_967 : i32 to index
      %swap3A_969 = tpu.vector_load %arg9[%swap3A_968] {strides = array<i32>} : memref<65536xf32, #tpu.memory_space<vmem>>, vector<16xf32>,
      tpu.vector_store %arg9[%swap3A_968], %broadcast_in_dim3A_963 {strides = array<i32>} : memref<65536xf32, #tpu.memory_space<vmem>>, vector<16xf32>,
      %broadcast_in_dim3A_970 = arith.constant 0.000000e+00 : f32
      %broadcast_in_dim3A_971 = vector.broadcast %broadcast_in_dim3A_970 : f32 to vector<16xf32>
      %mul3A_972 = arith.constant 128 : i32
      %mul3A_973 = arith.muli %scan3A_921, %mul3A_972 : i32
      %add3A_974 = arith.constant 96 : i32
      %add3A_975 = arith.addi %mul3A_973, %add3A_974 : i32
      %swap3A_976 = arith.index_cast %add3A_975 : i32 to index
      %swap3A_977 = tpu.vector_load %arg9[%swap3A_976] {strides = array<i32>} : memref<65536xf32, #tpu.memory_space<vmem>>, vector<16xf32>,
      tpu.vector_store %arg9[%swap3A_976], %broadcast_in_dim3A_971 {strides = array<i32>} : memref<65536xf32, #tpu.memory_space<vmem>>, vector<16xf32>,
      %broadcast_in_dim3A_978 = arith.constant 0.000000e+00 : f32
      %broadcast_in_dim3A_979 = vector.broadcast %broadcast_in_dim3A_978 : f32 to vector<16xf32>
      %mul3A_980 = arith.constant 128 : i32
      %mul3A_981 = arith.muli %scan3A_921, %mul3A_980 : i32
      %add3A_982 = arith.constant 112 : i32
      %add3A_983 = arith.addi %mul3A_981, %add3A_982 : i32
      %swap3A_984 = arith.index_cast %add3A_983 : i32 to index
      %swap3A_985 = tpu.vector_load %arg9[%swap3A_984] {strides = array<i32>} : memref<65536xf32, #tpu.memory_space<vmem>>, vector<16xf32>,
      tpu.vector_store %arg9[%swap3A_984], %broadcast_in_dim3A_979 {strides = array<i32>} : memref<65536xf32, #tpu.memory_space<vmem>>, vector<16xf32>,
      %scan3A_986 = arith.constant 0 : i32
      scf.yield %scan3A_986 : i32
    }
    %scan3A_557 = arith.constant 512 : i32
    %mul3A_558 = arith.constant 32000 : i32
    %mul3A_559 = arith.muli %add3A_550, %mul3A_558 : i32
    %add3A_560 = arith.constant 0 : i32
    %add3A_561 = arith.addi %mul3A_559, %add3A_560 : i32
    %dma_start3A_562 = tpu.memref_slice %arg2[%add3A_561] : memref<320000xi32, #tpu.memory_space<hbm>> -> memref<8000xi32, #tpu.memory_space<hbm>>
    %dma_start3A_563 = tpu.memref_slice %arg2[%add3A_561] : memref<320000xi32, #tpu.memory_space<hbm>> -> memref<8000xi32, #tpu.memory_space<hbm>>
    tpu.enqueue_dma source(%dma_start3A_563 : memref<8000xi32, #tpu.memory_space<hbm>>) target(%arg5 : memref<8000xi32, #tpu.memory_space<vmem>>) target_semaphore(%arg10 : memref<!tpu.dma_semaphore, #tpu.memory_space<semaphore_mem>>)
    %dma_start3A_564 = tpu.memref_slice %arg3[%add3A_561] : memref<320000xi32, #tpu.memory_space<hbm>> -> memref<8000xi32, #tpu.memory_space<hbm>>
    %dma_start3A_565 = tpu.memref_slice %arg3[%add3A_561] : memref<320000xi32, #tpu.memory_space<hbm>> -> memref<8000xi32, #tpu.memory_space<hbm>>
    tpu.enqueue_dma source(%dma_start3A_565 : memref<8000xi32, #tpu.memory_space<hbm>>) target(%arg7 : memref<8000xi32, #tpu.memory_space<vmem>>) target_semaphore(%arg10 : memref<!tpu.dma_semaphore, #tpu.memory_space<semaphore_mem>>)
    %mul3A_566 = arith.constant 1025000 : i32
    %mul3A_567 = arith.muli %add3A_550, %mul3A_566 : i32
    %mul3A_568 = arith.constant 1024 : i32
    %mul3A_569 = arith.muli %mul3A_1, %mul3A_568 : i32
    %add3A_570 = arith.addi %mul3A_567, %mul3A_569 : i32
    %mul3A_571 = arith.constant 32000 : i32
    %mul3A_572 = arith.muli %add3A_550, %mul3A_571 : i32
    %add3A_573 = arith.constant 0 : i32
    %add3A_574 = arith.addi %mul3A_572, %add3A_573 : i32
    %dma_wait3A_575 = tpu.memref_slice %arg2[%add3A_574] : memref<320000xi32, #tpu.memory_space<hbm>> -> memref<8000xi32, #tpu.memory_space<hbm>>
    %dma_wait3A_576 = tpu.memref_slice %arg2[%add3A_574] : memref<320000xi32, #tpu.memory_space<hbm>> -> memref<8000xi32, #tpu.memory_space<hbm>>
    tpu.wait_dma2 semaphore(%arg10 : memref<!tpu.dma_semaphore, #tpu.memory_space<semaphore_mem>>) src(%dma_wait3A_576 : memref<8000xi32, #tpu.memory_space<hbm>>) dst(%arg5 : memref<8000xi32, #tpu.memory_space<vmem>>)
    %dma_wait3A_577 = tpu.memref_slice %arg3[%add3A_574] : memref<320000xi32, #tpu.memory_space<hbm>> -> memref<8000xi32, #tpu.memory_space<hbm>>
    %dma_wait3A_578 = tpu.memref_slice %arg3[%add3A_574] : memref<320000xi32, #tpu.memory_space<hbm>> -> memref<8000xi32, #tpu.memory_space<hbm>>
    tpu.wait_dma2 semaphore(%arg10 : memref<!tpu.dma_semaphore, #tpu.memory_space<semaphore_mem>>) src(%dma_wait3A_578 : memref<8000xi32, #tpu.memory_space<hbm>>) dst(%arg7 : memref<8000xi32, #tpu.memory_space<vmem>>)
    %mul3A_579 = arith.constant 32000 : i32
    %mul3A_580 = arith.muli %add3A_550, %mul3A_579 : i32
    %add3A_581 = arith.constant 8000 : i32
    %add3A_582 = arith.addi %mul3A_580, %add3A_581 : i32
    %dma_start3A_583 = tpu.memref_slice %arg2[%add3A_582] : memref<320000xi32, #tpu.memory_space<hbm>> -> memref<8000xi32, #tpu.memory_space<hbm>>
    %dma_start3A_584 = tpu.memref_slice %arg2[%add3A_582] : memref<320000xi32, #tpu.memory_space<hbm>> -> memref<8000xi32, #tpu.memory_space<hbm>>
    tpu.enqueue_dma source(%dma_start3A_584 : memref<8000xi32, #tpu.memory_space<hbm>>) target(%arg6 : memref<8000xi32, #tpu.memory_space<vmem>>) target_semaphore(%arg10 : memref<!tpu.dma_semaphore, #tpu.memory_space<semaphore_mem>>)
    %dma_start3A_585 = tpu.memref_slice %arg3[%add3A_582] : memref<320000xi32, #tpu.memory_space<hbm>> -> memref<8000xi32, #tpu.memory_space<hbm>>
    %dma_start3A_586 = tpu.memref_slice %arg3[%add3A_582] : memref<320000xi32, #tpu.memory_space<hbm>> -> memref<8000xi32, #tpu.memory_space<hbm>>
    tpu.enqueue_dma source(%dma_start3A_586 : memref<8000xi32, #tpu.memory_space<hbm>>) target(%arg8 : memref<8000xi32, #tpu.memory_space<vmem>>) target_semaphore(%arg10 : memref<!tpu.dma_semaphore, #tpu.memory_space<semaphore_mem>>)
    %scan3A_587 = arith.constant 0 : i32
    %scan3A_588 = arith.constant 0 : i32
    %scan3A_589 = arith.constant 125 : i32
    %scan3A_590 = arith.addi %scan3A_588, %scan3A_589 : i32
    %scan3A_591 = arith.constant 1 : i32
    %scan3A_592 = scf.for %scan3A_921 = %scan3A_588 to %scan3A_590 step %scan3A_591 iter_args(%scan3A_922 = %scan3A_587) -> (i32)  : i32 {
      %mul3A_923 = arith.constant 64 : i32
      %mul3A_924 = arith.muli %scan3A_921, %mul3A_923 : i32
      %add3A_925 = arith.constant 0 : i32
      %add3A_926 = arith.addi %mul3A_924, %add3A_925 : i32
      %get3A = arith.index_cast %add3A_926 : i32 to index
      %get3A_927 = tpu.vector_load %arg5[%get3A] {strides = array<i32>} : memref<8000xi32, #tpu.memory_space<vmem>>, vector<16xi32>,
      %get3A_928 = arith.index_cast %add3A_926 : i32 to index
      %get3A_929 = tpu.vector_load %arg7[%get3A_928] {strides = array<i32>} : memref<8000xi32, #tpu.memory_space<vmem>>, vector<16xi32>,
      %mul3A_930 = arith.constant 1024 : i32
      %mul3A_931 = vector.broadcast %mul3A_930 : i32 to vector<16xi32>
      %mul3A_932 = arith.muli %get3A_929, %mul3A_931 : vector<16xi32>
      %add3A_933 = arith.addi %mul3A_932, %get3A_927 : vector<16xi32>
      %sub3A_934 = vector.broadcast %add3A_570 : i32 to vector<16xi32>
      %sub3A_935 = arith.subi %add3A_933, %sub3A_934 : vector<16xi32>
      %ge3A = arith.constant 0 : i32
      %ge3A_936 = vector.broadcast %ge3A : i32 to vector<16xi32>
      %ge3A_937 = arith.cmpi sge, %sub3A_935, %ge3A_936 : vector<16xi32>
      %lt3A_938 = arith.constant 65536 : i32
      %lt3A_939 = vector.broadcast %lt3A_938 : i32 to vector<16xi32>
      %lt3A_940 = arith.cmpi slt, %sub3A_935, %lt3A_939 : vector<16xi32>
      %and3A = arith.andi %ge3A_937, %lt3A_940 : vector<16xi1>
      %jit3A = arith.constant 0 : i32
      %broadcast_in_dim3A_941 = vector.broadcast %jit3A : i32 to vector<16xi32>
      %select_n3A_942 = arith.select %and3A, %sub3A_935, %broadcast_in_dim3A_941 : vector<16xi1>, vector<16xi32>
      tpu.vector_store_idx %arg9[%select_n3A_942], %broadcast_in_dim3A_0 masked %and3A {add = true} : memref<65536xf32, #tpu.memory_space<vmem>>[vector<16xi32>], vector<16xf32>, vector<16xi1>
      %mul3A_943 = arith.constant 64 : i32
      %mul3A_944 = arith.muli %scan3A_921, %mul3A_943 : i32
      %add3A_945 = arith.constant 16 : i32
      %add3A_946 = arith.addi %mul3A_944, %add3A_945 : i32
      %get3A_947 = arith.index_cast %add3A_946 : i32 to index
      %get3A_948 = tpu.vector_load %arg5[%get3A_947] {strides = array<i32>} : memref<8000xi32, #tpu.memory_space<vmem>>, vector<16xi32>,
      %get3A_949 = arith.index_cast %add3A_946 : i32 to index
      %get3A_950 = tpu.vector_load %arg7[%get3A_949] {strides = array<i32>} : memref<8000xi32, #tpu.memory_space<vmem>>, vector<16xi32>,
      %mul3A_951 = arith.constant 1024 : i32
      %mul3A_952 = vector.broadcast %mul3A_951 : i32 to vector<16xi32>
      %mul3A_953 = arith.muli %get3A_950, %mul3A_952 : vector<16xi32>
      %add3A_954 = arith.addi %mul3A_953, %get3A_948 : vector<16xi32>
      %sub3A_955 = vector.broadcast %add3A_570 : i32 to vector<16xi32>
      %sub3A_956 = arith.subi %add3A_954, %sub3A_955 : vector<16xi32>
      %ge3A_957 = arith.constant 0 : i32
      %ge3A_958 = vector.broadcast %ge3A_957 : i32 to vector<16xi32>
      %ge3A_959 = arith.cmpi sge, %sub3A_956, %ge3A_958 : vector<16xi32>
      %lt3A_960 = arith.constant 65536 : i32
      %lt3A_961 = vector.broadcast %lt3A_960 : i32 to vector<16xi32>
      %lt3A_962 = arith.cmpi slt, %sub3A_956, %lt3A_961 : vector<16xi32>
      %and3A_963 = arith.andi %ge3A_959, %lt3A_962 : vector<16xi1>
      %jit3A_964 = arith.constant 0 : i32
      %broadcast_in_dim3A_965 = vector.broadcast %jit3A_964 : i32 to vector<16xi32>
      %select_n3A_966 = arith.select %and3A_963, %sub3A_956, %broadcast_in_dim3A_965 : vector<16xi1>, vector<16xi32>
      tpu.vector_store_idx %arg9[%select_n3A_966], %broadcast_in_dim3A_0 masked %and3A_963 {add = true} : memref<65536xf32, #tpu.memory_space<vmem>>[vector<16xi32>], vector<16xf32>, vector<16xi1>
      %mul3A_967 = arith.constant 64 : i32
      %mul3A_968 = arith.muli %scan3A_921, %mul3A_967 : i32
      %add3A_969 = arith.constant 32 : i32
      %add3A_970 = arith.addi %mul3A_968, %add3A_969 : i32
      %get3A_971 = arith.index_cast %add3A_970 : i32 to index
      %get3A_972 = tpu.vector_load %arg5[%get3A_971] {strides = array<i32>} : memref<8000xi32, #tpu.memory_space<vmem>>, vector<16xi32>,
      %get3A_973 = arith.index_cast %add3A_970 : i32 to index
      %get3A_974 = tpu.vector_load %arg7[%get3A_973] {strides = array<i32>} : memref<8000xi32, #tpu.memory_space<vmem>>, vector<16xi32>,
      %mul3A_975 = arith.constant 1024 : i32
      %mul3A_976 = vector.broadcast %mul3A_975 : i32 to vector<16xi32>
      %mul3A_977 = arith.muli %get3A_974, %mul3A_976 : vector<16xi32>
      %add3A_978 = arith.addi %mul3A_977, %get3A_972 : vector<16xi32>
      %sub3A_979 = vector.broadcast %add3A_570 : i32 to vector<16xi32>
      %sub3A_980 = arith.subi %add3A_978, %sub3A_979 : vector<16xi32>
      %ge3A_981 = arith.constant 0 : i32
      %ge3A_982 = vector.broadcast %ge3A_981 : i32 to vector<16xi32>
      %ge3A_983 = arith.cmpi sge, %sub3A_980, %ge3A_982 : vector<16xi32>
      %lt3A_984 = arith.constant 65536 : i32
      %lt3A_985 = vector.broadcast %lt3A_984 : i32 to vector<16xi32>
      %lt3A_986 = arith.cmpi slt, %sub3A_980, %lt3A_985 : vector<16xi32>
      %and3A_987 = arith.andi %ge3A_983, %lt3A_986 : vector<16xi1>
      %jit3A_988 = arith.constant 0 : i32
      %broadcast_in_dim3A_989 = vector.broadcast %jit3A_988 : i32 to vector<16xi32>
      %select_n3A_990 = arith.select %and3A_987, %sub3A_980, %broadcast_in_dim3A_989 : vector<16xi1>, vector<16xi32>
      tpu.vector_store_idx %arg9[%select_n3A_990], %broadcast_in_dim3A_0 masked %and3A_987 {add = true} : memref<65536xf32, #tpu.memory_space<vmem>>[vector<16xi32>], vector<16xf32>, vector<16xi1>
      %mul3A_991 = arith.constant 64 : i32
      %mul3A_992 = arith.muli %scan3A_921, %mul3A_991 : i32
      %add3A_993 = arith.constant 48 : i32
      %add3A_994 = arith.addi %mul3A_992, %add3A_993 : i32
      %get3A_995 = arith.index_cast %add3A_994 : i32 to index
      %get3A_996 = tpu.vector_load %arg5[%get3A_995] {strides = array<i32>} : memref<8000xi32, #tpu.memory_space<vmem>>, vector<16xi32>,
      %get3A_997 = arith.index_cast %add3A_994 : i32 to index
      %get3A_998 = tpu.vector_load %arg7[%get3A_997] {strides = array<i32>} : memref<8000xi32, #tpu.memory_space<vmem>>, vector<16xi32>,
      %mul3A_999 = arith.constant 1024 : i32
      %mul3A_1000 = vector.broadcast %mul3A_999 : i32 to vector<16xi32>
      %mul3A_1001 = arith.muli %get3A_998, %mul3A_1000 : vector<16xi32>
      %add3A_1002 = arith.addi %mul3A_1001, %get3A_996 : vector<16xi32>
      %sub3A_1003 = vector.broadcast %add3A_570 : i32 to vector<16xi32>
      %sub3A_1004 = arith.subi %add3A_1002, %sub3A_1003 : vector<16xi32>
      %ge3A_1005 = arith.constant 0 : i32
      %ge3A_1006 = vector.broadcast %ge3A_1005 : i32 to vector<16xi32>
      %ge3A_1007 = arith.cmpi sge, %sub3A_1004, %ge3A_1006 : vector<16xi32>
      %lt3A_1008 = arith.constant 65536 : i32
      %lt3A_1009 = vector.broadcast %lt3A_1008 : i32 to vector<16xi32>
      %lt3A_1010 = arith.cmpi slt, %sub3A_1004, %lt3A_1009 : vector<16xi32>
      %and3A_1011 = arith.andi %ge3A_1007, %lt3A_1010 : vector<16xi1>
      %jit3A_1012 = arith.constant 0 : i32
      %broadcast_in_dim3A_1013 = vector.broadcast %jit3A_1012 : i32 to vector<16xi32>
      %select_n3A_1014 = arith.select %and3A_1011, %sub3A_1004, %broadcast_in_dim3A_1013 : vector<16xi1>, vector<16xi32>
      tpu.vector_store_idx %arg9[%select_n3A_1014], %broadcast_in_dim3A_0 masked %and3A_1011 {add = true} : memref<65536xf32, #tpu.memory_space<vmem>>[vector<16xi32>], vector<16xf32>, vector<16xi1>
      %scan3A_1015 = arith.constant 0 : i32
      scf.yield %scan3A_1015 : i32
    }
    %scan3A_593 = arith.constant 125 : i32
    %mul3A_594 = arith.constant 32000 : i32
    %mul3A_595 = arith.muli %add3A_550, %mul3A_594 : i32
    %add3A_596 = arith.constant 8000 : i32
    %add3A_597 = arith.addi %mul3A_595, %add3A_596 : i32
    %dma_wait3A_598 = tpu.memref_slice %arg2[%add3A_597] : memref<320000xi32, #tpu.memory_space<hbm>> -> memref<8000xi32, #tpu.memory_space<hbm>>
    %dma_wait3A_599 = tpu.memref_slice %arg2[%add3A_597] : memref<320000xi32, #tpu.memory_space<hbm>> -> memref<8000xi32, #tpu.memory_space<hbm>>
    tpu.wait_dma2 semaphore(%arg10 : memref<!tpu.dma_semaphore, #tpu.memory_space<semaphore_mem>>) src(%dma_wait3A_599 : memref<8000xi32, #tpu.memory_space<hbm>>) dst(%arg6 : memref<8000xi32, #tpu.memory_space<vmem>>)
    %dma_wait3A_600 = tpu.memref_slice %arg3[%add3A_597] : memref<320000xi32, #tpu.memory_space<hbm>> -> memref<8000xi32, #tpu.memory_space<hbm>>
    %dma_wait3A_601 = tpu.memref_slice %arg3[%add3A_597] : memref<320000xi32, #tpu.memory_space<hbm>> -> memref<8000xi32, #tpu.memory_space<hbm>>
    tpu.wait_dma2 semaphore(%arg10 : memref<!tpu.dma_semaphore, #tpu.memory_space<semaphore_mem>>) src(%dma_wait3A_601 : memref<8000xi32, #tpu.memory_space<hbm>>) dst(%arg8 : memref<8000xi32, #tpu.memory_space<vmem>>)
    %mul3A_602 = arith.constant 32000 : i32
    %mul3A_603 = arith.muli %add3A_550, %mul3A_602 : i32
    %add3A_604 = arith.constant 16000 : i32
    %add3A_605 = arith.addi %mul3A_603, %add3A_604 : i32
    %dma_start3A_606 = tpu.memref_slice %arg2[%add3A_605] : memref<320000xi32, #tpu.memory_space<hbm>> -> memref<8000xi32, #tpu.memory_space<hbm>>
    %dma_start3A_607 = tpu.memref_slice %arg2[%add3A_605] : memref<320000xi32, #tpu.memory_space<hbm>> -> memref<8000xi32, #tpu.memory_space<hbm>>
    tpu.enqueue_dma source(%dma_start3A_607 : memref<8000xi32, #tpu.memory_space<hbm>>) target(%arg5 : memref<8000xi32, #tpu.memory_space<vmem>>) target_semaphore(%arg10 : memref<!tpu.dma_semaphore, #tpu.memory_space<semaphore_mem>>)
    %dma_start3A_608 = tpu.memref_slice %arg3[%add3A_605] : memref<320000xi32, #tpu.memory_space<hbm>> -> memref<8000xi32, #tpu.memory_space<hbm>>
    %dma_start3A_609 = tpu.memref_slice %arg3[%add3A_605] : memref<320000xi32, #tpu.memory_space<hbm>> -> memref<8000xi32, #tpu.memory_space<hbm>>
    tpu.enqueue_dma source(%dma_start3A_609 : memref<8000xi32, #tpu.memory_space<hbm>>) target(%arg7 : memref<8000xi32, #tpu.memory_space<vmem>>) target_semaphore(%arg10 : memref<!tpu.dma_semaphore, #tpu.memory_space<semaphore_mem>>)
    %scan3A_610 = arith.constant 0 : i32
    %scan3A_611 = arith.constant 0 : i32
    %scan3A_612 = arith.constant 125 : i32
    %scan3A_613 = arith.addi %scan3A_611, %scan3A_612 : i32
    %scan3A_614 = arith.constant 1 : i32
    %scan3A_615 = scf.for %scan3A_921 = %scan3A_611 to %scan3A_613 step %scan3A_614 iter_args(%scan3A_922 = %scan3A_610) -> (i32)  : i32 {
      %mul3A_923 = arith.constant 64 : i32
      %mul3A_924 = arith.muli %scan3A_921, %mul3A_923 : i32
      %add3A_925 = arith.constant 0 : i32
      %add3A_926 = arith.addi %mul3A_924, %add3A_925 : i32
      %get3A = arith.index_cast %add3A_926 : i32 to index
      %get3A_927 = tpu.vector_load %arg6[%get3A] {strides = array<i32>} : memref<8000xi32, #tpu.memory_space<vmem>>, vector<16xi32>,
      %get3A_928 = arith.index_cast %add3A_926 : i32 to index
      %get3A_929 = tpu.vector_load %arg8[%get3A_928] {strides = array<i32>} : memref<8000xi32, #tpu.memory_space<vmem>>, vector<16xi32>,
      %mul3A_930 = arith.constant 1024 : i32
      %mul3A_931 = vector.broadcast %mul3A_930 : i32 to vector<16xi32>
      %mul3A_932 = arith.muli %get3A_929, %mul3A_931 : vector<16xi32>
      %add3A_933 = arith.addi %mul3A_932, %get3A_927 : vector<16xi32>
      %sub3A_934 = vector.broadcast %add3A_570 : i32 to vector<16xi32>
      %sub3A_935 = arith.subi %add3A_933, %sub3A_934 : vector<16xi32>
      %ge3A = arith.constant 0 : i32
      %ge3A_936 = vector.broadcast %ge3A : i32 to vector<16xi32>
      %ge3A_937 = arith.cmpi sge, %sub3A_935, %ge3A_936 : vector<16xi32>
      %lt3A_938 = arith.constant 65536 : i32
      %lt3A_939 = vector.broadcast %lt3A_938 : i32 to vector<16xi32>
      %lt3A_940 = arith.cmpi slt, %sub3A_935, %lt3A_939 : vector<16xi32>
      %and3A = arith.andi %ge3A_937, %lt3A_940 : vector<16xi1>
      %jit3A = arith.constant 0 : i32
      %broadcast_in_dim3A_941 = vector.broadcast %jit3A : i32 to vector<16xi32>
      %select_n3A_942 = arith.select %and3A, %sub3A_935, %broadcast_in_dim3A_941 : vector<16xi1>, vector<16xi32>
      tpu.vector_store_idx %arg9[%select_n3A_942], %broadcast_in_dim3A_0 masked %and3A {add = true} : memref<65536xf32, #tpu.memory_space<vmem>>[vector<16xi32>], vector<16xf32>, vector<16xi1>
      %mul3A_943 = arith.constant 64 : i32
      %mul3A_944 = arith.muli %scan3A_921, %mul3A_943 : i32
      %add3A_945 = arith.constant 16 : i32
      %add3A_946 = arith.addi %mul3A_944, %add3A_945 : i32
      %get3A_947 = arith.index_cast %add3A_946 : i32 to index
      %get3A_948 = tpu.vector_load %arg6[%get3A_947] {strides = array<i32>} : memref<8000xi32, #tpu.memory_space<vmem>>, vector<16xi32>,
      %get3A_949 = arith.index_cast %add3A_946 : i32 to index
      %get3A_950 = tpu.vector_load %arg8[%get3A_949] {strides = array<i32>} : memref<8000xi32, #tpu.memory_space<vmem>>, vector<16xi32>,
      %mul3A_951 = arith.constant 1024 : i32
      %mul3A_952 = vector.broadcast %mul3A_951 : i32 to vector<16xi32>
      %mul3A_953 = arith.muli %get3A_950, %mul3A_952 : vector<16xi32>
      %add3A_954 = arith.addi %mul3A_953, %get3A_948 : vector<16xi32>
      %sub3A_955 = vector.broadcast %add3A_570 : i32 to vector<16xi32>
      %sub3A_956 = arith.subi %add3A_954, %sub3A_955 : vector<16xi32>
      %ge3A_957 = arith.constant 0 : i32
      %ge3A_958 = vector.broadcast %ge3A_957 : i32 to vector<16xi32>
      %ge3A_959 = arith.cmpi sge, %sub3A_956, %ge3A_958 : vector<16xi32>
      %lt3A_960 = arith.constant 65536 : i32
      %lt3A_961 = vector.broadcast %lt3A_960 : i32 to vector<16xi32>
      %lt3A_962 = arith.cmpi slt, %sub3A_956, %lt3A_961 : vector<16xi32>
      %and3A_963 = arith.andi %ge3A_959, %lt3A_962 : vector<16xi1>
      %jit3A_964 = arith.constant 0 : i32
      %broadcast_in_dim3A_965 = vector.broadcast %jit3A_964 : i32 to vector<16xi32>
      %select_n3A_966 = arith.select %and3A_963, %sub3A_956, %broadcast_in_dim3A_965 : vector<16xi1>, vector<16xi32>
      tpu.vector_store_idx %arg9[%select_n3A_966], %broadcast_in_dim3A_0 masked %and3A_963 {add = true} : memref<65536xf32, #tpu.memory_space<vmem>>[vector<16xi32>], vector<16xf32>, vector<16xi1>
      %mul3A_967 = arith.constant 64 : i32
      %mul3A_968 = arith.muli %scan3A_921, %mul3A_967 : i32
      %add3A_969 = arith.constant 32 : i32
      %add3A_970 = arith.addi %mul3A_968, %add3A_969 : i32
      %get3A_971 = arith.index_cast %add3A_970 : i32 to index
      %get3A_972 = tpu.vector_load %arg6[%get3A_971] {strides = array<i32>} : memref<8000xi32, #tpu.memory_space<vmem>>, vector<16xi32>,
      %get3A_973 = arith.index_cast %add3A_970 : i32 to index
      %get3A_974 = tpu.vector_load %arg8[%get3A_973] {strides = array<i32>} : memref<8000xi32, #tpu.memory_space<vmem>>, vector<16xi32>,
      %mul3A_975 = arith.constant 1024 : i32
      %mul3A_976 = vector.broadcast %mul3A_975 : i32 to vector<16xi32>
      %mul3A_977 = arith.muli %get3A_974, %mul3A_976 : vector<16xi32>
      %add3A_978 = arith.addi %mul3A_977, %get3A_972 : vector<16xi32>
      %sub3A_979 = vector.broadcast %add3A_570 : i32 to vector<16xi32>
      %sub3A_980 = arith.subi %add3A_978, %sub3A_979 : vector<16xi32>
      %ge3A_981 = arith.constant 0 : i32
      %ge3A_982 = vector.broadcast %ge3A_981 : i32 to vector<16xi32>
      %ge3A_983 = arith.cmpi sge, %sub3A_980, %ge3A_982 : vector<16xi32>
      %lt3A_984 = arith.constant 65536 : i32
      %lt3A_985 = vector.broadcast %lt3A_984 : i32 to vector<16xi32>
      %lt3A_986 = arith.cmpi slt, %sub3A_980, %lt3A_985 : vector<16xi32>
      %and3A_987 = arith.andi %ge3A_983, %lt3A_986 : vector<16xi1>
      %jit3A_988 = arith.constant 0 : i32
      %broadcast_in_dim3A_989 = vector.broadcast %jit3A_988 : i32 to vector<16xi32>
      %select_n3A_990 = arith.select %and3A_987, %sub3A_980, %broadcast_in_dim3A_989 : vector<16xi1>, vector<16xi32>
      tpu.vector_store_idx %arg9[%select_n3A_990], %broadcast_in_dim3A_0 masked %and3A_987 {add = true} : memref<65536xf32, #tpu.memory_space<vmem>>[vector<16xi32>], vector<16xf32>, vector<16xi1>
      %mul3A_991 = arith.constant 64 : i32
      %mul3A_992 = arith.muli %scan3A_921, %mul3A_991 : i32
      %add3A_993 = arith.constant 48 : i32
      %add3A_994 = arith.addi %mul3A_992, %add3A_993 : i32
      %get3A_995 = arith.index_cast %add3A_994 : i32 to index
      %get3A_996 = tpu.vector_load %arg6[%get3A_995] {strides = array<i32>} : memref<8000xi32, #tpu.memory_space<vmem>>, vector<16xi32>,
      %get3A_997 = arith.index_cast %add3A_994 : i32 to index
      %get3A_998 = tpu.vector_load %arg8[%get3A_997] {strides = array<i32>} : memref<8000xi32, #tpu.memory_space<vmem>>, vector<16xi32>,
      %mul3A_999 = arith.constant 1024 : i32
      %mul3A_1000 = vector.broadcast %mul3A_999 : i32 to vector<16xi32>
      %mul3A_1001 = arith.muli %get3A_998, %mul3A_1000 : vector<16xi32>
      %add3A_1002 = arith.addi %mul3A_1001, %get3A_996 : vector<16xi32>
      %sub3A_1003 = vector.broadcast %add3A_570 : i32 to vector<16xi32>
      %sub3A_1004 = arith.subi %add3A_1002, %sub3A_1003 : vector<16xi32>
      %ge3A_1005 = arith.constant 0 : i32
      %ge3A_1006 = vector.broadcast %ge3A_1005 : i32 to vector<16xi32>
      %ge3A_1007 = arith.cmpi sge, %sub3A_1004, %ge3A_1006 : vector<16xi32>
      %lt3A_1008 = arith.constant 65536 : i32
      %lt3A_1009 = vector.broadcast %lt3A_1008 : i32 to vector<16xi32>
      %lt3A_1010 = arith.cmpi slt, %sub3A_1004, %lt3A_1009 : vector<16xi32>
      %and3A_1011 = arith.andi %ge3A_1007, %lt3A_1010 : vector<16xi1>
      %jit3A_1012 = arith.constant 0 : i32
      %broadcast_in_dim3A_1013 = vector.broadcast %jit3A_1012 : i32 to vector<16xi32>
      %select_n3A_1014 = arith.select %and3A_1011, %sub3A_1004, %broadcast_in_dim3A_1013 : vector<16xi1>, vector<16xi32>
      tpu.vector_store_idx %arg9[%select_n3A_1014], %broadcast_in_dim3A_0 masked %and3A_1011 {add = true} : memref<65536xf32, #tpu.memory_space<vmem>>[vector<16xi32>], vector<16xf32>, vector<16xi1>
      %scan3A_1015 = arith.constant 0 : i32
      scf.yield %scan3A_1015 : i32
    }
    %scan3A_616 = arith.constant 125 : i32
    %mul3A_617 = arith.constant 32000 : i32
    %mul3A_618 = arith.muli %add3A_550, %mul3A_617 : i32
    %add3A_619 = arith.constant 16000 : i32
    %add3A_620 = arith.addi %mul3A_618, %add3A_619 : i32
    %dma_wait3A_621 = tpu.memref_slice %arg2[%add3A_620] : memref<320000xi32, #tpu.memory_space<hbm>> -> memref<8000xi32, #tpu.memory_space<hbm>>
    %dma_wait3A_622 = tpu.memref_slice %arg2[%add3A_620] : memref<320000xi32, #tpu.memory_space<hbm>> -> memref<8000xi32, #tpu.memory_space<hbm>>
    tpu.wait_dma2 semaphore(%arg10 : memref<!tpu.dma_semaphore, #tpu.memory_space<semaphore_mem>>) src(%dma_wait3A_622 : memref<8000xi32, #tpu.memory_space<hbm>>) dst(%arg5 : memref<8000xi32, #tpu.memory_space<vmem>>)
    %dma_wait3A_623 = tpu.memref_slice %arg3[%add3A_620] : memref<320000xi32, #tpu.memory_space<hbm>> -> memref<8000xi32, #tpu.memory_space<hbm>>
    %dma_wait3A_624 = tpu.memref_slice %arg3[%add3A_620] : memref<320000xi32, #tpu.memory_space<hbm>> -> memref<8000xi32, #tpu.memory_space<hbm>>
    tpu.wait_dma2 semaphore(%arg10 : memref<!tpu.dma_semaphore, #tpu.memory_space<semaphore_mem>>) src(%dma_wait3A_624 : memref<8000xi32, #tpu.memory_space<hbm>>) dst(%arg7 : memref<8000xi32, #tpu.memory_space<vmem>>)
    %mul3A_625 = arith.constant 32000 : i32
    %mul3A_626 = arith.muli %add3A_550, %mul3A_625 : i32
    %add3A_627 = arith.constant 24000 : i32
    %add3A_628 = arith.addi %mul3A_626, %add3A_627 : i32
    %dma_start3A_629 = tpu.memref_slice %arg2[%add3A_628] : memref<320000xi32, #tpu.memory_space<hbm>> -> memref<8000xi32, #tpu.memory_space<hbm>>
    %dma_start3A_630 = tpu.memref_slice %arg2[%add3A_628] : memref<320000xi32, #tpu.memory_space<hbm>> -> memref<8000xi32, #tpu.memory_space<hbm>>
    tpu.enqueue_dma source(%dma_start3A_630 : memref<8000xi32, #tpu.memory_space<hbm>>) target(%arg6 : memref<8000xi32, #tpu.memory_space<vmem>>) target_semaphore(%arg10 : memref<!tpu.dma_semaphore, #tpu.memory_space<semaphore_mem>>)
    %dma_start3A_631 = tpu.memref_slice %arg3[%add3A_628] : memref<320000xi32, #tpu.memory_space<hbm>> -> memref<8000xi32, #tpu.memory_space<hbm>>
    %dma_start3A_632 = tpu.memref_slice %arg3[%add3A_628] : memref<320000xi32, #tpu.memory_space<hbm>> -> memref<8000xi32, #tpu.memory_space<hbm>>
    tpu.enqueue_dma source(%dma_start3A_632 : memref<8000xi32, #tpu.memory_space<hbm>>) target(%arg8 : memref<8000xi32, #tpu.memory_space<vmem>>) target_semaphore(%arg10 : memref<!tpu.dma_semaphore, #tpu.memory_space<semaphore_mem>>)
    %scan3A_633 = arith.constant 0 : i32
    %scan3A_634 = arith.constant 0 : i32
    %scan3A_635 = arith.constant 125 : i32
    %scan3A_636 = arith.addi %scan3A_634, %scan3A_635 : i32
    %scan3A_637 = arith.constant 1 : i32
    %scan3A_638 = scf.for %scan3A_921 = %scan3A_634 to %scan3A_636 step %scan3A_637 iter_args(%scan3A_922 = %scan3A_633) -> (i32)  : i32 {
      %mul3A_923 = arith.constant 64 : i32
      %mul3A_924 = arith.muli %scan3A_921, %mul3A_923 : i32
      %add3A_925 = arith.constant 0 : i32
      %add3A_926 = arith.addi %mul3A_924, %add3A_925 : i32
      %get3A = arith.index_cast %add3A_926 : i32 to index
      %get3A_927 = tpu.vector_load %arg5[%get3A] {strides = array<i32>} : memref<8000xi32, #tpu.memory_space<vmem>>, vector<16xi32>,
      %get3A_928 = arith.index_cast %add3A_926 : i32 to index
      %get3A_929 = tpu.vector_load %arg7[%get3A_928] {strides = array<i32>} : memref<8000xi32, #tpu.memory_space<vmem>>, vector<16xi32>,
      %mul3A_930 = arith.constant 1024 : i32
      %mul3A_931 = vector.broadcast %mul3A_930 : i32 to vector<16xi32>
      %mul3A_932 = arith.muli %get3A_929, %mul3A_931 : vector<16xi32>
      %add3A_933 = arith.addi %mul3A_932, %get3A_927 : vector<16xi32>
      %sub3A_934 = vector.broadcast %add3A_570 : i32 to vector<16xi32>
      %sub3A_935 = arith.subi %add3A_933, %sub3A_934 : vector<16xi32>
      %ge3A = arith.constant 0 : i32
      %ge3A_936 = vector.broadcast %ge3A : i32 to vector<16xi32>
      %ge3A_937 = arith.cmpi sge, %sub3A_935, %ge3A_936 : vector<16xi32>
      %lt3A_938 = arith.constant 65536 : i32
      %lt3A_939 = vector.broadcast %lt3A_938 : i32 to vector<16xi32>
      %lt3A_940 = arith.cmpi slt, %sub3A_935, %lt3A_939 : vector<16xi32>
      %and3A = arith.andi %ge3A_937, %lt3A_940 : vector<16xi1>
      %jit3A = arith.constant 0 : i32
      %broadcast_in_dim3A_941 = vector.broadcast %jit3A : i32 to vector<16xi32>
      %select_n3A_942 = arith.select %and3A, %sub3A_935, %broadcast_in_dim3A_941 : vector<16xi1>, vector<16xi32>
      tpu.vector_store_idx %arg9[%select_n3A_942], %broadcast_in_dim3A_0 masked %and3A {add = true} : memref<65536xf32, #tpu.memory_space<vmem>>[vector<16xi32>], vector<16xf32>, vector<16xi1>
      %mul3A_943 = arith.constant 64 : i32
      %mul3A_944 = arith.muli %scan3A_921, %mul3A_943 : i32
      %add3A_945 = arith.constant 16 : i32
      %add3A_946 = arith.addi %mul3A_944, %add3A_945 : i32
      %get3A_947 = arith.index_cast %add3A_946 : i32 to index
      %get3A_948 = tpu.vector_load %arg5[%get3A_947] {strides = array<i32>} : memref<8000xi32, #tpu.memory_space<vmem>>, vector<16xi32>,
      %get3A_949 = arith.index_cast %add3A_946 : i32 to index
      %get3A_950 = tpu.vector_load %arg7[%get3A_949] {strides = array<i32>} : memref<8000xi32, #tpu.memory_space<vmem>>, vector<16xi32>,
      %mul3A_951 = arith.constant 1024 : i32
      %mul3A_952 = vector.broadcast %mul3A_951 : i32 to vector<16xi32>
      %mul3A_953 = arith.muli %get3A_950, %mul3A_952 : vector<16xi32>
      %add3A_954 = arith.addi %mul3A_953, %get3A_948 : vector<16xi32>
      %sub3A_955 = vector.broadcast %add3A_570 : i32 to vector<16xi32>
      %sub3A_956 = arith.subi %add3A_954, %sub3A_955 : vector<16xi32>
      %ge3A_957 = arith.constant 0 : i32
      %ge3A_958 = vector.broadcast %ge3A_957 : i32 to vector<16xi32>
      %ge3A_959 = arith.cmpi sge, %sub3A_956, %ge3A_958 : vector<16xi32>
      %lt3A_960 = arith.constant 65536 : i32
      %lt3A_961 = vector.broadcast %lt3A_960 : i32 to vector<16xi32>
      %lt3A_962 = arith.cmpi slt, %sub3A_956, %lt3A_961 : vector<16xi32>
      %and3A_963 = arith.andi %ge3A_959, %lt3A_962 : vector<16xi1>
      %jit3A_964 = arith.constant 0 : i32
      %broadcast_in_dim3A_965 = vector.broadcast %jit3A_964 : i32 to vector<16xi32>
      %select_n3A_966 = arith.select %and3A_963, %sub3A_956, %broadcast_in_dim3A_965 : vector<16xi1>, vector<16xi32>
      tpu.vector_store_idx %arg9[%select_n3A_966], %broadcast_in_dim3A_0 masked %and3A_963 {add = true} : memref<65536xf32, #tpu.memory_space<vmem>>[vector<16xi32>], vector<16xf32>, vector<16xi1>
      %mul3A_967 = arith.constant 64 : i32
      %mul3A_968 = arith.muli %scan3A_921, %mul3A_967 : i32
      %add3A_969 = arith.constant 32 : i32
      %add3A_970 = arith.addi %mul3A_968, %add3A_969 : i32
      %get3A_971 = arith.index_cast %add3A_970 : i32 to index
      %get3A_972 = tpu.vector_load %arg5[%get3A_971] {strides = array<i32>} : memref<8000xi32, #tpu.memory_space<vmem>>, vector<16xi32>,
      %get3A_973 = arith.index_cast %add3A_970 : i32 to index
      %get3A_974 = tpu.vector_load %arg7[%get3A_973] {strides = array<i32>} : memref<8000xi32, #tpu.memory_space<vmem>>, vector<16xi32>,
      %mul3A_975 = arith.constant 1024 : i32
      %mul3A_976 = vector.broadcast %mul3A_975 : i32 to vector<16xi32>
      %mul3A_977 = arith.muli %get3A_974, %mul3A_976 : vector<16xi32>
      %add3A_978 = arith.addi %mul3A_977, %get3A_972 : vector<16xi32>
      %sub3A_979 = vector.broadcast %add3A_570 : i32 to vector<16xi32>
      %sub3A_980 = arith.subi %add3A_978, %sub3A_979 : vector<16xi32>
      %ge3A_981 = arith.constant 0 : i32
      %ge3A_982 = vector.broadcast %ge3A_981 : i32 to vector<16xi32>
      %ge3A_983 = arith.cmpi sge, %sub3A_980, %ge3A_982 : vector<16xi32>
      %lt3A_984 = arith.constant 65536 : i32
      %lt3A_985 = vector.broadcast %lt3A_984 : i32 to vector<16xi32>
      %lt3A_986 = arith.cmpi slt, %sub3A_980, %lt3A_985 : vector<16xi32>
      %and3A_987 = arith.andi %ge3A_983, %lt3A_986 : vector<16xi1>
      %jit3A_988 = arith.constant 0 : i32
      %broadcast_in_dim3A_989 = vector.broadcast %jit3A_988 : i32 to vector<16xi32>
      %select_n3A_990 = arith.select %and3A_987, %sub3A_980, %broadcast_in_dim3A_989 : vector<16xi1>, vector<16xi32>
      tpu.vector_store_idx %arg9[%select_n3A_990], %broadcast_in_dim3A_0 masked %and3A_987 {add = true} : memref<65536xf32, #tpu.memory_space<vmem>>[vector<16xi32>], vector<16xf32>, vector<16xi1>
      %mul3A_991 = arith.constant 64 : i32
      %mul3A_992 = arith.muli %scan3A_921, %mul3A_991 : i32
      %add3A_993 = arith.constant 48 : i32
      %add3A_994 = arith.addi %mul3A_992, %add3A_993 : i32
      %get3A_995 = arith.index_cast %add3A_994 : i32 to index
      %get3A_996 = tpu.vector_load %arg5[%get3A_995] {strides = array<i32>} : memref<8000xi32, #tpu.memory_space<vmem>>, vector<16xi32>,
      %get3A_997 = arith.index_cast %add3A_994 : i32 to index
      %get3A_998 = tpu.vector_load %arg7[%get3A_997] {strides = array<i32>} : memref<8000xi32, #tpu.memory_space<vmem>>, vector<16xi32>,
      %mul3A_999 = arith.constant 1024 : i32
      %mul3A_1000 = vector.broadcast %mul3A_999 : i32 to vector<16xi32>
      %mul3A_1001 = arith.muli %get3A_998, %mul3A_1000 : vector<16xi32>
      %add3A_1002 = arith.addi %mul3A_1001, %get3A_996 : vector<16xi32>
      %sub3A_1003 = vector.broadcast %add3A_570 : i32 to vector<16xi32>
      %sub3A_1004 = arith.subi %add3A_1002, %sub3A_1003 : vector<16xi32>
      %ge3A_1005 = arith.constant 0 : i32
      %ge3A_1006 = vector.broadcast %ge3A_1005 : i32 to vector<16xi32>
      %ge3A_1007 = arith.cmpi sge, %sub3A_1004, %ge3A_1006 : vector<16xi32>
      %lt3A_1008 = arith.constant 65536 : i32
      %lt3A_1009 = vector.broadcast %lt3A_1008 : i32 to vector<16xi32>
      %lt3A_1010 = arith.cmpi slt, %sub3A_1004, %lt3A_1009 : vector<16xi32>
      %and3A_1011 = arith.andi %ge3A_1007, %lt3A_1010 : vector<16xi1>
      %jit3A_1012 = arith.constant 0 : i32
      %broadcast_in_dim3A_1013 = vector.broadcast %jit3A_1012 : i32 to vector<16xi32>
      %select_n3A_1014 = arith.select %and3A_1011, %sub3A_1004, %broadcast_in_dim3A_1013 : vector<16xi1>, vector<16xi32>
      tpu.vector_store_idx %arg9[%select_n3A_1014], %broadcast_in_dim3A_0 masked %and3A_1011 {add = true} : memref<65536xf32, #tpu.memory_space<vmem>>[vector<16xi32>], vector<16xf32>, vector<16xi1>
      %scan3A_1015 = arith.constant 0 : i32
      scf.yield %scan3A_1015 : i32
    }
    %scan3A_639 = arith.constant 125 : i32
    %mul3A_640 = arith.constant 32000 : i32
    %mul3A_641 = arith.muli %add3A_550, %mul3A_640 : i32
    %add3A_642 = arith.constant 24000 : i32
    %add3A_643 = arith.addi %mul3A_641, %add3A_642 : i32
    %dma_wait3A_644 = tpu.memref_slice %arg2[%add3A_643] : memref<320000xi32, #tpu.memory_space<hbm>> -> memref<8000xi32, #tpu.memory_space<hbm>>
    %dma_wait3A_645 = tpu.memref_slice %arg2[%add3A_643] : memref<320000xi32, #tpu.memory_space<hbm>> -> memref<8000xi32, #tpu.memory_space<hbm>>
    tpu.wait_dma2 semaphore(%arg10 : memref<!tpu.dma_semaphore, #tpu.memory_space<semaphore_mem>>) src(%dma_wait3A_645 : memref<8000xi32, #tpu.memory_space<hbm>>) dst(%arg6 : memref<8000xi32, #tpu.memory_space<vmem>>)
    %dma_wait3A_646 = tpu.memref_slice %arg3[%add3A_643] : memref<320000xi32, #tpu.memory_space<hbm>> -> memref<8000xi32, #tpu.memory_space<hbm>>
    %dma_wait3A_647 = tpu.memref_slice %arg3[%add3A_643] : memref<320000xi32, #tpu.memory_space<hbm>> -> memref<8000xi32, #tpu.memory_space<hbm>>
    tpu.wait_dma2 semaphore(%arg10 : memref<!tpu.dma_semaphore, #tpu.memory_space<semaphore_mem>>) src(%dma_wait3A_647 : memref<8000xi32, #tpu.memory_space<hbm>>) dst(%arg8 : memref<8000xi32, #tpu.memory_space<vmem>>)
    %scan3A_648 = arith.constant 0 : i32
    %scan3A_649 = arith.constant 0 : i32
    %scan3A_650 = arith.constant 125 : i32
    %scan3A_651 = arith.addi %scan3A_649, %scan3A_650 : i32
    %scan3A_652 = arith.constant 1 : i32
    %scan3A_653 = scf.for %scan3A_921 = %scan3A_649 to %scan3A_651 step %scan3A_652 iter_args(%scan3A_922 = %scan3A_648) -> (i32)  : i32 {
      %mul3A_923 = arith.constant 64 : i32
      %mul3A_924 = arith.muli %scan3A_921, %mul3A_923 : i32
      %add3A_925 = arith.constant 0 : i32
      %add3A_926 = arith.addi %mul3A_924, %add3A_925 : i32
      %get3A = arith.index_cast %add3A_926 : i32 to index
      %get3A_927 = tpu.vector_load %arg6[%get3A] {strides = array<i32>} : memref<8000xi32, #tpu.memory_space<vmem>>, vector<16xi32>,
      %get3A_928 = arith.index_cast %add3A_926 : i32 to index
      %get3A_929 = tpu.vector_load %arg8[%get3A_928] {strides = array<i32>} : memref<8000xi32, #tpu.memory_space<vmem>>, vector<16xi32>,
      %mul3A_930 = arith.constant 1024 : i32
      %mul3A_931 = vector.broadcast %mul3A_930 : i32 to vector<16xi32>
      %mul3A_932 = arith.muli %get3A_929, %mul3A_931 : vector<16xi32>
      %add3A_933 = arith.addi %mul3A_932, %get3A_927 : vector<16xi32>
      %sub3A_934 = vector.broadcast %add3A_570 : i32 to vector<16xi32>
      %sub3A_935 = arith.subi %add3A_933, %sub3A_934 : vector<16xi32>
      %ge3A = arith.constant 0 : i32
      %ge3A_936 = vector.broadcast %ge3A : i32 to vector<16xi32>
      %ge3A_937 = arith.cmpi sge, %sub3A_935, %ge3A_936 : vector<16xi32>
      %lt3A_938 = arith.constant 65536 : i32
      %lt3A_939 = vector.broadcast %lt3A_938 : i32 to vector<16xi32>
      %lt3A_940 = arith.cmpi slt, %sub3A_935, %lt3A_939 : vector<16xi32>
      %and3A = arith.andi %ge3A_937, %lt3A_940 : vector<16xi1>
      %jit3A = arith.constant 0 : i32
      %broadcast_in_dim3A_941 = vector.broadcast %jit3A : i32 to vector<16xi32>
      %select_n3A_942 = arith.select %and3A, %sub3A_935, %broadcast_in_dim3A_941 : vector<16xi1>, vector<16xi32>
      tpu.vector_store_idx %arg9[%select_n3A_942], %broadcast_in_dim3A_0 masked %and3A {add = true} : memref<65536xf32, #tpu.memory_space<vmem>>[vector<16xi32>], vector<16xf32>, vector<16xi1>
      %mul3A_943 = arith.constant 64 : i32
      %mul3A_944 = arith.muli %scan3A_921, %mul3A_943 : i32
      %add3A_945 = arith.constant 16 : i32
      %add3A_946 = arith.addi %mul3A_944, %add3A_945 : i32
      %get3A_947 = arith.index_cast %add3A_946 : i32 to index
      %get3A_948 = tpu.vector_load %arg6[%get3A_947] {strides = array<i32>} : memref<8000xi32, #tpu.memory_space<vmem>>, vector<16xi32>,
      %get3A_949 = arith.index_cast %add3A_946 : i32 to index
      %get3A_950 = tpu.vector_load %arg8[%get3A_949] {strides = array<i32>} : memref<8000xi32, #tpu.memory_space<vmem>>, vector<16xi32>,
      %mul3A_951 = arith.constant 1024 : i32
      %mul3A_952 = vector.broadcast %mul3A_951 : i32 to vector<16xi32>
      %mul3A_953 = arith.muli %get3A_950, %mul3A_952 : vector<16xi32>
      %add3A_954 = arith.addi %mul3A_953, %get3A_948 : vector<16xi32>
      %sub3A_955 = vector.broadcast %add3A_570 : i32 to vector<16xi32>
      %sub3A_956 = arith.subi %add3A_954, %sub3A_955 : vector<16xi32>
      %ge3A_957 = arith.constant 0 : i32
      %ge3A_958 = vector.broadcast %ge3A_957 : i32 to vector<16xi32>
      %ge3A_959 = arith.cmpi sge, %sub3A_956, %ge3A_958 : vector<16xi32>
      %lt3A_960 = arith.constant 65536 : i32
      %lt3A_961 = vector.broadcast %lt3A_960 : i32 to vector<16xi32>
      %lt3A_962 = arith.cmpi slt, %sub3A_956, %lt3A_961 : vector<16xi32>
      %and3A_963 = arith.andi %ge3A_959, %lt3A_962 : vector<16xi1>
      %jit3A_964 = arith.constant 0 : i32
      %broadcast_in_dim3A_965 = vector.broadcast %jit3A_964 : i32 to vector<16xi32>
      %select_n3A_966 = arith.select %and3A_963, %sub3A_956, %broadcast_in_dim3A_965 : vector<16xi1>, vector<16xi32>
      tpu.vector_store_idx %arg9[%select_n3A_966], %broadcast_in_dim3A_0 masked %and3A_963 {add = true} : memref<65536xf32, #tpu.memory_space<vmem>>[vector<16xi32>], vector<16xf32>, vector<16xi1>
      %mul3A_967 = arith.constant 64 : i32
      %mul3A_968 = arith.muli %scan3A_921, %mul3A_967 : i32
      %add3A_969 = arith.constant 32 : i32
      %add3A_970 = arith.addi %mul3A_968, %add3A_969 : i32
      %get3A_971 = arith.index_cast %add3A_970 : i32 to index
      %get3A_972 = tpu.vector_load %arg6[%get3A_971] {strides = array<i32>} : memref<8000xi32, #tpu.memory_space<vmem>>, vector<16xi32>,
      %get3A_973 = arith.index_cast %add3A_970 : i32 to index
      %get3A_974 = tpu.vector_load %arg8[%get3A_973] {strides = array<i32>} : memref<8000xi32, #tpu.memory_space<vmem>>, vector<16xi32>,
      %mul3A_975 = arith.constant 1024 : i32
      %mul3A_976 = vector.broadcast %mul3A_975 : i32 to vector<16xi32>
      %mul3A_977 = arith.muli %get3A_974, %mul3A_976 : vector<16xi32>
      %add3A_978 = arith.addi %mul3A_977, %get3A_972 : vector<16xi32>
      %sub3A_979 = vector.broadcast %add3A_570 : i32 to vector<16xi32>
      %sub3A_980 = arith.subi %add3A_978, %sub3A_979 : vector<16xi32>
      %ge3A_981 = arith.constant 0 : i32
      %ge3A_982 = vector.broadcast %ge3A_981 : i32 to vector<16xi32>
      %ge3A_983 = arith.cmpi sge, %sub3A_980, %ge3A_982 : vector<16xi32>
      %lt3A_984 = arith.constant 65536 : i32
      %lt3A_985 = vector.broadcast %lt3A_984 : i32 to vector<16xi32>
      %lt3A_986 = arith.cmpi slt, %sub3A_980, %lt3A_985 : vector<16xi32>
      %and3A_987 = arith.andi %ge3A_983, %lt3A_986 : vector<16xi1>
      %jit3A_988 = arith.constant 0 : i32
      %broadcast_in_dim3A_989 = vector.broadcast %jit3A_988 : i32 to vector<16xi32>
      %select_n3A_990 = arith.select %and3A_987, %sub3A_980, %broadcast_in_dim3A_989 : vector<16xi1>, vector<16xi32>
      tpu.vector_store_idx %arg9[%select_n3A_990], %broadcast_in_dim3A_0 masked %and3A_987 {add = true} : memref<65536xf32, #tpu.memory_space<vmem>>[vector<16xi32>], vector<16xf32>, vector<16xi1>
      %mul3A_991 = arith.constant 64 : i32
      %mul3A_992 = arith.muli %scan3A_921, %mul3A_991 : i32
      %add3A_993 = arith.constant 48 : i32
      %add3A_994 = arith.addi %mul3A_992, %add3A_993 : i32
      %get3A_995 = arith.index_cast %add3A_994 : i32 to index
      %get3A_996 = tpu.vector_load %arg6[%get3A_995] {strides = array<i32>} : memref<8000xi32, #tpu.memory_space<vmem>>, vector<16xi32>,
      %get3A_997 = arith.index_cast %add3A_994 : i32 to index
      %get3A_998 = tpu.vector_load %arg8[%get3A_997] {strides = array<i32>} : memref<8000xi32, #tpu.memory_space<vmem>>, vector<16xi32>,
      %mul3A_999 = arith.constant 1024 : i32
      %mul3A_1000 = vector.broadcast %mul3A_999 : i32 to vector<16xi32>
      %mul3A_1001 = arith.muli %get3A_998, %mul3A_1000 : vector<16xi32>
      %add3A_1002 = arith.addi %mul3A_1001, %get3A_996 : vector<16xi32>
      %sub3A_1003 = vector.broadcast %add3A_570 : i32 to vector<16xi32>
      %sub3A_1004 = arith.subi %add3A_1002, %sub3A_1003 : vector<16xi32>
      %ge3A_1005 = arith.constant 0 : i32
      %ge3A_1006 = vector.broadcast %ge3A_1005 : i32 to vector<16xi32>
      %ge3A_1007 = arith.cmpi sge, %sub3A_1004, %ge3A_1006 : vector<16xi32>
      %lt3A_1008 = arith.constant 65536 : i32
      %lt3A_1009 = vector.broadcast %lt3A_1008 : i32 to vector<16xi32>
      %lt3A_1010 = arith.cmpi slt, %sub3A_1004, %lt3A_1009 : vector<16xi32>
      %and3A_1011 = arith.andi %ge3A_1007, %lt3A_1010 : vector<16xi1>
      %jit3A_1012 = arith.constant 0 : i32
      %broadcast_in_dim3A_1013 = vector.broadcast %jit3A_1012 : i32 to vector<16xi32>
      %select_n3A_1014 = arith.select %and3A_1011, %sub3A_1004, %broadcast_in_dim3A_1013 : vector<16xi1>, vector<16xi32>
      tpu.vector_store_idx %arg9[%select_n3A_1014], %broadcast_in_dim3A_0 masked %and3A_1011 {add = true} : memref<65536xf32, #tpu.memory_space<vmem>>[vector<16xi32>], vector<16xf32>, vector<16xi1>
      %scan3A_1015 = arith.constant 0 : i32
      scf.yield %scan3A_1015 : i32
    }
    %scan3A_654 = arith.constant 125 : i32
    %add3A_655 = arith.constant 0 : i32
    %add3A_656 = arith.addi %mul3A_1, %add3A_655 : i32
    %iota3A_657 = tpu.iota {dimensions = array<i32: 0>} : vector<16xi32>
    %add3A_658 = vector.broadcast %add3A_656 : i32 to vector<16xi32>
    %add3A_659 = arith.addi %add3A_658, %iota3A_657 : vector<16xi32>
    %lt3A_660 = arith.constant 1000 : i32
    %lt3A_661 = vector.broadcast %lt3A_660 : i32 to vector<16xi32>
    %lt3A_662 = arith.cmpi slt, %add3A_659, %lt3A_661 : vector<16xi32>
    %sub3A_663 = vector.broadcast %mul3A_1 : i32 to vector<16xi32>
    %sub3A_664 = arith.subi %add3A_659, %sub3A_663 : vector<16xi32>
    %mul3A_665 = arith.constant 1024 : i32
    %mul3A_666 = vector.broadcast %mul3A_665 : i32 to vector<16xi32>
    %mul3A_667 = arith.muli %sub3A_664, %mul3A_666 : vector<16xi32>
    %add3A_668 = arith.addi %mul3A_667, %add3A_659 : vector<16xi32>
    %broadcast_in_dim3A_669 = arith.constant 0 : i32
    %broadcast_in_dim3A_670 = vector.broadcast %broadcast_in_dim3A_669 : i32 to vector<16xi32>
    %select_n3A_671 = arith.select %lt3A_662, %add3A_668, %broadcast_in_dim3A_670 : vector<16xi1>, vector<16xi32>
    tpu.vector_store_idx %arg9[%select_n3A_671], %broadcast_in_dim3A_0 masked %lt3A_662 {add = true} : memref<65536xf32, #tpu.memory_space<vmem>>[vector<16xi32>], vector<16xf32>, vector<16xi1>
    %add3A_672 = arith.constant 16 : i32
    %add3A_673 = arith.addi %mul3A_1, %add3A_672 : i32
    %iota3A_674 = tpu.iota {dimensions = array<i32: 0>} : vector<16xi32>
    %add3A_675 = vector.broadcast %add3A_673 : i32 to vector<16xi32>
    %add3A_676 = arith.addi %add3A_675, %iota3A_674 : vector<16xi32>
    %lt3A_677 = arith.constant 1000 : i32
    %lt3A_678 = vector.broadcast %lt3A_677 : i32 to vector<16xi32>
    %lt3A_679 = arith.cmpi slt, %add3A_676, %lt3A_678 : vector<16xi32>
    %sub3A_680 = vector.broadcast %mul3A_1 : i32 to vector<16xi32>
    %sub3A_681 = arith.subi %add3A_676, %sub3A_680 : vector<16xi32>
    %mul3A_682 = arith.constant 1024 : i32
    %mul3A_683 = vector.broadcast %mul3A_682 : i32 to vector<16xi32>
    %mul3A_684 = arith.muli %sub3A_681, %mul3A_683 : vector<16xi32>
    %add3A_685 = arith.addi %mul3A_684, %add3A_676 : vector<16xi32>
    %broadcast_in_dim3A_686 = arith.constant 0 : i32
    %broadcast_in_dim3A_687 = vector.broadcast %broadcast_in_dim3A_686 : i32 to vector<16xi32>
    %select_n3A_688 = arith.select %lt3A_679, %add3A_685, %broadcast_in_dim3A_687 : vector<16xi1>, vector<16xi32>
    tpu.vector_store_idx %arg9[%select_n3A_688], %broadcast_in_dim3A_0 masked %lt3A_679 {add = true} : memref<65536xf32, #tpu.memory_space<vmem>>[vector<16xi32>], vector<16xf32>, vector<16xi1>
    %add3A_689 = arith.constant 32 : i32
    %add3A_690 = arith.addi %mul3A_1, %add3A_689 : i32
    %iota3A_691 = tpu.iota {dimensions = array<i32: 0>} : vector<16xi32>
    %add3A_692 = vector.broadcast %add3A_690 : i32 to vector<16xi32>
    %add3A_693 = arith.addi %add3A_692, %iota3A_691 : vector<16xi32>
    %lt3A_694 = arith.constant 1000 : i32
    %lt3A_695 = vector.broadcast %lt3A_694 : i32 to vector<16xi32>
    %lt3A_696 = arith.cmpi slt, %add3A_693, %lt3A_695 : vector<16xi32>
    %sub3A_697 = vector.broadcast %mul3A_1 : i32 to vector<16xi32>
    %sub3A_698 = arith.subi %add3A_693, %sub3A_697 : vector<16xi32>
    %mul3A_699 = arith.constant 1024 : i32
    %mul3A_700 = vector.broadcast %mul3A_699 : i32 to vector<16xi32>
    %mul3A_701 = arith.muli %sub3A_698, %mul3A_700 : vector<16xi32>
    %add3A_702 = arith.addi %mul3A_701, %add3A_693 : vector<16xi32>
    %broadcast_in_dim3A_703 = arith.constant 0 : i32
    %broadcast_in_dim3A_704 = vector.broadcast %broadcast_in_dim3A_703 : i32 to vector<16xi32>
    %select_n3A_705 = arith.select %lt3A_696, %add3A_702, %broadcast_in_dim3A_704 : vector<16xi1>, vector<16xi32>
    tpu.vector_store_idx %arg9[%select_n3A_705], %broadcast_in_dim3A_0 masked %lt3A_696 {add = true} : memref<65536xf32, #tpu.memory_space<vmem>>[vector<16xi32>], vector<16xf32>, vector<16xi1>
    %add3A_706 = arith.constant 48 : i32
    %add3A_707 = arith.addi %mul3A_1, %add3A_706 : i32
    %iota3A_708 = tpu.iota {dimensions = array<i32: 0>} : vector<16xi32>
    %add3A_709 = vector.broadcast %add3A_707 : i32 to vector<16xi32>
    %add3A_710 = arith.addi %add3A_709, %iota3A_708 : vector<16xi32>
    %lt3A_711 = arith.constant 1000 : i32
    %lt3A_712 = vector.broadcast %lt3A_711 : i32 to vector<16xi32>
    %lt3A_713 = arith.cmpi slt, %add3A_710, %lt3A_712 : vector<16xi32>
    %sub3A_714 = vector.broadcast %mul3A_1 : i32 to vector<16xi32>
    %sub3A_715 = arith.subi %add3A_710, %sub3A_714 : vector<16xi32>
    %mul3A_716 = arith.constant 1024 : i32
    %mul3A_717 = vector.broadcast %mul3A_716 : i32 to vector<16xi32>
    %mul3A_718 = arith.muli %sub3A_715, %mul3A_717 : vector<16xi32>
    %add3A_719 = arith.addi %mul3A_718, %add3A_710 : vector<16xi32>
    %broadcast_in_dim3A_720 = arith.constant 0 : i32
    %broadcast_in_dim3A_721 = vector.broadcast %broadcast_in_dim3A_720 : i32 to vector<16xi32>
    %select_n3A_722 = arith.select %lt3A_713, %add3A_719, %broadcast_in_dim3A_721 : vector<16xi1>, vector<16xi32>
    tpu.vector_store_idx %arg9[%select_n3A_722], %broadcast_in_dim3A_0 masked %lt3A_713 {add = true} : memref<65536xf32, #tpu.memory_space<vmem>>[vector<16xi32>], vector<16xf32>, vector<16xi1>
    %mul3A_723 = arith.constant 1024000 : i32
    %mul3A_724 = arith.muli %add3A_550, %mul3A_723 : i32
    %lt3A_725 = arith.constant 15 : i32
    %lt3A_726 = arith.cmpi slt, %arg1, %lt3A_725 : i32
    %convert_element_type3A_727 = arith.extui %lt3A_726 : i1 to i32
    %cond3A_728 = arith.constant 0 : i32
    %cond3A_729 = arith.cmpi ne, %convert_element_type3A_727, %cond3A_728 : i32
    scf.if %cond3A_729 {
      %mul3A_921 = arith.constant 65536 : i32
      %mul3A_922 = arith.muli %arg1, %mul3A_921 : i32
      %add3A_923 = arith.addi %mul3A_724, %mul3A_922 : i32
      "tpu.region"() ({
        %run_scoped3A = tpu.sem_alloc : memref<!tpu.dma_semaphore, #tpu.memory_space<semaphore_mem>>
        %dma_start3A_924 = tpu.memref_slice %arg4[%add3A_923] : memref<10240000xf32, #tpu.memory_space<hbm>> -> memref<65536xf32, #tpu.memory_space<hbm>>
        %dma_start3A_925 = tpu.memref_slice %arg4[%add3A_923] : memref<10240000xf32, #tpu.memory_space<hbm>> -> memref<65536xf32, #tpu.memory_space<hbm>>
        tpu.enqueue_dma source(%arg9 : memref<65536xf32, #tpu.memory_space<vmem>>) target(%dma_start3A_925 : memref<65536xf32, #tpu.memory_space<hbm>>) target_semaphore(%run_scoped3A : memref<!tpu.dma_semaphore, #tpu.memory_space<semaphore_mem>>)
        %dma_wait3A_926 = tpu.memref_slice %arg4[%add3A_923] : memref<10240000xf32, #tpu.memory_space<hbm>> -> memref<65536xf32, #tpu.memory_space<hbm>>
        %dma_wait3A_927 = tpu.memref_slice %arg4[%add3A_923] : memref<10240000xf32, #tpu.memory_space<hbm>> -> memref<65536xf32, #tpu.memory_space<hbm>>
        tpu.wait_dma2 semaphore(%run_scoped3A : memref<!tpu.dma_semaphore, #tpu.memory_space<semaphore_mem>>) src(%arg9 : memref<65536xf32, #tpu.memory_space<vmem>>) dst(%dma_wait3A_927 : memref<65536xf32, #tpu.memory_space<hbm>>)
        tpu.yield
      }) : () -> ()
    } else {
    }
    %eq3A_730 = arith.constant 15 : i32
    %eq3A_731 = arith.cmpi eq, %arg1, %eq3A_730 : i32
    %convert_element_type3A_732 = arith.extui %eq3A_731 : i1 to i32
    %cond3A_733 = arith.constant 0 : i32
    %cond3A_734 = arith.cmpi ne, %convert_element_type3A_732, %cond3A_733 : i32
    scf.if %cond3A_734 {
      %add3A_921 = arith.constant 983040 : i32
      %add3A_922 = arith.addi %mul3A_724, %add3A_921 : i32
      "tpu.region"() ({
        %run_scoped3A = tpu.sem_alloc : memref<!tpu.dma_semaphore, #tpu.memory_space<semaphore_mem>>
        %dma_start3A_923 = arith.constant 0 : i32
        %dma_start3A_924 = tpu.memref_slice %arg9[%dma_start3A_923] : memref<65536xf32, #tpu.memory_space<vmem>> -> memref<40960xf32, #tpu.memory_space<vmem>>
        %dma_start3A_925 = tpu.memref_slice %arg4[%add3A_922] : memref<10240000xf32, #tpu.memory_space<hbm>> -> memref<40960xf32, #tpu.memory_space<hbm>>
        %dma_start3A_926 = tpu.memref_slice %arg4[%add3A_922] : memref<10240000xf32, #tpu.memory_space<hbm>> -> memref<40960xf32, #tpu.memory_space<hbm>>
        %dma_start3A_927 = arith.constant 0 : i32
        %dma_start3A_928 = tpu.memref_slice %arg9[%dma_start3A_927] : memref<65536xf32, #tpu.memory_space<vmem>> -> memref<40960xf32, #tpu.memory_space<vmem>>
        tpu.enqueue_dma source(%dma_start3A_928 : memref<40960xf32, #tpu.memory_space<vmem>>) target(%dma_start3A_926 : memref<40960xf32, #tpu.memory_space<hbm>>) target_semaphore(%run_scoped3A : memref<!tpu.dma_semaphore, #tpu.memory_space<semaphore_mem>>)
        %dma_wait3A_929 = arith.constant 0 : i32
        %dma_wait3A_930 = tpu.memref_slice %arg9[%dma_wait3A_929] : memref<65536xf32, #tpu.memory_space<vmem>> -> memref<40960xf32, #tpu.memory_space<vmem>>
        %dma_wait3A_931 = tpu.memref_slice %arg4[%add3A_922] : memref<10240000xf32, #tpu.memory_space<hbm>> -> memref<40960xf32, #tpu.memory_space<hbm>>
        %dma_wait3A_932 = tpu.memref_slice %arg4[%add3A_922] : memref<10240000xf32, #tpu.memory_space<hbm>> -> memref<40960xf32, #tpu.memory_space<hbm>>
        %dma_wait3A_933 = arith.constant 0 : i32
        %dma_wait3A_934 = tpu.memref_slice %arg9[%dma_wait3A_933] : memref<65536xf32, #tpu.memory_space<vmem>> -> memref<40960xf32, #tpu.memory_space<vmem>>
        tpu.wait_dma2 semaphore(%run_scoped3A : memref<!tpu.dma_semaphore, #tpu.memory_space<semaphore_mem>>) src(%dma_wait3A_934 : memref<40960xf32, #tpu.memory_space<vmem>>) dst(%dma_wait3A_932 : memref<40960xf32, #tpu.memory_space<hbm>>)
        tpu.yield
      }) : () -> ()
    } else {
    }
    %add3A_735 = arith.constant 8 : i32
    %add3A_736 = arith.addi %add3A_735, %arg0 : i32
    %scan3A_737 = arith.constant 0 : i32
    %scan3A_738 = arith.constant 0 : i32
    %scan3A_739 = arith.constant 512 : i32
    %scan3A_740 = arith.addi %scan3A_738, %scan3A_739 : i32
    %scan3A_741 = arith.constant 1 : i32
    %scan3A_742 = scf.for %scan3A_921 = %scan3A_738 to %scan3A_740 step %scan3A_741 iter_args(%scan3A_922 = %scan3A_737) -> (i32)  : i32 {
      %broadcast_in_dim3A_923 = arith.constant 0.000000e+00 : f32
      %broadcast_in_dim3A_924 = vector.broadcast %broadcast_in_dim3A_923 : f32 to vector<16xf32>
      %mul3A_925 = arith.constant 128 : i32
      %mul3A_926 = arith.muli %scan3A_921, %mul3A_925 : i32
      %add3A_927 = arith.constant 0 : i32
      %add3A_928 = arith.addi %mul3A_926, %add3A_927 : i32
      %swap3A = arith.index_cast %add3A_928 : i32 to index
      %swap3A_929 = tpu.vector_load %arg9[%swap3A] {strides = array<i32>} : memref<65536xf32, #tpu.memory_space<vmem>>, vector<16xf32>,
      tpu.vector_store %arg9[%swap3A], %broadcast_in_dim3A_924 {strides = array<i32>} : memref<65536xf32, #tpu.memory_space<vmem>>, vector<16xf32>,
      %broadcast_in_dim3A_930 = arith.constant 0.000000e+00 : f32
      %broadcast_in_dim3A_931 = vector.broadcast %broadcast_in_dim3A_930 : f32 to vector<16xf32>
      %mul3A_932 = arith.constant 128 : i32
      %mul3A_933 = arith.muli %scan3A_921, %mul3A_932 : i32
      %add3A_934 = arith.constant 16 : i32
      %add3A_935 = arith.addi %mul3A_933, %add3A_934 : i32
      %swap3A_936 = arith.index_cast %add3A_935 : i32 to index
      %swap3A_937 = tpu.vector_load %arg9[%swap3A_936] {strides = array<i32>} : memref<65536xf32, #tpu.memory_space<vmem>>, vector<16xf32>,
      tpu.vector_store %arg9[%swap3A_936], %broadcast_in_dim3A_931 {strides = array<i32>} : memref<65536xf32, #tpu.memory_space<vmem>>, vector<16xf32>,
      %broadcast_in_dim3A_938 = arith.constant 0.000000e+00 : f32
      %broadcast_in_dim3A_939 = vector.broadcast %broadcast_in_dim3A_938 : f32 to vector<16xf32>
      %mul3A_940 = arith.constant 128 : i32
      %mul3A_941 = arith.muli %scan3A_921, %mul3A_940 : i32
      %add3A_942 = arith.constant 32 : i32
      %add3A_943 = arith.addi %mul3A_941, %add3A_942 : i32
      %swap3A_944 = arith.index_cast %add3A_943 : i32 to index
      %swap3A_945 = tpu.vector_load %arg9[%swap3A_944] {strides = array<i32>} : memref<65536xf32, #tpu.memory_space<vmem>>, vector<16xf32>,
      tpu.vector_store %arg9[%swap3A_944], %broadcast_in_dim3A_939 {strides = array<i32>} : memref<65536xf32, #tpu.memory_space<vmem>>, vector<16xf32>,
      %broadcast_in_dim3A_946 = arith.constant 0.000000e+00 : f32
      %broadcast_in_dim3A_947 = vector.broadcast %broadcast_in_dim3A_946 : f32 to vector<16xf32>
      %mul3A_948 = arith.constant 128 : i32
      %mul3A_949 = arith.muli %scan3A_921, %mul3A_948 : i32
      %add3A_950 = arith.constant 48 : i32
      %add3A_951 = arith.addi %mul3A_949, %add3A_950 : i32
      %swap3A_952 = arith.index_cast %add3A_951 : i32 to index
      %swap3A_953 = tpu.vector_load %arg9[%swap3A_952] {strides = array<i32>} : memref<65536xf32, #tpu.memory_space<vmem>>, vector<16xf32>,
      tpu.vector_store %arg9[%swap3A_952], %broadcast_in_dim3A_947 {strides = array<i32>} : memref<65536xf32, #tpu.memory_space<vmem>>, vector<16xf32>,
      %broadcast_in_dim3A_954 = arith.constant 0.000000e+00 : f32
      %broadcast_in_dim3A_955 = vector.broadcast %broadcast_in_dim3A_954 : f32 to vector<16xf32>
      %mul3A_956 = arith.constant 128 : i32
      %mul3A_957 = arith.muli %scan3A_921, %mul3A_956 : i32
      %add3A_958 = arith.constant 64 : i32
      %add3A_959 = arith.addi %mul3A_957, %add3A_958 : i32
      %swap3A_960 = arith.index_cast %add3A_959 : i32 to index
      %swap3A_961 = tpu.vector_load %arg9[%swap3A_960] {strides = array<i32>} : memref<65536xf32, #tpu.memory_space<vmem>>, vector<16xf32>,
      tpu.vector_store %arg9[%swap3A_960], %broadcast_in_dim3A_955 {strides = array<i32>} : memref<65536xf32, #tpu.memory_space<vmem>>, vector<16xf32>,
      %broadcast_in_dim3A_962 = arith.constant 0.000000e+00 : f32
      %broadcast_in_dim3A_963 = vector.broadcast %broadcast_in_dim3A_962 : f32 to vector<16xf32>
      %mul3A_964 = arith.constant 128 : i32
      %mul3A_965 = arith.muli %scan3A_921, %mul3A_964 : i32
      %add3A_966 = arith.constant 80 : i32
      %add3A_967 = arith.addi %mul3A_965, %add3A_966 : i32
      %swap3A_968 = arith.index_cast %add3A_967 : i32 to index
      %swap3A_969 = tpu.vector_load %arg9[%swap3A_968] {strides = array<i32>} : memref<65536xf32, #tpu.memory_space<vmem>>, vector<16xf32>,
      tpu.vector_store %arg9[%swap3A_968], %broadcast_in_dim3A_963 {strides = array<i32>} : memref<65536xf32, #tpu.memory_space<vmem>>, vector<16xf32>,
      %broadcast_in_dim3A_970 = arith.constant 0.000000e+00 : f32
      %broadcast_in_dim3A_971 = vector.broadcast %broadcast_in_dim3A_970 : f32 to vector<16xf32>
      %mul3A_972 = arith.constant 128 : i32
      %mul3A_973 = arith.muli %scan3A_921, %mul3A_972 : i32
      %add3A_974 = arith.constant 96 : i32
      %add3A_975 = arith.addi %mul3A_973, %add3A_974 : i32
      %swap3A_976 = arith.index_cast %add3A_975 : i32 to index
      %swap3A_977 = tpu.vector_load %arg9[%swap3A_976] {strides = array<i32>} : memref<65536xf32, #tpu.memory_space<vmem>>, vector<16xf32>,
      tpu.vector_store %arg9[%swap3A_976], %broadcast_in_dim3A_971 {strides = array<i32>} : memref<65536xf32, #tpu.memory_space<vmem>>, vector<16xf32>,
      %broadcast_in_dim3A_978 = arith.constant 0.000000e+00 : f32
      %broadcast_in_dim3A_979 = vector.broadcast %broadcast_in_dim3A_978 : f32 to vector<16xf32>
      %mul3A_980 = arith.constant 128 : i32
      %mul3A_981 = arith.muli %scan3A_921, %mul3A_980 : i32
      %add3A_982 = arith.constant 112 : i32
      %add3A_983 = arith.addi %mul3A_981, %add3A_982 : i32
      %swap3A_984 = arith.index_cast %add3A_983 : i32 to index
      %swap3A_985 = tpu.vector_load %arg9[%swap3A_984] {strides = array<i32>} : memref<65536xf32, #tpu.memory_space<vmem>>, vector<16xf32>,
      tpu.vector_store %arg9[%swap3A_984], %broadcast_in_dim3A_979 {strides = array<i32>} : memref<65536xf32, #tpu.memory_space<vmem>>, vector<16xf32>,
      %scan3A_986 = arith.constant 0 : i32
      scf.yield %scan3A_986 : i32
    }
    %scan3A_743 = arith.constant 512 : i32
    %mul3A_744 = arith.constant 32000 : i32
    %mul3A_745 = arith.muli %add3A_736, %mul3A_744 : i32
    %add3A_746 = arith.constant 0 : i32
    %add3A_747 = arith.addi %mul3A_745, %add3A_746 : i32
    %dma_start3A_748 = tpu.memref_slice %arg2[%add3A_747] : memref<320000xi32, #tpu.memory_space<hbm>> -> memref<8000xi32, #tpu.memory_space<hbm>>
    %dma_start3A_749 = tpu.memref_slice %arg2[%add3A_747] : memref<320000xi32, #tpu.memory_space<hbm>> -> memref<8000xi32, #tpu.memory_space<hbm>>
    tpu.enqueue_dma source(%dma_start3A_749 : memref<8000xi32, #tpu.memory_space<hbm>>) target(%arg5 : memref<8000xi32, #tpu.memory_space<vmem>>) target_semaphore(%arg10 : memref<!tpu.dma_semaphore, #tpu.memory_space<semaphore_mem>>)
    %dma_start3A_750 = tpu.memref_slice %arg3[%add3A_747] : memref<320000xi32, #tpu.memory_space<hbm>> -> memref<8000xi32, #tpu.memory_space<hbm>>
    %dma_start3A_751 = tpu.memref_slice %arg3[%add3A_747] : memref<320000xi32, #tpu.memory_space<hbm>> -> memref<8000xi32, #tpu.memory_space<hbm>>
    tpu.enqueue_dma source(%dma_start3A_751 : memref<8000xi32, #tpu.memory_space<hbm>>) target(%arg7 : memref<8000xi32, #tpu.memory_space<vmem>>) target_semaphore(%arg10 : memref<!tpu.dma_semaphore, #tpu.memory_space<semaphore_mem>>)
    %mul3A_752 = arith.constant 1025000 : i32
    %mul3A_753 = arith.muli %add3A_736, %mul3A_752 : i32
    %mul3A_754 = arith.constant 1024 : i32
    %mul3A_755 = arith.muli %mul3A_1, %mul3A_754 : i32
    %add3A_756 = arith.addi %mul3A_753, %mul3A_755 : i32
    %mul3A_757 = arith.constant 32000 : i32
    %mul3A_758 = arith.muli %add3A_736, %mul3A_757 : i32
    %add3A_759 = arith.constant 0 : i32
    %add3A_760 = arith.addi %mul3A_758, %add3A_759 : i32
    %dma_wait3A_761 = tpu.memref_slice %arg2[%add3A_760] : memref<320000xi32, #tpu.memory_space<hbm>> -> memref<8000xi32, #tpu.memory_space<hbm>>
    %dma_wait3A_762 = tpu.memref_slice %arg2[%add3A_760] : memref<320000xi32, #tpu.memory_space<hbm>> -> memref<8000xi32, #tpu.memory_space<hbm>>
    tpu.wait_dma2 semaphore(%arg10 : memref<!tpu.dma_semaphore, #tpu.memory_space<semaphore_mem>>) src(%dma_wait3A_762 : memref<8000xi32, #tpu.memory_space<hbm>>) dst(%arg5 : memref<8000xi32, #tpu.memory_space<vmem>>)
    %dma_wait3A_763 = tpu.memref_slice %arg3[%add3A_760] : memref<320000xi32, #tpu.memory_space<hbm>> -> memref<8000xi32, #tpu.memory_space<hbm>>
    %dma_wait3A_764 = tpu.memref_slice %arg3[%add3A_760] : memref<320000xi32, #tpu.memory_space<hbm>> -> memref<8000xi32, #tpu.memory_space<hbm>>
    tpu.wait_dma2 semaphore(%arg10 : memref<!tpu.dma_semaphore, #tpu.memory_space<semaphore_mem>>) src(%dma_wait3A_764 : memref<8000xi32, #tpu.memory_space<hbm>>) dst(%arg7 : memref<8000xi32, #tpu.memory_space<vmem>>)
    %mul3A_765 = arith.constant 32000 : i32
    %mul3A_766 = arith.muli %add3A_736, %mul3A_765 : i32
    %add3A_767 = arith.constant 8000 : i32
    %add3A_768 = arith.addi %mul3A_766, %add3A_767 : i32
    %dma_start3A_769 = tpu.memref_slice %arg2[%add3A_768] : memref<320000xi32, #tpu.memory_space<hbm>> -> memref<8000xi32, #tpu.memory_space<hbm>>
    %dma_start3A_770 = tpu.memref_slice %arg2[%add3A_768] : memref<320000xi32, #tpu.memory_space<hbm>> -> memref<8000xi32, #tpu.memory_space<hbm>>
    tpu.enqueue_dma source(%dma_start3A_770 : memref<8000xi32, #tpu.memory_space<hbm>>) target(%arg6 : memref<8000xi32, #tpu.memory_space<vmem>>) target_semaphore(%arg10 : memref<!tpu.dma_semaphore, #tpu.memory_space<semaphore_mem>>)
    %dma_start3A_771 = tpu.memref_slice %arg3[%add3A_768] : memref<320000xi32, #tpu.memory_space<hbm>> -> memref<8000xi32, #tpu.memory_space<hbm>>
    %dma_start3A_772 = tpu.memref_slice %arg3[%add3A_768] : memref<320000xi32, #tpu.memory_space<hbm>> -> memref<8000xi32, #tpu.memory_space<hbm>>
    tpu.enqueue_dma source(%dma_start3A_772 : memref<8000xi32, #tpu.memory_space<hbm>>) target(%arg8 : memref<8000xi32, #tpu.memory_space<vmem>>) target_semaphore(%arg10 : memref<!tpu.dma_semaphore, #tpu.memory_space<semaphore_mem>>)
    %scan3A_773 = arith.constant 0 : i32
    %scan3A_774 = arith.constant 0 : i32
    %scan3A_775 = arith.constant 125 : i32
    %scan3A_776 = arith.addi %scan3A_774, %scan3A_775 : i32
    %scan3A_777 = arith.constant 1 : i32
    %scan3A_778 = scf.for %scan3A_921 = %scan3A_774 to %scan3A_776 step %scan3A_777 iter_args(%scan3A_922 = %scan3A_773) -> (i32)  : i32 {
      %mul3A_923 = arith.constant 64 : i32
      %mul3A_924 = arith.muli %scan3A_921, %mul3A_923 : i32
      %add3A_925 = arith.constant 0 : i32
      %add3A_926 = arith.addi %mul3A_924, %add3A_925 : i32
      %get3A = arith.index_cast %add3A_926 : i32 to index
      %get3A_927 = tpu.vector_load %arg5[%get3A] {strides = array<i32>} : memref<8000xi32, #tpu.memory_space<vmem>>, vector<16xi32>,
      %get3A_928 = arith.index_cast %add3A_926 : i32 to index
      %get3A_929 = tpu.vector_load %arg7[%get3A_928] {strides = array<i32>} : memref<8000xi32, #tpu.memory_space<vmem>>, vector<16xi32>,
      %mul3A_930 = arith.constant 1024 : i32
      %mul3A_931 = vector.broadcast %mul3A_930 : i32 to vector<16xi32>
      %mul3A_932 = arith.muli %get3A_929, %mul3A_931 : vector<16xi32>
      %add3A_933 = arith.addi %mul3A_932, %get3A_927 : vector<16xi32>
      %sub3A_934 = vector.broadcast %add3A_756 : i32 to vector<16xi32>
      %sub3A_935 = arith.subi %add3A_933, %sub3A_934 : vector<16xi32>
      %ge3A = arith.constant 0 : i32
      %ge3A_936 = vector.broadcast %ge3A : i32 to vector<16xi32>
      %ge3A_937 = arith.cmpi sge, %sub3A_935, %ge3A_936 : vector<16xi32>
      %lt3A_938 = arith.constant 65536 : i32
      %lt3A_939 = vector.broadcast %lt3A_938 : i32 to vector<16xi32>
      %lt3A_940 = arith.cmpi slt, %sub3A_935, %lt3A_939 : vector<16xi32>
      %and3A = arith.andi %ge3A_937, %lt3A_940 : vector<16xi1>
      %jit3A = arith.constant 0 : i32
      %broadcast_in_dim3A_941 = vector.broadcast %jit3A : i32 to vector<16xi32>
      %select_n3A_942 = arith.select %and3A, %sub3A_935, %broadcast_in_dim3A_941 : vector<16xi1>, vector<16xi32>
      tpu.vector_store_idx %arg9[%select_n3A_942], %broadcast_in_dim3A_0 masked %and3A {add = true} : memref<65536xf32, #tpu.memory_space<vmem>>[vector<16xi32>], vector<16xf32>, vector<16xi1>
      %mul3A_943 = arith.constant 64 : i32
      %mul3A_944 = arith.muli %scan3A_921, %mul3A_943 : i32
      %add3A_945 = arith.constant 16 : i32
      %add3A_946 = arith.addi %mul3A_944, %add3A_945 : i32
      %get3A_947 = arith.index_cast %add3A_946 : i32 to index
      %get3A_948 = tpu.vector_load %arg5[%get3A_947] {strides = array<i32>} : memref<8000xi32, #tpu.memory_space<vmem>>, vector<16xi32>,
      %get3A_949 = arith.index_cast %add3A_946 : i32 to index
      %get3A_950 = tpu.vector_load %arg7[%get3A_949] {strides = array<i32>} : memref<8000xi32, #tpu.memory_space<vmem>>, vector<16xi32>,
      %mul3A_951 = arith.constant 1024 : i32
      %mul3A_952 = vector.broadcast %mul3A_951 : i32 to vector<16xi32>
      %mul3A_953 = arith.muli %get3A_950, %mul3A_952 : vector<16xi32>
      %add3A_954 = arith.addi %mul3A_953, %get3A_948 : vector<16xi32>
      %sub3A_955 = vector.broadcast %add3A_756 : i32 to vector<16xi32>
      %sub3A_956 = arith.subi %add3A_954, %sub3A_955 : vector<16xi32>
      %ge3A_957 = arith.constant 0 : i32
      %ge3A_958 = vector.broadcast %ge3A_957 : i32 to vector<16xi32>
      %ge3A_959 = arith.cmpi sge, %sub3A_956, %ge3A_958 : vector<16xi32>
      %lt3A_960 = arith.constant 65536 : i32
      %lt3A_961 = vector.broadcast %lt3A_960 : i32 to vector<16xi32>
      %lt3A_962 = arith.cmpi slt, %sub3A_956, %lt3A_961 : vector<16xi32>
      %and3A_963 = arith.andi %ge3A_959, %lt3A_962 : vector<16xi1>
      %jit3A_964 = arith.constant 0 : i32
      %broadcast_in_dim3A_965 = vector.broadcast %jit3A_964 : i32 to vector<16xi32>
      %select_n3A_966 = arith.select %and3A_963, %sub3A_956, %broadcast_in_dim3A_965 : vector<16xi1>, vector<16xi32>
      tpu.vector_store_idx %arg9[%select_n3A_966], %broadcast_in_dim3A_0 masked %and3A_963 {add = true} : memref<65536xf32, #tpu.memory_space<vmem>>[vector<16xi32>], vector<16xf32>, vector<16xi1>
      %mul3A_967 = arith.constant 64 : i32
      %mul3A_968 = arith.muli %scan3A_921, %mul3A_967 : i32
      %add3A_969 = arith.constant 32 : i32
      %add3A_970 = arith.addi %mul3A_968, %add3A_969 : i32
      %get3A_971 = arith.index_cast %add3A_970 : i32 to index
      %get3A_972 = tpu.vector_load %arg5[%get3A_971] {strides = array<i32>} : memref<8000xi32, #tpu.memory_space<vmem>>, vector<16xi32>,
      %get3A_973 = arith.index_cast %add3A_970 : i32 to index
      %get3A_974 = tpu.vector_load %arg7[%get3A_973] {strides = array<i32>} : memref<8000xi32, #tpu.memory_space<vmem>>, vector<16xi32>,
      %mul3A_975 = arith.constant 1024 : i32
      %mul3A_976 = vector.broadcast %mul3A_975 : i32 to vector<16xi32>
      %mul3A_977 = arith.muli %get3A_974, %mul3A_976 : vector<16xi32>
      %add3A_978 = arith.addi %mul3A_977, %get3A_972 : vector<16xi32>
      %sub3A_979 = vector.broadcast %add3A_756 : i32 to vector<16xi32>
      %sub3A_980 = arith.subi %add3A_978, %sub3A_979 : vector<16xi32>
      %ge3A_981 = arith.constant 0 : i32
      %ge3A_982 = vector.broadcast %ge3A_981 : i32 to vector<16xi32>
      %ge3A_983 = arith.cmpi sge, %sub3A_980, %ge3A_982 : vector<16xi32>
      %lt3A_984 = arith.constant 65536 : i32
      %lt3A_985 = vector.broadcast %lt3A_984 : i32 to vector<16xi32>
      %lt3A_986 = arith.cmpi slt, %sub3A_980, %lt3A_985 : vector<16xi32>
      %and3A_987 = arith.andi %ge3A_983, %lt3A_986 : vector<16xi1>
      %jit3A_988 = arith.constant 0 : i32
      %broadcast_in_dim3A_989 = vector.broadcast %jit3A_988 : i32 to vector<16xi32>
      %select_n3A_990 = arith.select %and3A_987, %sub3A_980, %broadcast_in_dim3A_989 : vector<16xi1>, vector<16xi32>
      tpu.vector_store_idx %arg9[%select_n3A_990], %broadcast_in_dim3A_0 masked %and3A_987 {add = true} : memref<65536xf32, #tpu.memory_space<vmem>>[vector<16xi32>], vector<16xf32>, vector<16xi1>
      %mul3A_991 = arith.constant 64 : i32
      %mul3A_992 = arith.muli %scan3A_921, %mul3A_991 : i32
      %add3A_993 = arith.constant 48 : i32
      %add3A_994 = arith.addi %mul3A_992, %add3A_993 : i32
      %get3A_995 = arith.index_cast %add3A_994 : i32 to index
      %get3A_996 = tpu.vector_load %arg5[%get3A_995] {strides = array<i32>} : memref<8000xi32, #tpu.memory_space<vmem>>, vector<16xi32>,
      %get3A_997 = arith.index_cast %add3A_994 : i32 to index
      %get3A_998 = tpu.vector_load %arg7[%get3A_997] {strides = array<i32>} : memref<8000xi32, #tpu.memory_space<vmem>>, vector<16xi32>,
      %mul3A_999 = arith.constant 1024 : i32
      %mul3A_1000 = vector.broadcast %mul3A_999 : i32 to vector<16xi32>
      %mul3A_1001 = arith.muli %get3A_998, %mul3A_1000 : vector<16xi32>
      %add3A_1002 = arith.addi %mul3A_1001, %get3A_996 : vector<16xi32>
      %sub3A_1003 = vector.broadcast %add3A_756 : i32 to vector<16xi32>
      %sub3A_1004 = arith.subi %add3A_1002, %sub3A_1003 : vector<16xi32>
      %ge3A_1005 = arith.constant 0 : i32
      %ge3A_1006 = vector.broadcast %ge3A_1005 : i32 to vector<16xi32>
      %ge3A_1007 = arith.cmpi sge, %sub3A_1004, %ge3A_1006 : vector<16xi32>
      %lt3A_1008 = arith.constant 65536 : i32
      %lt3A_1009 = vector.broadcast %lt3A_1008 : i32 to vector<16xi32>
      %lt3A_1010 = arith.cmpi slt, %sub3A_1004, %lt3A_1009 : vector<16xi32>
      %and3A_1011 = arith.andi %ge3A_1007, %lt3A_1010 : vector<16xi1>
      %jit3A_1012 = arith.constant 0 : i32
      %broadcast_in_dim3A_1013 = vector.broadcast %jit3A_1012 : i32 to vector<16xi32>
      %select_n3A_1014 = arith.select %and3A_1011, %sub3A_1004, %broadcast_in_dim3A_1013 : vector<16xi1>, vector<16xi32>
      tpu.vector_store_idx %arg9[%select_n3A_1014], %broadcast_in_dim3A_0 masked %and3A_1011 {add = true} : memref<65536xf32, #tpu.memory_space<vmem>>[vector<16xi32>], vector<16xf32>, vector<16xi1>
      %scan3A_1015 = arith.constant 0 : i32
      scf.yield %scan3A_1015 : i32
    }
    %scan3A_779 = arith.constant 125 : i32
    %mul3A_780 = arith.constant 32000 : i32
    %mul3A_781 = arith.muli %add3A_736, %mul3A_780 : i32
    %add3A_782 = arith.constant 8000 : i32
    %add3A_783 = arith.addi %mul3A_781, %add3A_782 : i32
    %dma_wait3A_784 = tpu.memref_slice %arg2[%add3A_783] : memref<320000xi32, #tpu.memory_space<hbm>> -> memref<8000xi32, #tpu.memory_space<hbm>>
    %dma_wait3A_785 = tpu.memref_slice %arg2[%add3A_783] : memref<320000xi32, #tpu.memory_space<hbm>> -> memref<8000xi32, #tpu.memory_space<hbm>>
    tpu.wait_dma2 semaphore(%arg10 : memref<!tpu.dma_semaphore, #tpu.memory_space<semaphore_mem>>) src(%dma_wait3A_785 : memref<8000xi32, #tpu.memory_space<hbm>>) dst(%arg6 : memref<8000xi32, #tpu.memory_space<vmem>>)
    %dma_wait3A_786 = tpu.memref_slice %arg3[%add3A_783] : memref<320000xi32, #tpu.memory_space<hbm>> -> memref<8000xi32, #tpu.memory_space<hbm>>
    %dma_wait3A_787 = tpu.memref_slice %arg3[%add3A_783] : memref<320000xi32, #tpu.memory_space<hbm>> -> memref<8000xi32, #tpu.memory_space<hbm>>
    tpu.wait_dma2 semaphore(%arg10 : memref<!tpu.dma_semaphore, #tpu.memory_space<semaphore_mem>>) src(%dma_wait3A_787 : memref<8000xi32, #tpu.memory_space<hbm>>) dst(%arg8 : memref<8000xi32, #tpu.memory_space<vmem>>)
    %mul3A_788 = arith.constant 32000 : i32
    %mul3A_789 = arith.muli %add3A_736, %mul3A_788 : i32
    %add3A_790 = arith.constant 16000 : i32
    %add3A_791 = arith.addi %mul3A_789, %add3A_790 : i32
    %dma_start3A_792 = tpu.memref_slice %arg2[%add3A_791] : memref<320000xi32, #tpu.memory_space<hbm>> -> memref<8000xi32, #tpu.memory_space<hbm>>
    %dma_start3A_793 = tpu.memref_slice %arg2[%add3A_791] : memref<320000xi32, #tpu.memory_space<hbm>> -> memref<8000xi32, #tpu.memory_space<hbm>>
    tpu.enqueue_dma source(%dma_start3A_793 : memref<8000xi32, #tpu.memory_space<hbm>>) target(%arg5 : memref<8000xi32, #tpu.memory_space<vmem>>) target_semaphore(%arg10 : memref<!tpu.dma_semaphore, #tpu.memory_space<semaphore_mem>>)
    %dma_start3A_794 = tpu.memref_slice %arg3[%add3A_791] : memref<320000xi32, #tpu.memory_space<hbm>> -> memref<8000xi32, #tpu.memory_space<hbm>>
    %dma_start3A_795 = tpu.memref_slice %arg3[%add3A_791] : memref<320000xi32, #tpu.memory_space<hbm>> -> memref<8000xi32, #tpu.memory_space<hbm>>
    tpu.enqueue_dma source(%dma_start3A_795 : memref<8000xi32, #tpu.memory_space<hbm>>) target(%arg7 : memref<8000xi32, #tpu.memory_space<vmem>>) target_semaphore(%arg10 : memref<!tpu.dma_semaphore, #tpu.memory_space<semaphore_mem>>)
    %scan3A_796 = arith.constant 0 : i32
    %scan3A_797 = arith.constant 0 : i32
    %scan3A_798 = arith.constant 125 : i32
    %scan3A_799 = arith.addi %scan3A_797, %scan3A_798 : i32
    %scan3A_800 = arith.constant 1 : i32
    %scan3A_801 = scf.for %scan3A_921 = %scan3A_797 to %scan3A_799 step %scan3A_800 iter_args(%scan3A_922 = %scan3A_796) -> (i32)  : i32 {
      %mul3A_923 = arith.constant 64 : i32
      %mul3A_924 = arith.muli %scan3A_921, %mul3A_923 : i32
      %add3A_925 = arith.constant 0 : i32
      %add3A_926 = arith.addi %mul3A_924, %add3A_925 : i32
      %get3A = arith.index_cast %add3A_926 : i32 to index
      %get3A_927 = tpu.vector_load %arg6[%get3A] {strides = array<i32>} : memref<8000xi32, #tpu.memory_space<vmem>>, vector<16xi32>,
      %get3A_928 = arith.index_cast %add3A_926 : i32 to index
      %get3A_929 = tpu.vector_load %arg8[%get3A_928] {strides = array<i32>} : memref<8000xi32, #tpu.memory_space<vmem>>, vector<16xi32>,
      %mul3A_930 = arith.constant 1024 : i32
      %mul3A_931 = vector.broadcast %mul3A_930 : i32 to vector<16xi32>
      %mul3A_932 = arith.muli %get3A_929, %mul3A_931 : vector<16xi32>
      %add3A_933 = arith.addi %mul3A_932, %get3A_927 : vector<16xi32>
      %sub3A_934 = vector.broadcast %add3A_756 : i32 to vector<16xi32>
      %sub3A_935 = arith.subi %add3A_933, %sub3A_934 : vector<16xi32>
      %ge3A = arith.constant 0 : i32
      %ge3A_936 = vector.broadcast %ge3A : i32 to vector<16xi32>
      %ge3A_937 = arith.cmpi sge, %sub3A_935, %ge3A_936 : vector<16xi32>
      %lt3A_938 = arith.constant 65536 : i32
      %lt3A_939 = vector.broadcast %lt3A_938 : i32 to vector<16xi32>
      %lt3A_940 = arith.cmpi slt, %sub3A_935, %lt3A_939 : vector<16xi32>
      %and3A = arith.andi %ge3A_937, %lt3A_940 : vector<16xi1>
      %jit3A = arith.constant 0 : i32
      %broadcast_in_dim3A_941 = vector.broadcast %jit3A : i32 to vector<16xi32>
      %select_n3A_942 = arith.select %and3A, %sub3A_935, %broadcast_in_dim3A_941 : vector<16xi1>, vector<16xi32>
      tpu.vector_store_idx %arg9[%select_n3A_942], %broadcast_in_dim3A_0 masked %and3A {add = true} : memref<65536xf32, #tpu.memory_space<vmem>>[vector<16xi32>], vector<16xf32>, vector<16xi1>
      %mul3A_943 = arith.constant 64 : i32
      %mul3A_944 = arith.muli %scan3A_921, %mul3A_943 : i32
      %add3A_945 = arith.constant 16 : i32
      %add3A_946 = arith.addi %mul3A_944, %add3A_945 : i32
      %get3A_947 = arith.index_cast %add3A_946 : i32 to index
      %get3A_948 = tpu.vector_load %arg6[%get3A_947] {strides = array<i32>} : memref<8000xi32, #tpu.memory_space<vmem>>, vector<16xi32>,
      %get3A_949 = arith.index_cast %add3A_946 : i32 to index
      %get3A_950 = tpu.vector_load %arg8[%get3A_949] {strides = array<i32>} : memref<8000xi32, #tpu.memory_space<vmem>>, vector<16xi32>,
      %mul3A_951 = arith.constant 1024 : i32
      %mul3A_952 = vector.broadcast %mul3A_951 : i32 to vector<16xi32>
      %mul3A_953 = arith.muli %get3A_950, %mul3A_952 : vector<16xi32>
      %add3A_954 = arith.addi %mul3A_953, %get3A_948 : vector<16xi32>
      %sub3A_955 = vector.broadcast %add3A_756 : i32 to vector<16xi32>
      %sub3A_956 = arith.subi %add3A_954, %sub3A_955 : vector<16xi32>
      %ge3A_957 = arith.constant 0 : i32
      %ge3A_958 = vector.broadcast %ge3A_957 : i32 to vector<16xi32>
      %ge3A_959 = arith.cmpi sge, %sub3A_956, %ge3A_958 : vector<16xi32>
      %lt3A_960 = arith.constant 65536 : i32
      %lt3A_961 = vector.broadcast %lt3A_960 : i32 to vector<16xi32>
      %lt3A_962 = arith.cmpi slt, %sub3A_956, %lt3A_961 : vector<16xi32>
      %and3A_963 = arith.andi %ge3A_959, %lt3A_962 : vector<16xi1>
      %jit3A_964 = arith.constant 0 : i32
      %broadcast_in_dim3A_965 = vector.broadcast %jit3A_964 : i32 to vector<16xi32>
      %select_n3A_966 = arith.select %and3A_963, %sub3A_956, %broadcast_in_dim3A_965 : vector<16xi1>, vector<16xi32>
      tpu.vector_store_idx %arg9[%select_n3A_966], %broadcast_in_dim3A_0 masked %and3A_963 {add = true} : memref<65536xf32, #tpu.memory_space<vmem>>[vector<16xi32>], vector<16xf32>, vector<16xi1>
      %mul3A_967 = arith.constant 64 : i32
      %mul3A_968 = arith.muli %scan3A_921, %mul3A_967 : i32
      %add3A_969 = arith.constant 32 : i32
      %add3A_970 = arith.addi %mul3A_968, %add3A_969 : i32
      %get3A_971 = arith.index_cast %add3A_970 : i32 to index
      %get3A_972 = tpu.vector_load %arg6[%get3A_971] {strides = array<i32>} : memref<8000xi32, #tpu.memory_space<vmem>>, vector<16xi32>,
      %get3A_973 = arith.index_cast %add3A_970 : i32 to index
      %get3A_974 = tpu.vector_load %arg8[%get3A_973] {strides = array<i32>} : memref<8000xi32, #tpu.memory_space<vmem>>, vector<16xi32>,
      %mul3A_975 = arith.constant 1024 : i32
      %mul3A_976 = vector.broadcast %mul3A_975 : i32 to vector<16xi32>
      %mul3A_977 = arith.muli %get3A_974, %mul3A_976 : vector<16xi32>
      %add3A_978 = arith.addi %mul3A_977, %get3A_972 : vector<16xi32>
      %sub3A_979 = vector.broadcast %add3A_756 : i32 to vector<16xi32>
      %sub3A_980 = arith.subi %add3A_978, %sub3A_979 : vector<16xi32>
      %ge3A_981 = arith.constant 0 : i32
      %ge3A_982 = vector.broadcast %ge3A_981 : i32 to vector<16xi32>
      %ge3A_983 = arith.cmpi sge, %sub3A_980, %ge3A_982 : vector<16xi32>
      %lt3A_984 = arith.constant 65536 : i32
      %lt3A_985 = vector.broadcast %lt3A_984 : i32 to vector<16xi32>
      %lt3A_986 = arith.cmpi slt, %sub3A_980, %lt3A_985 : vector<16xi32>
      %and3A_987 = arith.andi %ge3A_983, %lt3A_986 : vector<16xi1>
      %jit3A_988 = arith.constant 0 : i32
      %broadcast_in_dim3A_989 = vector.broadcast %jit3A_988 : i32 to vector<16xi32>
      %select_n3A_990 = arith.select %and3A_987, %sub3A_980, %broadcast_in_dim3A_989 : vector<16xi1>, vector<16xi32>
      tpu.vector_store_idx %arg9[%select_n3A_990], %broadcast_in_dim3A_0 masked %and3A_987 {add = true} : memref<65536xf32, #tpu.memory_space<vmem>>[vector<16xi32>], vector<16xf32>, vector<16xi1>
      %mul3A_991 = arith.constant 64 : i32
      %mul3A_992 = arith.muli %scan3A_921, %mul3A_991 : i32
      %add3A_993 = arith.constant 48 : i32
      %add3A_994 = arith.addi %mul3A_992, %add3A_993 : i32
      %get3A_995 = arith.index_cast %add3A_994 : i32 to index
      %get3A_996 = tpu.vector_load %arg6[%get3A_995] {strides = array<i32>} : memref<8000xi32, #tpu.memory_space<vmem>>, vector<16xi32>,
      %get3A_997 = arith.index_cast %add3A_994 : i32 to index
      %get3A_998 = tpu.vector_load %arg8[%get3A_997] {strides = array<i32>} : memref<8000xi32, #tpu.memory_space<vmem>>, vector<16xi32>,
      %mul3A_999 = arith.constant 1024 : i32
      %mul3A_1000 = vector.broadcast %mul3A_999 : i32 to vector<16xi32>
      %mul3A_1001 = arith.muli %get3A_998, %mul3A_1000 : vector<16xi32>
      %add3A_1002 = arith.addi %mul3A_1001, %get3A_996 : vector<16xi32>
      %sub3A_1003 = vector.broadcast %add3A_756 : i32 to vector<16xi32>
      %sub3A_1004 = arith.subi %add3A_1002, %sub3A_1003 : vector<16xi32>
      %ge3A_1005 = arith.constant 0 : i32
      %ge3A_1006 = vector.broadcast %ge3A_1005 : i32 to vector<16xi32>
      %ge3A_1007 = arith.cmpi sge, %sub3A_1004, %ge3A_1006 : vector<16xi32>
      %lt3A_1008 = arith.constant 65536 : i32
      %lt3A_1009 = vector.broadcast %lt3A_1008 : i32 to vector<16xi32>
      %lt3A_1010 = arith.cmpi slt, %sub3A_1004, %lt3A_1009 : vector<16xi32>
      %and3A_1011 = arith.andi %ge3A_1007, %lt3A_1010 : vector<16xi1>
      %jit3A_1012 = arith.constant 0 : i32
      %broadcast_in_dim3A_1013 = vector.broadcast %jit3A_1012 : i32 to vector<16xi32>
      %select_n3A_1014 = arith.select %and3A_1011, %sub3A_1004, %broadcast_in_dim3A_1013 : vector<16xi1>, vector<16xi32>
      tpu.vector_store_idx %arg9[%select_n3A_1014], %broadcast_in_dim3A_0 masked %and3A_1011 {add = true} : memref<65536xf32, #tpu.memory_space<vmem>>[vector<16xi32>], vector<16xf32>, vector<16xi1>
      %scan3A_1015 = arith.constant 0 : i32
      scf.yield %scan3A_1015 : i32
    }
    %scan3A_802 = arith.constant 125 : i32
    %mul3A_803 = arith.constant 32000 : i32
    %mul3A_804 = arith.muli %add3A_736, %mul3A_803 : i32
    %add3A_805 = arith.constant 16000 : i32
    %add3A_806 = arith.addi %mul3A_804, %add3A_805 : i32
    %dma_wait3A_807 = tpu.memref_slice %arg2[%add3A_806] : memref<320000xi32, #tpu.memory_space<hbm>> -> memref<8000xi32, #tpu.memory_space<hbm>>
    %dma_wait3A_808 = tpu.memref_slice %arg2[%add3A_806] : memref<320000xi32, #tpu.memory_space<hbm>> -> memref<8000xi32, #tpu.memory_space<hbm>>
    tpu.wait_dma2 semaphore(%arg10 : memref<!tpu.dma_semaphore, #tpu.memory_space<semaphore_mem>>) src(%dma_wait3A_808 : memref<8000xi32, #tpu.memory_space<hbm>>) dst(%arg5 : memref<8000xi32, #tpu.memory_space<vmem>>)
    %dma_wait3A_809 = tpu.memref_slice %arg3[%add3A_806] : memref<320000xi32, #tpu.memory_space<hbm>> -> memref<8000xi32, #tpu.memory_space<hbm>>
    %dma_wait3A_810 = tpu.memref_slice %arg3[%add3A_806] : memref<320000xi32, #tpu.memory_space<hbm>> -> memref<8000xi32, #tpu.memory_space<hbm>>
    tpu.wait_dma2 semaphore(%arg10 : memref<!tpu.dma_semaphore, #tpu.memory_space<semaphore_mem>>) src(%dma_wait3A_810 : memref<8000xi32, #tpu.memory_space<hbm>>) dst(%arg7 : memref<8000xi32, #tpu.memory_space<vmem>>)
    %mul3A_811 = arith.constant 32000 : i32
    %mul3A_812 = arith.muli %add3A_736, %mul3A_811 : i32
    %add3A_813 = arith.constant 24000 : i32
    %add3A_814 = arith.addi %mul3A_812, %add3A_813 : i32
    %dma_start3A_815 = tpu.memref_slice %arg2[%add3A_814] : memref<320000xi32, #tpu.memory_space<hbm>> -> memref<8000xi32, #tpu.memory_space<hbm>>
    %dma_start3A_816 = tpu.memref_slice %arg2[%add3A_814] : memref<320000xi32, #tpu.memory_space<hbm>> -> memref<8000xi32, #tpu.memory_space<hbm>>
    tpu.enqueue_dma source(%dma_start3A_816 : memref<8000xi32, #tpu.memory_space<hbm>>) target(%arg6 : memref<8000xi32, #tpu.memory_space<vmem>>) target_semaphore(%arg10 : memref<!tpu.dma_semaphore, #tpu.memory_space<semaphore_mem>>)
    %dma_start3A_817 = tpu.memref_slice %arg3[%add3A_814] : memref<320000xi32, #tpu.memory_space<hbm>> -> memref<8000xi32, #tpu.memory_space<hbm>>
    %dma_start3A_818 = tpu.memref_slice %arg3[%add3A_814] : memref<320000xi32, #tpu.memory_space<hbm>> -> memref<8000xi32, #tpu.memory_space<hbm>>
    tpu.enqueue_dma source(%dma_start3A_818 : memref<8000xi32, #tpu.memory_space<hbm>>) target(%arg8 : memref<8000xi32, #tpu.memory_space<vmem>>) target_semaphore(%arg10 : memref<!tpu.dma_semaphore, #tpu.memory_space<semaphore_mem>>)
    %scan3A_819 = arith.constant 0 : i32
    %scan3A_820 = arith.constant 0 : i32
    %scan3A_821 = arith.constant 125 : i32
    %scan3A_822 = arith.addi %scan3A_820, %scan3A_821 : i32
    %scan3A_823 = arith.constant 1 : i32
    %scan3A_824 = scf.for %scan3A_921 = %scan3A_820 to %scan3A_822 step %scan3A_823 iter_args(%scan3A_922 = %scan3A_819) -> (i32)  : i32 {
      %mul3A_923 = arith.constant 64 : i32
      %mul3A_924 = arith.muli %scan3A_921, %mul3A_923 : i32
      %add3A_925 = arith.constant 0 : i32
      %add3A_926 = arith.addi %mul3A_924, %add3A_925 : i32
      %get3A = arith.index_cast %add3A_926 : i32 to index
      %get3A_927 = tpu.vector_load %arg5[%get3A] {strides = array<i32>} : memref<8000xi32, #tpu.memory_space<vmem>>, vector<16xi32>,
      %get3A_928 = arith.index_cast %add3A_926 : i32 to index
      %get3A_929 = tpu.vector_load %arg7[%get3A_928] {strides = array<i32>} : memref<8000xi32, #tpu.memory_space<vmem>>, vector<16xi32>,
      %mul3A_930 = arith.constant 1024 : i32
      %mul3A_931 = vector.broadcast %mul3A_930 : i32 to vector<16xi32>
      %mul3A_932 = arith.muli %get3A_929, %mul3A_931 : vector<16xi32>
      %add3A_933 = arith.addi %mul3A_932, %get3A_927 : vector<16xi32>
      %sub3A_934 = vector.broadcast %add3A_756 : i32 to vector<16xi32>
      %sub3A_935 = arith.subi %add3A_933, %sub3A_934 : vector<16xi32>
      %ge3A = arith.constant 0 : i32
      %ge3A_936 = vector.broadcast %ge3A : i32 to vector<16xi32>
      %ge3A_937 = arith.cmpi sge, %sub3A_935, %ge3A_936 : vector<16xi32>
      %lt3A_938 = arith.constant 65536 : i32
      %lt3A_939 = vector.broadcast %lt3A_938 : i32 to vector<16xi32>
      %lt3A_940 = arith.cmpi slt, %sub3A_935, %lt3A_939 : vector<16xi32>
      %and3A = arith.andi %ge3A_937, %lt3A_940 : vector<16xi1>
      %jit3A = arith.constant 0 : i32
      %broadcast_in_dim3A_941 = vector.broadcast %jit3A : i32 to vector<16xi32>
      %select_n3A_942 = arith.select %and3A, %sub3A_935, %broadcast_in_dim3A_941 : vector<16xi1>, vector<16xi32>
      tpu.vector_store_idx %arg9[%select_n3A_942], %broadcast_in_dim3A_0 masked %and3A {add = true} : memref<65536xf32, #tpu.memory_space<vmem>>[vector<16xi32>], vector<16xf32>, vector<16xi1>
      %mul3A_943 = arith.constant 64 : i32
      %mul3A_944 = arith.muli %scan3A_921, %mul3A_943 : i32
      %add3A_945 = arith.constant 16 : i32
      %add3A_946 = arith.addi %mul3A_944, %add3A_945 : i32
      %get3A_947 = arith.index_cast %add3A_946 : i32 to index
      %get3A_948 = tpu.vector_load %arg5[%get3A_947] {strides = array<i32>} : memref<8000xi32, #tpu.memory_space<vmem>>, vector<16xi32>,
      %get3A_949 = arith.index_cast %add3A_946 : i32 to index
      %get3A_950 = tpu.vector_load %arg7[%get3A_949] {strides = array<i32>} : memref<8000xi32, #tpu.memory_space<vmem>>, vector<16xi32>,
      %mul3A_951 = arith.constant 1024 : i32
      %mul3A_952 = vector.broadcast %mul3A_951 : i32 to vector<16xi32>
      %mul3A_953 = arith.muli %get3A_950, %mul3A_952 : vector<16xi32>
      %add3A_954 = arith.addi %mul3A_953, %get3A_948 : vector<16xi32>
      %sub3A_955 = vector.broadcast %add3A_756 : i32 to vector<16xi32>
      %sub3A_956 = arith.subi %add3A_954, %sub3A_955 : vector<16xi32>
      %ge3A_957 = arith.constant 0 : i32
      %ge3A_958 = vector.broadcast %ge3A_957 : i32 to vector<16xi32>
      %ge3A_959 = arith.cmpi sge, %sub3A_956, %ge3A_958 : vector<16xi32>
      %lt3A_960 = arith.constant 65536 : i32
      %lt3A_961 = vector.broadcast %lt3A_960 : i32 to vector<16xi32>
      %lt3A_962 = arith.cmpi slt, %sub3A_956, %lt3A_961 : vector<16xi32>
      %and3A_963 = arith.andi %ge3A_959, %lt3A_962 : vector<16xi1>
      %jit3A_964 = arith.constant 0 : i32
      %broadcast_in_dim3A_965 = vector.broadcast %jit3A_964 : i32 to vector<16xi32>
      %select_n3A_966 = arith.select %and3A_963, %sub3A_956, %broadcast_in_dim3A_965 : vector<16xi1>, vector<16xi32>
      tpu.vector_store_idx %arg9[%select_n3A_966], %broadcast_in_dim3A_0 masked %and3A_963 {add = true} : memref<65536xf32, #tpu.memory_space<vmem>>[vector<16xi32>], vector<16xf32>, vector<16xi1>
      %mul3A_967 = arith.constant 64 : i32
      %mul3A_968 = arith.muli %scan3A_921, %mul3A_967 : i32
      %add3A_969 = arith.constant 32 : i32
      %add3A_970 = arith.addi %mul3A_968, %add3A_969 : i32
      %get3A_971 = arith.index_cast %add3A_970 : i32 to index
      %get3A_972 = tpu.vector_load %arg5[%get3A_971] {strides = array<i32>} : memref<8000xi32, #tpu.memory_space<vmem>>, vector<16xi32>,
      %get3A_973 = arith.index_cast %add3A_970 : i32 to index
      %get3A_974 = tpu.vector_load %arg7[%get3A_973] {strides = array<i32>} : memref<8000xi32, #tpu.memory_space<vmem>>, vector<16xi32>,
      %mul3A_975 = arith.constant 1024 : i32
      %mul3A_976 = vector.broadcast %mul3A_975 : i32 to vector<16xi32>
      %mul3A_977 = arith.muli %get3A_974, %mul3A_976 : vector<16xi32>
      %add3A_978 = arith.addi %mul3A_977, %get3A_972 : vector<16xi32>
      %sub3A_979 = vector.broadcast %add3A_756 : i32 to vector<16xi32>
      %sub3A_980 = arith.subi %add3A_978, %sub3A_979 : vector<16xi32>
      %ge3A_981 = arith.constant 0 : i32
      %ge3A_982 = vector.broadcast %ge3A_981 : i32 to vector<16xi32>
      %ge3A_983 = arith.cmpi sge, %sub3A_980, %ge3A_982 : vector<16xi32>
      %lt3A_984 = arith.constant 65536 : i32
      %lt3A_985 = vector.broadcast %lt3A_984 : i32 to vector<16xi32>
      %lt3A_986 = arith.cmpi slt, %sub3A_980, %lt3A_985 : vector<16xi32>
      %and3A_987 = arith.andi %ge3A_983, %lt3A_986 : vector<16xi1>
      %jit3A_988 = arith.constant 0 : i32
      %broadcast_in_dim3A_989 = vector.broadcast %jit3A_988 : i32 to vector<16xi32>
      %select_n3A_990 = arith.select %and3A_987, %sub3A_980, %broadcast_in_dim3A_989 : vector<16xi1>, vector<16xi32>
      tpu.vector_store_idx %arg9[%select_n3A_990], %broadcast_in_dim3A_0 masked %and3A_987 {add = true} : memref<65536xf32, #tpu.memory_space<vmem>>[vector<16xi32>], vector<16xf32>, vector<16xi1>
      %mul3A_991 = arith.constant 64 : i32
      %mul3A_992 = arith.muli %scan3A_921, %mul3A_991 : i32
      %add3A_993 = arith.constant 48 : i32
      %add3A_994 = arith.addi %mul3A_992, %add3A_993 : i32
      %get3A_995 = arith.index_cast %add3A_994 : i32 to index
      %get3A_996 = tpu.vector_load %arg5[%get3A_995] {strides = array<i32>} : memref<8000xi32, #tpu.memory_space<vmem>>, vector<16xi32>,
      %get3A_997 = arith.index_cast %add3A_994 : i32 to index
      %get3A_998 = tpu.vector_load %arg7[%get3A_997] {strides = array<i32>} : memref<8000xi32, #tpu.memory_space<vmem>>, vector<16xi32>,
      %mul3A_999 = arith.constant 1024 : i32
      %mul3A_1000 = vector.broadcast %mul3A_999 : i32 to vector<16xi32>
      %mul3A_1001 = arith.muli %get3A_998, %mul3A_1000 : vector<16xi32>
      %add3A_1002 = arith.addi %mul3A_1001, %get3A_996 : vector<16xi32>
      %sub3A_1003 = vector.broadcast %add3A_756 : i32 to vector<16xi32>
      %sub3A_1004 = arith.subi %add3A_1002, %sub3A_1003 : vector<16xi32>
      %ge3A_1005 = arith.constant 0 : i32
      %ge3A_1006 = vector.broadcast %ge3A_1005 : i32 to vector<16xi32>
      %ge3A_1007 = arith.cmpi sge, %sub3A_1004, %ge3A_1006 : vector<16xi32>
      %lt3A_1008 = arith.constant 65536 : i32
      %lt3A_1009 = vector.broadcast %lt3A_1008 : i32 to vector<16xi32>
      %lt3A_1010 = arith.cmpi slt, %sub3A_1004, %lt3A_1009 : vector<16xi32>
      %and3A_1011 = arith.andi %ge3A_1007, %lt3A_1010 : vector<16xi1>
      %jit3A_1012 = arith.constant 0 : i32
      %broadcast_in_dim3A_1013 = vector.broadcast %jit3A_1012 : i32 to vector<16xi32>
      %select_n3A_1014 = arith.select %and3A_1011, %sub3A_1004, %broadcast_in_dim3A_1013 : vector<16xi1>, vector<16xi32>
      tpu.vector_store_idx %arg9[%select_n3A_1014], %broadcast_in_dim3A_0 masked %and3A_1011 {add = true} : memref<65536xf32, #tpu.memory_space<vmem>>[vector<16xi32>], vector<16xf32>, vector<16xi1>
      %scan3A_1015 = arith.constant 0 : i32
      scf.yield %scan3A_1015 : i32
    }
    %scan3A_825 = arith.constant 125 : i32
    %mul3A_826 = arith.constant 32000 : i32
    %mul3A_827 = arith.muli %add3A_736, %mul3A_826 : i32
    %add3A_828 = arith.constant 24000 : i32
    %add3A_829 = arith.addi %mul3A_827, %add3A_828 : i32
    %dma_wait3A_830 = tpu.memref_slice %arg2[%add3A_829] : memref<320000xi32, #tpu.memory_space<hbm>> -> memref<8000xi32, #tpu.memory_space<hbm>>
    %dma_wait3A_831 = tpu.memref_slice %arg2[%add3A_829] : memref<320000xi32, #tpu.memory_space<hbm>> -> memref<8000xi32, #tpu.memory_space<hbm>>
    tpu.wait_dma2 semaphore(%arg10 : memref<!tpu.dma_semaphore, #tpu.memory_space<semaphore_mem>>) src(%dma_wait3A_831 : memref<8000xi32, #tpu.memory_space<hbm>>) dst(%arg6 : memref<8000xi32, #tpu.memory_space<vmem>>)
    %dma_wait3A_832 = tpu.memref_slice %arg3[%add3A_829] : memref<320000xi32, #tpu.memory_space<hbm>> -> memref<8000xi32, #tpu.memory_space<hbm>>
    %dma_wait3A_833 = tpu.memref_slice %arg3[%add3A_829] : memref<320000xi32, #tpu.memory_space<hbm>> -> memref<8000xi32, #tpu.memory_space<hbm>>
    tpu.wait_dma2 semaphore(%arg10 : memref<!tpu.dma_semaphore, #tpu.memory_space<semaphore_mem>>) src(%dma_wait3A_833 : memref<8000xi32, #tpu.memory_space<hbm>>) dst(%arg8 : memref<8000xi32, #tpu.memory_space<vmem>>)
    %scan3A_834 = arith.constant 0 : i32
    %scan3A_835 = arith.constant 0 : i32
    %scan3A_836 = arith.constant 125 : i32
    %scan3A_837 = arith.addi %scan3A_835, %scan3A_836 : i32
    %scan3A_838 = arith.constant 1 : i32
    %scan3A_839 = scf.for %scan3A_921 = %scan3A_835 to %scan3A_837 step %scan3A_838 iter_args(%scan3A_922 = %scan3A_834) -> (i32)  : i32 {
      %mul3A_923 = arith.constant 64 : i32
      %mul3A_924 = arith.muli %scan3A_921, %mul3A_923 : i32
      %add3A_925 = arith.constant 0 : i32
      %add3A_926 = arith.addi %mul3A_924, %add3A_925 : i32
      %get3A = arith.index_cast %add3A_926 : i32 to index
      %get3A_927 = tpu.vector_load %arg6[%get3A] {strides = array<i32>} : memref<8000xi32, #tpu.memory_space<vmem>>, vector<16xi32>,
      %get3A_928 = arith.index_cast %add3A_926 : i32 to index
      %get3A_929 = tpu.vector_load %arg8[%get3A_928] {strides = array<i32>} : memref<8000xi32, #tpu.memory_space<vmem>>, vector<16xi32>,
      %mul3A_930 = arith.constant 1024 : i32
      %mul3A_931 = vector.broadcast %mul3A_930 : i32 to vector<16xi32>
      %mul3A_932 = arith.muli %get3A_929, %mul3A_931 : vector<16xi32>
      %add3A_933 = arith.addi %mul3A_932, %get3A_927 : vector<16xi32>
      %sub3A_934 = vector.broadcast %add3A_756 : i32 to vector<16xi32>
      %sub3A_935 = arith.subi %add3A_933, %sub3A_934 : vector<16xi32>
      %ge3A = arith.constant 0 : i32
      %ge3A_936 = vector.broadcast %ge3A : i32 to vector<16xi32>
      %ge3A_937 = arith.cmpi sge, %sub3A_935, %ge3A_936 : vector<16xi32>
      %lt3A_938 = arith.constant 65536 : i32
      %lt3A_939 = vector.broadcast %lt3A_938 : i32 to vector<16xi32>
      %lt3A_940 = arith.cmpi slt, %sub3A_935, %lt3A_939 : vector<16xi32>
      %and3A = arith.andi %ge3A_937, %lt3A_940 : vector<16xi1>
      %jit3A = arith.constant 0 : i32
      %broadcast_in_dim3A_941 = vector.broadcast %jit3A : i32 to vector<16xi32>
      %select_n3A_942 = arith.select %and3A, %sub3A_935, %broadcast_in_dim3A_941 : vector<16xi1>, vector<16xi32>
      tpu.vector_store_idx %arg9[%select_n3A_942], %broadcast_in_dim3A_0 masked %and3A {add = true} : memref<65536xf32, #tpu.memory_space<vmem>>[vector<16xi32>], vector<16xf32>, vector<16xi1>
      %mul3A_943 = arith.constant 64 : i32
      %mul3A_944 = arith.muli %scan3A_921, %mul3A_943 : i32
      %add3A_945 = arith.constant 16 : i32
      %add3A_946 = arith.addi %mul3A_944, %add3A_945 : i32
      %get3A_947 = arith.index_cast %add3A_946 : i32 to index
      %get3A_948 = tpu.vector_load %arg6[%get3A_947] {strides = array<i32>} : memref<8000xi32, #tpu.memory_space<vmem>>, vector<16xi32>,
      %get3A_949 = arith.index_cast %add3A_946 : i32 to index
      %get3A_950 = tpu.vector_load %arg8[%get3A_949] {strides = array<i32>} : memref<8000xi32, #tpu.memory_space<vmem>>, vector<16xi32>,
      %mul3A_951 = arith.constant 1024 : i32
      %mul3A_952 = vector.broadcast %mul3A_951 : i32 to vector<16xi32>
      %mul3A_953 = arith.muli %get3A_950, %mul3A_952 : vector<16xi32>
      %add3A_954 = arith.addi %mul3A_953, %get3A_948 : vector<16xi32>
      %sub3A_955 = vector.broadcast %add3A_756 : i32 to vector<16xi32>
      %sub3A_956 = arith.subi %add3A_954, %sub3A_955 : vector<16xi32>
      %ge3A_957 = arith.constant 0 : i32
      %ge3A_958 = vector.broadcast %ge3A_957 : i32 to vector<16xi32>
      %ge3A_959 = arith.cmpi sge, %sub3A_956, %ge3A_958 : vector<16xi32>
      %lt3A_960 = arith.constant 65536 : i32
      %lt3A_961 = vector.broadcast %lt3A_960 : i32 to vector<16xi32>
      %lt3A_962 = arith.cmpi slt, %sub3A_956, %lt3A_961 : vector<16xi32>
      %and3A_963 = arith.andi %ge3A_959, %lt3A_962 : vector<16xi1>
      %jit3A_964 = arith.constant 0 : i32
      %broadcast_in_dim3A_965 = vector.broadcast %jit3A_964 : i32 to vector<16xi32>
      %select_n3A_966 = arith.select %and3A_963, %sub3A_956, %broadcast_in_dim3A_965 : vector<16xi1>, vector<16xi32>
      tpu.vector_store_idx %arg9[%select_n3A_966], %broadcast_in_dim3A_0 masked %and3A_963 {add = true} : memref<65536xf32, #tpu.memory_space<vmem>>[vector<16xi32>], vector<16xf32>, vector<16xi1>
      %mul3A_967 = arith.constant 64 : i32
      %mul3A_968 = arith.muli %scan3A_921, %mul3A_967 : i32
      %add3A_969 = arith.constant 32 : i32
      %add3A_970 = arith.addi %mul3A_968, %add3A_969 : i32
      %get3A_971 = arith.index_cast %add3A_970 : i32 to index
      %get3A_972 = tpu.vector_load %arg6[%get3A_971] {strides = array<i32>} : memref<8000xi32, #tpu.memory_space<vmem>>, vector<16xi32>,
      %get3A_973 = arith.index_cast %add3A_970 : i32 to index
      %get3A_974 = tpu.vector_load %arg8[%get3A_973] {strides = array<i32>} : memref<8000xi32, #tpu.memory_space<vmem>>, vector<16xi32>,
      %mul3A_975 = arith.constant 1024 : i32
      %mul3A_976 = vector.broadcast %mul3A_975 : i32 to vector<16xi32>
      %mul3A_977 = arith.muli %get3A_974, %mul3A_976 : vector<16xi32>
      %add3A_978 = arith.addi %mul3A_977, %get3A_972 : vector<16xi32>
      %sub3A_979 = vector.broadcast %add3A_756 : i32 to vector<16xi32>
      %sub3A_980 = arith.subi %add3A_978, %sub3A_979 : vector<16xi32>
      %ge3A_981 = arith.constant 0 : i32
      %ge3A_982 = vector.broadcast %ge3A_981 : i32 to vector<16xi32>
      %ge3A_983 = arith.cmpi sge, %sub3A_980, %ge3A_982 : vector<16xi32>
      %lt3A_984 = arith.constant 65536 : i32
      %lt3A_985 = vector.broadcast %lt3A_984 : i32 to vector<16xi32>
      %lt3A_986 = arith.cmpi slt, %sub3A_980, %lt3A_985 : vector<16xi32>
      %and3A_987 = arith.andi %ge3A_983, %lt3A_986 : vector<16xi1>
      %jit3A_988 = arith.constant 0 : i32
      %broadcast_in_dim3A_989 = vector.broadcast %jit3A_988 : i32 to vector<16xi32>
      %select_n3A_990 = arith.select %and3A_987, %sub3A_980, %broadcast_in_dim3A_989 : vector<16xi1>, vector<16xi32>
      tpu.vector_store_idx %arg9[%select_n3A_990], %broadcast_in_dim3A_0 masked %and3A_987 {add = true} : memref<65536xf32, #tpu.memory_space<vmem>>[vector<16xi32>], vector<16xf32>, vector<16xi1>
      %mul3A_991 = arith.constant 64 : i32
      %mul3A_992 = arith.muli %scan3A_921, %mul3A_991 : i32
      %add3A_993 = arith.constant 48 : i32
      %add3A_994 = arith.addi %mul3A_992, %add3A_993 : i32
      %get3A_995 = arith.index_cast %add3A_994 : i32 to index
      %get3A_996 = tpu.vector_load %arg6[%get3A_995] {strides = array<i32>} : memref<8000xi32, #tpu.memory_space<vmem>>, vector<16xi32>,
      %get3A_997 = arith.index_cast %add3A_994 : i32 to index
      %get3A_998 = tpu.vector_load %arg8[%get3A_997] {strides = array<i32>} : memref<8000xi32, #tpu.memory_space<vmem>>, vector<16xi32>,
      %mul3A_999 = arith.constant 1024 : i32
      %mul3A_1000 = vector.broadcast %mul3A_999 : i32 to vector<16xi32>
      %mul3A_1001 = arith.muli %get3A_998, %mul3A_1000 : vector<16xi32>
      %add3A_1002 = arith.addi %mul3A_1001, %get3A_996 : vector<16xi32>
      %sub3A_1003 = vector.broadcast %add3A_756 : i32 to vector<16xi32>
      %sub3A_1004 = arith.subi %add3A_1002, %sub3A_1003 : vector<16xi32>
      %ge3A_1005 = arith.constant 0 : i32
      %ge3A_1006 = vector.broadcast %ge3A_1005 : i32 to vector<16xi32>
      %ge3A_1007 = arith.cmpi sge, %sub3A_1004, %ge3A_1006 : vector<16xi32>
      %lt3A_1008 = arith.constant 65536 : i32
      %lt3A_1009 = vector.broadcast %lt3A_1008 : i32 to vector<16xi32>
      %lt3A_1010 = arith.cmpi slt, %sub3A_1004, %lt3A_1009 : vector<16xi32>
      %and3A_1011 = arith.andi %ge3A_1007, %lt3A_1010 : vector<16xi1>
      %jit3A_1012 = arith.constant 0 : i32
      %broadcast_in_dim3A_1013 = vector.broadcast %jit3A_1012 : i32 to vector<16xi32>
      %select_n3A_1014 = arith.select %and3A_1011, %sub3A_1004, %broadcast_in_dim3A_1013 : vector<16xi1>, vector<16xi32>
      tpu.vector_store_idx %arg9[%select_n3A_1014], %broadcast_in_dim3A_0 masked %and3A_1011 {add = true} : memref<65536xf32, #tpu.memory_space<vmem>>[vector<16xi32>], vector<16xf32>, vector<16xi1>
      %scan3A_1015 = arith.constant 0 : i32
      scf.yield %scan3A_1015 : i32
    }
    %scan3A_840 = arith.constant 125 : i32
    %add3A_841 = arith.constant 0 : i32
    %add3A_842 = arith.addi %mul3A_1, %add3A_841 : i32
    %iota3A_843 = tpu.iota {dimensions = array<i32: 0>} : vector<16xi32>
    %add3A_844 = vector.broadcast %add3A_842 : i32 to vector<16xi32>
    %add3A_845 = arith.addi %add3A_844, %iota3A_843 : vector<16xi32>
    %lt3A_846 = arith.constant 1000 : i32
    %lt3A_847 = vector.broadcast %lt3A_846 : i32 to vector<16xi32>
    %lt3A_848 = arith.cmpi slt, %add3A_845, %lt3A_847 : vector<16xi32>
    %sub3A_849 = vector.broadcast %mul3A_1 : i32 to vector<16xi32>
    %sub3A_850 = arith.subi %add3A_845, %sub3A_849 : vector<16xi32>
    %mul3A_851 = arith.constant 1024 : i32
    %mul3A_852 = vector.broadcast %mul3A_851 : i32 to vector<16xi32>
    %mul3A_853 = arith.muli %sub3A_850, %mul3A_852 : vector<16xi32>
    %add3A_854 = arith.addi %mul3A_853, %add3A_845 : vector<16xi32>
    %broadcast_in_dim3A_855 = arith.constant 0 : i32
    %broadcast_in_dim3A_856 = vector.broadcast %broadcast_in_dim3A_855 : i32 to vector<16xi32>
    %select_n3A_857 = arith.select %lt3A_848, %add3A_854, %broadcast_in_dim3A_856 : vector<16xi1>, vector<16xi32>
    tpu.vector_store_idx %arg9[%select_n3A_857], %broadcast_in_dim3A_0 masked %lt3A_848 {add = true} : memref<65536xf32, #tpu.memory_space<vmem>>[vector<16xi32>], vector<16xf32>, vector<16xi1>
    %add3A_858 = arith.constant 16 : i32
    %add3A_859 = arith.addi %mul3A_1, %add3A_858 : i32
    %iota3A_860 = tpu.iota {dimensions = array<i32: 0>} : vector<16xi32>
    %add3A_861 = vector.broadcast %add3A_859 : i32 to vector<16xi32>
    %add3A_862 = arith.addi %add3A_861, %iota3A_860 : vector<16xi32>
    %lt3A_863 = arith.constant 1000 : i32
    %lt3A_864 = vector.broadcast %lt3A_863 : i32 to vector<16xi32>
    %lt3A_865 = arith.cmpi slt, %add3A_862, %lt3A_864 : vector<16xi32>
    %sub3A_866 = vector.broadcast %mul3A_1 : i32 to vector<16xi32>
    %sub3A_867 = arith.subi %add3A_862, %sub3A_866 : vector<16xi32>
    %mul3A_868 = arith.constant 1024 : i32
    %mul3A_869 = vector.broadcast %mul3A_868 : i32 to vector<16xi32>
    %mul3A_870 = arith.muli %sub3A_867, %mul3A_869 : vector<16xi32>
    %add3A_871 = arith.addi %mul3A_870, %add3A_862 : vector<16xi32>
    %broadcast_in_dim3A_872 = arith.constant 0 : i32
    %broadcast_in_dim3A_873 = vector.broadcast %broadcast_in_dim3A_872 : i32 to vector<16xi32>
    %select_n3A_874 = arith.select %lt3A_865, %add3A_871, %broadcast_in_dim3A_873 : vector<16xi1>, vector<16xi32>
    tpu.vector_store_idx %arg9[%select_n3A_874], %broadcast_in_dim3A_0 masked %lt3A_865 {add = true} : memref<65536xf32, #tpu.memory_space<vmem>>[vector<16xi32>], vector<16xf32>, vector<16xi1>
    %add3A_875 = arith.constant 32 : i32
    %add3A_876 = arith.addi %mul3A_1, %add3A_875 : i32
    %iota3A_877 = tpu.iota {dimensions = array<i32: 0>} : vector<16xi32>
    %add3A_878 = vector.broadcast %add3A_876 : i32 to vector<16xi32>
    %add3A_879 = arith.addi %add3A_878, %iota3A_877 : vector<16xi32>
    %lt3A_880 = arith.constant 1000 : i32
    %lt3A_881 = vector.broadcast %lt3A_880 : i32 to vector<16xi32>
    %lt3A_882 = arith.cmpi slt, %add3A_879, %lt3A_881 : vector<16xi32>
    %sub3A_883 = vector.broadcast %mul3A_1 : i32 to vector<16xi32>
    %sub3A_884 = arith.subi %add3A_879, %sub3A_883 : vector<16xi32>
    %mul3A_885 = arith.constant 1024 : i32
    %mul3A_886 = vector.broadcast %mul3A_885 : i32 to vector<16xi32>
    %mul3A_887 = arith.muli %sub3A_884, %mul3A_886 : vector<16xi32>
    %add3A_888 = arith.addi %mul3A_887, %add3A_879 : vector<16xi32>
    %broadcast_in_dim3A_889 = arith.constant 0 : i32
    %broadcast_in_dim3A_890 = vector.broadcast %broadcast_in_dim3A_889 : i32 to vector<16xi32>
    %select_n3A_891 = arith.select %lt3A_882, %add3A_888, %broadcast_in_dim3A_890 : vector<16xi1>, vector<16xi32>
    tpu.vector_store_idx %arg9[%select_n3A_891], %broadcast_in_dim3A_0 masked %lt3A_882 {add = true} : memref<65536xf32, #tpu.memory_space<vmem>>[vector<16xi32>], vector<16xf32>, vector<16xi1>
    %add3A_892 = arith.constant 48 : i32
    %add3A_893 = arith.addi %mul3A_1, %add3A_892 : i32
    %iota3A_894 = tpu.iota {dimensions = array<i32: 0>} : vector<16xi32>
    %add3A_895 = vector.broadcast %add3A_893 : i32 to vector<16xi32>
    %add3A_896 = arith.addi %add3A_895, %iota3A_894 : vector<16xi32>
    %lt3A_897 = arith.constant 1000 : i32
    %lt3A_898 = vector.broadcast %lt3A_897 : i32 to vector<16xi32>
    %lt3A_899 = arith.cmpi slt, %add3A_896, %lt3A_898 : vector<16xi32>
    %sub3A_900 = vector.broadcast %mul3A_1 : i32 to vector<16xi32>
    %sub3A_901 = arith.subi %add3A_896, %sub3A_900 : vector<16xi32>
    %mul3A_902 = arith.constant 1024 : i32
    %mul3A_903 = vector.broadcast %mul3A_902 : i32 to vector<16xi32>
    %mul3A_904 = arith.muli %sub3A_901, %mul3A_903 : vector<16xi32>
    %add3A_905 = arith.addi %mul3A_904, %add3A_896 : vector<16xi32>
    %broadcast_in_dim3A_906 = arith.constant 0 : i32
    %broadcast_in_dim3A_907 = vector.broadcast %broadcast_in_dim3A_906 : i32 to vector<16xi32>
    %select_n3A_908 = arith.select %lt3A_899, %add3A_905, %broadcast_in_dim3A_907 : vector<16xi1>, vector<16xi32>
    tpu.vector_store_idx %arg9[%select_n3A_908], %broadcast_in_dim3A_0 masked %lt3A_899 {add = true} : memref<65536xf32, #tpu.memory_space<vmem>>[vector<16xi32>], vector<16xf32>, vector<16xi1>
    %mul3A_909 = arith.constant 1024000 : i32
    %mul3A_910 = arith.muli %add3A_736, %mul3A_909 : i32
    %lt3A_911 = arith.constant 15 : i32
    %lt3A_912 = arith.cmpi slt, %arg1, %lt3A_911 : i32
    %convert_element_type3A_913 = arith.extui %lt3A_912 : i1 to i32
    %cond3A_914 = arith.constant 0 : i32
    %cond3A_915 = arith.cmpi ne, %convert_element_type3A_913, %cond3A_914 : i32
    scf.if %cond3A_915 {
      %mul3A_921 = arith.constant 65536 : i32
      %mul3A_922 = arith.muli %arg1, %mul3A_921 : i32
      %add3A_923 = arith.addi %mul3A_910, %mul3A_922 : i32
      "tpu.region"() ({
        %run_scoped3A = tpu.sem_alloc : memref<!tpu.dma_semaphore, #tpu.memory_space<semaphore_mem>>
        %dma_start3A_924 = tpu.memref_slice %arg4[%add3A_923] : memref<10240000xf32, #tpu.memory_space<hbm>> -> memref<65536xf32, #tpu.memory_space<hbm>>
        %dma_start3A_925 = tpu.memref_slice %arg4[%add3A_923] : memref<10240000xf32, #tpu.memory_space<hbm>> -> memref<65536xf32, #tpu.memory_space<hbm>>
        tpu.enqueue_dma source(%arg9 : memref<65536xf32, #tpu.memory_space<vmem>>) target(%dma_start3A_925 : memref<65536xf32, #tpu.memory_space<hbm>>) target_semaphore(%run_scoped3A : memref<!tpu.dma_semaphore, #tpu.memory_space<semaphore_mem>>)
        %dma_wait3A_926 = tpu.memref_slice %arg4[%add3A_923] : memref<10240000xf32, #tpu.memory_space<hbm>> -> memref<65536xf32, #tpu.memory_space<hbm>>
        %dma_wait3A_927 = tpu.memref_slice %arg4[%add3A_923] : memref<10240000xf32, #tpu.memory_space<hbm>> -> memref<65536xf32, #tpu.memory_space<hbm>>
        tpu.wait_dma2 semaphore(%run_scoped3A : memref<!tpu.dma_semaphore, #tpu.memory_space<semaphore_mem>>) src(%arg9 : memref<65536xf32, #tpu.memory_space<vmem>>) dst(%dma_wait3A_927 : memref<65536xf32, #tpu.memory_space<hbm>>)
        tpu.yield
      }) : () -> ()
    } else {
    }
    %eq3A_916 = arith.constant 15 : i32
    %eq3A_917 = arith.cmpi eq, %arg1, %eq3A_916 : i32
    %convert_element_type3A_918 = arith.extui %eq3A_917 : i1 to i32
    %cond3A_919 = arith.constant 0 : i32
    %cond3A_920 = arith.cmpi ne, %convert_element_type3A_918, %cond3A_919 : i32
    scf.if %cond3A_920 {
      %add3A_921 = arith.constant 983040 : i32
      %add3A_922 = arith.addi %mul3A_910, %add3A_921 : i32
      "tpu.region"() ({
        %run_scoped3A = tpu.sem_alloc : memref<!tpu.dma_semaphore, #tpu.memory_space<semaphore_mem>>
        %dma_start3A_923 = arith.constant 0 : i32
        %dma_start3A_924 = tpu.memref_slice %arg9[%dma_start3A_923] : memref<65536xf32, #tpu.memory_space<vmem>> -> memref<40960xf32, #tpu.memory_space<vmem>>
        %dma_start3A_925 = tpu.memref_slice %arg4[%add3A_922] : memref<10240000xf32, #tpu.memory_space<hbm>> -> memref<40960xf32, #tpu.memory_space<hbm>>
        %dma_start3A_926 = tpu.memref_slice %arg4[%add3A_922] : memref<10240000xf32, #tpu.memory_space<hbm>> -> memref<40960xf32, #tpu.memory_space<hbm>>
        %dma_start3A_927 = arith.constant 0 : i32
        %dma_start3A_928 = tpu.memref_slice %arg9[%dma_start3A_927] : memref<65536xf32, #tpu.memory_space<vmem>> -> memref<40960xf32, #tpu.memory_space<vmem>>
        tpu.enqueue_dma source(%dma_start3A_928 : memref<40960xf32, #tpu.memory_space<vmem>>) target(%dma_start3A_926 : memref<40960xf32, #tpu.memory_space<hbm>>) target_semaphore(%run_scoped3A : memref<!tpu.dma_semaphore, #tpu.memory_space<semaphore_mem>>)
        %dma_wait3A_929 = arith.constant 0 : i32
        %dma_wait3A_930 = tpu.memref_slice %arg9[%dma_wait3A_929] : memref<65536xf32, #tpu.memory_space<vmem>> -> memref<40960xf32, #tpu.memory_space<vmem>>
        %dma_wait3A_931 = tpu.memref_slice %arg4[%add3A_922] : memref<10240000xf32, #tpu.memory_space<hbm>> -> memref<40960xf32, #tpu.memory_space<hbm>>
        %dma_wait3A_932 = tpu.memref_slice %arg4[%add3A_922] : memref<10240000xf32, #tpu.memory_space<hbm>> -> memref<40960xf32, #tpu.memory_space<hbm>>
        %dma_wait3A_933 = arith.constant 0 : i32
        %dma_wait3A_934 = tpu.memref_slice %arg9[%dma_wait3A_933] : memref<65536xf32, #tpu.memory_space<vmem>> -> memref<40960xf32, #tpu.memory_space<vmem>>
        tpu.wait_dma2 semaphore(%run_scoped3A : memref<!tpu.dma_semaphore, #tpu.memory_space<semaphore_mem>>) src(%dma_wait3A_934 : memref<40960xf32, #tpu.memory_space<vmem>>) dst(%dma_wait3A_932 : memref<40960xf32, #tpu.memory_space<hbm>>)
        tpu.yield
      }) : () -> ()
    } else {
    }
    return
  }
}

module attributes {stable_mosaic.version = 14 : i64} {
  func.func @body(%arg0: i32, %arg1: memref<1x1000x128xf32, #tpu.memory_space<vmem>>, %arg2: memref<1x1000x1024xf32, #tpu.memory_space<vmem>>, %arg3: memref<128x128xf32, #tpu.memory_space<vmem>>, %arg4: memref<1x128xf32, #tpu.memory_space<vmem>>, %arg5: memref<128x1xf32, #tpu.memory_space<vmem>>, %arg6: memref<1x128xf32, #tpu.memory_space<vmem>>, %arg7: memref<1x500x128xf32, #tpu.memory_space<vmem>>, %arg8: memref<1x500x500xf32, #tpu.memory_space<vmem>>, %arg9: memref<1x1x128xf32, #tpu.memory_space<vmem>>, %arg10: memref<1x1x128xf32, #tpu.memory_space<vmem>>) attributes {dimension_semantics = [#tpu.dimension_semantics<arbitrary>], iteration_bounds = array<i64: 10>, scalar_prefetch = 0 : i64, scratch_operands = 0 : i64, tpu.core_type = #tpu.core_type<tc>, window_params = [{transform_indices = @transform_0, window_bounds = array<i64: 1, 1000, 128>}, {transform_indices = @transform_1, window_bounds = array<i64: 1, 1000, 1024>}, {pipeline_mode = #tpu.pipeline_mode<synchronous>, transform_indices = @transform_2, window_bounds = array<i64: 128, 128>}, {pipeline_mode = #tpu.pipeline_mode<synchronous>, transform_indices = @transform_3, window_bounds = array<i64: 1, 128>}, {pipeline_mode = #tpu.pipeline_mode<synchronous>, transform_indices = @transform_4, window_bounds = array<i64: 128, 1>}, {pipeline_mode = #tpu.pipeline_mode<synchronous>, transform_indices = @transform_5, window_bounds = array<i64: 1, 128>}, {transform_indices = @transform_6, window_bounds = array<i64: 1, 500, 128>}, {transform_indices = @transform_7, window_bounds = array<i64: 1, 500, 500>}, {transform_indices = @transform_8, window_bounds = array<i64: 1, 1, 128>}, {transform_indices = @transform_9, window_bounds = array<i64: 1, 1, 128>}]} {
    %get3A = arith.constant 0 : index
    %get3A_0 = arith.constant 0 : index
    %get3A_1 = arith.constant 0 : index
    %get3A_2 = vector.load %arg1[%get3A, %get3A_0, %get3A_1] : memref<1x1000x128xf32, #tpu.memory_space<vmem>>, vector<1x1000x128xf32>
    %get3A_3 = vector.shape_cast %get3A_2 : vector<1x1000x128xf32> to vector<1000x128xf32>
    %convert_element_type3A = arith.truncf %get3A_3 : vector<1000x128xf32> to vector<1000x128xbf16>
    %get3A_4 = arith.constant 0 : index
    %get3A_5 = arith.constant 0 : index
    %get3A_6 = vector.load %arg3[%get3A_4, %get3A_5] : memref<128x128xf32, #tpu.memory_space<vmem>>, vector<128x128xf32>
    %convert_element_type3A_7 = arith.truncf %get3A_6 : vector<128x128xf32> to vector<128x128xbf16>
    %dot_general3A = arith.constant dense<0.000000e+00> : vector<1000x128xf32>
    %dot_general3A_8 = tpu.matmul %convert_element_type3A, %convert_element_type3A_7, %dot_general3A {dimension_numbers = #tpu.dot_dimension_numbers<[1], [0], [0], [1], [0, 0, 1, 1], [], []>, transpose_lhs_hint = false} : vector<1000x128xbf16>, vector<128x128xbf16>, vector<1000x128xf32> -> vector<1000x128xf32>
    %convert_element_type3A_9 = arith.truncf %dot_general3A_8 : vector<1000x128xf32> to vector<1000x128xbf16>
    %get3A_10 = arith.constant 0 : index
    %get3A_11 = arith.constant 0 : index
    %get3A_12 = vector.load %arg5[%get3A_10, %get3A_11] : memref<128x1xf32, #tpu.memory_space<vmem>>, vector<128x1xf32>
    %convert_element_type3A_13 = arith.truncf %get3A_12 : vector<128x1xf32> to vector<128x1xbf16>
    %dot_general3A_14 = arith.constant dense<0.000000e+00> : vector<1000x1xf32>
    %dot_general3A_15 = tpu.matmul %convert_element_type3A_9, %convert_element_type3A_13, %dot_general3A_14 {dimension_numbers = #tpu.dot_dimension_numbers<[1], [0], [0], [1], [0, 0, 1, 1], [], []>, transpose_lhs_hint = false} : vector<1000x128xbf16>, vector<128x1xbf16>, vector<1000x1xf32> -> vector<1000x1xf32>
    %get3A_16 = arith.constant 0 : index
    %get3A_17 = arith.constant 0 : index
    %get3A_18 = vector.load %arg4[%get3A_16, %get3A_17] : memref<1x128xf32, #tpu.memory_space<vmem>>, vector<1x128xf32>
    %convert_element_type3A_19 = arith.truncf %get3A_18 : vector<1x128xf32> to vector<1x128xbf16>
    %dot_general3A_20 = arith.constant dense<0.000000e+00> : vector<1x1000xf32>
    %dot_general3A_21 = tpu.matmul %convert_element_type3A_19, %convert_element_type3A_9, %dot_general3A_20 {dimension_numbers = #tpu.dot_dimension_numbers<[1], [1], [0], [0], [0, 0, 1, 0], [], []>, transpose_lhs_hint = false} : vector<1x128xbf16>, vector<1000x128xbf16>, vector<1x1000xf32> -> vector<1x1000xf32>
    %add3A = vector.broadcast %dot_general3A_15 : vector<1000x1xf32> to vector<1000x1000xf32>
    %add3A_22 = vector.broadcast %dot_general3A_21 : vector<1x1000xf32> to vector<1000x1000xf32>
    %add3A_23 = arith.addf %add3A, %add3A_22 : vector<1000x1000xf32>
    %ge3A = arith.constant 0.000000e+00 : f32
    %ge3A_24 = vector.broadcast %ge3A : f32 to vector<1000x1000xf32>
    %ge3A_25 = arith.cmpf oge, %add3A_23, %ge3A_24 : vector<1000x1000xf32>
    %mul3A = arith.constant 2.000000e-01 : f32
    %mul3A_26 = vector.broadcast %mul3A : f32 to vector<1000x1000xf32>
    %mul3A_27 = arith.mulf %mul3A_26, %add3A_23 : vector<1000x1000xf32>
    %select_n3A = arith.select %ge3A_25, %add3A_23, %mul3A_27 : vector<1000x1000xi1>, vector<1000x1000xf32>
    %get3A_28 = arith.constant 0 : index
    %get3A_29 = arith.constant 0 : index
    %get3A_30 = arith.constant 0 : index
    %get3A_31 = vector.load %arg2[%get3A_28, %get3A_29, %get3A_30] : memref<1x1000x1024xf32, #tpu.memory_space<vmem>>, vector<1x1000x1024xf32>
    %get3A_32 = vector.shape_cast %get3A_31 : vector<1x1000x1024xf32> to vector<1000x1024xf32>
    %slice3A = vector.extract_strided_slice %get3A_32 {offsets = [0, 0], sizes = [1000, 1000], strides = [1, 1]} : vector<1000x1024xf32> to vector<1000x1000xf32>
    %reduce_max3A = arith.constant dense<0xFF800000> : vector<1000xf32>
    %reduce_max3A_33 = vector.multi_reduction <maximumf>, %select_n3A, %reduce_max3A [1] : vector<1000x1000xf32> to vector<1000xf32>
    %broadcast_in_dim3A = vector.shape_cast %reduce_max3A_33 : vector<1000xf32> to vector<1000x1xf32>
    %sub3A = vector.broadcast %broadcast_in_dim3A : vector<1000x1xf32> to vector<1000x1000xf32>
    %sub3A_34 = arith.subf %select_n3A, %sub3A : vector<1000x1000xf32>
    %exp3A = math.exp %sub3A_34 : vector<1000x1000xf32>
    %mul3A_35 = arith.mulf %slice3A, %exp3A : vector<1000x1000xf32>
    %reduce_sum3A = arith.constant dense<0.000000e+00> : vector<1000xf32>
    %reduce_sum3A_36 = vector.multi_reduction <add>, %mul3A_35, %reduce_sum3A [1] : vector<1000x1000xf32> to vector<1000xf32>
    %broadcast_in_dim3A_37 = vector.shape_cast %reduce_sum3A_36 : vector<1000xf32> to vector<1000x1xf32>
    %add3A_38 = arith.constant 1.000000e-16 : f32
    %add3A_39 = vector.broadcast %add3A_38 : f32 to vector<1000x1xf32>
    %add3A_40 = arith.addf %broadcast_in_dim3A_37, %add3A_39 : vector<1000x1xf32>
    %convert_element_type3A_41 = arith.truncf %mul3A_35 : vector<1000x1000xf32> to vector<1000x1000xbf16>
    %convert_element_type3A_42 = arith.extf %convert_element_type3A_41 : vector<1000x1000xbf16> to vector<1000x1000xf32>
    %sub3A_43 = arith.subf %mul3A_35, %convert_element_type3A_42 : vector<1000x1000xf32>
    %convert_element_type3A_44 = arith.truncf %sub3A_43 : vector<1000x1000xf32> to vector<1000x1000xbf16>
    %convert_element_type3A_45 = arith.truncf %dot_general3A_8 : vector<1000x128xf32> to vector<1000x128xbf16>
    %convert_element_type3A_46 = arith.extf %convert_element_type3A_45 : vector<1000x128xbf16> to vector<1000x128xf32>
    %sub3A_47 = arith.subf %dot_general3A_8, %convert_element_type3A_46 : vector<1000x128xf32>
    %convert_element_type3A_48 = arith.truncf %sub3A_47 : vector<1000x128xf32> to vector<1000x128xbf16>
    %dot_general3A_49 = arith.constant dense<0.000000e+00> : vector<1000x128xf32>
    %dot_general3A_50 = tpu.matmul %convert_element_type3A_41, %convert_element_type3A_45, %dot_general3A_49 {dimension_numbers = #tpu.dot_dimension_numbers<[1], [0], [0], [1], [0, 0, 1, 1], [], []>, transpose_lhs_hint = false} : vector<1000x1000xbf16>, vector<1000x128xbf16>, vector<1000x128xf32> -> vector<1000x128xf32>
    %dot_general3A_51 = arith.constant dense<0.000000e+00> : vector<1000x128xf32>
    %dot_general3A_52 = tpu.matmul %convert_element_type3A_41, %convert_element_type3A_48, %dot_general3A_51 {dimension_numbers = #tpu.dot_dimension_numbers<[1], [0], [0], [1], [0, 0, 1, 1], [], []>, transpose_lhs_hint = false} : vector<1000x1000xbf16>, vector<1000x128xbf16>, vector<1000x128xf32> -> vector<1000x128xf32>
    %dot_general3A_53 = arith.constant dense<0.000000e+00> : vector<1000x128xf32>
    %dot_general3A_54 = tpu.matmul %convert_element_type3A_44, %convert_element_type3A_45, %dot_general3A_53 {dimension_numbers = #tpu.dot_dimension_numbers<[1], [0], [0], [1], [0, 0, 1, 1], [], []>, transpose_lhs_hint = false} : vector<1000x1000xbf16>, vector<1000x128xbf16>, vector<1000x128xf32> -> vector<1000x128xf32>
    %add3A_55 = arith.addf %dot_general3A_52, %dot_general3A_54 : vector<1000x128xf32>
    %add3A_56 = arith.addf %dot_general3A_50, %add3A_55 : vector<1000x128xf32>
    %div3A = vector.broadcast %add3A_40 : vector<1000x1xf32> to vector<1000x128xf32>
    %div3A_57 = arith.divf %add3A_56, %div3A : vector<1000x128xf32>
    %get3A_58 = arith.constant 0 : index
    %get3A_59 = arith.constant 0 : index
    %get3A_60 = vector.load %arg6[%get3A_58, %get3A_59] : memref<1x128xf32, #tpu.memory_space<vmem>>, vector<1x128xf32>
    %add3A_61 = vector.broadcast %get3A_60 : vector<1x128xf32> to vector<1000x128xf32>
    %add3A_62 = arith.addf %div3A_57, %add3A_61 : vector<1000x128xf32>
    %max3A = arith.constant 0.000000e+00 : f32
    %max3A_63 = vector.broadcast %max3A : f32 to vector<1000x128xf32>
    %max3A_64 = arith.maximumf %add3A_62, %max3A_63 : vector<1000x128xf32>
    %reshape3A = vector.shape_cast %max3A_64 : vector<1000x128xf32> to vector<500x2x128xf32>
    %reduce_max3A_65 = arith.constant dense<0xFF800000> : vector<500x128xf32>
    %reduce_max3A_66 = vector.multi_reduction <maximumf>, %reshape3A, %reduce_max3A_65 [1] : vector<500x2x128xf32> to vector<500x128xf32>
    %swap3A = arith.constant 0 : index
    %swap3A_67 = arith.constant 0 : index
    %swap3A_68 = arith.constant 0 : index
    %swap3A_69 = vector.load %arg7[%swap3A, %swap3A_67, %swap3A_68] : memref<1x500x128xf32, #tpu.memory_space<vmem>>, vector<1x500x128xf32>
    %swap3A_70 = vector.shape_cast %swap3A_69 : vector<1x500x128xf32> to vector<500x128xf32>
    %swap3A_71 = vector.shape_cast %reduce_max3A_66 : vector<500x128xf32> to vector<1x500x128xf32>
    tpu.vector_store %arg7[%swap3A, %swap3A_67, %swap3A_68], %swap3A_71 {strides = array<i32>} : memref<1x500x128xf32, #tpu.memory_space<vmem>>, vector<1x500x128xf32>,
    %reduce_sum3A_72 = arith.constant dense<0.000000e+00> : vector<128xf32>
    %reduce_sum3A_73 = vector.multi_reduction <add>, %reduce_max3A_66, %reduce_sum3A_72 [0] : vector<500x128xf32> to vector<128xf32>
    %broadcast_in_dim3A_74 = vector.shape_cast %reduce_sum3A_73 : vector<128xf32> to vector<1x128xf32>
    %swap3A_75 = arith.constant 0 : index
    %swap3A_76 = arith.constant 0 : index
    %swap3A_77 = arith.constant 0 : index
    %swap3A_78 = vector.load %arg9[%swap3A_75, %swap3A_76, %swap3A_77] : memref<1x1x128xf32, #tpu.memory_space<vmem>>, vector<1x1x128xf32>
    %swap3A_79 = vector.shape_cast %swap3A_78 : vector<1x1x128xf32> to vector<1x128xf32>
    %swap3A_80 = vector.shape_cast %broadcast_in_dim3A_74 : vector<1x128xf32> to vector<1x1x128xf32>
    tpu.vector_store %arg9[%swap3A_75, %swap3A_76, %swap3A_77], %swap3A_80 {strides = array<i32>} : memref<1x1x128xf32, #tpu.memory_space<vmem>>, vector<1x1x128xf32>,
    %mul3A_81 = arith.mulf %reduce_max3A_66, %reduce_max3A_66 : vector<500x128xf32>
    %reduce_sum3A_82 = arith.constant dense<0.000000e+00> : vector<128xf32>
    %reduce_sum3A_83 = vector.multi_reduction <add>, %mul3A_81, %reduce_sum3A_82 [0] : vector<500x128xf32> to vector<128xf32>
    %broadcast_in_dim3A_84 = vector.shape_cast %reduce_sum3A_83 : vector<128xf32> to vector<1x128xf32>
    %swap3A_85 = arith.constant 0 : index
    %swap3A_86 = arith.constant 0 : index
    %swap3A_87 = arith.constant 0 : index
    %swap3A_88 = vector.load %arg10[%swap3A_85, %swap3A_86, %swap3A_87] : memref<1x1x128xf32, #tpu.memory_space<vmem>>, vector<1x1x128xf32>
    %swap3A_89 = vector.shape_cast %swap3A_88 : vector<1x1x128xf32> to vector<1x128xf32>
    %swap3A_90 = vector.shape_cast %broadcast_in_dim3A_84 : vector<1x128xf32> to vector<1x1x128xf32>
    tpu.vector_store %arg10[%swap3A_85, %swap3A_86, %swap3A_87], %swap3A_90 {strides = array<i32>} : memref<1x1x128xf32, #tpu.memory_space<vmem>>, vector<1x1x128xf32>,
    %reshape3A_91 = vector.shape_cast %slice3A : vector<1000x1000xf32> to vector<500x2x1000xf32>
    %reduce_max3A_92 = arith.constant dense<0xFF800000> : vector<500x1000xf32>
    %reduce_max3A_93 = vector.multi_reduction <maximumf>, %reshape3A_91, %reduce_max3A_92 [1] : vector<500x2x1000xf32> to vector<500x1000xf32>
    %iota3A = tpu.iota {dimensions = array<i32: 0>} : vector<1000x500xi32>
    %iota3A_94 = tpu.iota {dimensions = array<i32: 1>} : vector<1000x500xi32>
    %jit3A = arith.constant 2 : i32
    %div3A_95 = vector.broadcast %jit3A : i32 to vector<1000x500xi32>
    %div3A_96 = arith.divsi %iota3A, %div3A_95 : vector<1000x500xi32>
    %sign3A = arith.constant 0 : i32
    %sign3A_97 = vector.broadcast %sign3A : i32 to vector<1000x500xi32>
    %sign3A_98 = arith.cmpi sgt, %iota3A, %sign3A_97 : vector<1000x500xi32>
    %sign3A_99 = arith.extui %sign3A_98 : vector<1000x500xi1> to vector<1000x500xi32>
    %sign3A_100 = arith.constant 0 : i32
    %sign3A_101 = vector.broadcast %sign3A_100 : i32 to vector<1000x500xi32>
    %sign3A_102 = arith.cmpi slt, %iota3A, %sign3A_101 : vector<1000x500xi32>
    %sign3A_103 = arith.extui %sign3A_102 : vector<1000x500xi1> to vector<1000x500xi32>
    %sign3A_104 = arith.subi %sign3A_99, %sign3A_103 : vector<1000x500xi32>
    %sign3A_105 = arith.constant 0 : i32
    %sign3A_106 = arith.cmpi sgt, %jit3A, %sign3A_105 : i32
    %sign3A_107 = arith.extui %sign3A_106 : i1 to i32
    %sign3A_108 = arith.constant 0 : i32
    %sign3A_109 = arith.cmpi slt, %jit3A, %sign3A_108 : i32
    %sign3A_110 = arith.extui %sign3A_109 : i1 to i32
    %sign3A_111 = arith.subi %sign3A_107, %sign3A_110 : i32
    %ne3A = vector.broadcast %sign3A_111 : i32 to vector<1000x500xi32>
    %ne3A_112 = arith.cmpi ne, %sign3A_104, %ne3A : vector<1000x500xi32>
    %rem3A = vector.broadcast %jit3A : i32 to vector<1000x500xi32>
    %rem3A_113 = arith.remsi %iota3A, %rem3A : vector<1000x500xi32>
    %ne3A_114 = arith.constant 0 : i32
    %ne3A_115 = vector.broadcast %ne3A_114 : i32 to vector<1000x500xi32>
    %ne3A_116 = arith.cmpi ne, %rem3A_113, %ne3A_115 : vector<1000x500xi32>
    %and3A = arith.andi %ne3A_112, %ne3A_116 : vector<1000x500xi1>
    %sub3A_117 = arith.constant 1 : i32
    %sub3A_118 = vector.broadcast %sub3A_117 : i32 to vector<1000x500xi32>
    %sub3A_119 = arith.subi %div3A_96, %sub3A_118 : vector<1000x500xi32>
    %select_n3A_120 = arith.select %and3A, %sub3A_119, %div3A_96 : vector<1000x500xi1>, vector<1000x500xi32>
    %eq3A = arith.cmpi eq, %select_n3A_120, %iota3A_94 : vector<1000x500xi32>
    %jit3A_121 = arith.constant 1.000000e+00 : f32
    %jit3A_122 = arith.constant 0.000000e+00 : f32
    %broadcast_in_dim3A_123 = vector.broadcast %jit3A_121 : f32 to vector<1000x500xf32>
    %broadcast_in_dim3A_124 = vector.broadcast %jit3A_122 : f32 to vector<1000x500xf32>
    %select_n3A_125 = arith.select %eq3A, %broadcast_in_dim3A_123, %broadcast_in_dim3A_124 : vector<1000x500xi1>, vector<1000x500xf32>
    %convert_element_type3A_126 = arith.truncf %select_n3A_125 : vector<1000x500xf32> to vector<1000x500xbf16>
    %convert_element_type3A_127 = arith.truncf %reduce_max3A_93 : vector<500x1000xf32> to vector<500x1000xbf16>
    %dot_general3A_128 = arith.constant dense<0.000000e+00> : vector<500x500xf32>
    %dot_general3A_129 = tpu.matmul %convert_element_type3A_127, %convert_element_type3A_126, %dot_general3A_128 {dimension_numbers = #tpu.dot_dimension_numbers<[1], [0], [0], [1], [0, 0, 1, 1], [], []>, transpose_lhs_hint = false} : vector<500x1000xbf16>, vector<1000x500xbf16>, vector<500x500xf32> -> vector<500x500xf32>
    %iota3A_130 = tpu.iota {dimensions = array<i32: 0>} : vector<500x500xi32>
    %iota3A_131 = tpu.iota {dimensions = array<i32: 1>} : vector<500x500xi32>
    %gt3A = arith.constant 5.000000e-01 : f32
    %gt3A_132 = vector.broadcast %gt3A : f32 to vector<500x500xf32>
    %gt3A_133 = arith.cmpf ogt, %dot_general3A_129, %gt3A_132 : vector<500x500xf32>
    %eq3A_134 = arith.cmpi eq, %iota3A_130, %iota3A_131 : vector<500x500xi32>
    %or3A = arith.ori %gt3A_133, %eq3A_134 : vector<500x500xi1>
    %jit3A_135 = arith.constant 1.000000e+00 : f32
    %jit3A_136 = arith.constant 0.000000e+00 : f32
    %broadcast_in_dim3A_137 = vector.broadcast %jit3A_135 : f32 to vector<500x500xf32>
    %broadcast_in_dim3A_138 = vector.broadcast %jit3A_136 : f32 to vector<500x500xf32>
    %select_n3A_139 = arith.select %or3A, %broadcast_in_dim3A_137, %broadcast_in_dim3A_138 : vector<500x500xi1>, vector<500x500xf32>
    %swap3A_140 = arith.constant 0 : index
    %swap3A_141 = arith.constant 0 : index
    %swap3A_142 = arith.constant 0 : index
    %swap3A_143 = vector.load %arg8[%swap3A_140, %swap3A_141, %swap3A_142] : memref<1x500x500xf32, #tpu.memory_space<vmem>>, vector<1x500x500xf32>
    %swap3A_144 = vector.shape_cast %swap3A_143 : vector<1x500x500xf32> to vector<500x500xf32>
    %swap3A_145 = vector.shape_cast %select_n3A_139 : vector<500x500xf32> to vector<1x500x500xf32>
    tpu.vector_store %arg8[%swap3A_140, %swap3A_141, %swap3A_142], %swap3A_145 {strides = array<i32>} : memref<1x500x500xf32, #tpu.memory_space<vmem>>, vector<1x500x500xf32>,
    return
  }
  func.func @transform_0(%arg0: i32) -> (i32, i32, i32) {
    %c0_i32 = arith.constant 0 : i32
    %c0_i32_0 = arith.constant 0 : i32
    %c0_i32_1 = arith.constant 0 : i32
    return %arg0, %c0_i32, %c0_i32_0 : i32, i32, i32
  }
  func.func @transform_1(%arg0: i32) -> (i32, i32, i32) {
    %c0_i32 = arith.constant 0 : i32
    %c0_i32_0 = arith.constant 0 : i32
    %c0_i32_1 = arith.constant 0 : i32
    return %arg0, %c0_i32, %c0_i32_0 : i32, i32, i32
  }
  func.func @transform_2(%arg0: i32) -> (i32, i32) {
    %c0_i32 = arith.constant 0 : i32
    %c0_i32_0 = arith.constant 0 : i32
    %c0_i32_1 = arith.constant 0 : i32
    return %c0_i32, %c0_i32_0 : i32, i32
  }
  func.func @transform_3(%arg0: i32) -> (i32, i32) {
    %c0_i32 = arith.constant 0 : i32
    %c0_i32_0 = arith.constant 0 : i32
    %c0_i32_1 = arith.constant 0 : i32
    return %c0_i32, %c0_i32_0 : i32, i32
  }
  func.func @transform_4(%arg0: i32) -> (i32, i32) {
    %c0_i32 = arith.constant 0 : i32
    %c0_i32_0 = arith.constant 0 : i32
    %c0_i32_1 = arith.constant 0 : i32
    return %c0_i32, %c0_i32_0 : i32, i32
  }
  func.func @transform_5(%arg0: i32) -> (i32, i32) {
    %c0_i32 = arith.constant 0 : i32
    %c0_i32_0 = arith.constant 0 : i32
    %c0_i32_1 = arith.constant 0 : i32
    return %c0_i32, %c0_i32_0 : i32, i32
  }
  func.func @transform_6(%arg0: i32) -> (i32, i32, i32) {
    %c0_i32 = arith.constant 0 : i32
    %c0_i32_0 = arith.constant 0 : i32
    %c0_i32_1 = arith.constant 0 : i32
    return %arg0, %c0_i32, %c0_i32_0 : i32, i32, i32
  }
  func.func @transform_7(%arg0: i32) -> (i32, i32, i32) {
    %c0_i32 = arith.constant 0 : i32
    %c0_i32_0 = arith.constant 0 : i32
    %c0_i32_1 = arith.constant 0 : i32
    return %arg0, %c0_i32, %c0_i32_0 : i32, i32, i32
  }
  func.func @transform_8(%arg0: i32) -> (i32, i32, i32) {
    %c0_i32 = arith.constant 0 : i32
    %c0_i32_0 = arith.constant 0 : i32
    %c0_i32_1 = arith.constant 0 : i32
    return %arg0, %c0_i32, %c0_i32_0 : i32, i32, i32
  }
  func.func @transform_9(%arg0: i32) -> (i32, i32, i32) {
    %c0_i32 = arith.constant 0 : i32
    %c0_i32_0 = arith.constant 0 : i32
    %c0_i32_1 = arith.constant 0 : i32
    return %arg0, %c0_i32, %c0_i32_0 : i32, i32, i32
  }
}

module attributes {stable_mosaic.version = 14 : i64} {
  func.func @body(%arg0: i32, %arg1: memref<1x500x128xf32, #tpu.memory_space<vmem>>, %arg2: memref<1x500x500xf32, #tpu.memory_space<vmem>>, %arg3: memref<128x128xf32, #tpu.memory_space<vmem>>, %arg4: memref<1x128xf32, #tpu.memory_space<vmem>>, %arg5: memref<128x1xf32, #tpu.memory_space<vmem>>, %arg6: memref<1x128xf32, #tpu.memory_space<vmem>>, %arg7: memref<10x1x128xf32, #tpu.memory_space<vmem>>, %arg8: memref<10x1x128xf32, #tpu.memory_space<vmem>>, %arg9: memref<1x250x128xf32, #tpu.memory_space<vmem>>, %arg10: memref<1x250x250xf32, #tpu.memory_space<vmem>>, %arg11: memref<1x1x128xf32, #tpu.memory_space<vmem>>, %arg12: memref<1x1x128xf32, #tpu.memory_space<vmem>>) attributes {dimension_semantics = [#tpu.dimension_semantics<arbitrary>], iteration_bounds = array<i64: 10>, scalar_prefetch = 0 : i64, scratch_operands = 0 : i64, tpu.core_type = #tpu.core_type<tc>, window_params = [{transform_indices = @transform_0, window_bounds = array<i64: 1, 500, 128>}, {transform_indices = @transform_1, window_bounds = array<i64: 1, 500, 500>}, {pipeline_mode = #tpu.pipeline_mode<synchronous>, transform_indices = @transform_2, window_bounds = array<i64: 128, 128>}, {pipeline_mode = #tpu.pipeline_mode<synchronous>, transform_indices = @transform_3, window_bounds = array<i64: 1, 128>}, {pipeline_mode = #tpu.pipeline_mode<synchronous>, transform_indices = @transform_4, window_bounds = array<i64: 128, 1>}, {pipeline_mode = #tpu.pipeline_mode<synchronous>, transform_indices = @transform_5, window_bounds = array<i64: 1, 128>}, {pipeline_mode = #tpu.pipeline_mode<synchronous>, transform_indices = @transform_6, window_bounds = array<i64: 10, 1, 128>}, {pipeline_mode = #tpu.pipeline_mode<synchronous>, transform_indices = @transform_7, window_bounds = array<i64: 10, 1, 128>}, {transform_indices = @transform_8, window_bounds = array<i64: 1, 250, 128>}, {transform_indices = @transform_9, window_bounds = array<i64: 1, 250, 250>}, {transform_indices = @transform_10, window_bounds = array<i64: 1, 1, 128>}, {transform_indices = @transform_11, window_bounds = array<i64: 1, 1, 128>}]} {
    %get3A = arith.constant 0 : index
    %get3A_0 = arith.constant 0 : index
    %get3A_1 = arith.constant 0 : index
    %get3A_2 = vector.load %arg1[%get3A, %get3A_0, %get3A_1] : memref<1x500x128xf32, #tpu.memory_space<vmem>>, vector<1x500x128xf32>
    %get3A_3 = vector.shape_cast %get3A_2 : vector<1x500x128xf32> to vector<500x128xf32>
    %get3A_4 = arith.constant 0 : index
    %get3A_5 = arith.constant 0 : index
    %get3A_6 = arith.constant 0 : index
    %get3A_7 = vector.load %arg7[%get3A_4, %get3A_5, %get3A_6] : memref<10x1x128xf32, #tpu.memory_space<vmem>>, vector<10x1x128xf32>
    %reduce_sum3A = arith.constant dense<0.000000e+00> : vector<1x128xf32>
    %reduce_sum3A_8 = vector.multi_reduction <add>, %get3A_7, %reduce_sum3A [0] : vector<10x1x128xf32> to vector<1x128xf32>
    %get3A_9 = arith.constant 0 : index
    %get3A_10 = arith.constant 0 : index
    %get3A_11 = arith.constant 0 : index
    %get3A_12 = vector.load %arg8[%get3A_9, %get3A_10, %get3A_11] : memref<10x1x128xf32, #tpu.memory_space<vmem>>, vector<10x1x128xf32>
    %reduce_sum3A_13 = arith.constant dense<0.000000e+00> : vector<1x128xf32>
    %reduce_sum3A_14 = vector.multi_reduction <add>, %get3A_12, %reduce_sum3A_13 [0] : vector<10x1x128xf32> to vector<1x128xf32>
    %div3A = arith.constant 5.000000e+03 : f32
    %div3A_15 = vector.broadcast %div3A : f32 to vector<1x128xf32>
    %div3A_16 = arith.divf %reduce_sum3A_8, %div3A_15 : vector<1x128xf32>
    %div3A_17 = arith.constant 5.000000e+03 : f32
    %div3A_18 = vector.broadcast %div3A_17 : f32 to vector<1x128xf32>
    %div3A_19 = arith.divf %reduce_sum3A_14, %div3A_18 : vector<1x128xf32>
    %mul3A = arith.mulf %div3A_16, %div3A_16 : vector<1x128xf32>
    %sub3A = arith.subf %div3A_19, %mul3A : vector<1x128xf32>
    %sub3A_20 = vector.broadcast %div3A_16 : vector<1x128xf32> to vector<500x128xf32>
    %sub3A_21 = arith.subf %get3A_3, %sub3A_20 : vector<500x128xf32>
    %add3A = arith.constant 9.99999974E-6 : f32
    %add3A_22 = vector.broadcast %add3A : f32 to vector<1x128xf32>
    %add3A_23 = arith.addf %sub3A, %add3A_22 : vector<1x128xf32>
    %rsqrt3A = math.rsqrt %add3A_23 : vector<1x128xf32>
    %mul3A_24 = vector.broadcast %rsqrt3A : vector<1x128xf32> to vector<500x128xf32>
    %mul3A_25 = arith.mulf %sub3A_21, %mul3A_24 : vector<500x128xf32>
    %convert_element_type3A = arith.truncf %mul3A_25 : vector<500x128xf32> to vector<500x128xbf16>
    %get3A_26 = arith.constant 0 : index
    %get3A_27 = arith.constant 0 : index
    %get3A_28 = vector.load %arg3[%get3A_26, %get3A_27] : memref<128x128xf32, #tpu.memory_space<vmem>>, vector<128x128xf32>
    %convert_element_type3A_29 = arith.truncf %get3A_28 : vector<128x128xf32> to vector<128x128xbf16>
    %dot_general3A = arith.constant dense<0.000000e+00> : vector<500x128xf32>
    %dot_general3A_30 = tpu.matmul %convert_element_type3A, %convert_element_type3A_29, %dot_general3A {dimension_numbers = #tpu.dot_dimension_numbers<[1], [0], [0], [1], [0, 0, 1, 1], [], []>, transpose_lhs_hint = false} : vector<500x128xbf16>, vector<128x128xbf16>, vector<500x128xf32> -> vector<500x128xf32>
    %convert_element_type3A_31 = arith.truncf %dot_general3A_30 : vector<500x128xf32> to vector<500x128xbf16>
    %get3A_32 = arith.constant 0 : index
    %get3A_33 = arith.constant 0 : index
    %get3A_34 = vector.load %arg5[%get3A_32, %get3A_33] : memref<128x1xf32, #tpu.memory_space<vmem>>, vector<128x1xf32>
    %convert_element_type3A_35 = arith.truncf %get3A_34 : vector<128x1xf32> to vector<128x1xbf16>
    %dot_general3A_36 = arith.constant dense<0.000000e+00> : vector<500x1xf32>
    %dot_general3A_37 = tpu.matmul %convert_element_type3A_31, %convert_element_type3A_35, %dot_general3A_36 {dimension_numbers = #tpu.dot_dimension_numbers<[1], [0], [0], [1], [0, 0, 1, 1], [], []>, transpose_lhs_hint = false} : vector<500x128xbf16>, vector<128x1xbf16>, vector<500x1xf32> -> vector<500x1xf32>
    %get3A_38 = arith.constant 0 : index
    %get3A_39 = arith.constant 0 : index
    %get3A_40 = vector.load %arg4[%get3A_38, %get3A_39] : memref<1x128xf32, #tpu.memory_space<vmem>>, vector<1x128xf32>
    %convert_element_type3A_41 = arith.truncf %get3A_40 : vector<1x128xf32> to vector<1x128xbf16>
    %dot_general3A_42 = arith.constant dense<0.000000e+00> : vector<1x500xf32>
    %dot_general3A_43 = tpu.matmul %convert_element_type3A_41, %convert_element_type3A_31, %dot_general3A_42 {dimension_numbers = #tpu.dot_dimension_numbers<[1], [1], [0], [0], [0, 0, 1, 0], [], []>, transpose_lhs_hint = false} : vector<1x128xbf16>, vector<500x128xbf16>, vector<1x500xf32> -> vector<1x500xf32>
    %add3A_44 = vector.broadcast %dot_general3A_37 : vector<500x1xf32> to vector<500x500xf32>
    %add3A_45 = vector.broadcast %dot_general3A_43 : vector<1x500xf32> to vector<500x500xf32>
    %add3A_46 = arith.addf %add3A_44, %add3A_45 : vector<500x500xf32>
    %ge3A = arith.constant 0.000000e+00 : f32
    %ge3A_47 = vector.broadcast %ge3A : f32 to vector<500x500xf32>
    %ge3A_48 = arith.cmpf oge, %add3A_46, %ge3A_47 : vector<500x500xf32>
    %mul3A_49 = arith.constant 2.000000e-01 : f32
    %mul3A_50 = vector.broadcast %mul3A_49 : f32 to vector<500x500xf32>
    %mul3A_51 = arith.mulf %mul3A_50, %add3A_46 : vector<500x500xf32>
    %select_n3A = arith.select %ge3A_48, %add3A_46, %mul3A_51 : vector<500x500xi1>, vector<500x500xf32>
    %get3A_52 = arith.constant 0 : index
    %get3A_53 = arith.constant 0 : index
    %get3A_54 = arith.constant 0 : index
    %get3A_55 = vector.load %arg2[%get3A_52, %get3A_53, %get3A_54] : memref<1x500x500xf32, #tpu.memory_space<vmem>>, vector<1x500x500xf32>
    %get3A_56 = vector.shape_cast %get3A_55 : vector<1x500x500xf32> to vector<500x500xf32>
    %reduce_max3A = arith.constant dense<0xFF800000> : vector<500xf32>
    %reduce_max3A_57 = vector.multi_reduction <maximumf>, %select_n3A, %reduce_max3A [1] : vector<500x500xf32> to vector<500xf32>
    %broadcast_in_dim3A = vector.shape_cast %reduce_max3A_57 : vector<500xf32> to vector<500x1xf32>
    %sub3A_58 = vector.broadcast %broadcast_in_dim3A : vector<500x1xf32> to vector<500x500xf32>
    %sub3A_59 = arith.subf %select_n3A, %sub3A_58 : vector<500x500xf32>
    %exp3A = math.exp %sub3A_59 : vector<500x500xf32>
    %mul3A_60 = arith.mulf %get3A_56, %exp3A : vector<500x500xf32>
    %reduce_sum3A_61 = arith.constant dense<0.000000e+00> : vector<500xf32>
    %reduce_sum3A_62 = vector.multi_reduction <add>, %mul3A_60, %reduce_sum3A_61 [1] : vector<500x500xf32> to vector<500xf32>
    %broadcast_in_dim3A_63 = vector.shape_cast %reduce_sum3A_62 : vector<500xf32> to vector<500x1xf32>
    %add3A_64 = arith.constant 1.000000e-16 : f32
    %add3A_65 = vector.broadcast %add3A_64 : f32 to vector<500x1xf32>
    %add3A_66 = arith.addf %broadcast_in_dim3A_63, %add3A_65 : vector<500x1xf32>
    %convert_element_type3A_67 = arith.truncf %mul3A_60 : vector<500x500xf32> to vector<500x500xbf16>
    %convert_element_type3A_68 = arith.extf %convert_element_type3A_67 : vector<500x500xbf16> to vector<500x500xf32>
    %sub3A_69 = arith.subf %mul3A_60, %convert_element_type3A_68 : vector<500x500xf32>
    %convert_element_type3A_70 = arith.truncf %sub3A_69 : vector<500x500xf32> to vector<500x500xbf16>
    %convert_element_type3A_71 = arith.truncf %dot_general3A_30 : vector<500x128xf32> to vector<500x128xbf16>
    %convert_element_type3A_72 = arith.extf %convert_element_type3A_71 : vector<500x128xbf16> to vector<500x128xf32>
    %sub3A_73 = arith.subf %dot_general3A_30, %convert_element_type3A_72 : vector<500x128xf32>
    %convert_element_type3A_74 = arith.truncf %sub3A_73 : vector<500x128xf32> to vector<500x128xbf16>
    %dot_general3A_75 = arith.constant dense<0.000000e+00> : vector<500x128xf32>
    %dot_general3A_76 = tpu.matmul %convert_element_type3A_67, %convert_element_type3A_71, %dot_general3A_75 {dimension_numbers = #tpu.dot_dimension_numbers<[1], [0], [0], [1], [0, 0, 1, 1], [], []>, transpose_lhs_hint = false} : vector<500x500xbf16>, vector<500x128xbf16>, vector<500x128xf32> -> vector<500x128xf32>
    %dot_general3A_77 = arith.constant dense<0.000000e+00> : vector<500x128xf32>
    %dot_general3A_78 = tpu.matmul %convert_element_type3A_67, %convert_element_type3A_74, %dot_general3A_77 {dimension_numbers = #tpu.dot_dimension_numbers<[1], [0], [0], [1], [0, 0, 1, 1], [], []>, transpose_lhs_hint = false} : vector<500x500xbf16>, vector<500x128xbf16>, vector<500x128xf32> -> vector<500x128xf32>
    %dot_general3A_79 = arith.constant dense<0.000000e+00> : vector<500x128xf32>
    %dot_general3A_80 = tpu.matmul %convert_element_type3A_70, %convert_element_type3A_71, %dot_general3A_79 {dimension_numbers = #tpu.dot_dimension_numbers<[1], [0], [0], [1], [0, 0, 1, 1], [], []>, transpose_lhs_hint = false} : vector<500x500xbf16>, vector<500x128xbf16>, vector<500x128xf32> -> vector<500x128xf32>
    %add3A_81 = arith.addf %dot_general3A_78, %dot_general3A_80 : vector<500x128xf32>
    %add3A_82 = arith.addf %dot_general3A_76, %add3A_81 : vector<500x128xf32>
    %div3A_83 = vector.broadcast %add3A_66 : vector<500x1xf32> to vector<500x128xf32>
    %div3A_84 = arith.divf %add3A_82, %div3A_83 : vector<500x128xf32>
    %get3A_85 = arith.constant 0 : index
    %get3A_86 = arith.constant 0 : index
    %get3A_87 = vector.load %arg6[%get3A_85, %get3A_86] : memref<1x128xf32, #tpu.memory_space<vmem>>, vector<1x128xf32>
    %add3A_88 = vector.broadcast %get3A_87 : vector<1x128xf32> to vector<500x128xf32>
    %add3A_89 = arith.addf %div3A_84, %add3A_88 : vector<500x128xf32>
    %max3A = arith.constant 0.000000e+00 : f32
    %max3A_90 = vector.broadcast %max3A : f32 to vector<500x128xf32>
    %max3A_91 = arith.maximumf %add3A_89, %max3A_90 : vector<500x128xf32>
    %reshape3A = vector.shape_cast %max3A_91 : vector<500x128xf32> to vector<250x2x128xf32>
    %reduce_max3A_92 = arith.constant dense<0xFF800000> : vector<250x128xf32>
    %reduce_max3A_93 = vector.multi_reduction <maximumf>, %reshape3A, %reduce_max3A_92 [1] : vector<250x2x128xf32> to vector<250x128xf32>
    %swap3A = arith.constant 0 : index
    %swap3A_94 = arith.constant 0 : index
    %swap3A_95 = arith.constant 0 : index
    %swap3A_96 = vector.load %arg9[%swap3A, %swap3A_94, %swap3A_95] : memref<1x250x128xf32, #tpu.memory_space<vmem>>, vector<1x250x128xf32>
    %swap3A_97 = vector.shape_cast %swap3A_96 : vector<1x250x128xf32> to vector<250x128xf32>
    %swap3A_98 = vector.shape_cast %reduce_max3A_93 : vector<250x128xf32> to vector<1x250x128xf32>
    tpu.vector_store %arg9[%swap3A, %swap3A_94, %swap3A_95], %swap3A_98 {strides = array<i32>} : memref<1x250x128xf32, #tpu.memory_space<vmem>>, vector<1x250x128xf32>,
    %reduce_sum3A_99 = arith.constant dense<0.000000e+00> : vector<128xf32>
    %reduce_sum3A_100 = vector.multi_reduction <add>, %reduce_max3A_93, %reduce_sum3A_99 [0] : vector<250x128xf32> to vector<128xf32>
    %broadcast_in_dim3A_101 = vector.shape_cast %reduce_sum3A_100 : vector<128xf32> to vector<1x128xf32>
    %swap3A_102 = arith.constant 0 : index
    %swap3A_103 = arith.constant 0 : index
    %swap3A_104 = arith.constant 0 : index
    %swap3A_105 = vector.load %arg11[%swap3A_102, %swap3A_103, %swap3A_104] : memref<1x1x128xf32, #tpu.memory_space<vmem>>, vector<1x1x128xf32>
    %swap3A_106 = vector.shape_cast %swap3A_105 : vector<1x1x128xf32> to vector<1x128xf32>
    %swap3A_107 = vector.shape_cast %broadcast_in_dim3A_101 : vector<1x128xf32> to vector<1x1x128xf32>
    tpu.vector_store %arg11[%swap3A_102, %swap3A_103, %swap3A_104], %swap3A_107 {strides = array<i32>} : memref<1x1x128xf32, #tpu.memory_space<vmem>>, vector<1x1x128xf32>,
    %mul3A_108 = arith.mulf %reduce_max3A_93, %reduce_max3A_93 : vector<250x128xf32>
    %reduce_sum3A_109 = arith.constant dense<0.000000e+00> : vector<128xf32>
    %reduce_sum3A_110 = vector.multi_reduction <add>, %mul3A_108, %reduce_sum3A_109 [0] : vector<250x128xf32> to vector<128xf32>
    %broadcast_in_dim3A_111 = vector.shape_cast %reduce_sum3A_110 : vector<128xf32> to vector<1x128xf32>
    %swap3A_112 = arith.constant 0 : index
    %swap3A_113 = arith.constant 0 : index
    %swap3A_114 = arith.constant 0 : index
    %swap3A_115 = vector.load %arg12[%swap3A_112, %swap3A_113, %swap3A_114] : memref<1x1x128xf32, #tpu.memory_space<vmem>>, vector<1x1x128xf32>
    %swap3A_116 = vector.shape_cast %swap3A_115 : vector<1x1x128xf32> to vector<1x128xf32>
    %swap3A_117 = vector.shape_cast %broadcast_in_dim3A_111 : vector<1x128xf32> to vector<1x1x128xf32>
    tpu.vector_store %arg12[%swap3A_112, %swap3A_113, %swap3A_114], %swap3A_117 {strides = array<i32>} : memref<1x1x128xf32, #tpu.memory_space<vmem>>, vector<1x1x128xf32>,
    %reshape3A_118 = vector.shape_cast %get3A_56 : vector<500x500xf32> to vector<250x2x500xf32>
    %reduce_max3A_119 = arith.constant dense<0xFF800000> : vector<250x500xf32>
    %reduce_max3A_120 = vector.multi_reduction <maximumf>, %reshape3A_118, %reduce_max3A_119 [1] : vector<250x2x500xf32> to vector<250x500xf32>
    %iota3A = tpu.iota {dimensions = array<i32: 0>} : vector<500x250xi32>
    %iota3A_121 = tpu.iota {dimensions = array<i32: 1>} : vector<500x250xi32>
    %jit3A = arith.constant 2 : i32
    %div3A_122 = vector.broadcast %jit3A : i32 to vector<500x250xi32>
    %div3A_123 = arith.divsi %iota3A, %div3A_122 : vector<500x250xi32>
    %sign3A = arith.constant 0 : i32
    %sign3A_124 = vector.broadcast %sign3A : i32 to vector<500x250xi32>
    %sign3A_125 = arith.cmpi sgt, %iota3A, %sign3A_124 : vector<500x250xi32>
    %sign3A_126 = arith.extui %sign3A_125 : vector<500x250xi1> to vector<500x250xi32>
    %sign3A_127 = arith.constant 0 : i32
    %sign3A_128 = vector.broadcast %sign3A_127 : i32 to vector<500x250xi32>
    %sign3A_129 = arith.cmpi slt, %iota3A, %sign3A_128 : vector<500x250xi32>
    %sign3A_130 = arith.extui %sign3A_129 : vector<500x250xi1> to vector<500x250xi32>
    %sign3A_131 = arith.subi %sign3A_126, %sign3A_130 : vector<500x250xi32>
    %sign3A_132 = arith.constant 0 : i32
    %sign3A_133 = arith.cmpi sgt, %jit3A, %sign3A_132 : i32
    %sign3A_134 = arith.extui %sign3A_133 : i1 to i32
    %sign3A_135 = arith.constant 0 : i32
    %sign3A_136 = arith.cmpi slt, %jit3A, %sign3A_135 : i32
    %sign3A_137 = arith.extui %sign3A_136 : i1 to i32
    %sign3A_138 = arith.subi %sign3A_134, %sign3A_137 : i32
    %ne3A = vector.broadcast %sign3A_138 : i32 to vector<500x250xi32>
    %ne3A_139 = arith.cmpi ne, %sign3A_131, %ne3A : vector<500x250xi32>
    %rem3A = vector.broadcast %jit3A : i32 to vector<500x250xi32>
    %rem3A_140 = arith.remsi %iota3A, %rem3A : vector<500x250xi32>
    %ne3A_141 = arith.constant 0 : i32
    %ne3A_142 = vector.broadcast %ne3A_141 : i32 to vector<500x250xi32>
    %ne3A_143 = arith.cmpi ne, %rem3A_140, %ne3A_142 : vector<500x250xi32>
    %and3A = arith.andi %ne3A_139, %ne3A_143 : vector<500x250xi1>
    %sub3A_144 = arith.constant 1 : i32
    %sub3A_145 = vector.broadcast %sub3A_144 : i32 to vector<500x250xi32>
    %sub3A_146 = arith.subi %div3A_123, %sub3A_145 : vector<500x250xi32>
    %select_n3A_147 = arith.select %and3A, %sub3A_146, %div3A_123 : vector<500x250xi1>, vector<500x250xi32>
    %eq3A = arith.cmpi eq, %select_n3A_147, %iota3A_121 : vector<500x250xi32>
    %jit3A_148 = arith.constant 1.000000e+00 : f32
    %jit3A_149 = arith.constant 0.000000e+00 : f32
    %broadcast_in_dim3A_150 = vector.broadcast %jit3A_148 : f32 to vector<500x250xf32>
    %broadcast_in_dim3A_151 = vector.broadcast %jit3A_149 : f32 to vector<500x250xf32>
    %select_n3A_152 = arith.select %eq3A, %broadcast_in_dim3A_150, %broadcast_in_dim3A_151 : vector<500x250xi1>, vector<500x250xf32>
    %convert_element_type3A_153 = arith.truncf %select_n3A_152 : vector<500x250xf32> to vector<500x250xbf16>
    %convert_element_type3A_154 = arith.truncf %reduce_max3A_120 : vector<250x500xf32> to vector<250x500xbf16>
    %dot_general3A_155 = arith.constant dense<0.000000e+00> : vector<250x250xf32>
    %dot_general3A_156 = tpu.matmul %convert_element_type3A_154, %convert_element_type3A_153, %dot_general3A_155 {dimension_numbers = #tpu.dot_dimension_numbers<[1], [0], [0], [1], [0, 0, 1, 1], [], []>, transpose_lhs_hint = false} : vector<250x500xbf16>, vector<500x250xbf16>, vector<250x250xf32> -> vector<250x250xf32>
    %iota3A_157 = tpu.iota {dimensions = array<i32: 0>} : vector<250x250xi32>
    %iota3A_158 = tpu.iota {dimensions = array<i32: 1>} : vector<250x250xi32>
    %gt3A = arith.constant 5.000000e-01 : f32
    %gt3A_159 = vector.broadcast %gt3A : f32 to vector<250x250xf32>
    %gt3A_160 = arith.cmpf ogt, %dot_general3A_156, %gt3A_159 : vector<250x250xf32>
    %eq3A_161 = arith.cmpi eq, %iota3A_157, %iota3A_158 : vector<250x250xi32>
    %or3A = arith.ori %gt3A_160, %eq3A_161 : vector<250x250xi1>
    %jit3A_162 = arith.constant 1.000000e+00 : f32
    %jit3A_163 = arith.constant 0.000000e+00 : f32
    %broadcast_in_dim3A_164 = vector.broadcast %jit3A_162 : f32 to vector<250x250xf32>
    %broadcast_in_dim3A_165 = vector.broadcast %jit3A_163 : f32 to vector<250x250xf32>
    %select_n3A_166 = arith.select %or3A, %broadcast_in_dim3A_164, %broadcast_in_dim3A_165 : vector<250x250xi1>, vector<250x250xf32>
    %swap3A_167 = arith.constant 0 : index
    %swap3A_168 = arith.constant 0 : index
    %swap3A_169 = arith.constant 0 : index
    %swap3A_170 = vector.load %arg10[%swap3A_167, %swap3A_168, %swap3A_169] : memref<1x250x250xf32, #tpu.memory_space<vmem>>, vector<1x250x250xf32>
    %swap3A_171 = vector.shape_cast %swap3A_170 : vector<1x250x250xf32> to vector<250x250xf32>
    %swap3A_172 = vector.shape_cast %select_n3A_166 : vector<250x250xf32> to vector<1x250x250xf32>
    tpu.vector_store %arg10[%swap3A_167, %swap3A_168, %swap3A_169], %swap3A_172 {strides = array<i32>} : memref<1x250x250xf32, #tpu.memory_space<vmem>>, vector<1x250x250xf32>,
    return
  }
  func.func @transform_0(%arg0: i32) -> (i32, i32, i32) {
    %c0_i32 = arith.constant 0 : i32
    %c0_i32_0 = arith.constant 0 : i32
    %c0_i32_1 = arith.constant 0 : i32
    return %arg0, %c0_i32, %c0_i32_0 : i32, i32, i32
  }
  func.func @transform_1(%arg0: i32) -> (i32, i32, i32) {
    %c0_i32 = arith.constant 0 : i32
    %c0_i32_0 = arith.constant 0 : i32
    %c0_i32_1 = arith.constant 0 : i32
    return %arg0, %c0_i32, %c0_i32_0 : i32, i32, i32
  }
  func.func @transform_2(%arg0: i32) -> (i32, i32) {
    %c0_i32 = arith.constant 0 : i32
    %c0_i32_0 = arith.constant 0 : i32
    %c0_i32_1 = arith.constant 0 : i32
    return %c0_i32, %c0_i32_0 : i32, i32
  }
  func.func @transform_3(%arg0: i32) -> (i32, i32) {
    %c0_i32 = arith.constant 0 : i32
    %c0_i32_0 = arith.constant 0 : i32
    %c0_i32_1 = arith.constant 0 : i32
    return %c0_i32, %c0_i32_0 : i32, i32
  }
  func.func @transform_4(%arg0: i32) -> (i32, i32) {
    %c0_i32 = arith.constant 0 : i32
    %c0_i32_0 = arith.constant 0 : i32
    %c0_i32_1 = arith.constant 0 : i32
    return %c0_i32, %c0_i32_0 : i32, i32
  }
  func.func @transform_5(%arg0: i32) -> (i32, i32) {
    %c0_i32 = arith.constant 0 : i32
    %c0_i32_0 = arith.constant 0 : i32
    %c0_i32_1 = arith.constant 0 : i32
    return %c0_i32, %c0_i32_0 : i32, i32
  }
  func.func @transform_6(%arg0: i32) -> (i32, i32, i32) {
    %c0_i32 = arith.constant 0 : i32
    %c0_i32_0 = arith.constant 0 : i32
    %c0_i32_1 = arith.constant 0 : i32
    %c0_i32_2 = arith.constant 0 : i32
    return %c0_i32, %c0_i32_0, %c0_i32_1 : i32, i32, i32
  }
  func.func @transform_7(%arg0: i32) -> (i32, i32, i32) {
    %c0_i32 = arith.constant 0 : i32
    %c0_i32_0 = arith.constant 0 : i32
    %c0_i32_1 = arith.constant 0 : i32
    %c0_i32_2 = arith.constant 0 : i32
    return %c0_i32, %c0_i32_0, %c0_i32_1 : i32, i32, i32
  }
  func.func @transform_8(%arg0: i32) -> (i32, i32, i32) {
    %c0_i32 = arith.constant 0 : i32
    %c0_i32_0 = arith.constant 0 : i32
    %c0_i32_1 = arith.constant 0 : i32
    return %arg0, %c0_i32, %c0_i32_0 : i32, i32, i32
  }
  func.func @transform_9(%arg0: i32) -> (i32, i32, i32) {
    %c0_i32 = arith.constant 0 : i32
    %c0_i32_0 = arith.constant 0 : i32
    %c0_i32_1 = arith.constant 0 : i32
    return %arg0, %c0_i32, %c0_i32_0 : i32, i32, i32
  }
  func.func @transform_10(%arg0: i32) -> (i32, i32, i32) {
    %c0_i32 = arith.constant 0 : i32
    %c0_i32_0 = arith.constant 0 : i32
    %c0_i32_1 = arith.constant 0 : i32
    return %arg0, %c0_i32, %c0_i32_0 : i32, i32, i32
  }
  func.func @transform_11(%arg0: i32) -> (i32, i32, i32) {
    %c0_i32 = arith.constant 0 : i32
    %c0_i32_0 = arith.constant 0 : i32
    %c0_i32_1 = arith.constant 0 : i32
    return %arg0, %c0_i32, %c0_i32_0 : i32, i32, i32
  }
}

module attributes {stable_mosaic.version = 14 : i64} {
  func.func @body(%arg0: i32, %arg1: memref<1x250x128xf32, #tpu.memory_space<vmem>>, %arg2: memref<1x250x250xf32, #tpu.memory_space<vmem>>, %arg3: memref<128x128xf32, #tpu.memory_space<vmem>>, %arg4: memref<1x128xf32, #tpu.memory_space<vmem>>, %arg5: memref<128x1xf32, #tpu.memory_space<vmem>>, %arg6: memref<1x128xf32, #tpu.memory_space<vmem>>, %arg7: memref<10x1x128xf32, #tpu.memory_space<vmem>>, %arg8: memref<10x1x128xf32, #tpu.memory_space<vmem>>, %arg9: memref<1x125x128xf32, #tpu.memory_space<vmem>>, %arg10: memref<1x1x128xf32, #tpu.memory_space<vmem>>, %arg11: memref<1x1x128xf32, #tpu.memory_space<vmem>>) attributes {dimension_semantics = [#tpu.dimension_semantics<arbitrary>], iteration_bounds = array<i64: 10>, scalar_prefetch = 0 : i64, scratch_operands = 0 : i64, tpu.core_type = #tpu.core_type<tc>, window_params = [{transform_indices = @transform_0, window_bounds = array<i64: 1, 250, 128>}, {transform_indices = @transform_1, window_bounds = array<i64: 1, 250, 250>}, {pipeline_mode = #tpu.pipeline_mode<synchronous>, transform_indices = @transform_2, window_bounds = array<i64: 128, 128>}, {pipeline_mode = #tpu.pipeline_mode<synchronous>, transform_indices = @transform_3, window_bounds = array<i64: 1, 128>}, {pipeline_mode = #tpu.pipeline_mode<synchronous>, transform_indices = @transform_4, window_bounds = array<i64: 128, 1>}, {pipeline_mode = #tpu.pipeline_mode<synchronous>, transform_indices = @transform_5, window_bounds = array<i64: 1, 128>}, {pipeline_mode = #tpu.pipeline_mode<synchronous>, transform_indices = @transform_6, window_bounds = array<i64: 10, 1, 128>}, {pipeline_mode = #tpu.pipeline_mode<synchronous>, transform_indices = @transform_7, window_bounds = array<i64: 10, 1, 128>}, {transform_indices = @transform_8, window_bounds = array<i64: 1, 125, 128>}, {transform_indices = @transform_9, window_bounds = array<i64: 1, 1, 128>}, {transform_indices = @transform_10, window_bounds = array<i64: 1, 1, 128>}]} {
    %get3A = arith.constant 0 : index
    %get3A_0 = arith.constant 0 : index
    %get3A_1 = arith.constant 0 : index
    %get3A_2 = vector.load %arg1[%get3A, %get3A_0, %get3A_1] : memref<1x250x128xf32, #tpu.memory_space<vmem>>, vector<1x250x128xf32>
    %get3A_3 = vector.shape_cast %get3A_2 : vector<1x250x128xf32> to vector<250x128xf32>
    %get3A_4 = arith.constant 0 : index
    %get3A_5 = arith.constant 0 : index
    %get3A_6 = arith.constant 0 : index
    %get3A_7 = vector.load %arg7[%get3A_4, %get3A_5, %get3A_6] : memref<10x1x128xf32, #tpu.memory_space<vmem>>, vector<10x1x128xf32>
    %reduce_sum3A = arith.constant dense<0.000000e+00> : vector<1x128xf32>
    %reduce_sum3A_8 = vector.multi_reduction <add>, %get3A_7, %reduce_sum3A [0] : vector<10x1x128xf32> to vector<1x128xf32>
    %get3A_9 = arith.constant 0 : index
    %get3A_10 = arith.constant 0 : index
    %get3A_11 = arith.constant 0 : index
    %get3A_12 = vector.load %arg8[%get3A_9, %get3A_10, %get3A_11] : memref<10x1x128xf32, #tpu.memory_space<vmem>>, vector<10x1x128xf32>
    %reduce_sum3A_13 = arith.constant dense<0.000000e+00> : vector<1x128xf32>
    %reduce_sum3A_14 = vector.multi_reduction <add>, %get3A_12, %reduce_sum3A_13 [0] : vector<10x1x128xf32> to vector<1x128xf32>
    %div3A = arith.constant 2.500000e+03 : f32
    %div3A_15 = vector.broadcast %div3A : f32 to vector<1x128xf32>
    %div3A_16 = arith.divf %reduce_sum3A_8, %div3A_15 : vector<1x128xf32>
    %div3A_17 = arith.constant 2.500000e+03 : f32
    %div3A_18 = vector.broadcast %div3A_17 : f32 to vector<1x128xf32>
    %div3A_19 = arith.divf %reduce_sum3A_14, %div3A_18 : vector<1x128xf32>
    %mul3A = arith.mulf %div3A_16, %div3A_16 : vector<1x128xf32>
    %sub3A = arith.subf %div3A_19, %mul3A : vector<1x128xf32>
    %sub3A_20 = vector.broadcast %div3A_16 : vector<1x128xf32> to vector<250x128xf32>
    %sub3A_21 = arith.subf %get3A_3, %sub3A_20 : vector<250x128xf32>
    %add3A = arith.constant 9.99999974E-6 : f32
    %add3A_22 = vector.broadcast %add3A : f32 to vector<1x128xf32>
    %add3A_23 = arith.addf %sub3A, %add3A_22 : vector<1x128xf32>
    %rsqrt3A = math.rsqrt %add3A_23 : vector<1x128xf32>
    %mul3A_24 = vector.broadcast %rsqrt3A : vector<1x128xf32> to vector<250x128xf32>
    %mul3A_25 = arith.mulf %sub3A_21, %mul3A_24 : vector<250x128xf32>
    %convert_element_type3A = arith.truncf %mul3A_25 : vector<250x128xf32> to vector<250x128xbf16>
    %get3A_26 = arith.constant 0 : index
    %get3A_27 = arith.constant 0 : index
    %get3A_28 = vector.load %arg3[%get3A_26, %get3A_27] : memref<128x128xf32, #tpu.memory_space<vmem>>, vector<128x128xf32>
    %convert_element_type3A_29 = arith.truncf %get3A_28 : vector<128x128xf32> to vector<128x128xbf16>
    %dot_general3A = arith.constant dense<0.000000e+00> : vector<250x128xf32>
    %dot_general3A_30 = tpu.matmul %convert_element_type3A, %convert_element_type3A_29, %dot_general3A {dimension_numbers = #tpu.dot_dimension_numbers<[1], [0], [0], [1], [0, 0, 1, 1], [], []>, transpose_lhs_hint = false} : vector<250x128xbf16>, vector<128x128xbf16>, vector<250x128xf32> -> vector<250x128xf32>
    %convert_element_type3A_31 = arith.truncf %dot_general3A_30 : vector<250x128xf32> to vector<250x128xbf16>
    %get3A_32 = arith.constant 0 : index
    %get3A_33 = arith.constant 0 : index
    %get3A_34 = vector.load %arg5[%get3A_32, %get3A_33] : memref<128x1xf32, #tpu.memory_space<vmem>>, vector<128x1xf32>
    %convert_element_type3A_35 = arith.truncf %get3A_34 : vector<128x1xf32> to vector<128x1xbf16>
    %dot_general3A_36 = arith.constant dense<0.000000e+00> : vector<250x1xf32>
    %dot_general3A_37 = tpu.matmul %convert_element_type3A_31, %convert_element_type3A_35, %dot_general3A_36 {dimension_numbers = #tpu.dot_dimension_numbers<[1], [0], [0], [1], [0, 0, 1, 1], [], []>, transpose_lhs_hint = false} : vector<250x128xbf16>, vector<128x1xbf16>, vector<250x1xf32> -> vector<250x1xf32>
    %get3A_38 = arith.constant 0 : index
    %get3A_39 = arith.constant 0 : index
    %get3A_40 = vector.load %arg4[%get3A_38, %get3A_39] : memref<1x128xf32, #tpu.memory_space<vmem>>, vector<1x128xf32>
    %convert_element_type3A_41 = arith.truncf %get3A_40 : vector<1x128xf32> to vector<1x128xbf16>
    %dot_general3A_42 = arith.constant dense<0.000000e+00> : vector<1x250xf32>
    %dot_general3A_43 = tpu.matmul %convert_element_type3A_41, %convert_element_type3A_31, %dot_general3A_42 {dimension_numbers = #tpu.dot_dimension_numbers<[1], [1], [0], [0], [0, 0, 1, 0], [], []>, transpose_lhs_hint = false} : vector<1x128xbf16>, vector<250x128xbf16>, vector<1x250xf32> -> vector<1x250xf32>
    %add3A_44 = vector.broadcast %dot_general3A_37 : vector<250x1xf32> to vector<250x250xf32>
    %add3A_45 = vector.broadcast %dot_general3A_43 : vector<1x250xf32> to vector<250x250xf32>
    %add3A_46 = arith.addf %add3A_44, %add3A_45 : vector<250x250xf32>
    %ge3A = arith.constant 0.000000e+00 : f32
    %ge3A_47 = vector.broadcast %ge3A : f32 to vector<250x250xf32>
    %ge3A_48 = arith.cmpf oge, %add3A_46, %ge3A_47 : vector<250x250xf32>
    %mul3A_49 = arith.constant 2.000000e-01 : f32
    %mul3A_50 = vector.broadcast %mul3A_49 : f32 to vector<250x250xf32>
    %mul3A_51 = arith.mulf %mul3A_50, %add3A_46 : vector<250x250xf32>
    %select_n3A = arith.select %ge3A_48, %add3A_46, %mul3A_51 : vector<250x250xi1>, vector<250x250xf32>
    %get3A_52 = arith.constant 0 : index
    %get3A_53 = arith.constant 0 : index
    %get3A_54 = arith.constant 0 : index
    %get3A_55 = vector.load %arg2[%get3A_52, %get3A_53, %get3A_54] : memref<1x250x250xf32, #tpu.memory_space<vmem>>, vector<1x250x250xf32>
    %get3A_56 = vector.shape_cast %get3A_55 : vector<1x250x250xf32> to vector<250x250xf32>
    %reduce_max3A = arith.constant dense<0xFF800000> : vector<250xf32>
    %reduce_max3A_57 = vector.multi_reduction <maximumf>, %select_n3A, %reduce_max3A [1] : vector<250x250xf32> to vector<250xf32>
    %broadcast_in_dim3A = vector.shape_cast %reduce_max3A_57 : vector<250xf32> to vector<250x1xf32>
    %sub3A_58 = vector.broadcast %broadcast_in_dim3A : vector<250x1xf32> to vector<250x250xf32>
    %sub3A_59 = arith.subf %select_n3A, %sub3A_58 : vector<250x250xf32>
    %exp3A = math.exp %sub3A_59 : vector<250x250xf32>
    %mul3A_60 = arith.mulf %get3A_56, %exp3A : vector<250x250xf32>
    %reduce_sum3A_61 = arith.constant dense<0.000000e+00> : vector<250xf32>
    %reduce_sum3A_62 = vector.multi_reduction <add>, %mul3A_60, %reduce_sum3A_61 [1] : vector<250x250xf32> to vector<250xf32>
    %broadcast_in_dim3A_63 = vector.shape_cast %reduce_sum3A_62 : vector<250xf32> to vector<250x1xf32>
    %add3A_64 = arith.constant 1.000000e-16 : f32
    %add3A_65 = vector.broadcast %add3A_64 : f32 to vector<250x1xf32>
    %add3A_66 = arith.addf %broadcast_in_dim3A_63, %add3A_65 : vector<250x1xf32>
    %convert_element_type3A_67 = arith.truncf %mul3A_60 : vector<250x250xf32> to vector<250x250xbf16>
    %convert_element_type3A_68 = arith.extf %convert_element_type3A_67 : vector<250x250xbf16> to vector<250x250xf32>
    %sub3A_69 = arith.subf %mul3A_60, %convert_element_type3A_68 : vector<250x250xf32>
    %convert_element_type3A_70 = arith.truncf %sub3A_69 : vector<250x250xf32> to vector<250x250xbf16>
    %convert_element_type3A_71 = arith.truncf %dot_general3A_30 : vector<250x128xf32> to vector<250x128xbf16>
    %convert_element_type3A_72 = arith.extf %convert_element_type3A_71 : vector<250x128xbf16> to vector<250x128xf32>
    %sub3A_73 = arith.subf %dot_general3A_30, %convert_element_type3A_72 : vector<250x128xf32>
    %convert_element_type3A_74 = arith.truncf %sub3A_73 : vector<250x128xf32> to vector<250x128xbf16>
    %dot_general3A_75 = arith.constant dense<0.000000e+00> : vector<250x128xf32>
    %dot_general3A_76 = tpu.matmul %convert_element_type3A_67, %convert_element_type3A_71, %dot_general3A_75 {dimension_numbers = #tpu.dot_dimension_numbers<[1], [0], [0], [1], [0, 0, 1, 1], [], []>, transpose_lhs_hint = false} : vector<250x250xbf16>, vector<250x128xbf16>, vector<250x128xf32> -> vector<250x128xf32>
    %dot_general3A_77 = arith.constant dense<0.000000e+00> : vector<250x128xf32>
    %dot_general3A_78 = tpu.matmul %convert_element_type3A_67, %convert_element_type3A_74, %dot_general3A_77 {dimension_numbers = #tpu.dot_dimension_numbers<[1], [0], [0], [1], [0, 0, 1, 1], [], []>, transpose_lhs_hint = false} : vector<250x250xbf16>, vector<250x128xbf16>, vector<250x128xf32> -> vector<250x128xf32>
    %dot_general3A_79 = arith.constant dense<0.000000e+00> : vector<250x128xf32>
    %dot_general3A_80 = tpu.matmul %convert_element_type3A_70, %convert_element_type3A_71, %dot_general3A_79 {dimension_numbers = #tpu.dot_dimension_numbers<[1], [0], [0], [1], [0, 0, 1, 1], [], []>, transpose_lhs_hint = false} : vector<250x250xbf16>, vector<250x128xbf16>, vector<250x128xf32> -> vector<250x128xf32>
    %add3A_81 = arith.addf %dot_general3A_78, %dot_general3A_80 : vector<250x128xf32>
    %add3A_82 = arith.addf %dot_general3A_76, %add3A_81 : vector<250x128xf32>
    %div3A_83 = vector.broadcast %add3A_66 : vector<250x1xf32> to vector<250x128xf32>
    %div3A_84 = arith.divf %add3A_82, %div3A_83 : vector<250x128xf32>
    %get3A_85 = arith.constant 0 : index
    %get3A_86 = arith.constant 0 : index
    %get3A_87 = vector.load %arg6[%get3A_85, %get3A_86] : memref<1x128xf32, #tpu.memory_space<vmem>>, vector<1x128xf32>
    %add3A_88 = vector.broadcast %get3A_87 : vector<1x128xf32> to vector<250x128xf32>
    %add3A_89 = arith.addf %div3A_84, %add3A_88 : vector<250x128xf32>
    %max3A = arith.constant 0.000000e+00 : f32
    %max3A_90 = vector.broadcast %max3A : f32 to vector<250x128xf32>
    %max3A_91 = arith.maximumf %add3A_89, %max3A_90 : vector<250x128xf32>
    %reshape3A = vector.shape_cast %max3A_91 : vector<250x128xf32> to vector<125x2x128xf32>
    %reduce_max3A_92 = arith.constant dense<0xFF800000> : vector<125x128xf32>
    %reduce_max3A_93 = vector.multi_reduction <maximumf>, %reshape3A, %reduce_max3A_92 [1] : vector<125x2x128xf32> to vector<125x128xf32>
    %swap3A = arith.constant 0 : index
    %swap3A_94 = arith.constant 0 : index
    %swap3A_95 = arith.constant 0 : index
    %swap3A_96 = vector.load %arg9[%swap3A, %swap3A_94, %swap3A_95] : memref<1x125x128xf32, #tpu.memory_space<vmem>>, vector<1x125x128xf32>
    %swap3A_97 = vector.shape_cast %swap3A_96 : vector<1x125x128xf32> to vector<125x128xf32>
    %swap3A_98 = vector.shape_cast %reduce_max3A_93 : vector<125x128xf32> to vector<1x125x128xf32>
    tpu.vector_store %arg9[%swap3A, %swap3A_94, %swap3A_95], %swap3A_98 {strides = array<i32>} : memref<1x125x128xf32, #tpu.memory_space<vmem>>, vector<1x125x128xf32>,
    %reduce_sum3A_99 = arith.constant dense<0.000000e+00> : vector<128xf32>
    %reduce_sum3A_100 = vector.multi_reduction <add>, %reduce_max3A_93, %reduce_sum3A_99 [0] : vector<125x128xf32> to vector<128xf32>
    %broadcast_in_dim3A_101 = vector.shape_cast %reduce_sum3A_100 : vector<128xf32> to vector<1x128xf32>
    %swap3A_102 = arith.constant 0 : index
    %swap3A_103 = arith.constant 0 : index
    %swap3A_104 = arith.constant 0 : index
    %swap3A_105 = vector.load %arg10[%swap3A_102, %swap3A_103, %swap3A_104] : memref<1x1x128xf32, #tpu.memory_space<vmem>>, vector<1x1x128xf32>
    %swap3A_106 = vector.shape_cast %swap3A_105 : vector<1x1x128xf32> to vector<1x128xf32>
    %swap3A_107 = vector.shape_cast %broadcast_in_dim3A_101 : vector<1x128xf32> to vector<1x1x128xf32>
    tpu.vector_store %arg10[%swap3A_102, %swap3A_103, %swap3A_104], %swap3A_107 {strides = array<i32>} : memref<1x1x128xf32, #tpu.memory_space<vmem>>, vector<1x1x128xf32>,
    %mul3A_108 = arith.mulf %reduce_max3A_93, %reduce_max3A_93 : vector<125x128xf32>
    %reduce_sum3A_109 = arith.constant dense<0.000000e+00> : vector<128xf32>
    %reduce_sum3A_110 = vector.multi_reduction <add>, %mul3A_108, %reduce_sum3A_109 [0] : vector<125x128xf32> to vector<128xf32>
    %broadcast_in_dim3A_111 = vector.shape_cast %reduce_sum3A_110 : vector<128xf32> to vector<1x128xf32>
    %swap3A_112 = arith.constant 0 : index
    %swap3A_113 = arith.constant 0 : index
    %swap3A_114 = arith.constant 0 : index
    %swap3A_115 = vector.load %arg11[%swap3A_112, %swap3A_113, %swap3A_114] : memref<1x1x128xf32, #tpu.memory_space<vmem>>, vector<1x1x128xf32>
    %swap3A_116 = vector.shape_cast %swap3A_115 : vector<1x1x128xf32> to vector<1x128xf32>
    %swap3A_117 = vector.shape_cast %broadcast_in_dim3A_111 : vector<1x128xf32> to vector<1x1x128xf32>
    tpu.vector_store %arg11[%swap3A_112, %swap3A_113, %swap3A_114], %swap3A_117 {strides = array<i32>} : memref<1x1x128xf32, #tpu.memory_space<vmem>>, vector<1x1x128xf32>,
    return
  }
  func.func @transform_0(%arg0: i32) -> (i32, i32, i32) {
    %c0_i32 = arith.constant 0 : i32
    %c0_i32_0 = arith.constant 0 : i32
    %c0_i32_1 = arith.constant 0 : i32
    return %arg0, %c0_i32, %c0_i32_0 : i32, i32, i32
  }
  func.func @transform_1(%arg0: i32) -> (i32, i32, i32) {
    %c0_i32 = arith.constant 0 : i32
    %c0_i32_0 = arith.constant 0 : i32
    %c0_i32_1 = arith.constant 0 : i32
    return %arg0, %c0_i32, %c0_i32_0 : i32, i32, i32
  }
  func.func @transform_2(%arg0: i32) -> (i32, i32) {
    %c0_i32 = arith.constant 0 : i32
    %c0_i32_0 = arith.constant 0 : i32
    %c0_i32_1 = arith.constant 0 : i32
    return %c0_i32, %c0_i32_0 : i32, i32
  }
  func.func @transform_3(%arg0: i32) -> (i32, i32) {
    %c0_i32 = arith.constant 0 : i32
    %c0_i32_0 = arith.constant 0 : i32
    %c0_i32_1 = arith.constant 0 : i32
    return %c0_i32, %c0_i32_0 : i32, i32
  }
  func.func @transform_4(%arg0: i32) -> (i32, i32) {
    %c0_i32 = arith.constant 0 : i32
    %c0_i32_0 = arith.constant 0 : i32
    %c0_i32_1 = arith.constant 0 : i32
    return %c0_i32, %c0_i32_0 : i32, i32
  }
  func.func @transform_5(%arg0: i32) -> (i32, i32) {
    %c0_i32 = arith.constant 0 : i32
    %c0_i32_0 = arith.constant 0 : i32
    %c0_i32_1 = arith.constant 0 : i32
    return %c0_i32, %c0_i32_0 : i32, i32
  }
  func.func @transform_6(%arg0: i32) -> (i32, i32, i32) {
    %c0_i32 = arith.constant 0 : i32
    %c0_i32_0 = arith.constant 0 : i32
    %c0_i32_1 = arith.constant 0 : i32
    %c0_i32_2 = arith.constant 0 : i32
    return %c0_i32, %c0_i32_0, %c0_i32_1 : i32, i32, i32
  }
  func.func @transform_7(%arg0: i32) -> (i32, i32, i32) {
    %c0_i32 = arith.constant 0 : i32
    %c0_i32_0 = arith.constant 0 : i32
    %c0_i32_1 = arith.constant 0 : i32
    %c0_i32_2 = arith.constant 0 : i32
    return %c0_i32, %c0_i32_0, %c0_i32_1 : i32, i32, i32
  }
  func.func @transform_8(%arg0: i32) -> (i32, i32, i32) {
    %c0_i32 = arith.constant 0 : i32
    %c0_i32_0 = arith.constant 0 : i32
    %c0_i32_1 = arith.constant 0 : i32
    return %arg0, %c0_i32, %c0_i32_0 : i32, i32, i32
  }
  func.func @transform_9(%arg0: i32) -> (i32, i32, i32) {
    %c0_i32 = arith.constant 0 : i32
    %c0_i32_0 = arith.constant 0 : i32
    %c0_i32_1 = arith.constant 0 : i32
    return %arg0, %c0_i32, %c0_i32_0 : i32, i32, i32
  }
  func.func @transform_10(%arg0: i32) -> (i32, i32, i32) {
    %c0_i32 = arith.constant 0 : i32
    %c0_i32_0 = arith.constant 0 : i32
    %c0_i32_1 = arith.constant 0 : i32
    return %arg0, %c0_i32, %c0_i32_0 : i32, i32, i32
  }
}

module attributes {stable_mosaic.version = 14 : i64} {
  func.func @_bn_final_body(%arg0: i32, %arg1: memref<1x125x128xf32, #tpu.memory_space<vmem>>, %arg2: memref<10x1x128xf32, #tpu.memory_space<vmem>>, %arg3: memref<10x1x128xf32, #tpu.memory_space<vmem>>, %arg4: memref<1x125x128xf32, #tpu.memory_space<vmem>>) attributes {dimension_semantics = [#tpu.dimension_semantics<arbitrary>], iteration_bounds = array<i64: 10>, scalar_prefetch = 0 : i64, scratch_operands = 0 : i64, tpu.core_type = #tpu.core_type<tc>, window_params = [{transform_indices = @transform_0, window_bounds = array<i64: 1, 125, 128>}, {pipeline_mode = #tpu.pipeline_mode<synchronous>, transform_indices = @transform_1, window_bounds = array<i64: 10, 1, 128>}, {pipeline_mode = #tpu.pipeline_mode<synchronous>, transform_indices = @transform_2, window_bounds = array<i64: 10, 1, 128>}, {transform_indices = @transform_3, window_bounds = array<i64: 1, 125, 128>}]} {
    %get3A = arith.constant 0 : index
    %get3A_0 = arith.constant 0 : index
    %get3A_1 = arith.constant 0 : index
    %get3A_2 = vector.load %arg2[%get3A, %get3A_0, %get3A_1] : memref<10x1x128xf32, #tpu.memory_space<vmem>>, vector<10x1x128xf32>
    %reduce_sum3A = arith.constant dense<0.000000e+00> : vector<1x128xf32>
    %reduce_sum3A_3 = vector.multi_reduction <add>, %get3A_2, %reduce_sum3A [0] : vector<10x1x128xf32> to vector<1x128xf32>
    %get3A_4 = arith.constant 0 : index
    %get3A_5 = arith.constant 0 : index
    %get3A_6 = arith.constant 0 : index
    %get3A_7 = vector.load %arg3[%get3A_4, %get3A_5, %get3A_6] : memref<10x1x128xf32, #tpu.memory_space<vmem>>, vector<10x1x128xf32>
    %reduce_sum3A_8 = arith.constant dense<0.000000e+00> : vector<1x128xf32>
    %reduce_sum3A_9 = vector.multi_reduction <add>, %get3A_7, %reduce_sum3A_8 [0] : vector<10x1x128xf32> to vector<1x128xf32>
    %div3A = arith.constant 1.250000e+03 : f32
    %div3A_10 = vector.broadcast %div3A : f32 to vector<1x128xf32>
    %div3A_11 = arith.divf %reduce_sum3A_3, %div3A_10 : vector<1x128xf32>
    %div3A_12 = arith.constant 1.250000e+03 : f32
    %div3A_13 = vector.broadcast %div3A_12 : f32 to vector<1x128xf32>
    %div3A_14 = arith.divf %reduce_sum3A_9, %div3A_13 : vector<1x128xf32>
    %mul3A = arith.mulf %div3A_11, %div3A_11 : vector<1x128xf32>
    %sub3A = arith.subf %div3A_14, %mul3A : vector<1x128xf32>
    %get3A_15 = arith.constant 0 : index
    %get3A_16 = arith.constant 0 : index
    %get3A_17 = arith.constant 0 : index
    %get3A_18 = vector.load %arg1[%get3A_15, %get3A_16, %get3A_17] : memref<1x125x128xf32, #tpu.memory_space<vmem>>, vector<1x125x128xf32>
    %get3A_19 = vector.shape_cast %get3A_18 : vector<1x125x128xf32> to vector<125x128xf32>
    %sub3A_20 = vector.broadcast %div3A_11 : vector<1x128xf32> to vector<125x128xf32>
    %sub3A_21 = arith.subf %get3A_19, %sub3A_20 : vector<125x128xf32>
    %add3A = arith.constant 9.99999974E-6 : f32
    %add3A_22 = vector.broadcast %add3A : f32 to vector<1x128xf32>
    %add3A_23 = arith.addf %sub3A, %add3A_22 : vector<1x128xf32>
    %rsqrt3A = math.rsqrt %add3A_23 : vector<1x128xf32>
    %mul3A_24 = vector.broadcast %rsqrt3A : vector<1x128xf32> to vector<125x128xf32>
    %mul3A_25 = arith.mulf %sub3A_21, %mul3A_24 : vector<125x128xf32>
    %swap3A = arith.constant 0 : index
    %swap3A_26 = arith.constant 0 : index
    %swap3A_27 = arith.constant 0 : index
    %swap3A_28 = vector.load %arg4[%swap3A, %swap3A_26, %swap3A_27] : memref<1x125x128xf32, #tpu.memory_space<vmem>>, vector<1x125x128xf32>
    %swap3A_29 = vector.shape_cast %swap3A_28 : vector<1x125x128xf32> to vector<125x128xf32>
    %swap3A_30 = vector.shape_cast %mul3A_25 : vector<125x128xf32> to vector<1x125x128xf32>
    tpu.vector_store %arg4[%swap3A, %swap3A_26, %swap3A_27], %swap3A_30 {strides = array<i32>} : memref<1x125x128xf32, #tpu.memory_space<vmem>>, vector<1x125x128xf32>,
    return
  }
  func.func @transform_0(%arg0: i32) -> (i32, i32, i32) {
    %c0_i32 = arith.constant 0 : i32
    %c0_i32_0 = arith.constant 0 : i32
    %c0_i32_1 = arith.constant 0 : i32
    return %arg0, %c0_i32, %c0_i32_0 : i32, i32, i32
  }
  func.func @transform_1(%arg0: i32) -> (i32, i32, i32) {
    %c0_i32 = arith.constant 0 : i32
    %c0_i32_0 = arith.constant 0 : i32
    %c0_i32_1 = arith.constant 0 : i32
    %c0_i32_2 = arith.constant 0 : i32
    return %c0_i32, %c0_i32_0, %c0_i32_1 : i32, i32, i32
  }
  func.func @transform_2(%arg0: i32) -> (i32, i32, i32) {
    %c0_i32 = arith.constant 0 : i32
    %c0_i32_0 = arith.constant 0 : i32
    %c0_i32_1 = arith.constant 0 : i32
    %c0_i32_2 = arith.constant 0 : i32
    return %c0_i32, %c0_i32_0, %c0_i32_1 : i32, i32, i32
  }
  func.func @transform_3(%arg0: i32) -> (i32, i32, i32) {
    %c0_i32 = arith.constant 0 : i32
    %c0_i32_0 = arith.constant 0 : i32
    %c0_i32_1 = arith.constant 0 : i32
    return %arg0, %c0_i32, %c0_i32_0 : i32, i32, i32
  }
}

</mosaic_0001>

<sc_bundles>
// kernel: kernel.7.cloned.1.call-start
scs
__scs_entry_jumppad:
0x0: {  	(pc) =	sbr.rel $0x88, $3  }
0x1: {  	(tag) =	ssettag $0x0;
	lr =	simm.s32 $0x1  }
0x2: {  	[smem:$0x3F93] =	sst lr;
	_ =	strace $0xD0000000  }
0x3: {  	_ = 	snop  }
0x4: {  	_ = 	snop  }
0x5: {  	_ = 	snop  }
0x6: {  	_ = 	snop  }
0x7: {  	_ = 	snop  }
__scs_overlays_trampoline_lowered:
0x8: {  	[smem:$0x3FA2] =	sst s0  }
0x9: {  	[smem:$0x3FA3] =	sst s1  }
0xa: {  	[smem:$0x3FA4] =	sst s2  }
0xb: {  	[smem:$0x3FA5] =	sst s3  }
0xc: {  	[smem:$0x3FA6] =	sst s4  }
0xd: {  	[smem:$0x3FA7] =	sst s5  }
0xe: {  	[smem:$0x3FA8] =	sst s6  }
0xf: {  	[smem:$0x3FA9] =	sst s7  }
0x10: {  	[smem:$0x3FAA] =	sst s8  }
0x11: {  	[smem:$0x3FAB] =	sst s9;
	s0 =	simm.s32 @!p0 $0x0  }
0x12: {  	s1 =	sld [smem:$0x3F91];
	s0 =	simm.s32 @p0 $0x1  }
0x13: {  	[smem:$0x3FAC] =	sst s0;
	s0 =	simm.s32 @!p1 $0x0  }
0x14: {  	s2 =	sld [smem:$0x3F90];
	s0 =	simm.s32 @p1 $0x1  }
0x15: {  	[smem:$0x3FAD] =	sst s0;
	s0 =	simm.s32 @!p2 $0x0  }
0x16: {  	s3 =	sld [smem:$0x3FDB];
	s0 =	simm.s32 @p2 $0x1  }
0x17: {  	s4 =	simm.s32 $0x1BF5;
	[smem:$0x3FAF] =	sst s0  }
0x18: {  	s0 =	sld [smem:$0x3F92];
	_ =	swait.ge [sflag:s4], $0x0  }
0x19: {  	s7 =	sld [smem:$0x3F93]  }
0x1a: {  	s8 =	sadd.s32 $0xFFFFE003, lr  }
0x1b: {  	s9 =	sadd.s32 $0xFFFFFEF7, lr;
	s5 =	simm.s32 $0xFFFFFFFF;
	p2 =	slt.u32 s8, $0xFFFFF086  }
0x1c: {  	p1 =	slt.u32 s9, $0xF7A;
	s5 =	simm.s32 @!p2 $0x0  }
0x1d: {  	s5 =	simm.s32 @p1 $0x1;
	p0 =	seq.s32 s7, s2  }
0x1e: {  	s7 =	smul.u32 @!p0 $0xF7A, s2;
	p2 =	seq.s32 @!p0 s5, $0x0  }
0x1f: {  	s9 =	smul.u32 $0xF7A, s1;
	s8 =	simm.s32 @!p0 $0x1BF5;
	p2 =	por !p2, p0  }
0x20: {  	[sflag:s8] =	ssyncset.s32 @!p0 $0xFFFFF086;
	s6 =	sadd.s32 @!p0 s3, s7;
	s7 =	simm.s32 @!p0 $0x108  }
0x21: {  	s3 =	sadd.s32 s3, s9;
	s6 =	sadd.s32 @!p0 $0x88, s6;
	s7 =	simm.s32 @p2 $0x1082  }
0x22: {  	[simem:s7], [sflag:s8] =	dma.local @!p0 [hbm:s6], $0xF7A  }
0x23: {  	s9 =	sor.u32 $0xD0000000, s2;
	s6 =	simm.s32 $0x108;
	_ =	swait.ge @!p0 [sflag:s8], $0x0  }
0x24: {  	s3 =	sadd.s32 $0x88, s3;
	s6 =	simm.s32 @!p1 $0x1082;
	[sflag:s4] =	ssyncset.s32 $0xFFFFF086  }
0x25: {  	[simem:s6], [sflag:s4] =	dma.local [hbm:s3], $0xF7A  }
0x26: {  	[smem:$0x3F93] =	sst s1;
	(tag) =	ssettag s2;
	_ =	strace s9  }
0x27: {  	s1 =	sld [smem:$0x3FA3]  }
0x28: {  	s2 =	sld [smem:$0x3FA4]  }
0x29: {  	s4 =	sld [smem:$0x3FA6]  }
0x2a: {  	p0 =	seq.s32 s5, $0x0;
	s5 =	sld [smem:$0x3FA7]  }
0x2b: {  	s6 =	sld [smem:$0x3FA8]  }
0x2c: {  	s7 =	sld [smem:$0x3FA9]  }
0x2d: {  	s3 =	simm.s32 $0x108;
	s8 =	sld [smem:$0x3FAA]  }
0x2e: {  	s3 =	simm.s32 @!p0 $0x1082;
	s9 =	sld [smem:$0x3FAB]  }
0x2f: {  	lr =	sadd.s32 s0, s3;
	s0 =	sld [smem:$0x3FA2]  }
0x30: {  	s3 =	sld [smem:$0x3FA5]  }
0x31: {  	[smem:$0x3FAE] =	sst s10  }
0x32: {  	s10 =	sld [smem:$0x3FAC];
	_ =	sdelay $0x3  }
0x33: {  	p0 =	seq.s32 s10, $0x1;
	s10 =	sld [smem:$0x3FAE];
	_ =	sdelay $0x3  }
0x34: {  	[smem:$0x3FAE] =	sst s10  }
0x35: {  	s10 =	sld [smem:$0x3FAD];
	_ =	sdelay $0x3  }
0x36: {  	p1 =	seq.s32 s10, $0x1;
	s10 =	sld [smem:$0x3FAE];
	_ =	sdelay $0x3  }
0x37: {  	[smem:$0x3FAE] =	sst s10  }
0x38: {  	s10 =	sld [smem:$0x3FAF]  }
0x39: {  	_ = 	snop;
	(pc) =	sbr.ind lr, $3  }
0x3a: {  	_ = 	snop  }
0x3b: {  	_ = 	snop  }
0x3c: {  	p2 =	seq.s32 s10, $0x1;
	s10 =	sld [smem:$0x3FAE]  }
0x3d: {  	_ =	shalt  }
0x3e: {  	_ =	shalt  }
0x3f: {  	_ =	shalt  }
0x40: {  	_ =	shalt  }
0x41: {  	_ =	shalt  }
0x42: {  	_ =	shalt  }
0x43: {  	_ =	shalt  }
0x44: {  	_ =	shalt  }
0x45: {  	_ =	shalt  }
0x46: {  	_ =	shalt  }
0x47: {  	_ =	shalt  }
0x48: {  	_ =	shalt  }
0x49: {  	_ =	shalt  }
0x4a: {  	_ =	shalt  }
0x4b: {  	_ =	shalt  }
0x4c: {  	_ =	shalt  }
0x4d: {  	_ =	shalt  }
0x4e: {  	_ =	shalt  }
0x4f: {  	_ =	shalt  }
0x50: {  	_ =	shalt  }
0x51: {  	_ =	shalt  }
0x52: {  	_ =	shalt  }
0x53: {  	_ =	shalt  }
0x54: {  	_ =	shalt  }
0x55: {  	_ =	shalt  }
0x56: {  	_ =	shalt  }
0x57: {  	_ =	shalt  }
0x58: {  	_ =	shalt  }
0x59: {  	_ =	shalt  }
0x5a: {  	_ =	shalt  }
0x5b: {  	_ =	shalt  }
0x5c: {  	_ =	shalt  }
0x5d: {  	_ =	shalt  }
0x5e: {  	_ =	shalt  }
0x5f: {  	_ =	shalt  }
0x60: {  	_ =	shalt  }
0x61: {  	_ =	shalt  }
0x62: {  	_ =	shalt  }
0x63: {  	_ =	shalt  }
0x64: {  	_ =	shalt  }
0x65: {  	_ =	shalt  }
0x66: {  	_ =	shalt  }
0x67: {  	_ =	shalt  }
0x68: {  	_ =	shalt  }
0x69: {  	_ =	shalt  }
0x6a: {  	_ =	shalt  }
0x6b: {  	_ =	shalt  }
0x6c: {  	_ =	shalt  }
0x6d: {  	_ =	shalt  }
0x6e: {  	_ =	shalt  }
0x6f: {  	_ =	shalt  }
0x70: {  	_ =	shalt  }
0x71: {  	_ =	shalt  }
0x72: {  	_ =	shalt  }
0x73: {  	_ =	shalt  }
0x74: {  	_ =	shalt  }
0x75: {  	_ =	shalt  }
0x76: {  	_ =	shalt  }
0x77: {  	_ =	shalt  }
0x78: {  	_ =	shalt  }
0x79: {  	_ =	shalt  }
0x7a: {  	_ =	shalt  }
0x7b: {  	_ =	shalt  }
0x7c: {  	_ =	shalt  }
0x7d: {  	_ =	shalt  }
0x7e: {  	_ =	shalt  }
0x7f: {  	_ =	shalt  }
0x80: {  	_ =	shalt  }
0x81: {  	_ =	shalt  }
0x82: {  	_ =	shalt  }
0x83: {  	_ =	shalt  }
0x84: {  	_ =	shalt  }
0x85: {  	_ =	shalt  }
0x86: {  	_ =	shalt  }
0x87: {  	_ =	shalt  }
.Lfunc_end0:
.L_simem_size_0:
called_computation_lowered:
.L_overlay_start_0:
0x88: {  	s2 =	sld [smem:$0x3FD9]  }
0x89: {  	s3 =	sld [smem:$0x3FFE];
	_ =	sdelay $0x1  }
0x8a: {  	s1 =	srdreg.scid  }
0x8b: {  	s0 =	sand.u32 $0x1, s1  }
0x8c: {  	s16 =	sshll.u32 s0, $0xA;
	s2 =	sadd.s32 s3, s2  }
0x8d: {  	s2 =	sadd.s32 s2, s16  }
0x8e: {  	[smem:$0x3FBA] =	sst s2  }
0x8f: {  	_ = 	snop  }
0x90: {  	(tm) =	ssettm $0x1  }
0x91: {  	s17 =	sld [smem:$0x3FFB];
	_ =	sdelay $0x3  }
0x92: {  	_ =	strace s17  }
0x93: {  	s2 =	sld [smem:$0x3FFC];
	_ =	sdelay $0x3  }
0x94: {  	_ =	strace s2  }
0x95: {  	s2 =	sld [smem:$0x3FFD];
	_ =	sdelay $0x3  }
0x96: {  	_ =	strace s2  }
0x97: {  	_ =	strace $0x8FFFFFFF  }
0x98: {  	s18 =	sld [smem:$0x3FDB];
	_ =	sdelay $0x1  }
0x99: {  	s19 =	simm.s32 $_scs_section_size  }
0x9a: {  	s4 =	simm.s32 $_size__tile_overlayer_lowered;
	s5 =	simm.s32 $_tile_overlayer_lowered  }
0x9b: {  	s22 =	simm.s32 $0x1BFF;
	s21 =	sshll.u32 s5, $0x1;
	s2 =	sadd.s32 s19, s18  }
0x9c: {  	s6 =	simm.s32 $0x0;
	s20 =	sshll.u32 s4, $0x1;
	s4 =	sadd.s32 s21, s2  }
0x9d: {  	[timem:s6], [sflag:s22] =	dma.local [hbm:s4], s20  }
0x9e: {  	_ =	swait.ge [sflag:s22], s20  }
0x9f: {  	s3 =	ssub.s32 $0x0, s20;
	[sflag:s22] =	ssyncset.done $0x0  }
0xa0: {  	[sflag:s22] =	ssyncadd.s32 s3;
	_ =	sdelay $0x1  }
0xa1: {  	s23 =	simm.s32 $0x1B8B  }
0xa2: {  	_ =	swait.ge [sflag:s23], $0x1  }
0xa3: {  	[sflag:s23] =	ssyncset.done $0x0  }
0xa4: {  	s25 =	simm.s32 $0x1B8E;
	s24 =	sld [smem:$0x3FFE];
	[sflag:s23] =	ssyncadd.s32 $0xFFFFFFFF  }
0xa5: {  	s26 =	simm.s32 $execute0_lowered;
	[smem:$0x3FD2] =	sst s25  }
0xa6: {  	s4 =	sshll.u32 s26, $0x1;
	_ =	strace $0x80000046;
	[dreg:$0x1] =	wrdreg $0xFFFFFFFF  }
0xa7: {  	s28 =	simm.s32 $_size_execute0_lowered;
	s2 =	sadd.s32 s2, s4;
	[dreg:$0x0] =	wrdreg $0x0  }
0xa8: {  	s4 =	sshll.u32 s28, $0x1;
	[dreg:$0x2] =	wrdreg s2  }
0xa9: {  	[dreg:$0x3] =	wrdreg s4  }
0xaa: {  	[dreg:$0x4] =	wrdreg $0xC0  }
0xab: {  	_ =	task [dreg:s6], $0x5FFFF  }
0xac: {  	[dreg:$0x1] =	wrdreg $0xFFFFFFFF  }
0xad: {  	[dreg:$0x0] =	wrdreg $0x60  }
0xae: {  	[dreg:$0x2] =	wrdreg s24  }
0xaf: {  	[dreg:$0x3] =	wrdreg $0x9  }
0xb0: {  	_ =	task.clear_ibuf [dreg:s6], $0x4FFFF;
	_ =	strace $0x90000046  }
0xb1: {  	s29 =	simm.s32 $0x9;
	_ =	strace $0x80000048  }
0xb2: {  	_ =	swait.ge [sflag:s29], $0x1  }
0xb3: {  	[sflag:s29] =	ssyncadd.s32 $0xFFFFFFFF  }
0xb4: {  	_ =	strace $0x90000048  }
0xb5: {  	_ =	sfence  }
0xb6: {  	s30 =	sld [smem:$0x0];
	_ =	sdelay $0x2  }
0xb7: {  	s31 =	sshll.u32 s1, $0xD;
	s1 =	sshrl.u32 s1, $0x2  }
0xb8: {  	s3 =	sand.u32 $0x4000, s31;
	s1 =	sadd.s32 s1, s30  }
0xb9: {  	s0 =	sor.u32 s3, s0;
	s1 =	sshll.u32 s1, $0x11  }
0xba: {  	s0 =	sor.u32 s1, s0  }
0xbb: {  	s0 =	sadd.s32 $0x8F2B, s0  }
0xbc: {  	[sflag:s0] =	ssyncadd.remote.s32 $0x1  }
0xbd: {  	_ =	sfence.sel $0xFFFF  }
0xbe: {  	[dreg:$0x0] =	wrdreg $0xFFFFFFFF;
	(pc) =	sbr.abs _section_cstart, $3  }
0xbf: {  	[dreg:$0x1] =	wrdreg $0xFFFFFFFF  }
0xc0: {  	_ =	task.clear_ibuf [dreg:s6], $0x2FFFF;
	_ =	strace $0x9FFFFFFF  }
0xc1: {  	(tm) =	ssettm $0x7FFFFFFF  }
tec
execute0_lowered:
.L_overlay_start_1:
0x0: {  	(tag) =	ssettag $0x1  }
0x1: {  	s0 =	srdreg.scid  }
0x2: {  	s11 =	sand.u32 $0x1, s0  }
0x3: {  	s10 =	rddreg [dreg:$0x0];
	s0 =	smul.u32 $0x7D00, s11;
	s1 =	ssub.s32 $0x2, s11  }
0x4: {  	s7 =	sadd.s32 $0xC000, s10;
	s8 =	sadd.s32 $0x2200, s10;
	s2 =	sshrl.u32 s1, $0x1  }
0x5: {  	s12 =	sor.u32 $0x2, s11;
	s0 =	sshrl.u32 s0, $0x3;
	s1 =	ssub.s32 s1, s2  }
0x6: {  	[dreg:$0x1e] =	wrdreg s1;
	s23 =	sadd.s32 s8, s0;
	s24 =	sadd.s32 $0x3E8, s0  }
0x7: {  	s3 =	smul.u32 $0x7D00, s12;
	[dreg:$0x1f] =	wrdreg s23;
	s25 =	sadd.s32 s7, s24  }
0x8: {  	s26 =	sadd.s32 $0x7D0, s0;
	s1 =	sadd.s32 s8, s24;
	[dreg:$0x2] =	wrdreg s25  }
0x9: {  	s20 =	sadd.s32 s7, s0;
	s28 =	sadd.s32 s7, s26;
	[dreg:$0x3] =	wrdreg s1  }
0xa: {  	s0 =	sadd.s32 $0xBB8, s0;
	s2 =	sadd.s32 s8, s26;
	[dreg:$0x4] =	wrdreg s28  }
0xb: {  	s4 =	sadd.s32 s7, s0;
	[dreg:$0x5] =	wrdreg s2  }
0xc: {  	s5 =	sshrl.u32 s3, $0x3;
	s0 =	sadd.s32 s8, s0;
	[dreg:$0x6] =	wrdreg s4  }
0xd: {  	s6 =	sadd.s32 s7, s5;
	[dreg:$0x7] =	wrdreg s0  }
0xe: {  	s9 =	sadd.s32 s8, s5;
	s14 =	sadd.s32 $0x3E8, s5;
	[dreg:$0x8] =	wrdreg s6  }
0xf: {  	s13 =	sor.u32 $0x4, s11;
	[dreg:$0x9] =	wrdreg s9;
	s16 =	sadd.s32 s7, s14  }
0x10: {  	s17 =	sadd.s32 $0x7D0, s5;
	s0 =	sadd.s32 s8, s14;
	[dreg:$0xa] =	wrdreg s16  }
0x11: {  	s15 =	smul.u32 $0x7D00, s13;
	s18 =	sadd.s32 s7, s17;
	[dreg:$0xb] =	wrdreg s0  }
0x12: {  	s1 =	sadd.s32 $0xBB8, s5;
	[dreg:$0xc] =	wrdreg s18;
	s0 =	sadd.s32 s8, s17  }
0x13: {  	s2 =	sshrl.u32 s15, $0x3;
	s19 =	sadd.s32 s7, s1;
	[dreg:$0xd] =	wrdreg s0  }
0x14: {  	s14 =	sor.u32 $0x6, s11;
	s1 =	sadd.s32 s8, s1;
	[dreg:$0xe] =	wrdreg s19  }
0x15: {  	s15 =	sor.u32 $0x8, s11;
	s23 =	sadd.s32 s7, s2;
	[dreg:$0xf] =	wrdreg s1  }
0x16: {  	s21 =	sadd.s32 $0x3E8, s2;
	s24 =	sadd.s32 s8, s2;
	[dreg:$0x12] =	wrdreg s23  }
0x17: {  	s25 =	sadd.s32 $0x7D0, s2;
	s22 =	sadd.s32 s7, s21;
	[dreg:$0x13] =	wrdreg s24  }
0x18: {  	s26 =	sadd.s32 $0xBB8, s2;
	s0 =	sadd.s32 s8, s21;
	[dreg:$0x10] =	wrdreg s22  }
0x19: {  	s28 =	smul.u32 $0x7D00, s14;
	s4 =	sadd.s32 s7, s25;
	[dreg:$0x11] =	wrdreg s0  }
0x1a: {  	s17 =	smul.u32 $0x7D00, s15;
	s5 =	sadd.s32 s7, s26;
	[dreg:$0x14] =	wrdreg s4  }
0x1b: {  	s6 =	sadd.s32 s8, s26;
	s0 =	sadd.s32 s8, s25;
	[dreg:$0x16] =	wrdreg s5  }
0x1c: {  	[dreg:$0x17] =	wrdreg s6;
	s5 =	sshrl.u32 s17, $0x3;
	s17 =	stileid.u32  }
0x1d: {  	s9 =	sshrl.u32 s28, $0x3;
	s28 =	stileid.u32;
	[dreg:$0x15] =	wrdreg s0  }
0x1e: {  	s16 =	sadd.s32 $0x3E8, s9;
	s2 =	sadd.s32 $0x7D0, s9;
	s21 =	sadd.s32 s7, s9  }
0x1f: {  	s22 =	sadd.s32 s8, s9;
	s0 =	sadd.s32 $0xBB8, s9;
	s23 =	sadd.s32 $0x3E8, s5  }
0x20: {  	s3 =	sadd.s32 s7, s5;
	s6 =	sadd.s32 $0x7D0, s5;
	s9 =	sadd.s32 $0xBB8, s5  }
0x21: {  	s17 =	sshll.u32 s17, $0x10;
	s28 =	sshll.u32 s28, $0x6;
	s4 =	sadd.s32 s7, s16  }
0x22: {  	s1 =	sadd.s32 s8, s16;
	s18 =	sadd.s32 s7, s2;
	[dreg:$0x1c] =	wrdreg s21  }
0x23: {  	s19 =	sadd.s32 s8, s2;
	[dreg:$0x1d] =	wrdreg s22;
	s16 =	smul.u32 $0xFA000, s11  }
0x24: {  	s31 =	sadd.s32 s7, s0;
	s11 =	smul.u32 $0xFFF05C18, s11;
	[dreg:$0x18] =	wrdreg s4  }
0x25: {  	s0 =	sadd.s32 s8, s0;
	s22 =	smul.u32 $0xFA000, s13;
	[dreg:$0x19] =	wrdreg s1  }
0x26: {  	s2 =	sadd.s32 s8, s23;
	s13 =	smul.u32 $0xFFF05C18, s13;
	[dreg:$0x1a] =	wrdreg s18  }
0x27: {  	s29 =	sor.u32 $0x20, s28;
	s30 =	sor.u32 $0x30, s28;
	[dreg:$0x1b] =	wrdreg s19  }
0x28: {  	s1 =	sadd.s32 s7, s23;
	s4 =	sadd.s32 s8, s5;
	s5 =	sadd.s32 s7, s6  }
0x29: {  	s6 =	sadd.s32 s8, s6;
	s7 =	sadd.s32 s7, s9;
	s8 =	sadd.s32 s8, s9  }
0x2a: {  	v2 =	vlaneseq.u32;
	s9 =	simm.s32 $0x0;
	s18 =	sadd.s32 $0x15E00, s10;
	s19 =	smul.u32 $0xFFF05C18, s12  }
0x2b: {  	s12 =	smul.u32 $0xFA000, s12;
	v8 =	vor.u32 s29, v2;
	s29 =	smov.u32 s20;
	v9 =	vor.u32 s30, v2;
	s30 =	rddreg [dreg:$0x1f]  }
0x2c: {  	[smem:$0x7FF] =	sst s9;
	s24 =	sadd.s32 s17, s16;
	s16 =	sshrl.u32 s16, $0x3  }
0x2d: {  	s21 =	ssub.s32 s11, s17;
	s26 =	sadd.s32 s17, s22;
	s22 =	sshrl.u32 s22, $0x3  }
0x2e: {  	s10 =	sshrl.u32 s24, $0x3;
	s16 =	sadd.s32 s18, s16;
	s19 =	ssub.s32 s19, s17  }
0x2f: {  	s25 =	sadd.s32 s17, s12;
	s12 =	sshrl.u32 s12, $0x3;
	s24 =	ssub.s32 s13, s17  }
0x30: {  	s22 =	sadd.s32 s18, s22;
	s11 =	sshrl.u32 s25, $0x3;
	s25 =	smul.u32 $0xFA000, s14  }
0x31: {  	v0 =	vmov s21;
	s21 =	sor.u32 $0x10, s28;
	_ =	strace $0x80000047;
	s14 =	smul.u32 $0xFFF05C18, s14  }
0x32: {  	s23 =	sadd.s32 s18, s12;
	s12 =	sshrl.u32 s26, $0x3;
	s26 =	smul.u32 $0xFFF05C18, s15  }
0x33: {  	s10 =	sadd.s32 s18, s10;
	s15 =	smul.u32 $0xFA000, s15;
	v6 =	vor.u32 s21, v2;
	s21 =	simm.s32 $0x3F00  }
0x34: {  	v1 =	vmul.u32 $0x401, v2;
	s11 =	sadd.s32 s18, s11;
	s12 =	sadd.s32 s18, s12;
	s13 =	sadd.s32 s17, s25  }
0x35: {  	v7 =	vmov s28;
	s14 =	ssub.s32 s14, s17;
	s25 =	sshrl.u32 s25, $0x3;
	s20 =	ssub.s32 s26, s17  }
0x36: {  	v1 =	vor.u32 s28, v1;
	v11 =	vsub.s32 v8, v7;
	s17 =	sadd.s32 s17, s15;
	s15 =	sshrl.u32 s15, $0x3;
	s26 =	rddreg [dreg:$0x1e]  }
0x37: {  	vm0 =	vlt.u32 v8, $0x3E8;
	v3 =	vmov s24;
	v10 =	vsub.s32 v6, v7;
	s13 =	sshrl.u32 s13, $0x3;
	s28 =	sadd.s32 s18, s25;
	s24 =	sshrl.u32 s17, $0x3  }
0x38: {  	vm1 =	vlt.u32 v9, $0x3E8;
	v7 =	vsub.s32 v9, v7;
	v10 =	vshll.u32 v10, $0xA;
	s25 =	sadd.s32 s18, s15;
	s15 =	sadd.s32 $0x1E000, s16;
	s16 =	sadd.s32 $0x1E000, s23  }
0x39: {  	v5 =	vmov s20;
	v6 =	vor.u32 v6, v10;
	v10 =	vshll.u32 v11, $0xA;
	s17 =	sadd.s32 $0x1E000, s22;
	s20 =	smax.u32 s26, $0x1;
	s22 =	simm.s32 $0x1  }
0x3a: {  	v4 =	vmov s14;
	s23 =	simm.s32 $0x1F80;
	s13 =	sadd.s32 s18, s13;
	s14 =	sadd.s32 s18, s24;
	v8 =	vor.u32 v8, v10;
	v10 =	vshll.u32 v7, $0xA  }
0x3b: {  	v2 =	vmov s19;
	s18 =	sadd.s32 $0x1E000, s28;
	s19 =	sadd.s32 $0x1E000, s25;
	s28 =	stileid.u32;
	v7 =	vnsel vm0, $0x0, v8;
	v8 =	vor.u32 v9, v10  }
0x3c: {  	s24 =	simm.s32 $0x5E80;
	s25 =	simm.s32 $0x7E00;
	p0 =	seq.s32 s28, $0xF;
	v9 =	vimm.f32 $0.0e+00;
	v10 =	vimm.f32 $1.000000000e+00;
	v8 =	vnsel vm1, $0x0, v8  }
.LBB2_1:
0x3d: {  	s26 =	simm.s32 $0x0;
	s28 =	simm.s32 $0x200  }
.LBB2_2:
0x3e: {  	p1 =	sne.s32 s28, $0x3FE00;
	[tilespmem:s26+$0x7E70] =	vst v9  }
0x3f: {  	[tilespmem:s26+$0x7E00] =	vst v9  }
0x40: {  	[tilespmem:s26+$0x7E10] =	vst v9  }
.Ltmp0:
0x41: {  	[tilespmem:s26+$0x7E20] =	vst v9;
	(pc) =	sbr.rel @p1 .LBB2_2-.Ltmp0, $4  }
0x42: {  	[tilespmem:s26+$0x7E30] =	vst v9  }
0x43: {  	[tilespmem:s26+$0x7E40] =	vst v9  }
0x44: {  	[tilespmem:s26+$0x7E50] =	vst v9  }
0x45: {  	[tilespmem:s26+$0x7E60] =	vst v9;
	s26 =	sshra.s32 s28, $0x2;
	s28 =	sadd.s32 $0x200, s28  }
0x46: {  	[tilespmem:s26+$0x7E70] =	vst v9  }
0x47: {  	[tilespmem:s26+$0x7E00] =	vst v9  }
0x48: {  	[tilespmem:s26+$0x7E10] =	vst v9  }
0x49: {  	[tilespmem:s26+$0x7E20] =	vst v9  }
0x4a: {  	[tilespmem:s26+$0x7E30] =	vst v9  }
0x4b: {  	[tilespmem:s26+$0x7E40] =	vst v9  }
0x4c: {  	[tilespmem:s26+$0x7E50] =	vst v9  }
0x4d: {  	[tilespmem:s26+$0x7E60] =	vst v9;
	s26 =	simm.s32 $0x0  }
0x4e: {  	[tilespmem:s26], [sflag:$0x1] =	stream.linear.gather [hbm4b:s29+s26], $0x1F40, $0x38;
	[tilespmem:$0x17E00] =	vst v63  }
0x4f: {  	_ = 	snop  }
0x50: {  	[tilespmem:s21], [sflag:$0x1] =	stream.linear.gather [hbm4b:s30+s26], $0x1F40, $0x38;
	[tilespmem:$0x17E00] =	vst v63  }
0x51: {  	_ =	swait.ge [sflag:s22], $0x1F40  }
0x52: {  	[sflag:s22] =	ssyncset.done $0x0  }
0x53: {  	[sflag:s22] =	ssyncadd.s32 $0xFFFFE0C0  }
0x54: {  	_ =	swait.ge [sflag:s22], $0x1F40  }
0x55: {  	[sflag:s22] =	ssyncset.done $0x0  }
0x56: {  	s28 =	rddreg [dreg:$0x2];
	[sflag:s22] =	ssyncadd.s32 $0xFFFFE0C0  }
0x57: {  	[tilespmem:s23], [sflag:$0x1] =	stream.linear.gather [hbm4b:s28+s26], $0x1F40, $0x38;
	[tilespmem:$0x17E00] =	vst v63  }
0x58: {  	s28 =	rddreg [dreg:$0x3]  }
0x59: {  	[tilespmem:s24], [sflag:$0x1] =	stream.linear.gather [hbm4b:s28+s26], $0x1F40, $0x38;
	[tilespmem:$0x17E00] =	vst v63  }
.LBB2_4:
0x5a: {  	s28 =	sshra.s32 s26, $0x2  }
0x5b: {  	v11 =	vld [tilespmem:s28+$0x0]  }
0x5c: {  	v12 =	vld [tilespmem:s28+$0x3F00];
	_ =	sdelay $0x4  }
0x5d: {  	v12 =	vshll.u32 v12, $0xA;
	v11 =	vadd.s32 v0, v11  }
0x5e: {  	v11 =	vadd.s32 v12, v11  }
0x5f: {  	vm2 =	vlt.u32 v11, $0x10000  }
0x60: {  	v11 =	vnsel vm2, $0x0, v11;
	_ =	sdelay $0x4  }
0x61: {  	[tilespmem:v11+s25+$0x0] =	vst.idx.add.f32.msk vm2, v10  }
0x62: {  	v11 =	vld [tilespmem:s28+$0x10]  }
0x63: {  	v61 =	vld [tilespmem:s28+$0x3F10];
	_ =	sdelay $0x4  }
0x64: {  	v12 =	vshll.u32 v61, $0xA;
	v11 =	vadd.s32 v0, v11  }
0x65: {  	v11 =	vadd.s32 v12, v11  }
0x66: {  	vm2 =	vlt.u32 v11, $0x10000  }
0x67: {  	v11 =	vnsel vm2, $0x0, v11;
	_ =	sdelay $0x4  }
0x68: {  	[tilespmem:v11+s25+$0x0] =	vst.idx.add.f32.msk vm2, v10  }
0x69: {  	v11 =	vld [tilespmem:s28+$0x20]  }
0x6a: {  	v62 =	vld [tilespmem:s28+$0x3F20];
	_ =	sdelay $0x4  }
0x6b: {  	v12 =	vshll.u32 v62, $0xA;
	v11 =	vadd.s32 v0, v11  }
0x6c: {  	v11 =	vadd.s32 v12, v11  }
0x6d: {  	vm2 =	vlt.u32 v11, $0x10000  }
0x6e: {  	v11 =	vnsel vm2, $0x0, v11;
	_ =	sdelay $0x4  }
0x6f: {  	[tilespmem:v11+s25+$0x0] =	vst.idx.add.f32.msk vm2, v10  }
0x70: {  	v11 =	vld [tilespmem:s28+$0x30]  }
0x71: {  	v63 =	vld [tilespmem:s28+$0x3F30];
	_ =	sdelay $0x4  }
0x72: {  	v12 =	vshll.u32 v63, $0xA;
	v11 =	vadd.s32 v0, v11  }
0x73: {  	v11 =	vadd.s32 v12, v11  }
0x74: {  	vm2 =	vlt.u32 v11, $0x10000  }
0x75: {  	p1 =	sne.s32 s26, $0x7C00;
	v11 =	vnsel vm2, $0x0, v11  }
.Ltmp1:
0x76: {  	_ = 	snop;
	(pc) =	sbr.rel @p1 .LBB2_4-.Ltmp1, $2  }
0x77: {  	_ =	sdelay $0x2  }
0x78: {  	s26 =	sadd.s32 $0x100, s26;
	[tilespmem:v11+s25+$0x0] =	vst.idx.add.f32.msk vm2, v10  }
0x79: {  	_ =	swait.ge [sflag:s22], $0x1F40  }
0x7a: {  	[sflag:s22] =	ssyncset.done $0x0  }
0x7b: {  	[sflag:s22] =	ssyncadd.s32 $0xFFFFE0C0  }
0x7c: {  	_ =	swait.ge [sflag:s22], $0x1F40  }
0x7d: {  	[sflag:s22] =	ssyncset.done $0x0  }
0x7e: {  	s26 =	simm.s32 $0x0;
	s28 =	rddreg [dreg:$0x4];
	[sflag:s22] =	ssyncadd.s32 $0xFFFFE0C0  }
0x7f: {  	[tilespmem:s26], [sflag:$0x1] =	stream.linear.gather [hbm4b:s28+s26], $0x1F40, $0x38;
	[tilespmem:$0x17E00] =	vst v63  }
0x80: {  	s28 =	rddreg [dreg:$0x5]  }
0x81: {  	[tilespmem:s21], [sflag:$0x1] =	stream.linear.gather [hbm4b:s28+s26], $0x1F40, $0x38;
	[tilespmem:$0x17E00] =	vst v63  }
.LBB2_6:
0x82: {  	s28 =	sshra.s32 s26, $0x2  }
0x83: {  	v11 =	vld [tilespmem:s28+$0x1F80]  }
0x84: {  	v12 =	vld [tilespmem:s28+$0x5E80];
	_ =	sdelay $0x4  }
0x85: {  	v12 =	vshll.u32 v12, $0xA;
	v11 =	vadd.s32 v0, v11  }
0x86: {  	v11 =	vadd.s32 v12, v11  }
0x87: {  	vm2 =	vlt.u32 v11, $0x10000  }
0x88: {  	v11 =	vnsel vm2, $0x0, v11;
	_ =	sdelay $0x4  }
0x89: {  	[tilespmem:v11+s25+$0x0] =	vst.idx.add.f32.msk vm2, v10  }
0x8a: {  	v11 =	vld [tilespmem:s28+$0x1F90]  }
0x8b: {  	v61 =	vld [tilespmem:s28+$0x5E90];
	_ =	sdelay $0x4  }
0x8c: {  	v12 =	vshll.u32 v61, $0xA;
	v11 =	vadd.s32 v0, v11  }
0x8d: {  	v11 =	vadd.s32 v12, v11  }
0x8e: {  	vm2 =	vlt.u32 v11, $0x10000  }
0x8f: {  	v11 =	vnsel vm2, $0x0, v11;
	_ =	sdelay $0x4  }
0x90: {  	[tilespmem:v11+s25+$0x0] =	vst.idx.add.f32.msk vm2, v10  }
0x91: {  	v11 =	vld [tilespmem:s28+$0x1FA0]  }
0x92: {  	v62 =	vld [tilespmem:s28+$0x5EA0];
	_ =	sdelay $0x4  }
0x93: {  	v12 =	vshll.u32 v62, $0xA;
	v11 =	vadd.s32 v0, v11  }
0x94: {  	v11 =	vadd.s32 v12, v11  }
0x95: {  	vm2 =	vlt.u32 v11, $0x10000  }
0x96: {  	v11 =	vnsel vm2, $0x0, v11;
	_ =	sdelay $0x4  }
0x97: {  	[tilespmem:v11+s25+$0x0] =	vst.idx.add.f32.msk vm2, v10  }
0x98: {  	v11 =	vld [tilespmem:s28+$0x1FB0]  }
0x99: {  	v63 =	vld [tilespmem:s28+$0x5EB0];
	_ =	sdelay $0x4  }
0x9a: {  	v12 =	vshll.u32 v63, $0xA;
	v11 =	vadd.s32 v0, v11  }
0x9b: {  	v11 =	vadd.s32 v12, v11  }
0x9c: {  	vm2 =	vlt.u32 v11, $0x10000  }
0x9d: {  	p1 =	sne.s32 s26, $0x7C00;
	v11 =	vnsel vm2, $0x0, v11  }
.Ltmp2:
0x9e: {  	_ = 	snop;
	(pc) =	sbr.rel @p1 .LBB2_6-.Ltmp2, $2  }
0x9f: {  	_ =	sdelay $0x2  }
0xa0: {  	s26 =	sadd.s32 $0x100, s26;
	[tilespmem:v11+s25+$0x0] =	vst.idx.add.f32.msk vm2, v10  }
0xa1: {  	_ =	swait.ge [sflag:s22], $0x1F40  }
0xa2: {  	[sflag:s22] =	ssyncset.done $0x0  }
0xa3: {  	[sflag:s22] =	ssyncadd.s32 $0xFFFFE0C0  }
0xa4: {  	_ =	swait.ge [sflag:s22], $0x1F40  }
0xa5: {  	[sflag:s22] =	ssyncset.done $0x0  }
0xa6: {  	s26 =	simm.s32 $0x0;
	s28 =	rddreg [dreg:$0x6];
	[sflag:s22] =	ssyncadd.s32 $0xFFFFE0C0  }
0xa7: {  	[tilespmem:s23], [sflag:$0x1] =	stream.linear.gather [hbm4b:s28+s26], $0x1F40, $0x38;
	[tilespmem:$0x17E00] =	vst v63  }
0xa8: {  	s28 =	rddreg [dreg:$0x7]  }
0xa9: {  	[tilespmem:s24], [sflag:$0x1] =	stream.linear.gather [hbm4b:s28+s26], $0x1F40, $0x38;
	[tilespmem:$0x17E00] =	vst v63  }
.LBB2_8:
0xaa: {  	s28 =	sshra.s32 s26, $0x2  }
0xab: {  	v11 =	vld [tilespmem:s28+$0x0]  }
0xac: {  	v12 =	vld [tilespmem:s28+$0x3F00];
	_ =	sdelay $0x4  }
0xad: {  	v12 =	vshll.u32 v12, $0xA;
	v11 =	vadd.s32 v0, v11  }
0xae: {  	v11 =	vadd.s32 v12, v11  }
0xaf: {  	vm2 =	vlt.u32 v11, $0x10000  }
0xb0: {  	v11 =	vnsel vm2, $0x0, v11;
	_ =	sdelay $0x4  }
0xb1: {  	[tilespmem:v11+s25+$0x0] =	vst.idx.add.f32.msk vm2, v10  }
0xb2: {  	v11 =	vld [tilespmem:s28+$0x10]  }
0xb3: {  	v61 =	vld [tilespmem:s28+$0x3F10];
	_ =	sdelay $0x4  }
0xb4: {  	v12 =	vshll.u32 v61, $0xA;
	v11 =	vadd.s32 v0, v11  }
0xb5: {  	v11 =	vadd.s32 v12, v11  }
0xb6: {  	vm2 =	vlt.u32 v11, $0x10000  }
0xb7: {  	v11 =	vnsel vm2, $0x0, v11;
	_ =	sdelay $0x4  }
0xb8: {  	[tilespmem:v11+s25+$0x0] =	vst.idx.add.f32.msk vm2, v10  }
0xb9: {  	v11 =	vld [tilespmem:s28+$0x20]  }
0xba: {  	v62 =	vld [tilespmem:s28+$0x3F20];
	_ =	sdelay $0x4  }
0xbb: {  	v12 =	vshll.u32 v62, $0xA;
	v11 =	vadd.s32 v0, v11  }
0xbc: {  	v11 =	vadd.s32 v12, v11  }
0xbd: {  	vm2 =	vlt.u32 v11, $0x10000  }
0xbe: {  	v11 =	vnsel vm2, $0x0, v11;
	_ =	sdelay $0x4  }
0xbf: {  	[tilespmem:v11+s25+$0x0] =	vst.idx.add.f32.msk vm2, v10  }
0xc0: {  	v11 =	vld [tilespmem:s28+$0x30]  }
0xc1: {  	v63 =	vld [tilespmem:s28+$0x3F30];
	_ =	sdelay $0x4  }
0xc2: {  	v12 =	vshll.u32 v63, $0xA;
	v11 =	vadd.s32 v0, v11  }
0xc3: {  	v11 =	vadd.s32 v12, v11  }
0xc4: {  	vm2 =	vlt.u32 v11, $0x10000  }
0xc5: {  	p1 =	sne.s32 s26, $0x7C00;
	v11 =	vnsel vm2, $0x0, v11  }
.Ltmp3:
0xc6: {  	_ = 	snop;
	(pc) =	sbr.rel @p1 .LBB2_8-.Ltmp3, $2  }
0xc7: {  	_ =	sdelay $0x2  }
0xc8: {  	s26 =	sadd.s32 $0x100, s26;
	[tilespmem:v11+s25+$0x0] =	vst.idx.add.f32.msk vm2, v10  }
0xc9: {  	_ =	swait.ge [sflag:s22], $0x1F40  }
0xca: {  	[sflag:s22] =	ssyncset.done $0x0  }
0xcb: {  	[sflag:s22] =	ssyncadd.s32 $0xFFFFE0C0  }
0xcc: {  	_ =	swait.ge [sflag:s22], $0x1F40  }
0xcd: {  	[sflag:s22] =	ssyncset.done $0x0  }
0xce: {  	s26 =	simm.s32 $0x0;
	[sflag:s22] =	ssyncadd.s32 $0xFFFFE0C0  }
.LBB2_10:
0xcf: {  	s28 =	sshra.s32 s26, $0x2  }
0xd0: {  	v11 =	vld [tilespmem:s28+$0x1F80]  }
0xd1: {  	v12 =	vld [tilespmem:s28+$0x5E80];
	_ =	sdelay $0x4  }
0xd2: {  	v12 =	vshll.u32 v12, $0xA;
	v11 =	vadd.s32 v0, v11  }
0xd3: {  	v11 =	vadd.s32 v12, v11  }
0xd4: {  	vm2 =	vlt.u32 v11, $0x10000  }
0xd5: {  	v11 =	vnsel vm2, $0x0, v11;
	_ =	sdelay $0x4  }
0xd6: {  	[tilespmem:v11+s25+$0x0] =	vst.idx.add.f32.msk vm2, v10  }
0xd7: {  	v11 =	vld [tilespmem:s28+$0x1F90]  }
0xd8: {  	v61 =	vld [tilespmem:s28+$0x5E90];
	_ =	sdelay $0x4  }
0xd9: {  	v12 =	vshll.u32 v61, $0xA;
	v11 =	vadd.s32 v0, v11  }
0xda: {  	v11 =	vadd.s32 v12, v11  }
0xdb: {  	vm2 =	vlt.u32 v11, $0x10000  }
0xdc: {  	v11 =	vnsel vm2, $0x0, v11;
	_ =	sdelay $0x4  }
0xdd: {  	[tilespmem:v11+s25+$0x0] =	vst.idx.add.f32.msk vm2, v10  }
0xde: {  	v11 =	vld [tilespmem:s28+$0x1FA0]  }
0xdf: {  	v62 =	vld [tilespmem:s28+$0x5EA0];
	_ =	sdelay $0x4  }
0xe0: {  	v12 =	vshll.u32 v62, $0xA;
	v11 =	vadd.s32 v0, v11  }
0xe1: {  	v11 =	vadd.s32 v12, v11  }
0xe2: {  	vm2 =	vlt.u32 v11, $0x10000  }
0xe3: {  	v11 =	vnsel vm2, $0x0, v11;
	_ =	sdelay $0x4  }
0xe4: {  	[tilespmem:v11+s25+$0x0] =	vst.idx.add.f32.msk vm2, v10  }
0xe5: {  	v11 =	vld [tilespmem:s28+$0x1FB0]  }
0xe6: {  	v63 =	vld [tilespmem:s28+$0x5EB0];
	_ =	sdelay $0x4  }
0xe7: {  	v12 =	vshll.u32 v63, $0xA;
	v11 =	vadd.s32 v0, v11  }
0xe8: {  	v11 =	vadd.s32 v12, v11  }
0xe9: {  	vm2 =	vlt.u32 v11, $0x10000  }
0xea: {  	p1 =	sne.s32 s26, $0x7C00;
	v11 =	vnsel vm2, $0x0, v11  }
.Ltmp4:
0xeb: {  	_ = 	snop;
	(pc) =	sbr.rel @p1 .LBB2_10-.Ltmp4, $2  }
0xec: {  	_ =	sdelay $0x2  }
0xed: {  	s26 =	sadd.s32 $0x100, s26;
	[tilespmem:v11+s25+$0x0] =	vst.idx.add.f32.msk vm2, v10  }
0xee: {  	_ =	sdelay $0x3  }
0xef: {  	[tilespmem:v1+s25+$0x0] =	vst.idx.add.f32.msk $0xffff, v10  }
0xf0: {  	[tilespmem:v6+s25+$0x0] =	vst.idx.add.f32.msk $0xffff, v10  }
0xf1: {  	[tilespmem:v7+s25+$0x0] =	vst.idx.add.f32.msk vm0, v10  }
0xf2: {  	s26 =	simm.s32 @p0 $0x0;
	s28 =	simm.s32 @p0 $0x7E00;
	[tilespmem:v8+s25+$0x0] =	vst.idx.add.f32.msk vm1, v10  }
0xf3: {  	[hbm4b:s15+s26] =	stream.linear.scatter @p0 [tilespmem:s28], [sflag:$0x2], $0xA000, $0x38;
	[tilespmem:$0x17E00] =	vst v63  }
0xf4: {  	s26 =	simm.s32 @p0 $0x2  }
0xf5: {  	_ =	swait.ge @p0 [sflag:s26], $0xA000  }
0xf6: {  	[sflag:s26] =	ssyncset.done @p0 $0x0  }
0xf7: {  	s28 =	simm.s32 @!p0 $0x7E00;
	[sflag:s26] =	ssyncadd.s32 @p0 $0xFFFF6000;
	s26 =	simm.s32 @!p0 $0x0  }
0xf8: {  	[hbm4b:s10+s26] =	stream.linear.scatter @!p0 [tilespmem:s28], [sflag:$0x2], $0x10000, $0x38;
	[tilespmem:$0x17E00] =	vst v63  }
0xf9: {  	s26 =	simm.s32 @!p0 $0x2  }
0xfa: {  	_ =	swait.ge @!p0 [sflag:s26], $0x10000  }
0xfb: {  	[sflag:s26] =	ssyncset.done @!p0 $0x0  }
0xfc: {  	s28 =	simm.s32 $0x200;
	[sflag:s26] =	ssyncadd.s32 @!p0 $0xFFFF0000;
	s26 =	simm.s32 $0x0  }
.LBB2_12:
0xfd: {  	p1 =	sne.s32 s28, $0x3FE00;
	[tilespmem:s26+$0x7E70] =	vst v9  }
0xfe: {  	[tilespmem:s26+$0x7E00] =	vst v9  }
0xff: {  	[tilespmem:s26+$0x7E10] =	vst v9  }
.Ltmp5:
0x100: {  	[tilespmem:s26+$0x7E20] =	vst v9;
	(pc) =	sbr.rel @p1 .LBB2_12-.Ltmp5, $4  }
0x101: {  	[tilespmem:s26+$0x7E30] =	vst v9  }
0x102: {  	[tilespmem:s26+$0x7E40] =	vst v9  }
0x103: {  	[tilespmem:s26+$0x7E50] =	vst v9  }
0x104: {  	[tilespmem:s26+$0x7E60] =	vst v9;
	s26 =	sshra.s32 s28, $0x2;
	s28 =	sadd.s32 $0x200, s28  }
0x105: {  	[tilespmem:s26+$0x7E70] =	vst v9  }
0x106: {  	[tilespmem:s26+$0x7E00] =	vst v9  }
0x107: {  	[tilespmem:s26+$0x7E10] =	vst v9  }
0x108: {  	[tilespmem:s26+$0x7E20] =	vst v9  }
0x109: {  	[tilespmem:s26+$0x7E30] =	vst v9  }
0x10a: {  	[tilespmem:s26+$0x7E40] =	vst v9  }
0x10b: {  	[tilespmem:s26+$0x7E50] =	vst v9  }
0x10c: {  	[tilespmem:s26+$0x7E60] =	vst v9;
	s26 =	simm.s32 $0x0;
	s28 =	rddreg [dreg:$0x8]  }
0x10d: {  	[tilespmem:s26], [sflag:$0x1] =	stream.linear.gather [hbm4b:s28+s26], $0x1F40, $0x38;
	[tilespmem:$0x17E00] =	vst v63  }
0x10e: {  	s28 =	rddreg [dreg:$0x9]  }
0x10f: {  	[tilespmem:s21], [sflag:$0x1] =	stream.linear.gather [hbm4b:s28+s26], $0x1F40, $0x38;
	[tilespmem:$0x17E00] =	vst v63  }
0x110: {  	_ =	swait.ge [sflag:s22], $0x1F40  }
0x111: {  	[sflag:s22] =	ssyncset.done $0x0  }
0x112: {  	[sflag:s22] =	ssyncadd.s32 $0xFFFFE0C0  }
0x113: {  	_ =	swait.ge [sflag:s22], $0x1F40  }
0x114: {  	[sflag:s22] =	ssyncset.done $0x0  }
0x115: {  	s28 =	rddreg [dreg:$0xa];
	[sflag:s22] =	ssyncadd.s32 $0xFFFFE0C0  }
0x116: {  	[tilespmem:s23], [sflag:$0x1] =	stream.linear.gather [hbm4b:s28+s26], $0x1F40, $0x38;
	[tilespmem:$0x17E00] =	vst v63  }
0x117: {  	s28 =	rddreg [dreg:$0xb]  }
0x118: {  	[tilespmem:s24], [sflag:$0x1] =	stream.linear.gather [hbm4b:s28+s26], $0x1F40, $0x38;
	[tilespmem:$0x17E00] =	vst v63  }
.LBB2_14:
0x119: {  	s28 =	sshra.s32 s26, $0x2  }
0x11a: {  	v11 =	vld [tilespmem:s28+$0x0]  }
0x11b: {  	v12 =	vld [tilespmem:s28+$0x3F00];
	_ =	sdelay $0x4  }
0x11c: {  	v12 =	vshll.u32 v12, $0xA;
	v11 =	vadd.s32 v2, v11  }
0x11d: {  	v11 =	vadd.s32 v12, v11  }
0x11e: {  	vm2 =	vlt.u32 v11, $0x10000  }
0x11f: {  	v11 =	vnsel vm2, $0x0, v11;
	_ =	sdelay $0x4  }
0x120: {  	[tilespmem:v11+s25+$0x0] =	vst.idx.add.f32.msk vm2, v10  }
0x121: {  	v11 =	vld [tilespmem:s28+$0x10]  }
0x122: {  	v61 =	vld [tilespmem:s28+$0x3F10];
	_ =	sdelay $0x4  }
0x123: {  	v12 =	vshll.u32 v61, $0xA;
	v11 =	vadd.s32 v2, v11  }
0x124: {  	v11 =	vadd.s32 v12, v11  }
0x125: {  	vm2 =	vlt.u32 v11, $0x10000  }
0x126: {  	v11 =	vnsel vm2, $0x0, v11;
	_ =	sdelay $0x4  }
0x127: {  	[tilespmem:v11+s25+$0x0] =	vst.idx.add.f32.msk vm2, v10  }
0x128: {  	v11 =	vld [tilespmem:s28+$0x20]  }
0x129: {  	v62 =	vld [tilespmem:s28+$0x3F20];
	_ =	sdelay $0x4  }
0x12a: {  	v12 =	vshll.u32 v62, $0xA;
	v11 =	vadd.s32 v2, v11  }
0x12b: {  	v11 =	vadd.s32 v12, v11  }
0x12c: {  	vm2 =	vlt.u32 v11, $0x10000  }
0x12d: {  	v11 =	vnsel vm2, $0x0, v11;
	_ =	sdelay $0x4  }
0x12e: {  	[tilespmem:v11+s25+$0x0] =	vst.idx.add.f32.msk vm2, v10  }
0x12f: {  	v11 =	vld [tilespmem:s28+$0x30]  }
0x130: {  	v63 =	vld [tilespmem:s28+$0x3F30];
	_ =	sdelay $0x4  }
0x131: {  	v12 =	vshll.u32 v63, $0xA;
	v11 =	vadd.s32 v2, v11  }
0x132: {  	v11 =	vadd.s32 v12, v11  }
0x133: {  	vm2 =	vlt.u32 v11, $0x10000  }
0x134: {  	p1 =	sne.s32 s26, $0x7C00;
	v11 =	vnsel vm2, $0x0, v11  }
.Ltmp6:
0x135: {  	_ = 	snop;
	(pc) =	sbr.rel @p1 .LBB2_14-.Ltmp6, $2  }
0x136: {  	_ =	sdelay $0x2  }
0x137: {  	s26 =	sadd.s32 $0x100, s26;
	[tilespmem:v11+s25+$0x0] =	vst.idx.add.f32.msk vm2, v10  }
0x138: {  	_ =	swait.ge [sflag:s22], $0x1F40  }
0x139: {  	[sflag:s22] =	ssyncset.done $0x0  }
0x13a: {  	[sflag:s22] =	ssyncadd.s32 $0xFFFFE0C0  }
0x13b: {  	_ =	swait.ge [sflag:s22], $0x1F40  }
0x13c: {  	[sflag:s22] =	ssyncset.done $0x0  }
0x13d: {  	s26 =	simm.s32 $0x0;
	s28 =	rddreg [dreg:$0xc];
	[sflag:s22] =	ssyncadd.s32 $0xFFFFE0C0  }
0x13e: {  	[tilespmem:s26], [sflag:$0x1] =	stream.linear.gather [hbm4b:s28+s26], $0x1F40, $0x38;
	[tilespmem:$0x17E00] =	vst v63  }
0x13f: {  	s28 =	rddreg [dreg:$0xd]  }
0x140: {  	[tilespmem:s21], [sflag:$0x1] =	stream.linear.gather [hbm4b:s28+s26], $0x1F40, $0x38;
	[tilespmem:$0x17E00] =	vst v63  }
.LBB2_16:
0x141: {  	s28 =	sshra.s32 s26, $0x2  }
0x142: {  	v11 =	vld [tilespmem:s28+$0x1F80]  }
0x143: {  	v12 =	vld [tilespmem:s28+$0x5E80];
	_ =	sdelay $0x4  }
0x144: {  	v12 =	vshll.u32 v12, $0xA;
	v11 =	vadd.s32 v2, v11  }
0x145: {  	v11 =	vadd.s32 v12, v11  }
0x146: {  	vm2 =	vlt.u32 v11, $0x10000  }
0x147: {  	v11 =	vnsel vm2, $0x0, v11;
	_ =	sdelay $0x4  }
0x148: {  	[tilespmem:v11+s25+$0x0] =	vst.idx.add.f32.msk vm2, v10  }
0x149: {  	v11 =	vld [tilespmem:s28+$0x1F90]  }
0x14a: {  	v61 =	vld [tilespmem:s28+$0x5E90];
	_ =	sdelay $0x4  }
0x14b: {  	v12 =	vshll.u32 v61, $0xA;
	v11 =	vadd.s32 v2, v11  }
0x14c: {  	v11 =	vadd.s32 v12, v11  }
0x14d: {  	vm2 =	vlt.u32 v11, $0x10000  }
0x14e: {  	v11 =	vnsel vm2, $0x0, v11;
	_ =	sdelay $0x4  }
0x14f: {  	[tilespmem:v11+s25+$0x0] =	vst.idx.add.f32.msk vm2, v10  }
0x150: {  	v11 =	vld [tilespmem:s28+$0x1FA0]  }
0x151: {  	v62 =	vld [tilespmem:s28+$0x5EA0];
	_ =	sdelay $0x4  }
0x152: {  	v12 =	vshll.u32 v62, $0xA;
	v11 =	vadd.s32 v2, v11  }
0x153: {  	v11 =	vadd.s32 v12, v11  }
0x154: {  	vm2 =	vlt.u32 v11, $0x10000  }
0x155: {  	v11 =	vnsel vm2, $0x0, v11;
	_ =	sdelay $0x4  }
0x156: {  	[tilespmem:v11+s25+$0x0] =	vst.idx.add.f32.msk vm2, v10  }
0x157: {  	v11 =	vld [tilespmem:s28+$0x1FB0]  }
0x158: {  	v63 =	vld [tilespmem:s28+$0x5EB0];
	_ =	sdelay $0x4  }
0x159: {  	v12 =	vshll.u32 v63, $0xA;
	v11 =	vadd.s32 v2, v11  }
0x15a: {  	v11 =	vadd.s32 v12, v11  }
0x15b: {  	vm2 =	vlt.u32 v11, $0x10000  }
0x15c: {  	p1 =	sne.s32 s26, $0x7C00;
	v11 =	vnsel vm2, $0x0, v11  }
.Ltmp7:
0x15d: {  	_ = 	snop;
	(pc) =	sbr.rel @p1 .LBB2_16-.Ltmp7, $2  }
0x15e: {  	_ =	sdelay $0x2  }
0x15f: {  	s26 =	sadd.s32 $0x100, s26;
	[tilespmem:v11+s25+$0x0] =	vst.idx.add.f32.msk vm2, v10  }
0x160: {  	_ =	swait.ge [sflag:s22], $0x1F40  }
0x161: {  	[sflag:s22] =	ssyncset.done $0x0  }
0x162: {  	[sflag:s22] =	ssyncadd.s32 $0xFFFFE0C0  }
0x163: {  	_ =	swait.ge [sflag:s22], $0x1F40  }
0x164: {  	[sflag:s22] =	ssyncset.done $0x0  }
0x165: {  	s26 =	simm.s32 $0x0;
	s28 =	rddreg [dreg:$0xe];
	[sflag:s22] =	ssyncadd.s32 $0xFFFFE0C0  }
0x166: {  	[tilespmem:s23], [sflag:$0x1] =	stream.linear.gather [hbm4b:s28+s26], $0x1F40, $0x38;
	[tilespmem:$0x17E00] =	vst v63  }
0x167: {  	s28 =	rddreg [dreg:$0xf]  }
0x168: {  	[tilespmem:s24], [sflag:$0x1] =	stream.linear.gather [hbm4b:s28+s26], $0x1F40, $0x38;
	[tilespmem:$0x17E00] =	vst v63  }
.LBB2_18:
0x169: {  	s28 =	sshra.s32 s26, $0x2  }
0x16a: {  	v11 =	vld [tilespmem:s28+$0x0]  }
0x16b: {  	v12 =	vld [tilespmem:s28+$0x3F00];
	_ =	sdelay $0x4  }
0x16c: {  	v12 =	vshll.u32 v12, $0xA;
	v11 =	vadd.s32 v2, v11  }
0x16d: {  	v11 =	vadd.s32 v12, v11  }
0x16e: {  	vm2 =	vlt.u32 v11, $0x10000  }
0x16f: {  	v11 =	vnsel vm2, $0x0, v11;
	_ =	sdelay $0x4  }
0x170: {  	[tilespmem:v11+s25+$0x0] =	vst.idx.add.f32.msk vm2, v10  }
0x171: {  	v11 =	vld [tilespmem:s28+$0x10]  }
0x172: {  	v61 =	vld [tilespmem:s28+$0x3F10];
	_ =	sdelay $0x4  }
0x173: {  	v12 =	vshll.u32 v61, $0xA;
	v11 =	vadd.s32 v2, v11  }
0x174: {  	v11 =	vadd.s32 v12, v11  }
0x175: {  	vm2 =	vlt.u32 v11, $0x10000  }
0x176: {  	v11 =	vnsel vm2, $0x0, v11;
	_ =	sdelay $0x4  }
0x177: {  	[tilespmem:v11+s25+$0x0] =	vst.idx.add.f32.msk vm2, v10  }
0x178: {  	v11 =	vld [tilespmem:s28+$0x20]  }
0x179: {  	v62 =	vld [tilespmem:s28+$0x3F20];
	_ =	sdelay $0x4  }
0x17a: {  	v12 =	vshll.u32 v62, $0xA;
	v11 =	vadd.s32 v2, v11  }
0x17b: {  	v11 =	vadd.s32 v12, v11  }
0x17c: {  	vm2 =	vlt.u32 v11, $0x10000  }
0x17d: {  	v11 =	vnsel vm2, $0x0, v11;
	_ =	sdelay $0x4  }
0x17e: {  	[tilespmem:v11+s25+$0x0] =	vst.idx.add.f32.msk vm2, v10  }
0x17f: {  	v11 =	vld [tilespmem:s28+$0x30]  }
0x180: {  	v63 =	vld [tilespmem:s28+$0x3F30];
	_ =	sdelay $0x4  }
0x181: {  	v12 =	vshll.u32 v63, $0xA;
	v11 =	vadd.s32 v2, v11  }
0x182: {  	v11 =	vadd.s32 v12, v11  }
0x183: {  	vm2 =	vlt.u32 v11, $0x10000  }
0x184: {  	p1 =	sne.s32 s26, $0x7C00;
	v11 =	vnsel vm2, $0x0, v11  }
.Ltmp8:
0x185: {  	_ = 	snop;
	(pc) =	sbr.rel @p1 .LBB2_18-.Ltmp8, $2  }
0x186: {  	_ =	sdelay $0x2  }
0x187: {  	s26 =	sadd.s32 $0x100, s26;
	[tilespmem:v11+s25+$0x0] =	vst.idx.add.f32.msk vm2, v10  }
0x188: {  	_ =	swait.ge [sflag:s22], $0x1F40  }
0x189: {  	[sflag:s22] =	ssyncset.done $0x0  }
0x18a: {  	[sflag:s22] =	ssyncadd.s32 $0xFFFFE0C0  }
0x18b: {  	_ =	swait.ge [sflag:s22], $0x1F40  }
0x18c: {  	[sflag:s22] =	ssyncset.done $0x0  }
0x18d: {  	s26 =	simm.s32 $0x0;
	[sflag:s22] =	ssyncadd.s32 $0xFFFFE0C0  }
.LBB2_20:
0x18e: {  	s28 =	sshra.s32 s26, $0x2  }
0x18f: {  	v11 =	vld [tilespmem:s28+$0x1F80]  }
0x190: {  	v12 =	vld [tilespmem:s28+$0x5E80];
	_ =	sdelay $0x4  }
0x191: {  	v12 =	vshll.u32 v12, $0xA;
	v11 =	vadd.s32 v2, v11  }
0x192: {  	v11 =	vadd.s32 v12, v11  }
0x193: {  	vm2 =	vlt.u32 v11, $0x10000  }
0x194: {  	v11 =	vnsel vm2, $0x0, v11;
	_ =	sdelay $0x4  }
0x195: {  	[tilespmem:v11+s25+$0x0] =	vst.idx.add.f32.msk vm2, v10  }
0x196: {  	v11 =	vld [tilespmem:s28+$0x1F90]  }
0x197: {  	v61 =	vld [tilespmem:s28+$0x5E90];
	_ =	sdelay $0x4  }
0x198: {  	v12 =	vshll.u32 v61, $0xA;
	v11 =	vadd.s32 v2, v11  }
0x199: {  	v11 =	vadd.s32 v12, v11  }
0x19a: {  	vm2 =	vlt.u32 v11, $0x10000  }
0x19b: {  	v11 =	vnsel vm2, $0x0, v11;
	_ =	sdelay $0x4  }
0x19c: {  	[tilespmem:v11+s25+$0x0] =	vst.idx.add.f32.msk vm2, v10  }
0x19d: {  	v11 =	vld [tilespmem:s28+$0x1FA0]  }
0x19e: {  	v62 =	vld [tilespmem:s28+$0x5EA0];
	_ =	sdelay $0x4  }
0x19f: {  	v12 =	vshll.u32 v62, $0xA;
	v11 =	vadd.s32 v2, v11  }
0x1a0: {  	v11 =	vadd.s32 v12, v11  }
0x1a1: {  	vm2 =	vlt.u32 v11, $0x10000  }
0x1a2: {  	v11 =	vnsel vm2, $0x0, v11;
	_ =	sdelay $0x4  }
0x1a3: {  	[tilespmem:v11+s25+$0x0] =	vst.idx.add.f32.msk vm2, v10  }
0x1a4: {  	v11 =	vld [tilespmem:s28+$0x1FB0]  }
0x1a5: {  	v63 =	vld [tilespmem:s28+$0x5EB0];
	_ =	sdelay $0x4  }
0x1a6: {  	v12 =	vshll.u32 v63, $0xA;
	v11 =	vadd.s32 v2, v11  }
0x1a7: {  	v11 =	vadd.s32 v12, v11  }
0x1a8: {  	vm2 =	vlt.u32 v11, $0x10000  }
0x1a9: {  	p1 =	sne.s32 s26, $0x7C00;
	v11 =	vnsel vm2, $0x0, v11  }
.Ltmp9:
0x1aa: {  	_ = 	snop;
	(pc) =	sbr.rel @p1 .LBB2_20-.Ltmp9, $2  }
0x1ab: {  	_ =	sdelay $0x2  }
0x1ac: {  	s26 =	sadd.s32 $0x100, s26;
	[tilespmem:v11+s25+$0x0] =	vst.idx.add.f32.msk vm2, v10  }
0x1ad: {  	_ =	sdelay $0x3  }
0x1ae: {  	[tilespmem:v1+s25+$0x0] =	vst.idx.add.f32.msk $0xffff, v10  }
0x1af: {  	[tilespmem:v6+s25+$0x0] =	vst.idx.add.f32.msk $0xffff, v10  }
0x1b0: {  	[tilespmem:v7+s25+$0x0] =	vst.idx.add.f32.msk vm0, v10  }
0x1b1: {  	s26 =	simm.s32 @p0 $0x0;
	s28 =	simm.s32 @p0 $0x7E00;
	[tilespmem:v8+s25+$0x0] =	vst.idx.add.f32.msk vm1, v10  }
0x1b2: {  	[hbm4b:s16+s26] =	stream.linear.scatter @p0 [tilespmem:s28], [sflag:$0x2], $0xA000, $0x38;
	[tilespmem:$0x17E00] =	vst v63  }
0x1b3: {  	s26 =	simm.s32 @p0 $0x2  }
0x1b4: {  	_ =	swait.ge @p0 [sflag:s26], $0xA000  }
0x1b5: {  	[sflag:s26] =	ssyncset.done @p0 $0x0  }
0x1b6: {  	s28 =	simm.s32 @!p0 $0x7E00;
	[sflag:s26] =	ssyncadd.s32 @p0 $0xFFFF6000;
	s26 =	simm.s32 @!p0 $0x0  }
0x1b7: {  	[hbm4b:s11+s26] =	stream.linear.scatter @!p0 [tilespmem:s28], [sflag:$0x2], $0x10000, $0x38;
	[tilespmem:$0x17E00] =	vst v63  }
0x1b8: {  	s26 =	simm.s32 @!p0 $0x2  }
0x1b9: {  	_ =	swait.ge @!p0 [sflag:s26], $0x10000  }
0x1ba: {  	[sflag:s26] =	ssyncset.done @!p0 $0x0  }
0x1bb: {  	s28 =	simm.s32 $0x200;
	[sflag:s26] =	ssyncadd.s32 @!p0 $0xFFFF0000;
	s26 =	simm.s32 $0x0  }
.LBB2_22:
0x1bc: {  	p1 =	sne.s32 s28, $0x3FE00;
	[tilespmem:s26+$0x7E70] =	vst v9  }
0x1bd: {  	[tilespmem:s26+$0x7E00] =	vst v9  }
0x1be: {  	[tilespmem:s26+$0x7E10] =	vst v9  }
.Ltmp10:
0x1bf: {  	[tilespmem:s26+$0x7E20] =	vst v9;
	(pc) =	sbr.rel @p1 .LBB2_22-.Ltmp10, $4  }
0x1c0: {  	[tilespmem:s26+$0x7E30] =	vst v9  }
0x1c1: {  	[tilespmem:s26+$0x7E40] =	vst v9  }
0x1c2: {  	[tilespmem:s26+$0x7E50] =	vst v9  }
0x1c3: {  	[tilespmem:s26+$0x7E60] =	vst v9;
	s26 =	sshra.s32 s28, $0x2;
	s28 =	sadd.s32 $0x200, s28  }
0x1c4: {  	[tilespmem:s26+$0x7E70] =	vst v9  }
0x1c5: {  	[tilespmem:s26+$0x7E00] =	vst v9  }
0x1c6: {  	[tilespmem:s26+$0x7E10] =	vst v9  }
0x1c7: {  	[tilespmem:s26+$0x7E20] =	vst v9  }
0x1c8: {  	[tilespmem:s26+$0x7E30] =	vst v9  }
0x1c9: {  	[tilespmem:s26+$0x7E40] =	vst v9  }
0x1ca: {  	[tilespmem:s26+$0x7E50] =	vst v9  }
0x1cb: {  	[tilespmem:s26+$0x7E60] =	vst v9;
	s26 =	simm.s32 $0x0;
	s28 =	rddreg [dreg:$0x12]  }
0x1cc: {  	[tilespmem:s26], [sflag:$0x1] =	stream.linear.gather [hbm4b:s28+s26], $0x1F40, $0x38;
	[tilespmem:$0x17E00] =	vst v63  }
0x1cd: {  	s28 =	rddreg [dreg:$0x13]  }
0x1ce: {  	[tilespmem:s21], [sflag:$0x1] =	stream.linear.gather [hbm4b:s28+s26], $0x1F40, $0x38;
	[tilespmem:$0x17E00] =	vst v63  }
0x1cf: {  	_ =	swait.ge [sflag:s22], $0x1F40  }
0x1d0: {  	[sflag:s22] =	ssyncset.done $0x0  }
0x1d1: {  	[sflag:s22] =	ssyncadd.s32 $0xFFFFE0C0  }
0x1d2: {  	_ =	swait.ge [sflag:s22], $0x1F40  }
0x1d3: {  	[sflag:s22] =	ssyncset.done $0x0  }
0x1d4: {  	s28 =	rddreg [dreg:$0x10];
	[sflag:s22] =	ssyncadd.s32 $0xFFFFE0C0  }
0x1d5: {  	[tilespmem:s23], [sflag:$0x1] =	stream.linear.gather [hbm4b:s28+s26], $0x1F40, $0x38;
	[tilespmem:$0x17E00] =	vst v63  }
0x1d6: {  	s28 =	rddreg [dreg:$0x11]  }
0x1d7: {  	[tilespmem:s24], [sflag:$0x1] =	stream.linear.gather [hbm4b:s28+s26], $0x1F40, $0x38;
	[tilespmem:$0x17E00] =	vst v63  }
.LBB2_24:
0x1d8: {  	s28 =	sshra.s32 s26, $0x2  }
0x1d9: {  	v11 =	vld [tilespmem:s28+$0x0]  }
0x1da: {  	v12 =	vld [tilespmem:s28+$0x3F00];
	_ =	sdelay $0x4  }
0x1db: {  	v12 =	vshll.u32 v12, $0xA;
	v11 =	vadd.s32 v3, v11  }
0x1dc: {  	v11 =	vadd.s32 v12, v11  }
0x1dd: {  	vm2 =	vlt.u32 v11, $0x10000  }
0x1de: {  	v11 =	vnsel vm2, $0x0, v11;
	_ =	sdelay $0x4  }
0x1df: {  	[tilespmem:v11+s25+$0x0] =	vst.idx.add.f32.msk vm2, v10  }
0x1e0: {  	v11 =	vld [tilespmem:s28+$0x10]  }
0x1e1: {  	v61 =	vld [tilespmem:s28+$0x3F10];
	_ =	sdelay $0x4  }
0x1e2: {  	v12 =	vshll.u32 v61, $0xA;
	v11 =	vadd.s32 v3, v11  }
0x1e3: {  	v11 =	vadd.s32 v12, v11  }
0x1e4: {  	vm2 =	vlt.u32 v11, $0x10000  }
0x1e5: {  	v11 =	vnsel vm2, $0x0, v11;
	_ =	sdelay $0x4  }
0x1e6: {  	[tilespmem:v11+s25+$0x0] =	vst.idx.add.f32.msk vm2, v10  }
0x1e7: {  	v11 =	vld [tilespmem:s28+$0x20]  }
0x1e8: {  	v62 =	vld [tilespmem:s28+$0x3F20];
	_ =	sdelay $0x4  }
0x1e9: {  	v12 =	vshll.u32 v62, $0xA;
	v11 =	vadd.s32 v3, v11  }
0x1ea: {  	v11 =	vadd.s32 v12, v11  }
0x1eb: {  	vm2 =	vlt.u32 v11, $0x10000  }
0x1ec: {  	v11 =	vnsel vm2, $0x0, v11;
	_ =	sdelay $0x4  }
0x1ed: {  	[tilespmem:v11+s25+$0x0] =	vst.idx.add.f32.msk vm2, v10  }
0x1ee: {  	v11 =	vld [tilespmem:s28+$0x30]  }
0x1ef: {  	v63 =	vld [tilespmem:s28+$0x3F30];
	_ =	sdelay $0x4  }
0x1f0: {  	v12 =	vshll.u32 v63, $0xA;
	v11 =	vadd.s32 v3, v11  }
0x1f1: {  	v11 =	vadd.s32 v12, v11  }
0x1f2: {  	vm2 =	vlt.u32 v11, $0x10000  }
0x1f3: {  	p1 =	sne.s32 s26, $0x7C00;
	v11 =	vnsel vm2, $0x0, v11  }
.Ltmp11:
0x1f4: {  	_ = 	snop;
	(pc) =	sbr.rel @p1 .LBB2_24-.Ltmp11, $2  }
0x1f5: {  	_ =	sdelay $0x2  }
0x1f6: {  	s26 =	sadd.s32 $0x100, s26;
	[tilespmem:v11+s25+$0x0] =	vst.idx.add.f32.msk vm2, v10  }
0x1f7: {  	_ =	swait.ge [sflag:s22], $0x1F40  }
0x1f8: {  	[sflag:s22] =	ssyncset.done $0x0  }
0x1f9: {  	[sflag:s22] =	ssyncadd.s32 $0xFFFFE0C0  }
0x1fa: {  	_ =	swait.ge [sflag:s22], $0x1F40  }
0x1fb: {  	[sflag:s22] =	ssyncset.done $0x0  }
0x1fc: {  	s26 =	simm.s32 $0x0;
	s28 =	rddreg [dreg:$0x14];
	[sflag:s22] =	ssyncadd.s32 $0xFFFFE0C0  }
0x1fd: {  	[tilespmem:s26], [sflag:$0x1] =	stream.linear.gather [hbm4b:s28+s26], $0x1F40, $0x38;
	[tilespmem:$0x17E00] =	vst v63  }
0x1fe: {  	s28 =	rddreg [dreg:$0x15]  }
0x1ff: {  	[tilespmem:s21], [sflag:$0x1] =	stream.linear.gather [hbm4b:s28+s26], $0x1F40, $0x38;
	[tilespmem:$0x17E00] =	vst v63  }
.LBB2_26:
0x200: {  	s28 =	sshra.s32 s26, $0x2  }
0x201: {  	v11 =	vld [tilespmem:s28+$0x1F80]  }
0x202: {  	v12 =	vld [tilespmem:s28+$0x5E80];
	_ =	sdelay $0x4  }
0x203: {  	v12 =	vshll.u32 v12, $0xA;
	v11 =	vadd.s32 v3, v11  }
0x204: {  	v11 =	vadd.s32 v12, v11  }
0x205: {  	vm2 =	vlt.u32 v11, $0x10000  }
0x206: {  	v11 =	vnsel vm2, $0x0, v11;
	_ =	sdelay $0x4  }
0x207: {  	[tilespmem:v11+s25+$0x0] =	vst.idx.add.f32.msk vm2, v10  }
0x208: {  	v11 =	vld [tilespmem:s28+$0x1F90]  }
0x209: {  	v61 =	vld [tilespmem:s28+$0x5E90];
	_ =	sdelay $0x4  }
0x20a: {  	v12 =	vshll.u32 v61, $0xA;
	v11 =	vadd.s32 v3, v11  }
0x20b: {  	v11 =	vadd.s32 v12, v11  }
0x20c: {  	vm2 =	vlt.u32 v11, $0x10000  }
0x20d: {  	v11 =	vnsel vm2, $0x0, v11;
	_ =	sdelay $0x4  }
0x20e: {  	[tilespmem:v11+s25+$0x0] =	vst.idx.add.f32.msk vm2, v10  }
0x20f: {  	v11 =	vld [tilespmem:s28+$0x1FA0]  }
0x210: {  	v62 =	vld [tilespmem:s28+$0x5EA0];
	_ =	sdelay $0x4  }
0x211: {  	v12 =	vshll.u32 v62, $0xA;
	v11 =	vadd.s32 v3, v11  }
0x212: {  	v11 =	vadd.s32 v12, v11  }
0x213: {  	vm2 =	vlt.u32 v11, $0x10000  }
0x214: {  	v11 =	vnsel vm2, $0x0, v11;
	_ =	sdelay $0x4  }
0x215: {  	[tilespmem:v11+s25+$0x0] =	vst.idx.add.f32.msk vm2, v10  }
0x216: {  	v11 =	vld [tilespmem:s28+$0x1FB0]  }
0x217: {  	v63 =	vld [tilespmem:s28+$0x5EB0];
	_ =	sdelay $0x4  }
0x218: {  	v12 =	vshll.u32 v63, $0xA;
	v11 =	vadd.s32 v3, v11  }
0x219: {  	v11 =	vadd.s32 v12, v11  }
0x21a: {  	vm2 =	vlt.u32 v11, $0x10000  }
0x21b: {  	p1 =	sne.s32 s26, $0x7C00;
	v11 =	vnsel vm2, $0x0, v11  }
.Ltmp12:
0x21c: {  	_ = 	snop;
	(pc) =	sbr.rel @p1 .LBB2_26-.Ltmp12, $2  }
0x21d: {  	_ =	sdelay $0x2  }
0x21e: {  	s26 =	sadd.s32 $0x100, s26;
	[tilespmem:v11+s25+$0x0] =	vst.idx.add.f32.msk vm2, v10  }
0x21f: {  	_ =	swait.ge [sflag:s22], $0x1F40  }
0x220: {  	[sflag:s22] =	ssyncset.done $0x0  }
0x221: {  	[sflag:s22] =	ssyncadd.s32 $0xFFFFE0C0  }
0x222: {  	_ =	swait.ge [sflag:s22], $0x1F40  }
0x223: {  	[sflag:s22] =	ssyncset.done $0x0  }
0x224: {  	s26 =	simm.s32 $0x0;
	s28 =	rddreg [dreg:$0x16];
	[sflag:s22] =	ssyncadd.s32 $0xFFFFE0C0  }
0x225: {  	[tilespmem:s23], [sflag:$0x1] =	stream.linear.gather [hbm4b:s28+s26], $0x1F40, $0x38;
	[tilespmem:$0x17E00] =	vst v63  }
0x226: {  	s28 =	rddreg [dreg:$0x17]  }
0x227: {  	[tilespmem:s24], [sflag:$0x1] =	stream.linear.gather [hbm4b:s28+s26], $0x1F40, $0x38;
	[tilespmem:$0x17E00] =	vst v63  }
.LBB2_28:
0x228: {  	s28 =	sshra.s32 s26, $0x2  }
0x229: {  	v11 =	vld [tilespmem:s28+$0x0]  }
0x22a: {  	v12 =	vld [tilespmem:s28+$0x3F00];
	_ =	sdelay $0x4  }
0x22b: {  	v12 =	vshll.u32 v12, $0xA;
	v11 =	vadd.s32 v3, v11  }
0x22c: {  	v11 =	vadd.s32 v12, v11  }
0x22d: {  	vm2 =	vlt.u32 v11, $0x10000  }
0x22e: {  	v11 =	vnsel vm2, $0x0, v11;
	_ =	sdelay $0x4  }
0x22f: {  	[tilespmem:v11+s25+$0x0] =	vst.idx.add.f32.msk vm2, v10  }
0x230: {  	v11 =	vld [tilespmem:s28+$0x10]  }
0x231: {  	v61 =	vld [tilespmem:s28+$0x3F10];
	_ =	sdelay $0x4  }
0x232: {  	v12 =	vshll.u32 v61, $0xA;
	v11 =	vadd.s32 v3, v11  }
0x233: {  	v11 =	vadd.s32 v12, v11  }
0x234: {  	vm2 =	vlt.u32 v11, $0x10000  }
0x235: {  	v11 =	vnsel vm2, $0x0, v11;
	_ =	sdelay $0x4  }
0x236: {  	[tilespmem:v11+s25+$0x0] =	vst.idx.add.f32.msk vm2, v10  }
0x237: {  	v11 =	vld [tilespmem:s28+$0x20]  }
0x238: {  	v62 =	vld [tilespmem:s28+$0x3F20];
	_ =	sdelay $0x4  }
0x239: {  	v12 =	vshll.u32 v62, $0xA;
	v11 =	vadd.s32 v3, v11  }
0x23a: {  	v11 =	vadd.s32 v12, v11  }
0x23b: {  	vm2 =	vlt.u32 v11, $0x10000  }
0x23c: {  	v11 =	vnsel vm2, $0x0, v11;
	_ =	sdelay $0x4  }
0x23d: {  	[tilespmem:v11+s25+$0x0] =	vst.idx.add.f32.msk vm2, v10  }
0x23e: {  	v11 =	vld [tilespmem:s28+$0x30]  }
0x23f: {  	v63 =	vld [tilespmem:s28+$0x3F30];
	_ =	sdelay $0x4  }
0x240: {  	v12 =	vshll.u32 v63, $0xA;
	v11 =	vadd.s32 v3, v11  }
0x241: {  	v11 =	vadd.s32 v12, v11  }
0x242: {  	vm2 =	vlt.u32 v11, $0x10000  }
0x243: {  	p1 =	sne.s32 s26, $0x7C00;
	v11 =	vnsel vm2, $0x0, v11  }
.Ltmp13:
0x244: {  	_ = 	snop;
	(pc) =	sbr.rel @p1 .LBB2_28-.Ltmp13, $2  }
0x245: {  	_ =	sdelay $0x2  }
0x246: {  	s26 =	sadd.s32 $0x100, s26;
	[tilespmem:v11+s25+$0x0] =	vst.idx.add.f32.msk vm2, v10  }
0x247: {  	_ =	swait.ge [sflag:s22], $0x1F40  }
0x248: {  	[sflag:s22] =	ssyncset.done $0x0  }
0x249: {  	[sflag:s22] =	ssyncadd.s32 $0xFFFFE0C0  }
0x24a: {  	_ =	swait.ge [sflag:s22], $0x1F40  }
0x24b: {  	[sflag:s22] =	ssyncset.done $0x0  }
0x24c: {  	s26 =	simm.s32 $0x0;
	[sflag:s22] =	ssyncadd.s32 $0xFFFFE0C0  }
.LBB2_30:
0x24d: {  	s28 =	sshra.s32 s26, $0x2  }
0x24e: {  	v11 =	vld [tilespmem:s28+$0x1F80]  }
0x24f: {  	v12 =	vld [tilespmem:s28+$0x5E80];
	_ =	sdelay $0x4  }
0x250: {  	v12 =	vshll.u32 v12, $0xA;
	v11 =	vadd.s32 v3, v11  }
0x251: {  	v11 =	vadd.s32 v12, v11  }
0x252: {  	vm2 =	vlt.u32 v11, $0x10000  }
0x253: {  	v11 =	vnsel vm2, $0x0, v11;
	_ =	sdelay $0x4  }
0x254: {  	[tilespmem:v11+s25+$0x0] =	vst.idx.add.f32.msk vm2, v10  }
0x255: {  	v11 =	vld [tilespmem:s28+$0x1F90]  }
0x256: {  	v61 =	vld [tilespmem:s28+$0x5E90];
	_ =	sdelay $0x4  }
0x257: {  	v12 =	vshll.u32 v61, $0xA;
	v11 =	vadd.s32 v3, v11  }
0x258: {  	v11 =	vadd.s32 v12, v11  }
0x259: {  	vm2 =	vlt.u32 v11, $0x10000  }
0x25a: {  	v11 =	vnsel vm2, $0x0, v11;
	_ =	sdelay $0x4  }
0x25b: {  	[tilespmem:v11+s25+$0x0] =	vst.idx.add.f32.msk vm2, v10  }
0x25c: {  	v11 =	vld [tilespmem:s28+$0x1FA0]  }
0x25d: {  	v62 =	vld [tilespmem:s28+$0x5EA0];
	_ =	sdelay $0x4  }
0x25e: {  	v12 =	vshll.u32 v62, $0xA;
	v11 =	vadd.s32 v3, v11  }
0x25f: {  	v11 =	vadd.s32 v12, v11  }
0x260: {  	vm2 =	vlt.u32 v11, $0x10000  }
0x261: {  	v11 =	vnsel vm2, $0x0, v11;
	_ =	sdelay $0x4  }
0x262: {  	[tilespmem:v11+s25+$0x0] =	vst.idx.add.f32.msk vm2, v10  }
0x263: {  	v11 =	vld [tilespmem:s28+$0x1FB0]  }
0x264: {  	v63 =	vld [tilespmem:s28+$0x5EB0];
	_ =	sdelay $0x4  }
0x265: {  	v12 =	vshll.u32 v63, $0xA;
	v11 =	vadd.s32 v3, v11  }
0x266: {  	v11 =	vadd.s32 v12, v11  }
0x267: {  	vm2 =	vlt.u32 v11, $0x10000  }
0x268: {  	p1 =	sne.s32 s26, $0x7C00;
	v11 =	vnsel vm2, $0x0, v11  }
.Ltmp14:
0x269: {  	_ = 	snop;
	(pc) =	sbr.rel @p1 .LBB2_30-.Ltmp14, $2  }
0x26a: {  	_ =	sdelay $0x2  }
0x26b: {  	s26 =	sadd.s32 $0x100, s26;
	[tilespmem:v11+s25+$0x0] =	vst.idx.add.f32.msk vm2, v10  }
0x26c: {  	_ =	sdelay $0x3  }
0x26d: {  	[tilespmem:v1+s25+$0x0] =	vst.idx.add.f32.msk $0xffff, v10  }
0x26e: {  	[tilespmem:v6+s25+$0x0] =	vst.idx.add.f32.msk $0xffff, v10  }
0x26f: {  	[tilespmem:v7+s25+$0x0] =	vst.idx.add.f32.msk vm0, v10  }
0x270: {  	s26 =	simm.s32 @p0 $0x0;
	s28 =	simm.s32 @p0 $0x7E00;
	[tilespmem:v8+s25+$0x0] =	vst.idx.add.f32.msk vm1, v10  }
0x271: {  	[hbm4b:s17+s26] =	stream.linear.scatter @p0 [tilespmem:s28], [sflag:$0x2], $0xA000, $0x38;
	[tilespmem:$0x17E00] =	vst v63  }
0x272: {  	s26 =	simm.s32 @p0 $0x2  }
0x273: {  	_ =	swait.ge @p0 [sflag:s26], $0xA000  }
0x274: {  	[sflag:s26] =	ssyncset.done @p0 $0x0  }
0x275: {  	s28 =	simm.s32 @!p0 $0x7E00;
	[sflag:s26] =	ssyncadd.s32 @p0 $0xFFFF6000;
	s26 =	simm.s32 @!p0 $0x0  }
0x276: {  	[hbm4b:s12+s26] =	stream.linear.scatter @!p0 [tilespmem:s28], [sflag:$0x2], $0x10000, $0x38;
	[tilespmem:$0x17E00] =	vst v63  }
0x277: {  	s26 =	simm.s32 @!p0 $0x2  }
0x278: {  	_ =	swait.ge @!p0 [sflag:s26], $0x10000  }
0x279: {  	[sflag:s26] =	ssyncset.done @!p0 $0x0  }
0x27a: {  	s28 =	simm.s32 $0x200;
	[sflag:s26] =	ssyncadd.s32 @!p0 $0xFFFF0000;
	s26 =	simm.s32 $0x0  }
.LBB2_32:
0x27b: {  	p1 =	sne.s32 s28, $0x3FE00;
	[tilespmem:s26+$0x7E70] =	vst v9  }
0x27c: {  	[tilespmem:s26+$0x7E00] =	vst v9  }
0x27d: {  	[tilespmem:s26+$0x7E10] =	vst v9  }
.Ltmp15:
0x27e: {  	[tilespmem:s26+$0x7E20] =	vst v9;
	(pc) =	sbr.rel @p1 .LBB2_32-.Ltmp15, $4  }
0x27f: {  	[tilespmem:s26+$0x7E30] =	vst v9  }
0x280: {  	[tilespmem:s26+$0x7E40] =	vst v9  }
0x281: {  	[tilespmem:s26+$0x7E50] =	vst v9  }
0x282: {  	[tilespmem:s26+$0x7E60] =	vst v9;
	s26 =	sshra.s32 s28, $0x2;
	s28 =	sadd.s32 $0x200, s28  }
0x283: {  	[tilespmem:s26+$0x7E70] =	vst v9  }
0x284: {  	[tilespmem:s26+$0x7E00] =	vst v9  }
0x285: {  	[tilespmem:s26+$0x7E10] =	vst v9  }
0x286: {  	[tilespmem:s26+$0x7E20] =	vst v9  }
0x287: {  	[tilespmem:s26+$0x7E30] =	vst v9  }
0x288: {  	[tilespmem:s26+$0x7E40] =	vst v9  }
0x289: {  	[tilespmem:s26+$0x7E50] =	vst v9  }
0x28a: {  	[tilespmem:s26+$0x7E60] =	vst v9;
	s26 =	simm.s32 $0x0;
	s28 =	rddreg [dreg:$0x1c]  }
0x28b: {  	[tilespmem:s26], [sflag:$0x1] =	stream.linear.gather [hbm4b:s28+s26], $0x1F40, $0x38;
	[tilespmem:$0x17E00] =	vst v63  }
0x28c: {  	s28 =	rddreg [dreg:$0x1d]  }
0x28d: {  	[tilespmem:s21], [sflag:$0x1] =	stream.linear.gather [hbm4b:s28+s26], $0x1F40, $0x38;
	[tilespmem:$0x17E00] =	vst v63  }
0x28e: {  	_ =	swait.ge [sflag:s22], $0x1F40  }
0x28f: {  	[sflag:s22] =	ssyncset.done $0x0  }
0x290: {  	[sflag:s22] =	ssyncadd.s32 $0xFFFFE0C0  }
0x291: {  	_ =	swait.ge [sflag:s22], $0x1F40  }
0x292: {  	[sflag:s22] =	ssyncset.done $0x0  }
0x293: {  	s28 =	rddreg [dreg:$0x18];
	[sflag:s22] =	ssyncadd.s32 $0xFFFFE0C0  }
0x294: {  	[tilespmem:s23], [sflag:$0x1] =	stream.linear.gather [hbm4b:s28+s26], $0x1F40, $0x38;
	[tilespmem:$0x17E00] =	vst v63  }
0x295: {  	s28 =	rddreg [dreg:$0x19]  }
0x296: {  	[tilespmem:s24], [sflag:$0x1] =	stream.linear.gather [hbm4b:s28+s26], $0x1F40, $0x38;
	[tilespmem:$0x17E00] =	vst v63  }
.LBB2_34:
0x297: {  	s28 =	sshra.s32 s26, $0x2  }
0x298: {  	v11 =	vld [tilespmem:s28+$0x0]  }
0x299: {  	v12 =	vld [tilespmem:s28+$0x3F00];
	_ =	sdelay $0x4  }
0x29a: {  	v12 =	vshll.u32 v12, $0xA;
	v11 =	vadd.s32 v4, v11  }
0x29b: {  	v11 =	vadd.s32 v12, v11  }
0x29c: {  	vm2 =	vlt.u32 v11, $0x10000  }
0x29d: {  	v11 =	vnsel vm2, $0x0, v11;
	_ =	sdelay $0x4  }
0x29e: {  	[tilespmem:v11+s25+$0x0] =	vst.idx.add.f32.msk vm2, v10  }
0x29f: {  	v11 =	vld [tilespmem:s28+$0x10]  }
0x2a0: {  	v61 =	vld [tilespmem:s28+$0x3F10];
	_ =	sdelay $0x4  }
0x2a1: {  	v12 =	vshll.u32 v61, $0xA;
	v11 =	vadd.s32 v4, v11  }
0x2a2: {  	v11 =	vadd.s32 v12, v11  }
0x2a3: {  	vm2 =	vlt.u32 v11, $0x10000  }
0x2a4: {  	v11 =	vnsel vm2, $0x0, v11;
	_ =	sdelay $0x4  }
0x2a5: {  	[tilespmem:v11+s25+$0x0] =	vst.idx.add.f32.msk vm2, v10  }
0x2a6: {  	v11 =	vld [tilespmem:s28+$0x20]  }
0x2a7: {  	v62 =	vld [tilespmem:s28+$0x3F20];
	_ =	sdelay $0x4  }
0x2a8: {  	v12 =	vshll.u32 v62, $0xA;
	v11 =	vadd.s32 v4, v11  }
0x2a9: {  	v11 =	vadd.s32 v12, v11  }
0x2aa: {  	vm2 =	vlt.u32 v11, $0x10000  }
0x2ab: {  	v11 =	vnsel vm2, $0x0, v11;
	_ =	sdelay $0x4  }
0x2ac: {  	[tilespmem:v11+s25+$0x0] =	vst.idx.add.f32.msk vm2, v10  }
0x2ad: {  	v11 =	vld [tilespmem:s28+$0x30]  }
0x2ae: {  	v63 =	vld [tilespmem:s28+$0x3F30];
	_ =	sdelay $0x4  }
0x2af: {  	v12 =	vshll.u32 v63, $0xA;
	v11 =	vadd.s32 v4, v11  }
0x2b0: {  	v11 =	vadd.s32 v12, v11  }
0x2b1: {  	vm2 =	vlt.u32 v11, $0x10000  }
0x2b2: {  	p1 =	sne.s32 s26, $0x7C00;
	v11 =	vnsel vm2, $0x0, v11  }
.Ltmp16:
0x2b3: {  	_ = 	snop;
	(pc) =	sbr.rel @p1 .LBB2_34-.Ltmp16, $2  }
0x2b4: {  	_ =	sdelay $0x2  }
0x2b5: {  	s26 =	sadd.s32 $0x100, s26;
	[tilespmem:v11+s25+$0x0] =	vst.idx.add.f32.msk vm2, v10  }
0x2b6: {  	_ =	swait.ge [sflag:s22], $0x1F40  }
0x2b7: {  	[sflag:s22] =	ssyncset.done $0x0  }
0x2b8: {  	[sflag:s22] =	ssyncadd.s32 $0xFFFFE0C0  }
0x2b9: {  	_ =	swait.ge [sflag:s22], $0x1F40  }
0x2ba: {  	[sflag:s22] =	ssyncset.done $0x0  }
0x2bb: {  	s26 =	simm.s32 $0x0;
	s28 =	rddreg [dreg:$0x1a];
	[sflag:s22] =	ssyncadd.s32 $0xFFFFE0C0  }
0x2bc: {  	[tilespmem:s26], [sflag:$0x1] =	stream.linear.gather [hbm4b:s28+s26], $0x1F40, $0x38;
	[tilespmem:$0x17E00] =	vst v63  }
0x2bd: {  	s28 =	rddreg [dreg:$0x1b]  }
0x2be: {  	[tilespmem:s21], [sflag:$0x1] =	stream.linear.gather [hbm4b:s28+s26], $0x1F40, $0x38;
	[tilespmem:$0x17E00] =	vst v63  }
.LBB2_36:
0x2bf: {  	s28 =	sshra.s32 s26, $0x2  }
0x2c0: {  	v11 =	vld [tilespmem:s28+$0x1F80]  }
0x2c1: {  	v12 =	vld [tilespmem:s28+$0x5E80];
	_ =	sdelay $0x4  }
0x2c2: {  	v12 =	vshll.u32 v12, $0xA;
	v11 =	vadd.s32 v4, v11  }
0x2c3: {  	v11 =	vadd.s32 v12, v11  }
0x2c4: {  	vm2 =	vlt.u32 v11, $0x10000  }
0x2c5: {  	v11 =	vnsel vm2, $0x0, v11;
	_ =	sdelay $0x4  }
0x2c6: {  	[tilespmem:v11+s25+$0x0] =	vst.idx.add.f32.msk vm2, v10  }
0x2c7: {  	v11 =	vld [tilespmem:s28+$0x1F90]  }
0x2c8: {  	v61 =	vld [tilespmem:s28+$0x5E90];
	_ =	sdelay $0x4  }
0x2c9: {  	v12 =	vshll.u32 v61, $0xA;
	v11 =	vadd.s32 v4, v11  }
0x2ca: {  	v11 =	vadd.s32 v12, v11  }
0x2cb: {  	vm2 =	vlt.u32 v11, $0x10000  }
0x2cc: {  	v11 =	vnsel vm2, $0x0, v11;
	_ =	sdelay $0x4  }
0x2cd: {  	[tilespmem:v11+s25+$0x0] =	vst.idx.add.f32.msk vm2, v10  }
0x2ce: {  	v11 =	vld [tilespmem:s28+$0x1FA0]  }
0x2cf: {  	v62 =	vld [tilespmem:s28+$0x5EA0];
	_ =	sdelay $0x4  }
0x2d0: {  	v12 =	vshll.u32 v62, $0xA;
	v11 =	vadd.s32 v4, v11  }
0x2d1: {  	v11 =	vadd.s32 v12, v11  }
0x2d2: {  	vm2 =	vlt.u32 v11, $0x10000  }
0x2d3: {  	v11 =	vnsel vm2, $0x0, v11;
	_ =	sdelay $0x4  }
0x2d4: {  	[tilespmem:v11+s25+$0x0] =	vst.idx.add.f32.msk vm2, v10  }
0x2d5: {  	v11 =	vld [tilespmem:s28+$0x1FB0]  }
0x2d6: {  	v63 =	vld [tilespmem:s28+$0x5EB0];
	_ =	sdelay $0x4  }
0x2d7: {  	v12 =	vshll.u32 v63, $0xA;
	v11 =	vadd.s32 v4, v11  }
0x2d8: {  	v11 =	vadd.s32 v12, v11  }
0x2d9: {  	vm2 =	vlt.u32 v11, $0x10000  }
0x2da: {  	p1 =	sne.s32 s26, $0x7C00;
	v11 =	vnsel vm2, $0x0, v11  }
.Ltmp17:
0x2db: {  	_ = 	snop;
	(pc) =	sbr.rel @p1 .LBB2_36-.Ltmp17, $2  }
0x2dc: {  	_ =	sdelay $0x2  }
0x2dd: {  	s26 =	sadd.s32 $0x100, s26;
	[tilespmem:v11+s25+$0x0] =	vst.idx.add.f32.msk vm2, v10  }
0x2de: {  	_ =	swait.ge [sflag:s22], $0x1F40  }
0x2df: {  	[sflag:s22] =	ssyncset.done $0x0  }
0x2e0: {  	[sflag:s22] =	ssyncadd.s32 $0xFFFFE0C0  }
0x2e1: {  	_ =	swait.ge [sflag:s22], $0x1F40  }
0x2e2: {  	[sflag:s22] =	ssyncset.done $0x0  }
0x2e3: {  	s26 =	simm.s32 $0x0;
	[sflag:s22] =	ssyncadd.s32 $0xFFFFE0C0  }
0x2e4: {  	[tilespmem:s23], [sflag:$0x1] =	stream.linear.gather [hbm4b:s31+s26], $0x1F40, $0x38;
	[tilespmem:$0x17E00] =	vst v63  }
0x2e5: {  	_ = 	snop  }
0x2e6: {  	[tilespmem:s24], [sflag:$0x1] =	stream.linear.gather [hbm4b:s0+s26], $0x1F40, $0x38;
	[tilespmem:$0x17E00] =	vst v63  }
.LBB2_38:
0x2e7: {  	s28 =	sshra.s32 s26, $0x2  }
0x2e8: {  	v11 =	vld [tilespmem:s28+$0x0]  }
0x2e9: {  	v12 =	vld [tilespmem:s28+$0x3F00];
	_ =	sdelay $0x4  }
0x2ea: {  	v12 =	vshll.u32 v12, $0xA;
	v11 =	vadd.s32 v4, v11  }
0x2eb: {  	v11 =	vadd.s32 v12, v11  }
0x2ec: {  	vm2 =	vlt.u32 v11, $0x10000  }
0x2ed: {  	v11 =	vnsel vm2, $0x0, v11;
	_ =	sdelay $0x4  }
0x2ee: {  	[tilespmem:v11+s25+$0x0] =	vst.idx.add.f32.msk vm2, v10  }
0x2ef: {  	v11 =	vld [tilespmem:s28+$0x10]  }
0x2f0: {  	v61 =	vld [tilespmem:s28+$0x3F10];
	_ =	sdelay $0x4  }
0x2f1: {  	v12 =	vshll.u32 v61, $0xA;
	v11 =	vadd.s32 v4, v11  }
0x2f2: {  	v11 =	vadd.s32 v12, v11  }
0x2f3: {  	vm2 =	vlt.u32 v11, $0x10000  }
0x2f4: {  	v11 =	vnsel vm2, $0x0, v11;
	_ =	sdelay $0x4  }
0x2f5: {  	[tilespmem:v11+s25+$0x0] =	vst.idx.add.f32.msk vm2, v10  }
0x2f6: {  	v11 =	vld [tilespmem:s28+$0x20]  }
0x2f7: {  	v62 =	vld [tilespmem:s28+$0x3F20];
	_ =	sdelay $0x4  }
0x2f8: {  	v12 =	vshll.u32 v62, $0xA;
	v11 =	vadd.s32 v4, v11  }
0x2f9: {  	v11 =	vadd.s32 v12, v11  }
0x2fa: {  	vm2 =	vlt.u32 v11, $0x10000  }
0x2fb: {  	v11 =	vnsel vm2, $0x0, v11;
	_ =	sdelay $0x4  }
0x2fc: {  	[tilespmem:v11+s25+$0x0] =	vst.idx.add.f32.msk vm2, v10  }
0x2fd: {  	v11 =	vld [tilespmem:s28+$0x30]  }
0x2fe: {  	v63 =	vld [tilespmem:s28+$0x3F30];
	_ =	sdelay $0x4  }
0x2ff: {  	v12 =	vshll.u32 v63, $0xA;
	v11 =	vadd.s32 v4, v11  }
0x300: {  	v11 =	vadd.s32 v12, v11  }
0x301: {  	vm2 =	vlt.u32 v11, $0x10000  }
0x302: {  	p1 =	sne.s32 s26, $0x7C00;
	v11 =	vnsel vm2, $0x0, v11  }
.Ltmp18:
0x303: {  	_ = 	snop;
	(pc) =	sbr.rel @p1 .LBB2_38-.Ltmp18, $2  }
0x304: {  	_ =	sdelay $0x2  }
0x305: {  	s26 =	sadd.s32 $0x100, s26;
	[tilespmem:v11+s25+$0x0] =	vst.idx.add.f32.msk vm2, v10  }
0x306: {  	_ =	swait.ge [sflag:s22], $0x1F40  }
0x307: {  	[sflag:s22] =	ssyncset.done $0x0  }
0x308: {  	[sflag:s22] =	ssyncadd.s32 $0xFFFFE0C0  }
0x309: {  	_ =	swait.ge [sflag:s22], $0x1F40  }
0x30a: {  	[sflag:s22] =	ssyncset.done $0x0  }
0x30b: {  	s26 =	simm.s32 $0x0;
	[sflag:s22] =	ssyncadd.s32 $0xFFFFE0C0  }
.LBB2_40:
0x30c: {  	s28 =	sshra.s32 s26, $0x2  }
0x30d: {  	v11 =	vld [tilespmem:s28+$0x1F80]  }
0x30e: {  	v12 =	vld [tilespmem:s28+$0x5E80];
	_ =	sdelay $0x4  }
0x30f: {  	v12 =	vshll.u32 v12, $0xA;
	v11 =	vadd.s32 v4, v11  }
0x310: {  	v11 =	vadd.s32 v12, v11  }
0x311: {  	vm2 =	vlt.u32 v11, $0x10000  }
0x312: {  	v11 =	vnsel vm2, $0x0, v11;
	_ =	sdelay $0x4  }
0x313: {  	[tilespmem:v11+s25+$0x0] =	vst.idx.add.f32.msk vm2, v10  }
0x314: {  	v11 =	vld [tilespmem:s28+$0x1F90]  }
0x315: {  	v61 =	vld [tilespmem:s28+$0x5E90];
	_ =	sdelay $0x4  }
0x316: {  	v12 =	vshll.u32 v61, $0xA;
	v11 =	vadd.s32 v4, v11  }
0x317: {  	v11 =	vadd.s32 v12, v11  }
0x318: {  	vm2 =	vlt.u32 v11, $0x10000  }
0x319: {  	v11 =	vnsel vm2, $0x0, v11;
	_ =	sdelay $0x4  }
0x31a: {  	[tilespmem:v11+s25+$0x0] =	vst.idx.add.f32.msk vm2, v10  }
0x31b: {  	v11 =	vld [tilespmem:s28+$0x1FA0]  }
0x31c: {  	v62 =	vld [tilespmem:s28+$0x5EA0];
	_ =	sdelay $0x4  }
0x31d: {  	v12 =	vshll.u32 v62, $0xA;
	v11 =	vadd.s32 v4, v11  }
0x31e: {  	v11 =	vadd.s32 v12, v11  }
0x31f: {  	vm2 =	vlt.u32 v11, $0x10000  }
0x320: {  	v11 =	vnsel vm2, $0x0, v11;
	_ =	sdelay $0x4  }
0x321: {  	[tilespmem:v11+s25+$0x0] =	vst.idx.add.f32.msk vm2, v10  }
0x322: {  	v11 =	vld [tilespmem:s28+$0x1FB0]  }
0x323: {  	v63 =	vld [tilespmem:s28+$0x5EB0];
	_ =	sdelay $0x4  }
0x324: {  	v12 =	vshll.u32 v63, $0xA;
	v11 =	vadd.s32 v4, v11  }
0x325: {  	v11 =	vadd.s32 v12, v11  }
0x326: {  	vm2 =	vlt.u32 v11, $0x10000  }
0x327: {  	p1 =	sne.s32 s26, $0x7C00;
	v11 =	vnsel vm2, $0x0, v11  }
.Ltmp19:
0x328: {  	_ = 	snop;
	(pc) =	sbr.rel @p1 .LBB2_40-.Ltmp19, $2  }
0x329: {  	_ =	sdelay $0x2  }
0x32a: {  	s26 =	sadd.s32 $0x100, s26;
	[tilespmem:v11+s25+$0x0] =	vst.idx.add.f32.msk vm2, v10  }
0x32b: {  	_ =	sdelay $0x3  }
0x32c: {  	[tilespmem:v1+s25+$0x0] =	vst.idx.add.f32.msk $0xffff, v10  }
0x32d: {  	[tilespmem:v6+s25+$0x0] =	vst.idx.add.f32.msk $0xffff, v10  }
0x32e: {  	[tilespmem:v7+s25+$0x0] =	vst.idx.add.f32.msk vm0, v10  }
0x32f: {  	s26 =	simm.s32 @p0 $0x0;
	s28 =	simm.s32 @p0 $0x7E00;
	[tilespmem:v8+s25+$0x0] =	vst.idx.add.f32.msk vm1, v10  }
0x330: {  	[hbm4b:s18+s26] =	stream.linear.scatter @p0 [tilespmem:s28], [sflag:$0x2], $0xA000, $0x38;
	[tilespmem:$0x17E00] =	vst v63  }
0x331: {  	s26 =	simm.s32 @p0 $0x2  }
0x332: {  	_ =	swait.ge @p0 [sflag:s26], $0xA000  }
0x333: {  	[sflag:s26] =	ssyncset.done @p0 $0x0  }
0x334: {  	s28 =	simm.s32 @!p0 $0x7E00;
	[sflag:s26] =	ssyncadd.s32 @p0 $0xFFFF6000;
	s26 =	simm.s32 @!p0 $0x0  }
0x335: {  	[hbm4b:s13+s26] =	stream.linear.scatter @!p0 [tilespmem:s28], [sflag:$0x2], $0x10000, $0x38;
	[tilespmem:$0x17E00] =	vst v63  }
0x336: {  	s26 =	simm.s32 @!p0 $0x2  }
0x337: {  	_ =	swait.ge @!p0 [sflag:s26], $0x10000  }
0x338: {  	[sflag:s26] =	ssyncset.done @!p0 $0x0  }
0x339: {  	s28 =	simm.s32 $0x200;
	[sflag:s26] =	ssyncadd.s32 @!p0 $0xFFFF0000;
	s26 =	simm.s32 $0x0  }
.LBB2_42:
0x33a: {  	p1 =	sne.s32 s28, $0x3FE00;
	[tilespmem:s26+$0x7E70] =	vst v9  }
0x33b: {  	[tilespmem:s26+$0x7E00] =	vst v9  }
0x33c: {  	[tilespmem:s26+$0x7E10] =	vst v9  }
.Ltmp20:
0x33d: {  	[tilespmem:s26+$0x7E20] =	vst v9;
	(pc) =	sbr.rel @p1 .LBB2_42-.Ltmp20, $4  }
0x33e: {  	[tilespmem:s26+$0x7E30] =	vst v9  }
0x33f: {  	[tilespmem:s26+$0x7E40] =	vst v9  }
0x340: {  	[tilespmem:s26+$0x7E50] =	vst v9  }
0x341: {  	[tilespmem:s26+$0x7E60] =	vst v9;
	s26 =	sshra.s32 s28, $0x2;
	s28 =	sadd.s32 $0x200, s28  }
0x342: {  	[tilespmem:s26+$0x7E70] =	vst v9  }
0x343: {  	[tilespmem:s26+$0x7E00] =	vst v9  }
0x344: {  	[tilespmem:s26+$0x7E10] =	vst v9  }
0x345: {  	[tilespmem:s26+$0x7E20] =	vst v9  }
0x346: {  	[tilespmem:s26+$0x7E30] =	vst v9  }
0x347: {  	[tilespmem:s26+$0x7E40] =	vst v9  }
0x348: {  	[tilespmem:s26+$0x7E50] =	vst v9  }
0x349: {  	[tilespmem:s26+$0x7E60] =	vst v9;
	s26 =	simm.s32 $0x0  }
0x34a: {  	[tilespmem:s26], [sflag:$0x1] =	stream.linear.gather [hbm4b:s3+s26], $0x1F40, $0x38;
	[tilespmem:$0x17E00] =	vst v63  }
0x34b: {  	_ = 	snop  }
0x34c: {  	[tilespmem:s21], [sflag:$0x1] =	stream.linear.gather [hbm4b:s4+s26], $0x1F40, $0x38;
	[tilespmem:$0x17E00] =	vst v63  }
0x34d: {  	_ =	swait.ge [sflag:s22], $0x1F40  }
0x34e: {  	[sflag:s22] =	ssyncset.done $0x0  }
0x34f: {  	[sflag:s22] =	ssyncadd.s32 $0xFFFFE0C0  }
0x350: {  	_ =	swait.ge [sflag:s22], $0x1F40  }
0x351: {  	[sflag:s22] =	ssyncset.done $0x0  }
0x352: {  	[sflag:s22] =	ssyncadd.s32 $0xFFFFE0C0  }
0x353: {  	[tilespmem:s23], [sflag:$0x1] =	stream.linear.gather [hbm4b:s1+s26], $0x1F40, $0x38;
	[tilespmem:$0x17E00] =	vst v63  }
0x354: {  	_ = 	snop  }
0x355: {  	[tilespmem:s24], [sflag:$0x1] =	stream.linear.gather [hbm4b:s2+s26], $0x1F40, $0x38;
	[tilespmem:$0x17E00] =	vst v63  }
.LBB2_44:
0x356: {  	s28 =	sshra.s32 s26, $0x2  }
0x357: {  	v11 =	vld [tilespmem:s28+$0x0]  }
0x358: {  	v12 =	vld [tilespmem:s28+$0x3F00];
	_ =	sdelay $0x4  }
0x359: {  	v12 =	vshll.u32 v12, $0xA;
	v11 =	vadd.s32 v5, v11  }
0x35a: {  	v11 =	vadd.s32 v12, v11  }
0x35b: {  	vm2 =	vlt.u32 v11, $0x10000  }
0x35c: {  	v11 =	vnsel vm2, $0x0, v11;
	_ =	sdelay $0x4  }
0x35d: {  	[tilespmem:v11+s25+$0x0] =	vst.idx.add.f32.msk vm2, v10  }
0x35e: {  	v11 =	vld [tilespmem:s28+$0x10]  }
0x35f: {  	v61 =	vld [tilespmem:s28+$0x3F10];
	_ =	sdelay $0x4  }
0x360: {  	v12 =	vshll.u32 v61, $0xA;
	v11 =	vadd.s32 v5, v11  }
0x361: {  	v11 =	vadd.s32 v12, v11  }
0x362: {  	vm2 =	vlt.u32 v11, $0x10000  }
0x363: {  	v11 =	vnsel vm2, $0x0, v11;
	_ =	sdelay $0x4  }
0x364: {  	[tilespmem:v11+s25+$0x0] =	vst.idx.add.f32.msk vm2, v10  }
0x365: {  	v11 =	vld [tilespmem:s28+$0x20]  }
0x366: {  	v62 =	vld [tilespmem:s28+$0x3F20];
	_ =	sdelay $0x4  }
0x367: {  	v12 =	vshll.u32 v62, $0xA;
	v11 =	vadd.s32 v5, v11  }
0x368: {  	v11 =	vadd.s32 v12, v11  }
0x369: {  	vm2 =	vlt.u32 v11, $0x10000  }
0x36a: {  	v11 =	vnsel vm2, $0x0, v11;
	_ =	sdelay $0x4  }
0x36b: {  	[tilespmem:v11+s25+$0x0] =	vst.idx.add.f32.msk vm2, v10  }
0x36c: {  	v11 =	vld [tilespmem:s28+$0x30]  }
0x36d: {  	v63 =	vld [tilespmem:s28+$0x3F30];
	_ =	sdelay $0x4  }
0x36e: {  	v12 =	vshll.u32 v63, $0xA;
	v11 =	vadd.s32 v5, v11  }
0x36f: {  	v11 =	vadd.s32 v12, v11  }
0x370: {  	vm2 =	vlt.u32 v11, $0x10000  }
0x371: {  	p1 =	sne.s32 s26, $0x7C00;
	v11 =	vnsel vm2, $0x0, v11  }
.Ltmp21:
0x372: {  	_ = 	snop;
	(pc) =	sbr.rel @p1 .LBB2_44-.Ltmp21, $2  }
0x373: {  	_ =	sdelay $0x2  }
0x374: {  	s26 =	sadd.s32 $0x100, s26;
	[tilespmem:v11+s25+$0x0] =	vst.idx.add.f32.msk vm2, v10  }
0x375: {  	_ =	swait.ge [sflag:s22], $0x1F40  }
0x376: {  	[sflag:s22] =	ssyncset.done $0x0  }
0x377: {  	[sflag:s22] =	ssyncadd.s32 $0xFFFFE0C0  }
0x378: {  	_ =	swait.ge [sflag:s22], $0x1F40  }
0x379: {  	[sflag:s22] =	ssyncset.done $0x0  }
0x37a: {  	s26 =	simm.s32 $0x0;
	[sflag:s22] =	ssyncadd.s32 $0xFFFFE0C0  }
0x37b: {  	[tilespmem:s26], [sflag:$0x1] =	stream.linear.gather [hbm4b:s5+s26], $0x1F40, $0x38;
	[tilespmem:$0x17E00] =	vst v63  }
0x37c: {  	_ = 	snop  }
0x37d: {  	[tilespmem:s21], [sflag:$0x1] =	stream.linear.gather [hbm4b:s6+s26], $0x1F40, $0x38;
	[tilespmem:$0x17E00] =	vst v63  }
.LBB2_46:
0x37e: {  	s28 =	sshra.s32 s26, $0x2  }
0x37f: {  	v11 =	vld [tilespmem:s28+$0x1F80]  }
0x380: {  	v12 =	vld [tilespmem:s28+$0x5E80];
	_ =	sdelay $0x4  }
0x381: {  	v12 =	vshll.u32 v12, $0xA;
	v11 =	vadd.s32 v5, v11  }
0x382: {  	v11 =	vadd.s32 v12, v11  }
0x383: {  	vm2 =	vlt.u32 v11, $0x10000  }
0x384: {  	v11 =	vnsel vm2, $0x0, v11;
	_ =	sdelay $0x4  }
0x385: {  	[tilespmem:v11+s25+$0x0] =	vst.idx.add.f32.msk vm2, v10  }
0x386: {  	v11 =	vld [tilespmem:s28+$0x1F90]  }
0x387: {  	v61 =	vld [tilespmem:s28+$0x5E90];
	_ =	sdelay $0x4  }
0x388: {  	v12 =	vshll.u32 v61, $0xA;
	v11 =	vadd.s32 v5, v11  }
0x389: {  	v11 =	vadd.s32 v12, v11  }
0x38a: {  	vm2 =	vlt.u32 v11, $0x10000  }
0x38b: {  	v11 =	vnsel vm2, $0x0, v11;
	_ =	sdelay $0x4  }
0x38c: {  	[tilespmem:v11+s25+$0x0] =	vst.idx.add.f32.msk vm2, v10  }
0x38d: {  	v11 =	vld [tilespmem:s28+$0x1FA0]  }
0x38e: {  	v62 =	vld [tilespmem:s28+$0x5EA0];
	_ =	sdelay $0x4  }
0x38f: {  	v12 =	vshll.u32 v62, $0xA;
	v11 =	vadd.s32 v5, v11  }
0x390: {  	v11 =	vadd.s32 v12, v11  }
0x391: {  	vm2 =	vlt.u32 v11, $0x10000  }
0x392: {  	v11 =	vnsel vm2, $0x0, v11;
	_ =	sdelay $0x4  }
0x393: {  	[tilespmem:v11+s25+$0x0] =	vst.idx.add.f32.msk vm2, v10  }
0x394: {  	v11 =	vld [tilespmem:s28+$0x1FB0]  }
0x395: {  	v63 =	vld [tilespmem:s28+$0x5EB0];
	_ =	sdelay $0x4  }
0x396: {  	v12 =	vshll.u32 v63, $0xA;
	v11 =	vadd.s32 v5, v11  }
0x397: {  	v11 =	vadd.s32 v12, v11  }
0x398: {  	vm2 =	vlt.u32 v11, $0x10000  }
0x399: {  	p1 =	sne.s32 s26, $0x7C00;
	v11 =	vnsel vm2, $0x0, v11  }
.Ltmp22:
0x39a: {  	_ = 	snop;
	(pc) =	sbr.rel @p1 .LBB2_46-.Ltmp22, $2  }
0x39b: {  	_ =	sdelay $0x2  }
0x39c: {  	s26 =	sadd.s32 $0x100, s26;
	[tilespmem:v11+s25+$0x0] =	vst.idx.add.f32.msk vm2, v10  }
0x39d: {  	_ =	swait.ge [sflag:s22], $0x1F40  }
0x39e: {  	[sflag:s22] =	ssyncset.done $0x0  }
0x39f: {  	[sflag:s22] =	ssyncadd.s32 $0xFFFFE0C0  }
0x3a0: {  	_ =	swait.ge [sflag:s22], $0x1F40  }
0x3a1: {  	[sflag:s22] =	ssyncset.done $0x0  }
0x3a2: {  	s26 =	simm.s32 $0x0;
	[sflag:s22] =	ssyncadd.s32 $0xFFFFE0C0  }
0x3a3: {  	[tilespmem:s23], [sflag:$0x1] =	stream.linear.gather [hbm4b:s7+s26], $0x1F40, $0x38;
	[tilespmem:$0x17E00] =	vst v63  }
0x3a4: {  	_ = 	snop  }
0x3a5: {  	[tilespmem:s24], [sflag:$0x1] =	stream.linear.gather [hbm4b:s8+s26], $0x1F40, $0x38;
	[tilespmem:$0x17E00] =	vst v63  }
.LBB2_48:
0x3a6: {  	s28 =	sshra.s32 s26, $0x2  }
0x3a7: {  	v11 =	vld [tilespmem:s28+$0x0]  }
0x3a8: {  	v12 =	vld [tilespmem:s28+$0x3F00];
	_ =	sdelay $0x4  }
0x3a9: {  	v12 =	vshll.u32 v12, $0xA;
	v11 =	vadd.s32 v5, v11  }
0x3aa: {  	v11 =	vadd.s32 v12, v11  }
0x3ab: {  	vm2 =	vlt.u32 v11, $0x10000  }
0x3ac: {  	v11 =	vnsel vm2, $0x0, v11;
	_ =	sdelay $0x4  }
0x3ad: {  	[tilespmem:v11+s25+$0x0] =	vst.idx.add.f32.msk vm2, v10  }
0x3ae: {  	v11 =	vld [tilespmem:s28+$0x10]  }
0x3af: {  	v61 =	vld [tilespmem:s28+$0x3F10];
	_ =	sdelay $0x4  }
0x3b0: {  	v12 =	vshll.u32 v61, $0xA;
	v11 =	vadd.s32 v5, v11  }
0x3b1: {  	v11 =	vadd.s32 v12, v11  }
0x3b2: {  	vm2 =	vlt.u32 v11, $0x10000  }
0x3b3: {  	v11 =	vnsel vm2, $0x0, v11;
	_ =	sdelay $0x4  }
0x3b4: {  	[tilespmem:v11+s25+$0x0] =	vst.idx.add.f32.msk vm2, v10  }
0x3b5: {  	v11 =	vld [tilespmem:s28+$0x20]  }
0x3b6: {  	v62 =	vld [tilespmem:s28+$0x3F20];
	_ =	sdelay $0x4  }
0x3b7: {  	v12 =	vshll.u32 v62, $0xA;
	v11 =	vadd.s32 v5, v11  }
0x3b8: {  	v11 =	vadd.s32 v12, v11  }
0x3b9: {  	vm2 =	vlt.u32 v11, $0x10000  }
0x3ba: {  	v11 =	vnsel vm2, $0x0, v11;
	_ =	sdelay $0x4  }
0x3bb: {  	[tilespmem:v11+s25+$0x0] =	vst.idx.add.f32.msk vm2, v10  }
0x3bc: {  	v11 =	vld [tilespmem:s28+$0x30]  }
0x3bd: {  	v63 =	vld [tilespmem:s28+$0x3F30];
	_ =	sdelay $0x4  }
0x3be: {  	v12 =	vshll.u32 v63, $0xA;
	v11 =	vadd.s32 v5, v11  }
0x3bf: {  	v11 =	vadd.s32 v12, v11  }
0x3c0: {  	vm2 =	vlt.u32 v11, $0x10000  }
0x3c1: {  	p1 =	sne.s32 s26, $0x7C00;
	v11 =	vnsel vm2, $0x0, v11  }
.Ltmp23:
0x3c2: {  	_ = 	snop;
	(pc) =	sbr.rel @p1 .LBB2_48-.Ltmp23, $2  }
0x3c3: {  	_ =	sdelay $0x2  }
0x3c4: {  	s26 =	sadd.s32 $0x100, s26;
	[tilespmem:v11+s25+$0x0] =	vst.idx.add.f32.msk vm2, v10  }
0x3c5: {  	_ =	swait.ge [sflag:s22], $0x1F40  }
0x3c6: {  	[sflag:s22] =	ssyncset.done $0x0  }
0x3c7: {  	[sflag:s22] =	ssyncadd.s32 $0xFFFFE0C0  }
0x3c8: {  	_ =	swait.ge [sflag:s22], $0x1F40  }
0x3c9: {  	[sflag:s22] =	ssyncset.done $0x0  }
0x3ca: {  	s26 =	simm.s32 $0x0;
	[sflag:s22] =	ssyncadd.s32 $0xFFFFE0C0  }
.LBB2_50:
0x3cb: {  	s28 =	sshra.s32 s26, $0x2  }
0x3cc: {  	v11 =	vld [tilespmem:s28+$0x1F80]  }
0x3cd: {  	v12 =	vld [tilespmem:s28+$0x5E80];
	_ =	sdelay $0x4  }
0x3ce: {  	v12 =	vshll.u32 v12, $0xA;
	v11 =	vadd.s32 v5, v11  }
0x3cf: {  	v11 =	vadd.s32 v12, v11  }
0x3d0: {  	vm2 =	vlt.u32 v11, $0x10000  }
0x3d1: {  	v11 =	vnsel vm2, $0x0, v11;
	_ =	sdelay $0x4  }
0x3d2: {  	[tilespmem:v11+s25+$0x0] =	vst.idx.add.f32.msk vm2, v10  }
0x3d3: {  	v11 =	vld [tilespmem:s28+$0x1F90]  }
0x3d4: {  	v61 =	vld [tilespmem:s28+$0x5E90];
	_ =	sdelay $0x4  }
0x3d5: {  	v12 =	vshll.u32 v61, $0xA;
	v11 =	vadd.s32 v5, v11  }
0x3d6: {  	v11 =	vadd.s32 v12, v11  }
0x3d7: {  	vm2 =	vlt.u32 v11, $0x10000  }
0x3d8: {  	v11 =	vnsel vm2, $0x0, v11;
	_ =	sdelay $0x4  }
0x3d9: {  	[tilespmem:v11+s25+$0x0] =	vst.idx.add.f32.msk vm2, v10  }
0x3da: {  	v11 =	vld [tilespmem:s28+$0x1FA0]  }
0x3db: {  	v62 =	vld [tilespmem:s28+$0x5EA0];
	_ =	sdelay $0x4  }
0x3dc: {  	v12 =	vshll.u32 v62, $0xA;
	v11 =	vadd.s32 v5, v11  }
0x3dd: {  	v11 =	vadd.s32 v12, v11  }
0x3de: {  	vm2 =	vlt.u32 v11, $0x10000  }
0x3df: {  	v11 =	vnsel vm2, $0x0, v11;
	_ =	sdelay $0x4  }
0x3e0: {  	[tilespmem:v11+s25+$0x0] =	vst.idx.add.f32.msk vm2, v10  }
0x3e1: {  	v11 =	vld [tilespmem:s28+$0x1FB0]  }
0x3e2: {  	v63 =	vld [tilespmem:s28+$0x5EB0];
	_ =	sdelay $0x4  }
0x3e3: {  	v12 =	vshll.u32 v63, $0xA;
	v11 =	vadd.s32 v5, v11  }
0x3e4: {  	v11 =	vadd.s32 v12, v11  }
0x3e5: {  	vm2 =	vlt.u32 v11, $0x10000  }
0x3e6: {  	p1 =	sne.s32 s26, $0x7C00;
	v11 =	vnsel vm2, $0x0, v11  }
.Ltmp24:
0x3e7: {  	_ = 	snop;
	(pc) =	sbr.rel @p1 .LBB2_50-.Ltmp24, $2  }
0x3e8: {  	_ =	sdelay $0x2  }
0x3e9: {  	s26 =	sadd.s32 $0x100, s26;
	[tilespmem:v11+s25+$0x0] =	vst.idx.add.f32.msk vm2, v10  }
0x3ea: {  	_ =	sdelay $0x3  }
0x3eb: {  	[tilespmem:v1+s25+$0x0] =	vst.idx.add.f32.msk $0xffff, v10  }
0x3ec: {  	[tilespmem:v6+s25+$0x0] =	vst.idx.add.f32.msk $0xffff, v10  }
0x3ed: {  	[tilespmem:v7+s25+$0x0] =	vst.idx.add.f32.msk vm0, v10  }
0x3ee: {  	s26 =	simm.s32 @p0 $0x0;
	s28 =	simm.s32 @p0 $0x7E00;
	[tilespmem:v8+s25+$0x0] =	vst.idx.add.f32.msk vm1, v10  }
0x3ef: {  	[hbm4b:s19+s26] =	stream.linear.scatter @p0 [tilespmem:s28], [sflag:$0x2], $0xA000, $0x38;
	[tilespmem:$0x17E00] =	vst v63  }
0x3f0: {  	s26 =	simm.s32 @p0 $0x2  }
0x3f1: {  	s9 =	sadd.s32 $0x1, s9;
	_ =	swait.ge @p0 [sflag:s26], $0xA000  }
0x3f2: {  	p1 =	sne.s32 s9, s20;
	[sflag:s26] =	ssyncset.done @p0 $0x0  }
0x3f3: {  	s28 =	simm.s32 @!p0 $0x7E00;
	[sflag:s26] =	ssyncadd.s32 @p0 $0xFFFF6000;
	s26 =	simm.s32 @!p0 $0x0  }
0x3f4: {  	[hbm4b:s14+s26] =	stream.linear.scatter @!p0 [tilespmem:s28], [sflag:$0x2], $0x10000, $0x38;
	[tilespmem:$0x17E00] =	vst v63  }
.Ltmp25:
0x3f5: {  	_ = 	snop;
	(pc) =	sbr.rel @p1 .LBB2_1-.Ltmp25, $4  }
0x3f6: {  	s26 =	simm.s32 @!p0 $0x2  }
0x3f7: {  	_ =	swait.ge @!p0 [sflag:s26], $0x10000  }
0x3f8: {  	[sflag:s26] =	ssyncset.done @!p0 $0x0  }
0x3f9: {  	[sflag:s26] =	ssyncadd.s32 @!p0 $0xFFFF0000  }
0x3fa: {  	_ =	sfence.sel $0x180000  }
0x3fb: {  	[bflag:$0x0] =	sbarrier.arrive $0xFFFF  }
0x3fc: {  	_ =	strace $0x90000047  }
0x3fd: {  	s0 =	stileid.u32;
	[bflag:$0x2] =	sbarrier.arrive $0xFFFF  }
0x3fe: {  	p0 =	sne.s32 s0, $0x0;
	s0 =	rddreg [dreg:$0x1]  }
0x3ff: {  	s0 =	sadd.s32 @!p0 $0x100000, s0  }
0x400: {  	[sflag:s0] =	ssyncadd.tile.s32 @!p0 $0x1;
	_ =	shalt  }
.Lfunc_end2:
_tile_overlayer_lowered:
.L_overlay_start_2:
0x401: {  	(tag) =	ssettag $0x2  }
0x402: {  	s0 =	rddreg [dreg:$0x0];
	s2 =	stileid.u32  }
0x403: {  	s1 =	rddreg [dreg:$0x1];
	p0 =	sne.s32 s2, $0x0  }
0x404: {  	s3 =	rddreg [dreg:$0x2];
	[bflag:$0x3] =	sbarrier.arrive $0xFFFF;
	s2 =	simm.s32 @!p0 $0x1C02  }
0x405: {  	[timem:s3], [sflag:s2] =	dma.local @!p0 [hbm:s0], s1  }
0x406: {  	s0 =	simm.s32 @!p0 $0x2  }
0x407: {  	_ =	swait.ge @!p0 [sflag:s0], s1  }
0x408: {  	s1 =	ssub.s32 @!p0 $0x0, s1;
	[sflag:s0] =	ssyncset.done @!p0 $0x0  }
0x409: {  	[sflag:s0] =	ssyncadd.s32 @!p0 s1  }
0x40a: {  	[bflag:$0x3] =	sbarrier.arrive $0xFFFF  }
0x40b: {  	_ =	shalt  }

</sc_bundles>
